<compile_context>
chip_gen: v7x
topology: tpu7x:2x2x1
jax: 0.10.2.dev20260603
libtpu: 0.0.44.dev20260713+nightly
codegen_flags: <defaults>
</compile_context>

<pallas_src>
import functools

import jax
import jax.numpy as jnp
from jax import lax
from jax.experimental import pallas as pl
from jax.experimental.pallas import tpu as pltpu
from jax.experimental.pallas import tpu_sc as plsc

N_USERS = 25000
N_ITEMS = 25000
N = N_USERS + N_ITEMS
D = 64
DQ = 16
E = 800000
NLAYERS = 3
NSUB = 16

SLEN = 256
NSTREAM = 4
EPAD = 819200
EROWS = EPAD // SLEN
NBPW = EROWS // NSTREAM // NSUB

RCH = 250
NCH = N // RCH
NCHS = -(-NCH // NSUB)
LDW = N // NSUB

_mesh = plsc.VectorSubcoreMesh(core_axis_name="c", subcore_axis_name="s")

_f32 = jnp.float32


@functools.partial(
    pl.kernel,
    mesh=_mesh,
    compiler_params=pltpu.CompilerParams(use_tc_tiling_on_sc=False),
    out_type=[
        jax.ShapeDtypeStruct((N_USERS, D), _f32),
        jax.ShapeDtypeStruct((N_ITEMS, D), _f32),
        jax.ShapeDtypeStruct((4 * N, DQ), _f32),
        jax.ShapeDtypeStruct((4 * N, DQ), _f32),
        jax.ShapeDtypeStruct((4 * N, DQ), _f32),
        jax.ShapeDtypeStruct((2 * N, DQ), _f32),
    ],
    scratch_types=[
        pltpu.VMEM_SHARED((N, DQ), _f32),
        pltpu.VMEM_SHARED((N + 8, DQ), _f32),
        pltpu.VMEM((NSTREAM, SLEN), jnp.int32),
        pltpu.VMEM((NSTREAM, SLEN), jnp.int32),
        pltpu.VMEM((SLEN, DQ), _f32),
        pltpu.VMEM((SLEN, DQ), _f32),
        pltpu.VMEM((SLEN, DQ), _f32),
        pltpu.VMEM((RCH, DQ), _f32),
        pltpu.VMEM((RCH, DQ), _f32),
        pltpu.VMEM((RCH, DQ), _f32),
        pltpu.VMEM((RCH, DQ), _f32),
        pltpu.SemaphoreType.DMA,
        pltpu.SemaphoreType.DMA,
        pltpu.SemaphoreType.DMA,
        pltpu.SemaphoreType.DMA,
        pltpu.SemaphoreType.DMA,
        pltpu.SemaphoreType.DMA,
        pltpu.SemaphoreType.DMA,
        pltpu.SemaphoreType.DMA,
    ],
)
def _gcn_sc(src2, dst2, x0, uout, iout, t1, t2, accio, rec,
            tbl_sh, acc_sh, sidx, didx, rows, rows_1, rows_2,
            xbuf, abuf, rbuf, zbuf, sem_a, sem_b,
            gs0, gs1, gs2, ss0, ss1, ss2):
    cidx = lax.axis_index("c")
    sid = lax.axis_index("s")
    cbase = cidx * N
    qbase0 = 2 * cidx * N

    zvec = jnp.zeros((16,), _f32)
    onev = jnp.ones((16,), _f32)
    gsems = (gs0, gs1, gs2)
    ssems = (ss0, ss1, ss2)
    bufs = (rows, rows_1, rows_2)

    def fill(ref, n, vec):
        @pl.loop(0, n)
        def _(r):
            ref[r, pl.ds(0, 16)] = vec

    def chunk_loop(body):
        @pl.loop(0, NCHS)
        def _(j):
            g = j * NSUB + sid

            @pl.when(g < NCH)
            def _():
                body(j, g * RCH)

    def zero_phase():
        fill(abuf, RCH, zvec)
        chunk_loop(lambda j, r0:
                   pltpu.sync_copy(abuf, acc_sh.at[pl.ds(r0, RCH)]))

    def load_phase(slc):
        r0 = sid * LDW
        pltpu.sync_copy(slc(r0, LDW), tbl_sh.at[pl.ds(r0, LDW)])

    def count_phase():
        fill(rows, SLEN, onev)

        @pl.loop(0, NBPW)
        def _(b):
            r0 = (sid * NBPW + b) * NSTREAM
            pltpu.sync_copy(dst2.at[pl.ds(r0, NSTREAM)], didx)
            ss = [pltpu.async_copy(rows, acc_sh.at[didx.at[k]],
                                   ssems[k % 3], add=True)
                  for k in range(NSTREAM)]
            for s in ss:
                s.wait()

    def extract_phase():
        def body(j, r0):
            pltpu.sync_copy(acc_sh.at[pl.ds(r0, RCH)], xbuf)

            @pl.loop(0, RCH, step=5)
            def _(r):
                for u in range(5):
                    cv = xbuf[r + u, pl.ds(0, 16)]
                    rbuf[r + u, pl.ds(0, 16)] = 1.0 / jnp.maximum(cv, 1.0)

            pltpu.sync_copy(rbuf, rec.at[pl.ds(cbase + r0, RCH)])

        chunk_loop(body)

    def stream_phase():
        @pl.loop(0, NBPW)
        def _(b):
            r0 = (sid * NBPW + b) * NSTREAM
            ci = pltpu.async_copy(src2.at[pl.ds(r0, NSTREAM)], sidx, sem_a)
            cd = pltpu.async_copy(dst2.at[pl.ds(r0, NSTREAM)], didx, sem_b)
            ci.wait()
            cd.wait()
            g = [None] * NSTREAM
            s = [None] * NSTREAM
            for j in range(2):
                g[j] = pltpu.async_copy(tbl_sh.at[sidx.at[j]], bufs[j],
                                        gsems[j])
            for k in range(NSTREAM):
                g[k].wait()
                s[k] = pltpu.async_copy(bufs[k % 3], acc_sh.at[didx.at[k]],
                                        ssems[k % 3], add=True)
                j = k + 2
                if j < NSTREAM:
                    if j >= 3:
                        s[j - 3].wait()
                    g[j] = pltpu.async_copy(tbl_sh.at[sidx.at[j]],
                                            bufs[j % 3], gsems[j % 3])
            for k in range(NSTREAM - 3, NSTREAM):
                s[k].wait()

    def norm_phase(prev_slc, nxt, qb, qcol, last, load_slc=None):
        if load_slc is not None:
            lr0 = sid * LDW
            lcp = pltpu.async_copy(load_slc(lr0, LDW),
                                   tbl_sh.at[pl.ds(lr0, LDW)], gs0)
        fill(zbuf, RCH, zvec)

        def body(j, r0):
            cp1 = pltpu.async_copy(prev_slc(r0, RCH), abuf, sem_a)
            cp2 = pltpu.async_copy(rec.at[pl.ds(cbase + r0, RCH)], rbuf,
                                   sem_b)
            pltpu.sync_copy(acc_sh.at[pl.ds(r0, RCH)], xbuf)
            if load_slc is not None:
                pltpu.sync_copy(zbuf, acc_sh.at[pl.ds(r0, RCH)])
            cp1.wait()
            cp2.wait()

            @pl.loop(0, RCH, step=5)
            def _(r):
                sl = pl.ds(0, 16)
                for u in range(5):
                    xv = xbuf[r + u, sl] * rbuf[r + u, sl]
                    av = abuf[r + u, sl] + xv
                    if last:
                        abuf[r + u, sl] = av * 0.25
                    else:
                        xbuf[r + u, sl] = xv
                        abuf[r + u, sl] = av

            if last:
                @pl.when(r0 < N_USERS)
                def _():
                    pltpu.sync_copy(
                        abuf, uout.at[pl.ds(r0, RCH), pl.ds(qcol, DQ)])

                @pl.when(r0 >= N_USERS)
                def _():
                    pltpu.sync_copy(
                        abuf, iout.at[pl.ds(r0 - N_USERS, RCH),
                                      pl.ds(qcol, DQ)])
            else:
                w1 = pltpu.async_copy(xbuf, nxt.at[pl.ds(qb + r0, RCH)], ss1)
                w2 = pltpu.async_copy(abuf, accio.at[pl.ds(qb + r0, RCH)],
                                      ss2)
                w1.wait()
                w2.wait()

        chunk_loop(body)
        if load_slc is not None:
            lcp.wait()

    def x0_slc(q):
        qcol = (2 * cidx + q) * DQ
        return lambda r0, ln: x0.at[pl.ds(r0, ln), pl.ds(qcol, DQ)]

    def tbl_slc(t, q):
        qb = qbase0 + q * N
        return lambda r0, ln: t.at[pl.ds(qb + r0, ln)]

    zero_phase()
    plsc.subcore_barrier()
    count_phase()
    plsc.subcore_barrier()
    extract_phase()
    zero_phase()
    load_phase(x0_slc(0))
    plsc.subcore_barrier()

    rounds = [(l, q) for l in range(NLAYERS) for q in range(2)]

    def in_slc(l, q):
        return x0_slc(q) if l == 0 else tbl_slc([None, t1, t2][l], q)

    for i, (l, q) in enumerate(rounds):
        stream_phase()
        plsc.subcore_barrier()
        if i + 1 < len(rounds):
            nl, nq = rounds[i + 1]
            load_slc = in_slc(nl, nq)
        else:
            load_slc = None
        prev_slc = x0_slc(q) if l == 0 else tbl_slc(accio, q)
        norm_phase(prev_slc, [t1, t2, None][l],
                   qbase0 + q * N, (2 * cidx + q) * DQ,
                   last=(l == NLAYERS - 1), load_slc=load_slc)
        plsc.subcore_barrier()


def kernel(user_weight, item_weight, edge_index):
    x = jnp.concatenate([user_weight, item_weight], axis=0)
    src = edge_index[0].astype(jnp.int32)
    dst = edge_index[1].astype(jnp.int32)
    pad = EPAD - E
    src2 = jnp.concatenate([src, jnp.zeros((pad,), jnp.int32)])
    dst2 = jnp.concatenate([dst, jnp.full((pad,), N, jnp.int32)])
    uout, iout, _t1, _t2, _acc, _rec = _gcn_sc(
        src2.reshape(EROWS, SLEN), dst2.reshape(EROWS, SLEN), x)
    return uout, iout

# --- scband reference (transcript-rebuilt; emitter-appended) ---
"""Pipeline reference for scband-ncl-74904229642736 (READ-ONLY COPY).

The authoritative reference and input builder live on the scoring server;
editing this copy changes nothing except your own understanding.
"""

import jax, jax.numpy as jnp
import numpy as np

N_USERS = 25000
N_ITEMS = 25000
DIM = 64
N_LAYERS = 3
N_EDGES = 800000


def setup_inputs(seed: int = 0) -> dict:
    key = jax.random.key(seed)
    k1, k2, k3 = jax.random.split(key, 3)
    # xavier_uniform-style init for embedding tables
    bound_u = float(np.sqrt(6.0 / (N_USERS + DIM)))
    bound_i = float(np.sqrt(6.0 / (N_ITEMS + DIM)))
    user_weight = jax.random.uniform(k1, (N_USERS, DIM), dtype=jnp.float32, minval=-bound_u, maxval=bound_u)
    item_weight = jax.random.uniform(k2, (N_ITEMS, DIM), dtype=jnp.float32, minval=-bound_i, maxval=bound_i)
    edge_index = jax.random.randint(k3, (2, N_EDGES), 0, N_USERS + N_ITEMS)
    return {"user_weight": user_weight, "item_weight": item_weight, "edge_index": edge_index}


def _mean_conv(x, src, dst, n):
    # LightGCN-style conv: message = x_j (gather at src), aggr='mean' at dst
    msgs = x[src]
    s = jax.ops.segment_sum(msgs, dst, num_segments=n)
    cnt = jax.ops.segment_sum(jnp.ones((src.shape[0],), dtype=x.dtype), dst, num_segments=n)
    return s / jnp.clip(cnt, 1.0)[:, None]


def reference(user_weight, item_weight, edge_index):
    x = jnp.concatenate([user_weight, item_weight], axis=0)
    src = edge_index[0]
    dst = edge_index[1]
    n = x.shape[0]
    all_embs = [x]
    for _ in range(N_LAYERS):
        x = _mean_conv(x, src, dst, n)
        all_embs.append(x)
    stacked = jnp.stack(all_embs, axis=1)
    final_emb = jnp.mean(stacked, axis=1)
    user_emb = final_emb[:N_USERS]
    item_emb = final_emb[N_USERS:]
    return (user_emb, item_emb)

if __name__ == "__main__":
    import jax
    _d = setup_inputs()
    print(jax.jit(kernel)(*tuple(_d.values())))

</pallas_src>

<mosaic_0001>
#map = affine_map<(d0, d1) -> (0, 0)>
module attributes {stable_mosaic.version = 14 : i64} {
  func.func @_gcn_sc(%arg0: i32, %arg1: i32, %arg2: memref<3200x256xi32, #tpu.memory_space<hbm>>, %arg3: memref<3200x256xi32, #tpu.memory_space<hbm>>, %arg4: memref<50000x64xf32, #tpu.memory_space<hbm>>, %arg5: memref<25000x64xf32, #tpu.memory_space<hbm>>, %arg6: memref<25000x64xf32, #tpu.memory_space<hbm>>, %arg7: memref<200000x16xf32, #tpu.memory_space<hbm>>, %arg8: memref<200000x16xf32, #tpu.memory_space<hbm>>, %arg9: memref<200000x16xf32, #tpu.memory_space<hbm>>, %arg10: memref<100000x16xf32, #tpu.memory_space<hbm>>, %arg11: memref<50000x16xf32, #tpu.memory_space<vmem_shared>>, %arg12: memref<50008x16xf32, #tpu.memory_space<vmem_shared>>, %arg13: memref<4x256xi32, #tpu.memory_space<vmem>>, %arg14: memref<4x256xi32, #tpu.memory_space<vmem>>, %arg15: memref<256x16xf32, #tpu.memory_space<vmem>>, %arg16: memref<256x16xf32, #tpu.memory_space<vmem>>, %arg17: memref<256x16xf32, #tpu.memory_space<vmem>>, %arg18: memref<250x16xf32, #tpu.memory_space<vmem>>, %arg19: memref<250x16xf32, #tpu.memory_space<vmem>>, %arg20: memref<250x16xf32, #tpu.memory_space<vmem>>, %arg21: memref<250x16xf32, #tpu.memory_space<vmem>>, %arg22: memref<!tpu.dma_semaphore, #tpu.memory_space<semaphore_mem>>, %arg23: memref<!tpu.dma_semaphore, #tpu.memory_space<semaphore_mem>>, %arg24: memref<!tpu.dma_semaphore, #tpu.memory_space<semaphore_mem>>, %arg25: memref<!tpu.dma_semaphore, #tpu.memory_space<semaphore_mem>>, %arg26: memref<!tpu.dma_semaphore, #tpu.memory_space<semaphore_mem>>, %arg27: memref<!tpu.dma_semaphore, #tpu.memory_space<semaphore_mem>>, %arg28: memref<!tpu.dma_semaphore, #tpu.memory_space<semaphore_mem>>, %arg29: memref<!tpu.dma_semaphore, #tpu.memory_space<semaphore_mem>>) attributes {dimension_semantics = [#tpu.dimension_semantics<core_parallel>, #tpu.dimension_semantics<subcore_parallel>], iteration_bounds = array<i64: 2, 16>, scalar_prefetch = 0 : i64, scratch_operands = 19 : i64, tpu.core_type = #tpu.core_type<sc_vector_subcore>, window_params = [{transform_indices = #map}, {transform_indices = #map}, {transform_indices = #map}, {transform_indices = #map}, {transform_indices = #map}, {transform_indices = #map}, {transform_indices = #map}, {transform_indices = #map}, {transform_indices = #map}]} {
    %mul3A = arith.constant 50000 : i32
    %mul3A_0 = arith.muli %arg0, %mul3A : i32
    %mul3A_1 = arith.constant 2 : i32
    %mul3A_2 = arith.muli %mul3A_1, %arg0 : i32
    %mul3A_3 = arith.constant 50000 : i32
    %mul3A_4 = arith.muli %mul3A_2, %mul3A_3 : i32
    %broadcast_in_dim3A = arith.constant 0.000000e+00 : f32
    %broadcast_in_dim3A_5 = vector.broadcast %broadcast_in_dim3A : f32 to vector<16xf32>
    %broadcast_in_dim3A_6 = arith.constant 1.000000e+00 : f32
    %broadcast_in_dim3A_7 = vector.broadcast %broadcast_in_dim3A_6 : f32 to vector<16xf32>
    %scan3A = arith.constant 0 : i32
    %scan3A_8 = arith.constant 250 : i32
    %scan3A_9 = arith.addi %scan3A, %scan3A_8 : i32
    %scan3A_10 = arith.constant 1 : i32
    scf.for %scan3A_285 = %scan3A to %scan3A_9 step %scan3A_10  : i32 {
      %mul3A_286 = arith.constant 1 : i32
      %mul3A_287 = arith.muli %scan3A_285, %mul3A_286 : i32
      %add3A_288 = arith.constant 0 : i32
      %add3A_289 = arith.addi %add3A_288, %mul3A_287 : i32
      %swap3A = arith.index_cast %add3A_289 : i32 to index
      %swap3A_290 = arith.constant 0 : index
      %swap3A_291 = tpu.vector_load %arg19[%swap3A, %swap3A_290] {strides = array<i32>} : memref<250x16xf32, #tpu.memory_space<vmem>>, vector<1x16xf32>,
      %swap3A_292 = vector.shape_cast %swap3A_291 : vector<1x16xf32> to vector<16xf32>
      %swap3A_293 = vector.shape_cast %broadcast_in_dim3A_5 : vector<16xf32> to vector<1x16xf32>
      tpu.vector_store %arg19[%swap3A, %swap3A_290], %swap3A_293 {strides = array<i32>} : memref<250x16xf32, #tpu.memory_space<vmem>>, vector<1x16xf32>,
    }
    %scan3A_11 = arith.constant 250 : i32
    %scan3A_12 = arith.constant 0 : i32
    %scan3A_13 = arith.constant 13 : i32
    %scan3A_14 = arith.addi %scan3A_12, %scan3A_13 : i32
    %scan3A_15 = arith.constant 1 : i32
    scf.for %scan3A_285 = %scan3A_12 to %scan3A_14 step %scan3A_15  : i32 {
      %mul3A_286 = arith.constant 1 : i32
      %mul3A_287 = arith.muli %scan3A_285, %mul3A_286 : i32
      %add3A_288 = arith.constant 0 : i32
      %add3A_289 = arith.addi %add3A_288, %mul3A_287 : i32
      %mul3A_290 = arith.constant 16 : i32
      %mul3A_291 = arith.muli %add3A_289, %mul3A_290 : i32
      %add3A_292 = arith.addi %mul3A_291, %arg1 : i32
      %lt3A = arith.constant 200 : i32
      %lt3A_293 = arith.cmpi slt, %add3A_292, %lt3A : i32
      %convert_element_type3A = arith.extui %lt3A_293 : i1 to i32
      %cond3A = arith.constant 0 : i32
      %cond3A_294 = arith.cmpi ne, %convert_element_type3A, %cond3A : i32
      scf.if %cond3A_294 {
        %mul3A_295 = arith.constant 250 : i32
        %mul3A_296 = arith.muli %add3A_292, %mul3A_295 : i32
        "tpu.region"() ({
          %run_scoped3A = tpu.sem_alloc : memref<!tpu.dma_semaphore, #tpu.memory_space<semaphore_mem>>
          %dma_start3A_297 = arith.constant 0 : i32
          %dma_start3A_298 = tpu.memref_slice %arg12[%mul3A_296, %dma_start3A_297] : memref<50008x16xf32, #tpu.memory_space<vmem_shared>> -> memref<250x16xf32, #tpu.memory_space<vmem_shared>>
          %dma_start3A_299 = arith.constant 0 : i32
          %dma_start3A_300 = tpu.memref_slice %arg12[%mul3A_296, %dma_start3A_299] : memref<50008x16xf32, #tpu.memory_space<vmem_shared>> -> memref<250x16xf32, #tpu.memory_space<vmem_shared>>
          tpu.enqueue_dma source(%arg19 : memref<250x16xf32, #tpu.memory_space<vmem>>) target(%dma_start3A_300 : memref<250x16xf32, #tpu.memory_space<vmem_shared>>) target_semaphore(%run_scoped3A : memref<!tpu.dma_semaphore, #tpu.memory_space<semaphore_mem>>)
          %dma_wait3A_301 = arith.constant 0 : i32
          %dma_wait3A_302 = tpu.memref_slice %arg12[%mul3A_296, %dma_wait3A_301] : memref<50008x16xf32, #tpu.memory_space<vmem_shared>> -> memref<250x16xf32, #tpu.memory_space<vmem_shared>>
          %dma_wait3A_303 = arith.constant 0 : i32
          %dma_wait3A_304 = tpu.memref_slice %arg12[%mul3A_296, %dma_wait3A_303] : memref<50008x16xf32, #tpu.memory_space<vmem_shared>> -> memref<250x16xf32, #tpu.memory_space<vmem_shared>>
          tpu.wait_dma2 semaphore(%run_scoped3A : memref<!tpu.dma_semaphore, #tpu.memory_space<semaphore_mem>>) src(%arg19 : memref<250x16xf32, #tpu.memory_space<vmem>>) dst(%dma_wait3A_304 : memref<250x16xf32, #tpu.memory_space<vmem_shared>>)
          tpu.yield
        }) : () -> ()
      } else {
      }
    }
    %scan3A_16 = arith.constant 13 : i32
    %barrier3A = arith.constant 0 : index
    tpu.barrier barrier_id(%barrier3A)
    %scan3A_17 = arith.constant 0 : i32
    %scan3A_18 = arith.constant 256 : i32
    %scan3A_19 = arith.addi %scan3A_17, %scan3A_18 : i32
    %scan3A_20 = arith.constant 1 : i32
    scf.for %scan3A_285 = %scan3A_17 to %scan3A_19 step %scan3A_20  : i32 {
      %mul3A_286 = arith.constant 1 : i32
      %mul3A_287 = arith.muli %scan3A_285, %mul3A_286 : i32
      %add3A_288 = arith.constant 0 : i32
      %add3A_289 = arith.addi %add3A_288, %mul3A_287 : i32
      %swap3A = arith.index_cast %add3A_289 : i32 to index
      %swap3A_290 = arith.constant 0 : index
      %swap3A_291 = tpu.vector_load %arg15[%swap3A, %swap3A_290] {strides = array<i32>} : memref<256x16xf32, #tpu.memory_space<vmem>>, vector<1x16xf32>,
      %swap3A_292 = vector.shape_cast %swap3A_291 : vector<1x16xf32> to vector<16xf32>
      %swap3A_293 = vector.shape_cast %broadcast_in_dim3A_7 : vector<16xf32> to vector<1x16xf32>
      tpu.vector_store %arg15[%swap3A, %swap3A_290], %swap3A_293 {strides = array<i32>} : memref<256x16xf32, #tpu.memory_space<vmem>>, vector<1x16xf32>,
    }
    %scan3A_21 = arith.constant 256 : i32
    %scan3A_22 = arith.constant 0 : i32
    %scan3A_23 = arith.constant 50 : i32
    %scan3A_24 = arith.addi %scan3A_22, %scan3A_23 : i32
    %scan3A_25 = arith.constant 1 : i32
    scf.for %scan3A_285 = %scan3A_22 to %scan3A_24 step %scan3A_25  : i32 {
      %mul3A_286 = arith.constant 1 : i32
      %mul3A_287 = arith.muli %scan3A_285, %mul3A_286 : i32
      %add3A_288 = arith.constant 0 : i32
      %add3A_289 = arith.addi %add3A_288, %mul3A_287 : i32
      %mul3A_290 = arith.constant 50 : i32
      %mul3A_291 = arith.muli %arg1, %mul3A_290 : i32
      %add3A_292 = arith.addi %mul3A_291, %add3A_289 : i32
      %mul3A_293 = arith.constant 4 : i32
      %mul3A_294 = arith.muli %add3A_292, %mul3A_293 : i32
      "tpu.region"() ({
        %run_scoped3A = tpu.sem_alloc : memref<!tpu.dma_semaphore, #tpu.memory_space<semaphore_mem>>
        %dma_start3A_351 = arith.constant 0 : i32
        %dma_start3A_352 = tpu.memref_slice %arg3[%mul3A_294, %dma_start3A_351] : memref<3200x256xi32, #tpu.memory_space<hbm>> -> memref<4x256xi32, #tpu.memory_space<hbm>>
        %dma_start3A_353 = arith.constant 0 : i32
        %dma_start3A_354 = tpu.memref_slice %arg3[%mul3A_294, %dma_start3A_353] : memref<3200x256xi32, #tpu.memory_space<hbm>> -> memref<4x256xi32, #tpu.memory_space<hbm>>
        tpu.enqueue_dma source(%dma_start3A_354 : memref<4x256xi32, #tpu.memory_space<hbm>>) target(%arg14 : memref<4x256xi32, #tpu.memory_space<vmem>>) target_semaphore(%run_scoped3A : memref<!tpu.dma_semaphore, #tpu.memory_space<semaphore_mem>>)
        %dma_wait3A_355 = arith.constant 0 : i32
        %dma_wait3A_356 = tpu.memref_slice %arg3[%mul3A_294, %dma_wait3A_355] : memref<3200x256xi32, #tpu.memory_space<hbm>> -> memref<4x256xi32, #tpu.memory_space<hbm>>
        %dma_wait3A_357 = arith.constant 0 : i32
        %dma_wait3A_358 = tpu.memref_slice %arg3[%mul3A_294, %dma_wait3A_357] : memref<3200x256xi32, #tpu.memory_space<hbm>> -> memref<4x256xi32, #tpu.memory_space<hbm>>
        tpu.wait_dma2 semaphore(%run_scoped3A : memref<!tpu.dma_semaphore, #tpu.memory_space<semaphore_mem>>) src(%dma_wait3A_358 : memref<4x256xi32, #tpu.memory_space<hbm>>) dst(%arg14 : memref<4x256xi32, #tpu.memory_space<vmem>>)
        tpu.yield
      }) : () -> ()
      %dma_start3A_295 = arith.constant 0 : i32
      %dma_start3A_296 = arith.constant 0 : i32
      %dma_start3A_297 = tpu.memref_slice %arg14[%dma_start3A_295, %dma_start3A_296] : memref<4x256xi32, #tpu.memory_space<vmem>> -> memref<1x256xi32, #tpu.memory_space<vmem>>
      %dma_start3A_298 = tpu.memref_squeeze %dma_start3A_297 : memref<1x256xi32, #tpu.memory_space<vmem>> -> memref<256xi32, #tpu.memory_space<vmem>>
      %dma_start3A_299 = arith.constant 0 : i32
      %dma_start3A_300 = arith.constant 0 : i32
      %dma_start3A_301 = tpu.memref_slice %arg12[%dma_start3A_299, %dma_start3A_300] : memref<50008x16xf32, #tpu.memory_space<vmem_shared>> -> memref<50008x16xf32, #tpu.memory_space<vmem_shared>>
      tpu.enqueue_indirect_dma source(%arg15 : memref<256x16xf32, #tpu.memory_space<vmem>>) target(%dma_start3A_301 : memref<50008x16xf32, #tpu.memory_space<vmem_shared>>) offsets(%dma_start3A_298 : memref<256xi32, #tpu.memory_space<vmem>>) semaphore(%arg27 : memref<!tpu.dma_semaphore, #tpu.memory_space<semaphore_mem>>) {add = true}
      %dma_start3A_302 = arith.constant 1 : i32
      %dma_start3A_303 = arith.constant 0 : i32
      %dma_start3A_304 = tpu.memref_slice %arg14[%dma_start3A_302, %dma_start3A_303] : memref<4x256xi32, #tpu.memory_space<vmem>> -> memref<1x256xi32, #tpu.memory_space<vmem>>
      %dma_start3A_305 = tpu.memref_squeeze %dma_start3A_304 : memref<1x256xi32, #tpu.memory_space<vmem>> -> memref<256xi32, #tpu.memory_space<vmem>>
      %dma_start3A_306 = arith.constant 0 : i32
      %dma_start3A_307 = arith.constant 0 : i32
      %dma_start3A_308 = tpu.memref_slice %arg12[%dma_start3A_306, %dma_start3A_307] : memref<50008x16xf32, #tpu.memory_space<vmem_shared>> -> memref<50008x16xf32, #tpu.memory_space<vmem_shared>>
      tpu.enqueue_indirect_dma source(%arg15 : memref<256x16xf32, #tpu.memory_space<vmem>>) target(%dma_start3A_308 : memref<50008x16xf32, #tpu.memory_space<vmem_shared>>) offsets(%dma_start3A_305 : memref<256xi32, #tpu.memory_space<vmem>>) semaphore(%arg28 : memref<!tpu.dma_semaphore, #tpu.memory_space<semaphore_mem>>) {add = true}
      %dma_start3A_309 = arith.constant 2 : i32
      %dma_start3A_310 = arith.constant 0 : i32
      %dma_start3A_311 = tpu.memref_slice %arg14[%dma_start3A_309, %dma_start3A_310] : memref<4x256xi32, #tpu.memory_space<vmem>> -> memref<1x256xi32, #tpu.memory_space<vmem>>
      %dma_start3A_312 = tpu.memref_squeeze %dma_start3A_311 : memref<1x256xi32, #tpu.memory_space<vmem>> -> memref<256xi32, #tpu.memory_space<vmem>>
      %dma_start3A_313 = arith.constant 0 : i32
      %dma_start3A_314 = arith.constant 0 : i32
      %dma_start3A_315 = tpu.memref_slice %arg12[%dma_start3A_313, %dma_start3A_314] : memref<50008x16xf32, #tpu.memory_space<vmem_shared>> -> memref<50008x16xf32, #tpu.memory_space<vmem_shared>>
      tpu.enqueue_indirect_dma source(%arg15 : memref<256x16xf32, #tpu.memory_space<vmem>>) target(%dma_start3A_315 : memref<50008x16xf32, #tpu.memory_space<vmem_shared>>) offsets(%dma_start3A_312 : memref<256xi32, #tpu.memory_space<vmem>>) semaphore(%arg29 : memref<!tpu.dma_semaphore, #tpu.memory_space<semaphore_mem>>) {add = true}
      %dma_start3A_316 = arith.constant 3 : i32
      %dma_start3A_317 = arith.constant 0 : i32
      %dma_start3A_318 = tpu.memref_slice %arg14[%dma_start3A_316, %dma_start3A_317] : memref<4x256xi32, #tpu.memory_space<vmem>> -> memref<1x256xi32, #tpu.memory_space<vmem>>
      %dma_start3A_319 = tpu.memref_squeeze %dma_start3A_318 : memref<1x256xi32, #tpu.memory_space<vmem>> -> memref<256xi32, #tpu.memory_space<vmem>>
      %dma_start3A_320 = arith.constant 0 : i32
      %dma_start3A_321 = arith.constant 0 : i32
      %dma_start3A_322 = tpu.memref_slice %arg12[%dma_start3A_320, %dma_start3A_321] : memref<50008x16xf32, #tpu.memory_space<vmem_shared>> -> memref<50008x16xf32, #tpu.memory_space<vmem_shared>>
      tpu.enqueue_indirect_dma source(%arg15 : memref<256x16xf32, #tpu.memory_space<vmem>>) target(%dma_start3A_322 : memref<50008x16xf32, #tpu.memory_space<vmem_shared>>) offsets(%dma_start3A_319 : memref<256xi32, #tpu.memory_space<vmem>>) semaphore(%arg27 : memref<!tpu.dma_semaphore, #tpu.memory_space<semaphore_mem>>) {add = true}
      %dma_wait3A_323 = arith.constant 0 : i32
      %dma_wait3A_324 = arith.constant 0 : i32
      %dma_wait3A_325 = tpu.memref_slice %arg14[%dma_wait3A_323, %dma_wait3A_324] : memref<4x256xi32, #tpu.memory_space<vmem>> -> memref<1x256xi32, #tpu.memory_space<vmem>>
      %dma_wait3A_326 = tpu.memref_squeeze %dma_wait3A_325 : memref<1x256xi32, #tpu.memory_space<vmem>> -> memref<256xi32, #tpu.memory_space<vmem>>
      %dma_wait3A_327 = arith.constant 0 : i32
      %dma_wait3A_328 = arith.constant 0 : i32
      %dma_wait3A_329 = tpu.memref_slice %arg12[%dma_wait3A_327, %dma_wait3A_328] : memref<50008x16xf32, #tpu.memory_space<vmem_shared>> -> memref<50008x16xf32, #tpu.memory_space<vmem_shared>>
      tpu.wait_indirect_dma semaphore(%arg27 : memref<!tpu.dma_semaphore, #tpu.memory_space<semaphore_mem>>) src(%arg15 : memref<256x16xf32, #tpu.memory_space<vmem>>) dst(%dma_wait3A_329 : memref<50008x16xf32, #tpu.memory_space<vmem_shared>>)
      %dma_wait3A_330 = arith.constant 1 : i32
      %dma_wait3A_331 = arith.constant 0 : i32
      %dma_wait3A_332 = tpu.memref_slice %arg14[%dma_wait3A_330, %dma_wait3A_331] : memref<4x256xi32, #tpu.memory_space<vmem>> -> memref<1x256xi32, #tpu.memory_space<vmem>>
      %dma_wait3A_333 = tpu.memref_squeeze %dma_wait3A_332 : memref<1x256xi32, #tpu.memory_space<vmem>> -> memref<256xi32, #tpu.memory_space<vmem>>
      %dma_wait3A_334 = arith.constant 0 : i32
      %dma_wait3A_335 = arith.constant 0 : i32
      %dma_wait3A_336 = tpu.memref_slice %arg12[%dma_wait3A_334, %dma_wait3A_335] : memref<50008x16xf32, #tpu.memory_space<vmem_shared>> -> memref<50008x16xf32, #tpu.memory_space<vmem_shared>>
      tpu.wait_indirect_dma semaphore(%arg28 : memref<!tpu.dma_semaphore, #tpu.memory_space<semaphore_mem>>) src(%arg15 : memref<256x16xf32, #tpu.memory_space<vmem>>) dst(%dma_wait3A_336 : memref<50008x16xf32, #tpu.memory_space<vmem_shared>>)
      %dma_wait3A_337 = arith.constant 2 : i32
      %dma_wait3A_338 = arith.constant 0 : i32
      %dma_wait3A_339 = tpu.memref_slice %arg14[%dma_wait3A_337, %dma_wait3A_338] : memref<4x256xi32, #tpu.memory_space<vmem>> -> memref<1x256xi32, #tpu.memory_space<vmem>>
      %dma_wait3A_340 = tpu.memref_squeeze %dma_wait3A_339 : memref<1x256xi32, #tpu.memory_space<vmem>> -> memref<256xi32, #tpu.memory_space<vmem>>
      %dma_wait3A_341 = arith.constant 0 : i32
      %dma_wait3A_342 = arith.constant 0 : i32
      %dma_wait3A_343 = tpu.memref_slice %arg12[%dma_wait3A_341, %dma_wait3A_342] : memref<50008x16xf32, #tpu.memory_space<vmem_shared>> -> memref<50008x16xf32, #tpu.memory_space<vmem_shared>>
      tpu.wait_indirect_dma semaphore(%arg29 : memref<!tpu.dma_semaphore, #tpu.memory_space<semaphore_mem>>) src(%arg15 : memref<256x16xf32, #tpu.memory_space<vmem>>) dst(%dma_wait3A_343 : memref<50008x16xf32, #tpu.memory_space<vmem_shared>>)
      %dma_wait3A_344 = arith.constant 3 : i32
      %dma_wait3A_345 = arith.constant 0 : i32
      %dma_wait3A_346 = tpu.memref_slice %arg14[%dma_wait3A_344, %dma_wait3A_345] : memref<4x256xi32, #tpu.memory_space<vmem>> -> memref<1x256xi32, #tpu.memory_space<vmem>>
      %dma_wait3A_347 = tpu.memref_squeeze %dma_wait3A_346 : memref<1x256xi32, #tpu.memory_space<vmem>> -> memref<256xi32, #tpu.memory_space<vmem>>
      %dma_wait3A_348 = arith.constant 0 : i32
      %dma_wait3A_349 = arith.constant 0 : i32
      %dma_wait3A_350 = tpu.memref_slice %arg12[%dma_wait3A_348, %dma_wait3A_349] : memref<50008x16xf32, #tpu.memory_space<vmem_shared>> -> memref<50008x16xf32, #tpu.memory_space<vmem_shared>>
      tpu.wait_indirect_dma semaphore(%arg27 : memref<!tpu.dma_semaphore, #tpu.memory_space<semaphore_mem>>) src(%arg15 : memref<256x16xf32, #tpu.memory_space<vmem>>) dst(%dma_wait3A_350 : memref<50008x16xf32, #tpu.memory_space<vmem_shared>>)
    }
    %scan3A_26 = arith.constant 50 : i32
    %barrier3A_27 = arith.constant 0 : index
    tpu.barrier barrier_id(%barrier3A_27)
    %scan3A_28 = arith.constant 0 : i32
    %scan3A_29 = arith.constant 13 : i32
    %scan3A_30 = arith.addi %scan3A_28, %scan3A_29 : i32
    %scan3A_31 = arith.constant 1 : i32
    scf.for %scan3A_285 = %scan3A_28 to %scan3A_30 step %scan3A_31  : i32 {
      %mul3A_286 = arith.constant 1 : i32
      %mul3A_287 = arith.muli %scan3A_285, %mul3A_286 : i32
      %add3A_288 = arith.constant 0 : i32
      %add3A_289 = arith.addi %add3A_288, %mul3A_287 : i32
      %mul3A_290 = arith.constant 16 : i32
      %mul3A_291 = arith.muli %add3A_289, %mul3A_290 : i32
      %add3A_292 = arith.addi %mul3A_291, %arg1 : i32
      %lt3A = arith.constant 200 : i32
      %lt3A_293 = arith.cmpi slt, %add3A_292, %lt3A : i32
      %convert_element_type3A = arith.extui %lt3A_293 : i1 to i32
      %cond3A = arith.constant 0 : i32
      %cond3A_294 = arith.cmpi ne, %convert_element_type3A, %cond3A : i32
      scf.if %cond3A_294 {
        %mul3A_295 = arith.constant 250 : i32
        %mul3A_296 = arith.muli %add3A_292, %mul3A_295 : i32
        "tpu.region"() ({
          %run_scoped3A = tpu.sem_alloc : memref<!tpu.dma_semaphore, #tpu.memory_space<semaphore_mem>>
          %dma_start3A_303 = arith.constant 0 : i32
          %dma_start3A_304 = tpu.memref_slice %arg12[%mul3A_296, %dma_start3A_303] : memref<50008x16xf32, #tpu.memory_space<vmem_shared>> -> memref<250x16xf32, #tpu.memory_space<vmem_shared>>
          %dma_start3A_305 = arith.constant 0 : i32
          %dma_start3A_306 = tpu.memref_slice %arg12[%mul3A_296, %dma_start3A_305] : memref<50008x16xf32, #tpu.memory_space<vmem_shared>> -> memref<250x16xf32, #tpu.memory_space<vmem_shared>>
          tpu.enqueue_dma source(%dma_start3A_306 : memref<250x16xf32, #tpu.memory_space<vmem_shared>>) target(%arg18 : memref<250x16xf32, #tpu.memory_space<vmem>>) target_semaphore(%run_scoped3A : memref<!tpu.dma_semaphore, #tpu.memory_space<semaphore_mem>>)
          %dma_wait3A_307 = arith.constant 0 : i32
          %dma_wait3A_308 = tpu.memref_slice %arg12[%mul3A_296, %dma_wait3A_307] : memref<50008x16xf32, #tpu.memory_space<vmem_shared>> -> memref<250x16xf32, #tpu.memory_space<vmem_shared>>
          %dma_wait3A_309 = arith.constant 0 : i32
          %dma_wait3A_310 = tpu.memref_slice %arg12[%mul3A_296, %dma_wait3A_309] : memref<50008x16xf32, #tpu.memory_space<vmem_shared>> -> memref<250x16xf32, #tpu.memory_space<vmem_shared>>
          tpu.wait_dma2 semaphore(%run_scoped3A : memref<!tpu.dma_semaphore, #tpu.memory_space<semaphore_mem>>) src(%dma_wait3A_310 : memref<250x16xf32, #tpu.memory_space<vmem_shared>>) dst(%arg18 : memref<250x16xf32, #tpu.memory_space<vmem>>)
          tpu.yield
        }) : () -> ()
        %scan3A_297 = arith.constant 0 : i32
        %scan3A_298 = arith.constant 50 : i32
        %scan3A_299 = arith.addi %scan3A_297, %scan3A_298 : i32
        %scan3A_300 = arith.constant 1 : i32
        scf.for %scan3A_303 = %scan3A_297 to %scan3A_299 step %scan3A_300  : i32 {
          %mul3A_304 = arith.constant 5 : i32
          %mul3A_305 = arith.muli %scan3A_303, %mul3A_304 : i32
          %add3A_306 = arith.constant 0 : i32
          %add3A_307 = arith.addi %add3A_306, %mul3A_305 : i32
          %add3A_308 = arith.constant 0 : i32
          %add3A_309 = arith.addi %add3A_307, %add3A_308 : i32
          %get3A = arith.index_cast %add3A_309 : i32 to index
          %get3A_310 = arith.constant 0 : index
          %get3A_311 = tpu.vector_load %arg18[%get3A, %get3A_310] {strides = array<i32>} : memref<250x16xf32, #tpu.memory_space<vmem>>, vector<1x16xf32>,
          %get3A_312 = vector.shape_cast %get3A_311 : vector<1x16xf32> to vector<16xf32>
          %max3A = arith.constant 1.000000e+00 : f32
          %max3A_313 = vector.broadcast %max3A : f32 to vector<16xf32>
          %max3A_314 = arith.maximumf %get3A_312, %max3A_313 : vector<16xf32>
          %div3A = arith.constant 1.000000e+00 : f32
          %div3A_315 = vector.broadcast %div3A : f32 to vector<16xf32>
          %div3A_316 = arith.divf %div3A_315, %max3A_314 : vector<16xf32>
          %add3A_317 = arith.constant 0 : i32
          %add3A_318 = arith.addi %add3A_307, %add3A_317 : i32
          %swap3A = arith.index_cast %add3A_318 : i32 to index
          %swap3A_319 = arith.constant 0 : index
          %swap3A_320 = tpu.vector_load %arg20[%swap3A, %swap3A_319] {strides = array<i32>} : memref<250x16xf32, #tpu.memory_space<vmem>>, vector<1x16xf32>,
          %swap3A_321 = vector.shape_cast %swap3A_320 : vector<1x16xf32> to vector<16xf32>
          %swap3A_322 = vector.shape_cast %div3A_316 : vector<16xf32> to vector<1x16xf32>
          tpu.vector_store %arg20[%swap3A, %swap3A_319], %swap3A_322 {strides = array<i32>} : memref<250x16xf32, #tpu.memory_space<vmem>>, vector<1x16xf32>,
          %add3A_323 = arith.constant 1 : i32
          %add3A_324 = arith.addi %add3A_307, %add3A_323 : i32
          %get3A_325 = arith.index_cast %add3A_324 : i32 to index
          %get3A_326 = arith.constant 0 : index
          %get3A_327 = tpu.vector_load %arg18[%get3A_325, %get3A_326] {strides = array<i32>} : memref<250x16xf32, #tpu.memory_space<vmem>>, vector<1x16xf32>,
          %get3A_328 = vector.shape_cast %get3A_327 : vector<1x16xf32> to vector<16xf32>
          %max3A_329 = arith.constant 1.000000e+00 : f32
          %max3A_330 = vector.broadcast %max3A_329 : f32 to vector<16xf32>
          %max3A_331 = arith.maximumf %get3A_328, %max3A_330 : vector<16xf32>
          %div3A_332 = arith.constant 1.000000e+00 : f32
          %div3A_333 = vector.broadcast %div3A_332 : f32 to vector<16xf32>
          %div3A_334 = arith.divf %div3A_333, %max3A_331 : vector<16xf32>
          %add3A_335 = arith.constant 1 : i32
          %add3A_336 = arith.addi %add3A_307, %add3A_335 : i32
          %swap3A_337 = arith.index_cast %add3A_336 : i32 to index
          %swap3A_338 = arith.constant 0 : index
          %swap3A_339 = tpu.vector_load %arg20[%swap3A_337, %swap3A_338] {strides = array<i32>} : memref<250x16xf32, #tpu.memory_space<vmem>>, vector<1x16xf32>,
          %swap3A_340 = vector.shape_cast %swap3A_339 : vector<1x16xf32> to vector<16xf32>
          %swap3A_341 = vector.shape_cast %div3A_334 : vector<16xf32> to vector<1x16xf32>
          tpu.vector_store %arg20[%swap3A_337, %swap3A_338], %swap3A_341 {strides = array<i32>} : memref<250x16xf32, #tpu.memory_space<vmem>>, vector<1x16xf32>,
          %add3A_342 = arith.constant 2 : i32
          %add3A_343 = arith.addi %add3A_307, %add3A_342 : i32
          %get3A_344 = arith.index_cast %add3A_343 : i32 to index
          %get3A_345 = arith.constant 0 : index
          %get3A_346 = tpu.vector_load %arg18[%get3A_344, %get3A_345] {strides = array<i32>} : memref<250x16xf32, #tpu.memory_space<vmem>>, vector<1x16xf32>,
          %get3A_347 = vector.shape_cast %get3A_346 : vector<1x16xf32> to vector<16xf32>
          %max3A_348 = arith.constant 1.000000e+00 : f32
          %max3A_349 = vector.broadcast %max3A_348 : f32 to vector<16xf32>
          %max3A_350 = arith.maximumf %get3A_347, %max3A_349 : vector<16xf32>
          %div3A_351 = arith.constant 1.000000e+00 : f32
          %div3A_352 = vector.broadcast %div3A_351 : f32 to vector<16xf32>
          %div3A_353 = arith.divf %div3A_352, %max3A_350 : vector<16xf32>
          %add3A_354 = arith.constant 2 : i32
          %add3A_355 = arith.addi %add3A_307, %add3A_354 : i32
          %swap3A_356 = arith.index_cast %add3A_355 : i32 to index
          %swap3A_357 = arith.constant 0 : index
          %swap3A_358 = tpu.vector_load %arg20[%swap3A_356, %swap3A_357] {strides = array<i32>} : memref<250x16xf32, #tpu.memory_space<vmem>>, vector<1x16xf32>,
          %swap3A_359 = vector.shape_cast %swap3A_358 : vector<1x16xf32> to vector<16xf32>
          %swap3A_360 = vector.shape_cast %div3A_353 : vector<16xf32> to vector<1x16xf32>
          tpu.vector_store %arg20[%swap3A_356, %swap3A_357], %swap3A_360 {strides = array<i32>} : memref<250x16xf32, #tpu.memory_space<vmem>>, vector<1x16xf32>,
          %add3A_361 = arith.constant 3 : i32
          %add3A_362 = arith.addi %add3A_307, %add3A_361 : i32
          %get3A_363 = arith.index_cast %add3A_362 : i32 to index
          %get3A_364 = arith.constant 0 : index
          %get3A_365 = tpu.vector_load %arg18[%get3A_363, %get3A_364] {strides = array<i32>} : memref<250x16xf32, #tpu.memory_space<vmem>>, vector<1x16xf32>,
          %get3A_366 = vector.shape_cast %get3A_365 : vector<1x16xf32> to vector<16xf32>
          %max3A_367 = arith.constant 1.000000e+00 : f32
          %max3A_368 = vector.broadcast %max3A_367 : f32 to vector<16xf32>
          %max3A_369 = arith.maximumf %get3A_366, %max3A_368 : vector<16xf32>
          %div3A_370 = arith.constant 1.000000e+00 : f32
          %div3A_371 = vector.broadcast %div3A_370 : f32 to vector<16xf32>
          %div3A_372 = arith.divf %div3A_371, %max3A_369 : vector<16xf32>
          %add3A_373 = arith.constant 3 : i32
          %add3A_374 = arith.addi %add3A_307, %add3A_373 : i32
          %swap3A_375 = arith.index_cast %add3A_374 : i32 to index
          %swap3A_376 = arith.constant 0 : index
          %swap3A_377 = tpu.vector_load %arg20[%swap3A_375, %swap3A_376] {strides = array<i32>} : memref<250x16xf32, #tpu.memory_space<vmem>>, vector<1x16xf32>,
          %swap3A_378 = vector.shape_cast %swap3A_377 : vector<1x16xf32> to vector<16xf32>
          %swap3A_379 = vector.shape_cast %div3A_372 : vector<16xf32> to vector<1x16xf32>
          tpu.vector_store %arg20[%swap3A_375, %swap3A_376], %swap3A_379 {strides = array<i32>} : memref<250x16xf32, #tpu.memory_space<vmem>>, vector<1x16xf32>,
          %add3A_380 = arith.constant 4 : i32
          %add3A_381 = arith.addi %add3A_307, %add3A_380 : i32
          %get3A_382 = arith.index_cast %add3A_381 : i32 to index
          %get3A_383 = arith.constant 0 : index
          %get3A_384 = tpu.vector_load %arg18[%get3A_382, %get3A_383] {strides = array<i32>} : memref<250x16xf32, #tpu.memory_space<vmem>>, vector<1x16xf32>,
          %get3A_385 = vector.shape_cast %get3A_384 : vector<1x16xf32> to vector<16xf32>
          %max3A_386 = arith.constant 1.000000e+00 : f32
          %max3A_387 = vector.broadcast %max3A_386 : f32 to vector<16xf32>
          %max3A_388 = arith.maximumf %get3A_385, %max3A_387 : vector<16xf32>
          %div3A_389 = arith.constant 1.000000e+00 : f32
          %div3A_390 = vector.broadcast %div3A_389 : f32 to vector<16xf32>
          %div3A_391 = arith.divf %div3A_390, %max3A_388 : vector<16xf32>
          %add3A_392 = arith.constant 4 : i32
          %add3A_393 = arith.addi %add3A_307, %add3A_392 : i32
          %swap3A_394 = arith.index_cast %add3A_393 : i32 to index
          %swap3A_395 = arith.constant 0 : index
          %swap3A_396 = tpu.vector_load %arg20[%swap3A_394, %swap3A_395] {strides = array<i32>} : memref<250x16xf32, #tpu.memory_space<vmem>>, vector<1x16xf32>,
          %swap3A_397 = vector.shape_cast %swap3A_396 : vector<1x16xf32> to vector<16xf32>
          %swap3A_398 = vector.shape_cast %div3A_391 : vector<16xf32> to vector<1x16xf32>
          tpu.vector_store %arg20[%swap3A_394, %swap3A_395], %swap3A_398 {strides = array<i32>} : memref<250x16xf32, #tpu.memory_space<vmem>>, vector<1x16xf32>,
        }
        %scan3A_301 = arith.constant 50 : i32
        %add3A_302 = arith.addi %mul3A_0, %mul3A_296 : i32
        "tpu.region"() ({
          %run_scoped3A = tpu.sem_alloc : memref<!tpu.dma_semaphore, #tpu.memory_space<semaphore_mem>>
          %dma_start3A_303 = arith.constant 0 : i32
          %dma_start3A_304 = tpu.memref_slice %arg10[%add3A_302, %dma_start3A_303] : memref<100000x16xf32, #tpu.memory_space<hbm>> -> memref<250x16xf32, #tpu.memory_space<hbm>>
          %dma_start3A_305 = arith.constant 0 : i32
          %dma_start3A_306 = tpu.memref_slice %arg10[%add3A_302, %dma_start3A_305] : memref<100000x16xf32, #tpu.memory_space<hbm>> -> memref<250x16xf32, #tpu.memory_space<hbm>>
          tpu.enqueue_dma source(%arg20 : memref<250x16xf32, #tpu.memory_space<vmem>>) target(%dma_start3A_306 : memref<250x16xf32, #tpu.memory_space<hbm>>) target_semaphore(%run_scoped3A : memref<!tpu.dma_semaphore, #tpu.memory_space<semaphore_mem>>)
          %dma_wait3A_307 = arith.constant 0 : i32
          %dma_wait3A_308 = tpu.memref_slice %arg10[%add3A_302, %dma_wait3A_307] : memref<100000x16xf32, #tpu.memory_space<hbm>> -> memref<250x16xf32, #tpu.memory_space<hbm>>
          %dma_wait3A_309 = arith.constant 0 : i32
          %dma_wait3A_310 = tpu.memref_slice %arg10[%add3A_302, %dma_wait3A_309] : memref<100000x16xf32, #tpu.memory_space<hbm>> -> memref<250x16xf32, #tpu.memory_space<hbm>>
          tpu.wait_dma2 semaphore(%run_scoped3A : memref<!tpu.dma_semaphore, #tpu.memory_space<semaphore_mem>>) src(%arg20 : memref<250x16xf32, #tpu.memory_space<vmem>>) dst(%dma_wait3A_310 : memref<250x16xf32, #tpu.memory_space<hbm>>)
          tpu.yield
        }) : () -> ()
      } else {
      }
    }
    %scan3A_32 = arith.constant 13 : i32
    %scan3A_33 = arith.constant 0 : i32
    %scan3A_34 = arith.constant 250 : i32
    %scan3A_35 = arith.addi %scan3A_33, %scan3A_34 : i32
    %scan3A_36 = arith.constant 1 : i32
    scf.for %scan3A_285 = %scan3A_33 to %scan3A_35 step %scan3A_36  : i32 {
      %mul3A_286 = arith.constant 1 : i32
      %mul3A_287 = arith.muli %scan3A_285, %mul3A_286 : i32
      %add3A_288 = arith.constant 0 : i32
      %add3A_289 = arith.addi %add3A_288, %mul3A_287 : i32
      %swap3A = arith.index_cast %add3A_289 : i32 to index
      %swap3A_290 = arith.constant 0 : index
      %swap3A_291 = tpu.vector_load %arg19[%swap3A, %swap3A_290] {strides = array<i32>} : memref<250x16xf32, #tpu.memory_space<vmem>>, vector<1x16xf32>,
      %swap3A_292 = vector.shape_cast %swap3A_291 : vector<1x16xf32> to vector<16xf32>
      %swap3A_293 = vector.shape_cast %broadcast_in_dim3A_5 : vector<16xf32> to vector<1x16xf32>
      tpu.vector_store %arg19[%swap3A, %swap3A_290], %swap3A_293 {strides = array<i32>} : memref<250x16xf32, #tpu.memory_space<vmem>>, vector<1x16xf32>,
    }
    %scan3A_37 = arith.constant 250 : i32
    %scan3A_38 = arith.constant 0 : i32
    %scan3A_39 = arith.constant 13 : i32
    %scan3A_40 = arith.addi %scan3A_38, %scan3A_39 : i32
    %scan3A_41 = arith.constant 1 : i32
    scf.for %scan3A_285 = %scan3A_38 to %scan3A_40 step %scan3A_41  : i32 {
      %mul3A_286 = arith.constant 1 : i32
      %mul3A_287 = arith.muli %scan3A_285, %mul3A_286 : i32
      %add3A_288 = arith.constant 0 : i32
      %add3A_289 = arith.addi %add3A_288, %mul3A_287 : i32
      %mul3A_290 = arith.constant 16 : i32
      %mul3A_291 = arith.muli %add3A_289, %mul3A_290 : i32
      %add3A_292 = arith.addi %mul3A_291, %arg1 : i32
      %lt3A = arith.constant 200 : i32
      %lt3A_293 = arith.cmpi slt, %add3A_292, %lt3A : i32
      %convert_element_type3A = arith.extui %lt3A_293 : i1 to i32
      %cond3A = arith.constant 0 : i32
      %cond3A_294 = arith.cmpi ne, %convert_element_type3A, %cond3A : i32
      scf.if %cond3A_294 {
        %mul3A_295 = arith.constant 250 : i32
        %mul3A_296 = arith.muli %add3A_292, %mul3A_295 : i32
        "tpu.region"() ({
          %run_scoped3A = tpu.sem_alloc : memref<!tpu.dma_semaphore, #tpu.memory_space<semaphore_mem>>
          %dma_start3A_297 = arith.constant 0 : i32
          %dma_start3A_298 = tpu.memref_slice %arg12[%mul3A_296, %dma_start3A_297] : memref<50008x16xf32, #tpu.memory_space<vmem_shared>> -> memref<250x16xf32, #tpu.memory_space<vmem_shared>>
          %dma_start3A_299 = arith.constant 0 : i32
          %dma_start3A_300 = tpu.memref_slice %arg12[%mul3A_296, %dma_start3A_299] : memref<50008x16xf32, #tpu.memory_space<vmem_shared>> -> memref<250x16xf32, #tpu.memory_space<vmem_shared>>
          tpu.enqueue_dma source(%arg19 : memref<250x16xf32, #tpu.memory_space<vmem>>) target(%dma_start3A_300 : memref<250x16xf32, #tpu.memory_space<vmem_shared>>) target_semaphore(%run_scoped3A : memref<!tpu.dma_semaphore, #tpu.memory_space<semaphore_mem>>)
          %dma_wait3A_301 = arith.constant 0 : i32
          %dma_wait3A_302 = tpu.memref_slice %arg12[%mul3A_296, %dma_wait3A_301] : memref<50008x16xf32, #tpu.memory_space<vmem_shared>> -> memref<250x16xf32, #tpu.memory_space<vmem_shared>>
          %dma_wait3A_303 = arith.constant 0 : i32
          %dma_wait3A_304 = tpu.memref_slice %arg12[%mul3A_296, %dma_wait3A_303] : memref<50008x16xf32, #tpu.memory_space<vmem_shared>> -> memref<250x16xf32, #tpu.memory_space<vmem_shared>>
          tpu.wait_dma2 semaphore(%run_scoped3A : memref<!tpu.dma_semaphore, #tpu.memory_space<semaphore_mem>>) src(%arg19 : memref<250x16xf32, #tpu.memory_space<vmem>>) dst(%dma_wait3A_304 : memref<250x16xf32, #tpu.memory_space<vmem_shared>>)
          tpu.yield
        }) : () -> ()
      } else {
      }
    }
    %scan3A_42 = arith.constant 13 : i32
    %mul3A_43 = arith.constant 2 : i32
    %mul3A_44 = arith.muli %mul3A_43, %arg0 : i32
    %add3A = arith.constant 0 : i32
    %add3A_45 = arith.addi %mul3A_44, %add3A : i32
    %mul3A_46 = arith.constant 16 : i32
    %mul3A_47 = arith.muli %add3A_45, %mul3A_46 : i32
    %mul3A_48 = arith.constant 3125 : i32
    %mul3A_49 = arith.muli %arg1, %mul3A_48 : i32
    "tpu.region"() ({
      %run_scoped3A = tpu.sem_alloc : memref<!tpu.dma_semaphore, #tpu.memory_space<semaphore_mem>>
      %dma_start3A_285 = arith.constant 0 : i32
      %dma_start3A_286 = tpu.memref_slice %arg11[%mul3A_49, %dma_start3A_285] : memref<50000x16xf32, #tpu.memory_space<vmem_shared>> -> memref<3125x16xf32, #tpu.memory_space<vmem_shared>>
      %dma_start3A_287 = tpu.memref_slice %arg4[%mul3A_49, %mul3A_47] : memref<50000x64xf32, #tpu.memory_space<hbm>> -> memref<3125x16xf32, #tpu.memory_space<hbm>>
      tpu.enqueue_dma source(%dma_start3A_287 : memref<3125x16xf32, #tpu.memory_space<hbm>>) target(%dma_start3A_286 : memref<3125x16xf32, #tpu.memory_space<vmem_shared>>) target_semaphore(%run_scoped3A : memref<!tpu.dma_semaphore, #tpu.memory_space<semaphore_mem>>)
      %dma_wait3A_288 = arith.constant 0 : i32
      %dma_wait3A_289 = tpu.memref_slice %arg11[%mul3A_49, %dma_wait3A_288] : memref<50000x16xf32, #tpu.memory_space<vmem_shared>> -> memref<3125x16xf32, #tpu.memory_space<vmem_shared>>
      %dma_wait3A_290 = tpu.memref_slice %arg4[%mul3A_49, %mul3A_47] : memref<50000x64xf32, #tpu.memory_space<hbm>> -> memref<3125x16xf32, #tpu.memory_space<hbm>>
      tpu.wait_dma2 semaphore(%run_scoped3A : memref<!tpu.dma_semaphore, #tpu.memory_space<semaphore_mem>>) src(%dma_wait3A_290 : memref<3125x16xf32, #tpu.memory_space<hbm>>) dst(%dma_wait3A_289 : memref<3125x16xf32, #tpu.memory_space<vmem_shared>>)
      tpu.yield
    }) : () -> ()
    %barrier3A_50 = arith.constant 0 : index
    tpu.barrier barrier_id(%barrier3A_50)
    %scan3A_51 = arith.constant 0 : i32
    %scan3A_52 = arith.constant 50 : i32
    %scan3A_53 = arith.addi %scan3A_51, %scan3A_52 : i32
    %scan3A_54 = arith.constant 1 : i32
    scf.for %scan3A_285 = %scan3A_51 to %scan3A_53 step %scan3A_54  : i32 {
      %mul3A_286 = arith.constant 1 : i32
      %mul3A_287 = arith.muli %scan3A_285, %mul3A_286 : i32
      %add3A_288 = arith.constant 0 : i32
      %add3A_289 = arith.addi %add3A_288, %mul3A_287 : i32
      %mul3A_290 = arith.constant 50 : i32
      %mul3A_291 = arith.muli %arg1, %mul3A_290 : i32
      %add3A_292 = arith.addi %mul3A_291, %add3A_289 : i32
      %mul3A_293 = arith.constant 4 : i32
      %mul3A_294 = arith.muli %add3A_292, %mul3A_293 : i32
      %dma_start3A_295 = arith.constant 0 : i32
      %dma_start3A_296 = tpu.memref_slice %arg2[%mul3A_294, %dma_start3A_295] : memref<3200x256xi32, #tpu.memory_space<hbm>> -> memref<4x256xi32, #tpu.memory_space<hbm>>
      %dma_start3A_297 = arith.constant 0 : i32
      %dma_start3A_298 = tpu.memref_slice %arg2[%mul3A_294, %dma_start3A_297] : memref<3200x256xi32, #tpu.memory_space<hbm>> -> memref<4x256xi32, #tpu.memory_space<hbm>>
      tpu.enqueue_dma source(%dma_start3A_298 : memref<4x256xi32, #tpu.memory_space<hbm>>) target(%arg13 : memref<4x256xi32, #tpu.memory_space<vmem>>) target_semaphore(%arg22 : memref<!tpu.dma_semaphore, #tpu.memory_space<semaphore_mem>>)
      %dma_start3A_299 = arith.constant 0 : i32
      %dma_start3A_300 = tpu.memref_slice %arg3[%mul3A_294, %dma_start3A_299] : memref<3200x256xi32, #tpu.memory_space<hbm>> -> memref<4x256xi32, #tpu.memory_space<hbm>>
      %dma_start3A_301 = arith.constant 0 : i32
      %dma_start3A_302 = tpu.memref_slice %arg3[%mul3A_294, %dma_start3A_301] : memref<3200x256xi32, #tpu.memory_space<hbm>> -> memref<4x256xi32, #tpu.memory_space<hbm>>
      tpu.enqueue_dma source(%dma_start3A_302 : memref<4x256xi32, #tpu.memory_space<hbm>>) target(%arg14 : memref<4x256xi32, #tpu.memory_space<vmem>>) target_semaphore(%arg23 : memref<!tpu.dma_semaphore, #tpu.memory_space<semaphore_mem>>)
      %dma_wait3A_303 = arith.constant 0 : i32
      %dma_wait3A_304 = tpu.memref_slice %arg2[%mul3A_294, %dma_wait3A_303] : memref<3200x256xi32, #tpu.memory_space<hbm>> -> memref<4x256xi32, #tpu.memory_space<hbm>>
      %dma_wait3A_305 = arith.constant 0 : i32
      %dma_wait3A_306 = tpu.memref_slice %arg2[%mul3A_294, %dma_wait3A_305] : memref<3200x256xi32, #tpu.memory_space<hbm>> -> memref<4x256xi32, #tpu.memory_space<hbm>>
      tpu.wait_dma2 semaphore(%arg22 : memref<!tpu.dma_semaphore, #tpu.memory_space<semaphore_mem>>) src(%dma_wait3A_306 : memref<4x256xi32, #tpu.memory_space<hbm>>) dst(%arg13 : memref<4x256xi32, #tpu.memory_space<vmem>>)
      %dma_wait3A_307 = arith.constant 0 : i32
      %dma_wait3A_308 = tpu.memref_slice %arg3[%mul3A_294, %dma_wait3A_307] : memref<3200x256xi32, #tpu.memory_space<hbm>> -> memref<4x256xi32, #tpu.memory_space<hbm>>
      %dma_wait3A_309 = arith.constant 0 : i32
      %dma_wait3A_310 = tpu.memref_slice %arg3[%mul3A_294, %dma_wait3A_309] : memref<3200x256xi32, #tpu.memory_space<hbm>> -> memref<4x256xi32, #tpu.memory_space<hbm>>
      tpu.wait_dma2 semaphore(%arg23 : memref<!tpu.dma_semaphore, #tpu.memory_space<semaphore_mem>>) src(%dma_wait3A_310 : memref<4x256xi32, #tpu.memory_space<hbm>>) dst(%arg14 : memref<4x256xi32, #tpu.memory_space<vmem>>)
      %dma_start3A_311 = arith.constant 0 : i32
      %dma_start3A_312 = arith.constant 0 : i32
      %dma_start3A_313 = tpu.memref_slice %arg13[%dma_start3A_311, %dma_start3A_312] : memref<4x256xi32, #tpu.memory_space<vmem>> -> memref<1x256xi32, #tpu.memory_space<vmem>>
      %dma_start3A_314 = tpu.memref_squeeze %dma_start3A_313 : memref<1x256xi32, #tpu.memory_space<vmem>> -> memref<256xi32, #tpu.memory_space<vmem>>
      %dma_start3A_315 = arith.constant 0 : i32
      %dma_start3A_316 = arith.constant 0 : i32
      %dma_start3A_317 = tpu.memref_slice %arg11[%dma_start3A_315, %dma_start3A_316] : memref<50000x16xf32, #tpu.memory_space<vmem_shared>> -> memref<50000x16xf32, #tpu.memory_space<vmem_shared>>
      tpu.enqueue_indirect_dma source(%dma_start3A_317 : memref<50000x16xf32, #tpu.memory_space<vmem_shared>>) target(%arg15 : memref<256x16xf32, #tpu.memory_space<vmem>>) offsets(%dma_start3A_314 : memref<256xi32, #tpu.memory_space<vmem>>) semaphore(%arg24 : memref<!tpu.dma_semaphore, #tpu.memory_space<semaphore_mem>>)
      %dma_start3A_318 = arith.constant 1 : i32
      %dma_start3A_319 = arith.constant 0 : i32
      %dma_start3A_320 = tpu.memref_slice %arg13[%dma_start3A_318, %dma_start3A_319] : memref<4x256xi32, #tpu.memory_space<vmem>> -> memref<1x256xi32, #tpu.memory_space<vmem>>
      %dma_start3A_321 = tpu.memref_squeeze %dma_start3A_320 : memref<1x256xi32, #tpu.memory_space<vmem>> -> memref<256xi32, #tpu.memory_space<vmem>>
      %dma_start3A_322 = arith.constant 0 : i32
      %dma_start3A_323 = arith.constant 0 : i32
      %dma_start3A_324 = tpu.memref_slice %arg11[%dma_start3A_322, %dma_start3A_323] : memref<50000x16xf32, #tpu.memory_space<vmem_shared>> -> memref<50000x16xf32, #tpu.memory_space<vmem_shared>>
      tpu.enqueue_indirect_dma source(%dma_start3A_324 : memref<50000x16xf32, #tpu.memory_space<vmem_shared>>) target(%arg16 : memref<256x16xf32, #tpu.memory_space<vmem>>) offsets(%dma_start3A_321 : memref<256xi32, #tpu.memory_space<vmem>>) semaphore(%arg25 : memref<!tpu.dma_semaphore, #tpu.memory_space<semaphore_mem>>)
      %dma_wait3A_325 = arith.constant 0 : i32
      %dma_wait3A_326 = arith.constant 0 : i32
      %dma_wait3A_327 = tpu.memref_slice %arg13[%dma_wait3A_325, %dma_wait3A_326] : memref<4x256xi32, #tpu.memory_space<vmem>> -> memref<1x256xi32, #tpu.memory_space<vmem>>
      %dma_wait3A_328 = tpu.memref_squeeze %dma_wait3A_327 : memref<1x256xi32, #tpu.memory_space<vmem>> -> memref<256xi32, #tpu.memory_space<vmem>>
      %dma_wait3A_329 = arith.constant 0 : i32
      %dma_wait3A_330 = arith.constant 0 : i32
      %dma_wait3A_331 = tpu.memref_slice %arg11[%dma_wait3A_329, %dma_wait3A_330] : memref<50000x16xf32, #tpu.memory_space<vmem_shared>> -> memref<50000x16xf32, #tpu.memory_space<vmem_shared>>
      tpu.wait_indirect_dma semaphore(%arg24 : memref<!tpu.dma_semaphore, #tpu.memory_space<semaphore_mem>>) src(%dma_wait3A_331 : memref<50000x16xf32, #tpu.memory_space<vmem_shared>>) dst(%arg15 : memref<256x16xf32, #tpu.memory_space<vmem>>)
      %dma_start3A_332 = arith.constant 0 : i32
      %dma_start3A_333 = arith.constant 0 : i32
      %dma_start3A_334 = tpu.memref_slice %arg14[%dma_start3A_332, %dma_start3A_333] : memref<4x256xi32, #tpu.memory_space<vmem>> -> memref<1x256xi32, #tpu.memory_space<vmem>>
      %dma_start3A_335 = tpu.memref_squeeze %dma_start3A_334 : memref<1x256xi32, #tpu.memory_space<vmem>> -> memref<256xi32, #tpu.memory_space<vmem>>
      %dma_start3A_336 = arith.constant 0 : i32
      %dma_start3A_337 = arith.constant 0 : i32
      %dma_start3A_338 = tpu.memref_slice %arg12[%dma_start3A_336, %dma_start3A_337] : memref<50008x16xf32, #tpu.memory_space<vmem_shared>> -> memref<50008x16xf32, #tpu.memory_space<vmem_shared>>
      tpu.enqueue_indirect_dma source(%arg15 : memref<256x16xf32, #tpu.memory_space<vmem>>) target(%dma_start3A_338 : memref<50008x16xf32, #tpu.memory_space<vmem_shared>>) offsets(%dma_start3A_335 : memref<256xi32, #tpu.memory_space<vmem>>) semaphore(%arg27 : memref<!tpu.dma_semaphore, #tpu.memory_space<semaphore_mem>>) {add = true}
      %dma_start3A_339 = arith.constant 2 : i32
      %dma_start3A_340 = arith.constant 0 : i32
      %dma_start3A_341 = tpu.memref_slice %arg13[%dma_start3A_339, %dma_start3A_340] : memref<4x256xi32, #tpu.memory_space<vmem>> -> memref<1x256xi32, #tpu.memory_space<vmem>>
      %dma_start3A_342 = tpu.memref_squeeze %dma_start3A_341 : memref<1x256xi32, #tpu.memory_space<vmem>> -> memref<256xi32, #tpu.memory_space<vmem>>
      %dma_start3A_343 = arith.constant 0 : i32
      %dma_start3A_344 = arith.constant 0 : i32
      %dma_start3A_345 = tpu.memref_slice %arg11[%dma_start3A_343, %dma_start3A_344] : memref<50000x16xf32, #tpu.memory_space<vmem_shared>> -> memref<50000x16xf32, #tpu.memory_space<vmem_shared>>
      tpu.enqueue_indirect_dma source(%dma_start3A_345 : memref<50000x16xf32, #tpu.memory_space<vmem_shared>>) target(%arg17 : memref<256x16xf32, #tpu.memory_space<vmem>>) offsets(%dma_start3A_342 : memref<256xi32, #tpu.memory_space<vmem>>) semaphore(%arg26 : memref<!tpu.dma_semaphore, #tpu.memory_space<semaphore_mem>>)
      %dma_wait3A_346 = arith.constant 1 : i32
      %dma_wait3A_347 = arith.constant 0 : i32
      %dma_wait3A_348 = tpu.memref_slice %arg13[%dma_wait3A_346, %dma_wait3A_347] : memref<4x256xi32, #tpu.memory_space<vmem>> -> memref<1x256xi32, #tpu.memory_space<vmem>>
      %dma_wait3A_349 = tpu.memref_squeeze %dma_wait3A_348 : memref<1x256xi32, #tpu.memory_space<vmem>> -> memref<256xi32, #tpu.memory_space<vmem>>
      %dma_wait3A_350 = arith.constant 0 : i32
      %dma_wait3A_351 = arith.constant 0 : i32
      %dma_wait3A_352 = tpu.memref_slice %arg11[%dma_wait3A_350, %dma_wait3A_351] : memref<50000x16xf32, #tpu.memory_space<vmem_shared>> -> memref<50000x16xf32, #tpu.memory_space<vmem_shared>>
      tpu.wait_indirect_dma semaphore(%arg25 : memref<!tpu.dma_semaphore, #tpu.memory_space<semaphore_mem>>) src(%dma_wait3A_352 : memref<50000x16xf32, #tpu.memory_space<vmem_shared>>) dst(%arg16 : memref<256x16xf32, #tpu.memory_space<vmem>>)
      %dma_start3A_353 = arith.constant 1 : i32
      %dma_start3A_354 = arith.constant 0 : i32
      %dma_start3A_355 = tpu.memref_slice %arg14[%dma_start3A_353, %dma_start3A_354] : memref<4x256xi32, #tpu.memory_space<vmem>> -> memref<1x256xi32, #tpu.memory_space<vmem>>
      %dma_start3A_356 = tpu.memref_squeeze %dma_start3A_355 : memref<1x256xi32, #tpu.memory_space<vmem>> -> memref<256xi32, #tpu.memory_space<vmem>>
      %dma_start3A_357 = arith.constant 0 : i32
      %dma_start3A_358 = arith.constant 0 : i32
      %dma_start3A_359 = tpu.memref_slice %arg12[%dma_start3A_357, %dma_start3A_358] : memref<50008x16xf32, #tpu.memory_space<vmem_shared>> -> memref<50008x16xf32, #tpu.memory_space<vmem_shared>>
      tpu.enqueue_indirect_dma source(%arg16 : memref<256x16xf32, #tpu.memory_space<vmem>>) target(%dma_start3A_359 : memref<50008x16xf32, #tpu.memory_space<vmem_shared>>) offsets(%dma_start3A_356 : memref<256xi32, #tpu.memory_space<vmem>>) semaphore(%arg28 : memref<!tpu.dma_semaphore, #tpu.memory_space<semaphore_mem>>) {add = true}
      %dma_wait3A_360 = arith.constant 0 : i32
      %dma_wait3A_361 = arith.constant 0 : i32
      %dma_wait3A_362 = tpu.memref_slice %arg14[%dma_wait3A_360, %dma_wait3A_361] : memref<4x256xi32, #tpu.memory_space<vmem>> -> memref<1x256xi32, #tpu.memory_space<vmem>>
      %dma_wait3A_363 = tpu.memref_squeeze %dma_wait3A_362 : memref<1x256xi32, #tpu.memory_space<vmem>> -> memref<256xi32, #tpu.memory_space<vmem>>
      %dma_wait3A_364 = arith.constant 0 : i32
      %dma_wait3A_365 = arith.constant 0 : i32
      %dma_wait3A_366 = tpu.memref_slice %arg12[%dma_wait3A_364, %dma_wait3A_365] : memref<50008x16xf32, #tpu.memory_space<vmem_shared>> -> memref<50008x16xf32, #tpu.memory_space<vmem_shared>>
      tpu.wait_indirect_dma semaphore(%arg27 : memref<!tpu.dma_semaphore, #tpu.memory_space<semaphore_mem>>) src(%arg15 : memref<256x16xf32, #tpu.memory_space<vmem>>) dst(%dma_wait3A_366 : memref<50008x16xf32, #tpu.memory_space<vmem_shared>>)
      %dma_start3A_367 = arith.constant 3 : i32
      %dma_start3A_368 = arith.constant 0 : i32
      %dma_start3A_369 = tpu.memref_slice %arg13[%dma_start3A_367, %dma_start3A_368] : memref<4x256xi32, #tpu.memory_space<vmem>> -> memref<1x256xi32, #tpu.memory_space<vmem>>
      %dma_start3A_370 = tpu.memref_squeeze %dma_start3A_369 : memref<1x256xi32, #tpu.memory_space<vmem>> -> memref<256xi32, #tpu.memory_space<vmem>>
      %dma_start3A_371 = arith.constant 0 : i32
      %dma_start3A_372 = arith.constant 0 : i32
      %dma_start3A_373 = tpu.memref_slice %arg11[%dma_start3A_371, %dma_start3A_372] : memref<50000x16xf32, #tpu.memory_space<vmem_shared>> -> memref<50000x16xf32, #tpu.memory_space<vmem_shared>>
      tpu.enqueue_indirect_dma source(%dma_start3A_373 : memref<50000x16xf32, #tpu.memory_space<vmem_shared>>) target(%arg15 : memref<256x16xf32, #tpu.memory_space<vmem>>) offsets(%dma_start3A_370 : memref<256xi32, #tpu.memory_space<vmem>>) semaphore(%arg24 : memref<!tpu.dma_semaphore, #tpu.memory_space<semaphore_mem>>)
      %dma_wait3A_374 = arith.constant 2 : i32
      %dma_wait3A_375 = arith.constant 0 : i32
      %dma_wait3A_376 = tpu.memref_slice %arg13[%dma_wait3A_374, %dma_wait3A_375] : memref<4x256xi32, #tpu.memory_space<vmem>> -> memref<1x256xi32, #tpu.memory_space<vmem>>
      %dma_wait3A_377 = tpu.memref_squeeze %dma_wait3A_376 : memref<1x256xi32, #tpu.memory_space<vmem>> -> memref<256xi32, #tpu.memory_space<vmem>>
      %dma_wait3A_378 = arith.constant 0 : i32
      %dma_wait3A_379 = arith.constant 0 : i32
      %dma_wait3A_380 = tpu.memref_slice %arg11[%dma_wait3A_378, %dma_wait3A_379] : memref<50000x16xf32, #tpu.memory_space<vmem_shared>> -> memref<50000x16xf32, #tpu.memory_space<vmem_shared>>
      tpu.wait_indirect_dma semaphore(%arg26 : memref<!tpu.dma_semaphore, #tpu.memory_space<semaphore_mem>>) src(%dma_wait3A_380 : memref<50000x16xf32, #tpu.memory_space<vmem_shared>>) dst(%arg17 : memref<256x16xf32, #tpu.memory_space<vmem>>)
      %dma_start3A_381 = arith.constant 2 : i32
      %dma_start3A_382 = arith.constant 0 : i32
      %dma_start3A_383 = tpu.memref_slice %arg14[%dma_start3A_381, %dma_start3A_382] : memref<4x256xi32, #tpu.memory_space<vmem>> -> memref<1x256xi32, #tpu.memory_space<vmem>>
      %dma_start3A_384 = tpu.memref_squeeze %dma_start3A_383 : memref<1x256xi32, #tpu.memory_space<vmem>> -> memref<256xi32, #tpu.memory_space<vmem>>
      %dma_start3A_385 = arith.constant 0 : i32
      %dma_start3A_386 = arith.constant 0 : i32
      %dma_start3A_387 = tpu.memref_slice %arg12[%dma_start3A_385, %dma_start3A_386] : memref<50008x16xf32, #tpu.memory_space<vmem_shared>> -> memref<50008x16xf32, #tpu.memory_space<vmem_shared>>
      tpu.enqueue_indirect_dma source(%arg17 : memref<256x16xf32, #tpu.memory_space<vmem>>) target(%dma_start3A_387 : memref<50008x16xf32, #tpu.memory_space<vmem_shared>>) offsets(%dma_start3A_384 : memref<256xi32, #tpu.memory_space<vmem>>) semaphore(%arg29 : memref<!tpu.dma_semaphore, #tpu.memory_space<semaphore_mem>>) {add = true}
      %dma_wait3A_388 = arith.constant 3 : i32
      %dma_wait3A_389 = arith.constant 0 : i32
      %dma_wait3A_390 = tpu.memref_slice %arg13[%dma_wait3A_388, %dma_wait3A_389] : memref<4x256xi32, #tpu.memory_space<vmem>> -> memref<1x256xi32, #tpu.memory_space<vmem>>
      %dma_wait3A_391 = tpu.memref_squeeze %dma_wait3A_390 : memref<1x256xi32, #tpu.memory_space<vmem>> -> memref<256xi32, #tpu.memory_space<vmem>>
      %dma_wait3A_392 = arith.constant 0 : i32
      %dma_wait3A_393 = arith.constant 0 : i32
      %dma_wait3A_394 = tpu.memref_slice %arg11[%dma_wait3A_392, %dma_wait3A_393] : memref<50000x16xf32, #tpu.memory_space<vmem_shared>> -> memref<50000x16xf32, #tpu.memory_space<vmem_shared>>
      tpu.wait_indirect_dma semaphore(%arg24 : memref<!tpu.dma_semaphore, #tpu.memory_space<semaphore_mem>>) src(%dma_wait3A_394 : memref<50000x16xf32, #tpu.memory_space<vmem_shared>>) dst(%arg15 : memref<256x16xf32, #tpu.memory_space<vmem>>)
      %dma_start3A_395 = arith.constant 3 : i32
      %dma_start3A_396 = arith.constant 0 : i32
      %dma_start3A_397 = tpu.memref_slice %arg14[%dma_start3A_395, %dma_start3A_396] : memref<4x256xi32, #tpu.memory_space<vmem>> -> memref<1x256xi32, #tpu.memory_space<vmem>>
      %dma_start3A_398 = tpu.memref_squeeze %dma_start3A_397 : memref<1x256xi32, #tpu.memory_space<vmem>> -> memref<256xi32, #tpu.memory_space<vmem>>
      %dma_start3A_399 = arith.constant 0 : i32
      %dma_start3A_400 = arith.constant 0 : i32
      %dma_start3A_401 = tpu.memref_slice %arg12[%dma_start3A_399, %dma_start3A_400] : memref<50008x16xf32, #tpu.memory_space<vmem_shared>> -> memref<50008x16xf32, #tpu.memory_space<vmem_shared>>
      tpu.enqueue_indirect_dma source(%arg15 : memref<256x16xf32, #tpu.memory_space<vmem>>) target(%dma_start3A_401 : memref<50008x16xf32, #tpu.memory_space<vmem_shared>>) offsets(%dma_start3A_398 : memref<256xi32, #tpu.memory_space<vmem>>) semaphore(%arg27 : memref<!tpu.dma_semaphore, #tpu.memory_space<semaphore_mem>>) {add = true}
      %dma_wait3A_402 = arith.constant 1 : i32
      %dma_wait3A_403 = arith.constant 0 : i32
      %dma_wait3A_404 = tpu.memref_slice %arg14[%dma_wait3A_402, %dma_wait3A_403] : memref<4x256xi32, #tpu.memory_space<vmem>> -> memref<1x256xi32, #tpu.memory_space<vmem>>
      %dma_wait3A_405 = tpu.memref_squeeze %dma_wait3A_404 : memref<1x256xi32, #tpu.memory_space<vmem>> -> memref<256xi32, #tpu.memory_space<vmem>>
      %dma_wait3A_406 = arith.constant 0 : i32
      %dma_wait3A_407 = arith.constant 0 : i32
      %dma_wait3A_408 = tpu.memref_slice %arg12[%dma_wait3A_406, %dma_wait3A_407] : memref<50008x16xf32, #tpu.memory_space<vmem_shared>> -> memref<50008x16xf32, #tpu.memory_space<vmem_shared>>
      tpu.wait_indirect_dma semaphore(%arg28 : memref<!tpu.dma_semaphore, #tpu.memory_space<semaphore_mem>>) src(%arg16 : memref<256x16xf32, #tpu.memory_space<vmem>>) dst(%dma_wait3A_408 : memref<50008x16xf32, #tpu.memory_space<vmem_shared>>)
      %dma_wait3A_409 = arith.constant 2 : i32
      %dma_wait3A_410 = arith.constant 0 : i32
      %dma_wait3A_411 = tpu.memref_slice %arg14[%dma_wait3A_409, %dma_wait3A_410] : memref<4x256xi32, #tpu.memory_space<vmem>> -> memref<1x256xi32, #tpu.memory_space<vmem>>
      %dma_wait3A_412 = tpu.memref_squeeze %dma_wait3A_411 : memref<1x256xi32, #tpu.memory_space<vmem>> -> memref<256xi32, #tpu.memory_space<vmem>>
      %dma_wait3A_413 = arith.constant 0 : i32
      %dma_wait3A_414 = arith.constant 0 : i32
      %dma_wait3A_415 = tpu.memref_slice %arg12[%dma_wait3A_413, %dma_wait3A_414] : memref<50008x16xf32, #tpu.memory_space<vmem_shared>> -> memref<50008x16xf32, #tpu.memory_space<vmem_shared>>
      tpu.wait_indirect_dma semaphore(%arg29 : memref<!tpu.dma_semaphore, #tpu.memory_space<semaphore_mem>>) src(%arg17 : memref<256x16xf32, #tpu.memory_space<vmem>>) dst(%dma_wait3A_415 : memref<50008x16xf32, #tpu.memory_space<vmem_shared>>)
      %dma_wait3A_416 = arith.constant 3 : i32
      %dma_wait3A_417 = arith.constant 0 : i32
      %dma_wait3A_418 = tpu.memref_slice %arg14[%dma_wait3A_416, %dma_wait3A_417] : memref<4x256xi32, #tpu.memory_space<vmem>> -> memref<1x256xi32, #tpu.memory_space<vmem>>
      %dma_wait3A_419 = tpu.memref_squeeze %dma_wait3A_418 : memref<1x256xi32, #tpu.memory_space<vmem>> -> memref<256xi32, #tpu.memory_space<vmem>>
      %dma_wait3A_420 = arith.constant 0 : i32
      %dma_wait3A_421 = arith.constant 0 : i32
      %dma_wait3A_422 = tpu.memref_slice %arg12[%dma_wait3A_420, %dma_wait3A_421] : memref<50008x16xf32, #tpu.memory_space<vmem_shared>> -> memref<50008x16xf32, #tpu.memory_space<vmem_shared>>
      tpu.wait_indirect_dma semaphore(%arg27 : memref<!tpu.dma_semaphore, #tpu.memory_space<semaphore_mem>>) src(%arg15 : memref<256x16xf32, #tpu.memory_space<vmem>>) dst(%dma_wait3A_422 : memref<50008x16xf32, #tpu.memory_space<vmem_shared>>)
    }
    %scan3A_55 = arith.constant 50 : i32
    %barrier3A_56 = arith.constant 0 : index
    tpu.barrier barrier_id(%barrier3A_56)
    %mul3A_57 = arith.constant 2 : i32
    %mul3A_58 = arith.muli %mul3A_57, %arg0 : i32
    %add3A_59 = arith.constant 1 : i32
    %add3A_60 = arith.addi %mul3A_58, %add3A_59 : i32
    %mul3A_61 = arith.constant 16 : i32
    %mul3A_62 = arith.muli %add3A_60, %mul3A_61 : i32
    %mul3A_63 = arith.constant 2 : i32
    %mul3A_64 = arith.muli %mul3A_63, %arg0 : i32
    %add3A_65 = arith.constant 0 : i32
    %add3A_66 = arith.addi %mul3A_64, %add3A_65 : i32
    %mul3A_67 = arith.constant 16 : i32
    %mul3A_68 = arith.muli %add3A_66, %mul3A_67 : i32
    %add3A_69 = arith.constant 0 : i32
    %add3A_70 = arith.addi %mul3A_4, %add3A_69 : i32
    %mul3A_71 = arith.constant 2 : i32
    %mul3A_72 = arith.muli %mul3A_71, %arg0 : i32
    %add3A_73 = arith.constant 0 : i32
    %add3A_74 = arith.addi %mul3A_72, %add3A_73 : i32
    %mul3A_75 = arith.constant 16 : i32
    %mul3A_76 = arith.muli %add3A_74, %mul3A_75 : i32
    %mul3A_77 = arith.constant 3125 : i32
    %mul3A_78 = arith.muli %arg1, %mul3A_77 : i32
    %dma_start3A = arith.constant 0 : i32
    %dma_start3A_79 = tpu.memref_slice %arg11[%mul3A_78, %dma_start3A] : memref<50000x16xf32, #tpu.memory_space<vmem_shared>> -> memref<3125x16xf32, #tpu.memory_space<vmem_shared>>
    %dma_start3A_80 = tpu.memref_slice %arg4[%mul3A_78, %mul3A_62] : memref<50000x64xf32, #tpu.memory_space<hbm>> -> memref<3125x16xf32, #tpu.memory_space<hbm>>
    tpu.enqueue_dma source(%dma_start3A_80 : memref<3125x16xf32, #tpu.memory_space<hbm>>) target(%dma_start3A_79 : memref<3125x16xf32, #tpu.memory_space<vmem_shared>>) target_semaphore(%arg24 : memref<!tpu.dma_semaphore, #tpu.memory_space<semaphore_mem>>)
    %scan3A_81 = arith.constant 0 : i32
    %scan3A_82 = arith.constant 250 : i32
    %scan3A_83 = arith.addi %scan3A_81, %scan3A_82 : i32
    %scan3A_84 = arith.constant 1 : i32
    scf.for %scan3A_285 = %scan3A_81 to %scan3A_83 step %scan3A_84  : i32 {
      %mul3A_286 = arith.constant 1 : i32
      %mul3A_287 = arith.muli %scan3A_285, %mul3A_286 : i32
      %add3A_288 = arith.constant 0 : i32
      %add3A_289 = arith.addi %add3A_288, %mul3A_287 : i32
      %swap3A = arith.index_cast %add3A_289 : i32 to index
      %swap3A_290 = arith.constant 0 : index
      %swap3A_291 = tpu.vector_load %arg21[%swap3A, %swap3A_290] {strides = array<i32>} : memref<250x16xf32, #tpu.memory_space<vmem>>, vector<1x16xf32>,
      %swap3A_292 = vector.shape_cast %swap3A_291 : vector<1x16xf32> to vector<16xf32>
      %swap3A_293 = vector.shape_cast %broadcast_in_dim3A_5 : vector<16xf32> to vector<1x16xf32>
      tpu.vector_store %arg21[%swap3A, %swap3A_290], %swap3A_293 {strides = array<i32>} : memref<250x16xf32, #tpu.memory_space<vmem>>, vector<1x16xf32>,
    }
    %scan3A_85 = arith.constant 250 : i32
    %scan3A_86 = arith.constant 0 : i32
    %scan3A_87 = arith.constant 13 : i32
    %scan3A_88 = arith.addi %scan3A_86, %scan3A_87 : i32
    %scan3A_89 = arith.constant 1 : i32
    scf.for %scan3A_285 = %scan3A_86 to %scan3A_88 step %scan3A_89  : i32 {
      %mul3A_286 = arith.constant 1 : i32
      %mul3A_287 = arith.muli %scan3A_285, %mul3A_286 : i32
      %add3A_288 = arith.constant 0 : i32
      %add3A_289 = arith.addi %add3A_288, %mul3A_287 : i32
      %mul3A_290 = arith.constant 16 : i32
      %mul3A_291 = arith.muli %add3A_289, %mul3A_290 : i32
      %add3A_292 = arith.addi %mul3A_291, %arg1 : i32
      %lt3A = arith.constant 200 : i32
      %lt3A_293 = arith.cmpi slt, %add3A_292, %lt3A : i32
      %convert_element_type3A = arith.extui %lt3A_293 : i1 to i32
      %cond3A = arith.constant 0 : i32
      %cond3A_294 = arith.cmpi ne, %convert_element_type3A, %cond3A : i32
      scf.if %cond3A_294 {
        %mul3A_295 = arith.constant 250 : i32
        %mul3A_296 = arith.muli %add3A_292, %mul3A_295 : i32
        %dma_start3A_297 = tpu.memref_slice %arg4[%mul3A_296, %mul3A_68] : memref<50000x64xf32, #tpu.memory_space<hbm>> -> memref<250x16xf32, #tpu.memory_space<hbm>>
        %dma_start3A_298 = tpu.memref_slice %arg4[%mul3A_296, %mul3A_68] : memref<50000x64xf32, #tpu.memory_space<hbm>> -> memref<250x16xf32, #tpu.memory_space<hbm>>
        tpu.enqueue_dma source(%dma_start3A_298 : memref<250x16xf32, #tpu.memory_space<hbm>>) target(%arg19 : memref<250x16xf32, #tpu.memory_space<vmem>>) target_semaphore(%arg22 : memref<!tpu.dma_semaphore, #tpu.memory_space<semaphore_mem>>)
        %add3A_299 = arith.addi %mul3A_0, %mul3A_296 : i32
        %dma_start3A_300 = arith.constant 0 : i32
        %dma_start3A_301 = tpu.memref_slice %arg10[%add3A_299, %dma_start3A_300] : memref<100000x16xf32, #tpu.memory_space<hbm>> -> memref<250x16xf32, #tpu.memory_space<hbm>>
        %dma_start3A_302 = arith.constant 0 : i32
        %dma_start3A_303 = tpu.memref_slice %arg10[%add3A_299, %dma_start3A_302] : memref<100000x16xf32, #tpu.memory_space<hbm>> -> memref<250x16xf32, #tpu.memory_space<hbm>>
        tpu.enqueue_dma source(%dma_start3A_303 : memref<250x16xf32, #tpu.memory_space<hbm>>) target(%arg20 : memref<250x16xf32, #tpu.memory_space<vmem>>) target_semaphore(%arg23 : memref<!tpu.dma_semaphore, #tpu.memory_space<semaphore_mem>>)
        "tpu.region"() ({
          %run_scoped3A = tpu.sem_alloc : memref<!tpu.dma_semaphore, #tpu.memory_space<semaphore_mem>>
          %dma_start3A_333 = arith.constant 0 : i32
          %dma_start3A_334 = tpu.memref_slice %arg12[%mul3A_296, %dma_start3A_333] : memref<50008x16xf32, #tpu.memory_space<vmem_shared>> -> memref<250x16xf32, #tpu.memory_space<vmem_shared>>
          %dma_start3A_335 = arith.constant 0 : i32
          %dma_start3A_336 = tpu.memref_slice %arg12[%mul3A_296, %dma_start3A_335] : memref<50008x16xf32, #tpu.memory_space<vmem_shared>> -> memref<250x16xf32, #tpu.memory_space<vmem_shared>>
          tpu.enqueue_dma source(%dma_start3A_336 : memref<250x16xf32, #tpu.memory_space<vmem_shared>>) target(%arg18 : memref<250x16xf32, #tpu.memory_space<vmem>>) target_semaphore(%run_scoped3A : memref<!tpu.dma_semaphore, #tpu.memory_space<semaphore_mem>>)
          %dma_wait3A_337 = arith.constant 0 : i32
          %dma_wait3A_338 = tpu.memref_slice %arg12[%mul3A_296, %dma_wait3A_337] : memref<50008x16xf32, #tpu.memory_space<vmem_shared>> -> memref<250x16xf32, #tpu.memory_space<vmem_shared>>
          %dma_wait3A_339 = arith.constant 0 : i32
          %dma_wait3A_340 = tpu.memref_slice %arg12[%mul3A_296, %dma_wait3A_339] : memref<50008x16xf32, #tpu.memory_space<vmem_shared>> -> memref<250x16xf32, #tpu.memory_space<vmem_shared>>
          tpu.wait_dma2 semaphore(%run_scoped3A : memref<!tpu.dma_semaphore, #tpu.memory_space<semaphore_mem>>) src(%dma_wait3A_340 : memref<250x16xf32, #tpu.memory_space<vmem_shared>>) dst(%arg18 : memref<250x16xf32, #tpu.memory_space<vmem>>)
          tpu.yield
        }) : () -> ()
        "tpu.region"() ({
          %run_scoped3A = tpu.sem_alloc : memref<!tpu.dma_semaphore, #tpu.memory_space<semaphore_mem>>
          %dma_start3A_333 = arith.constant 0 : i32
          %dma_start3A_334 = tpu.memref_slice %arg12[%mul3A_296, %dma_start3A_333] : memref<50008x16xf32, #tpu.memory_space<vmem_shared>> -> memref<250x16xf32, #tpu.memory_space<vmem_shared>>
          %dma_start3A_335 = arith.constant 0 : i32
          %dma_start3A_336 = tpu.memref_slice %arg12[%mul3A_296, %dma_start3A_335] : memref<50008x16xf32, #tpu.memory_space<vmem_shared>> -> memref<250x16xf32, #tpu.memory_space<vmem_shared>>
          tpu.enqueue_dma source(%arg21 : memref<250x16xf32, #tpu.memory_space<vmem>>) target(%dma_start3A_336 : memref<250x16xf32, #tpu.memory_space<vmem_shared>>) target_semaphore(%run_scoped3A : memref<!tpu.dma_semaphore, #tpu.memory_space<semaphore_mem>>)
          %dma_wait3A_337 = arith.constant 0 : i32
          %dma_wait3A_338 = tpu.memref_slice %arg12[%mul3A_296, %dma_wait3A_337] : memref<50008x16xf32, #tpu.memory_space<vmem_shared>> -> memref<250x16xf32, #tpu.memory_space<vmem_shared>>
          %dma_wait3A_339 = arith.constant 0 : i32
          %dma_wait3A_340 = tpu.memref_slice %arg12[%mul3A_296, %dma_wait3A_339] : memref<50008x16xf32, #tpu.memory_space<vmem_shared>> -> memref<250x16xf32, #tpu.memory_space<vmem_shared>>
          tpu.wait_dma2 semaphore(%run_scoped3A : memref<!tpu.dma_semaphore, #tpu.memory_space<semaphore_mem>>) src(%arg21 : memref<250x16xf32, #tpu.memory_space<vmem>>) dst(%dma_wait3A_340 : memref<250x16xf32, #tpu.memory_space<vmem_shared>>)
          tpu.yield
        }) : () -> ()
        %dma_wait3A_304 = tpu.memref_slice %arg4[%mul3A_296, %mul3A_68] : memref<50000x64xf32, #tpu.memory_space<hbm>> -> memref<250x16xf32, #tpu.memory_space<hbm>>
        %dma_wait3A_305 = tpu.memref_slice %arg4[%mul3A_296, %mul3A_68] : memref<50000x64xf32, #tpu.memory_space<hbm>> -> memref<250x16xf32, #tpu.memory_space<hbm>>
        tpu.wait_dma2 semaphore(%arg22 : memref<!tpu.dma_semaphore, #tpu.memory_space<semaphore_mem>>) src(%dma_wait3A_305 : memref<250x16xf32, #tpu.memory_space<hbm>>) dst(%arg19 : memref<250x16xf32, #tpu.memory_space<vmem>>)
        %dma_wait3A_306 = arith.constant 0 : i32
        %dma_wait3A_307 = tpu.memref_slice %arg10[%add3A_299, %dma_wait3A_306] : memref<100000x16xf32, #tpu.memory_space<hbm>> -> memref<250x16xf32, #tpu.memory_space<hbm>>
        %dma_wait3A_308 = arith.constant 0 : i32
        %dma_wait3A_309 = tpu.memref_slice %arg10[%add3A_299, %dma_wait3A_308] : memref<100000x16xf32, #tpu.memory_space<hbm>> -> memref<250x16xf32, #tpu.memory_space<hbm>>
        tpu.wait_dma2 semaphore(%arg23 : memref<!tpu.dma_semaphore, #tpu.memory_space<semaphore_mem>>) src(%dma_wait3A_309 : memref<250x16xf32, #tpu.memory_space<hbm>>) dst(%arg20 : memref<250x16xf32, #tpu.memory_space<vmem>>)
        %scan3A_310 = arith.constant 0 : i32
        %scan3A_311 = arith.constant 50 : i32
        %scan3A_312 = arith.addi %scan3A_310, %scan3A_311 : i32
        %scan3A_313 = arith.constant 1 : i32
        scf.for %scan3A_333 = %scan3A_310 to %scan3A_312 step %scan3A_313  : i32 {
          %mul3A_334 = arith.constant 5 : i32
          %mul3A_335 = arith.muli %scan3A_333, %mul3A_334 : i32
          %add3A_336 = arith.constant 0 : i32
          %add3A_337 = arith.addi %add3A_336, %mul3A_335 : i32
          %add3A_338 = arith.constant 0 : i32
          %add3A_339 = arith.addi %add3A_337, %add3A_338 : i32
          %get3A = arith.index_cast %add3A_339 : i32 to index
          %get3A_340 = arith.constant 0 : index
          %get3A_341 = tpu.vector_load %arg18[%get3A, %get3A_340] {strides = array<i32>} : memref<250x16xf32, #tpu.memory_space<vmem>>, vector<1x16xf32>,
          %get3A_342 = vector.shape_cast %get3A_341 : vector<1x16xf32> to vector<16xf32>
          %add3A_343 = arith.constant 0 : i32
          %add3A_344 = arith.addi %add3A_337, %add3A_343 : i32
          %get3A_345 = arith.index_cast %add3A_344 : i32 to index
          %get3A_346 = arith.constant 0 : index
          %get3A_347 = tpu.vector_load %arg20[%get3A_345, %get3A_346] {strides = array<i32>} : memref<250x16xf32, #tpu.memory_space<vmem>>, vector<1x16xf32>,
          %get3A_348 = vector.shape_cast %get3A_347 : vector<1x16xf32> to vector<16xf32>
          %mul3A_349 = arith.mulf %get3A_342, %get3A_348 : vector<16xf32>
          %add3A_350 = arith.constant 0 : i32
          %add3A_351 = arith.addi %add3A_337, %add3A_350 : i32
          %get3A_352 = arith.index_cast %add3A_351 : i32 to index
          %get3A_353 = arith.constant 0 : index
          %get3A_354 = tpu.vector_load %arg19[%get3A_352, %get3A_353] {strides = array<i32>} : memref<250x16xf32, #tpu.memory_space<vmem>>, vector<1x16xf32>,
          %get3A_355 = vector.shape_cast %get3A_354 : vector<1x16xf32> to vector<16xf32>
          %add3A_356 = arith.addf %get3A_355, %mul3A_349 : vector<16xf32>
          %add3A_357 = arith.constant 0 : i32
          %add3A_358 = arith.addi %add3A_337, %add3A_357 : i32
          %swap3A = arith.index_cast %add3A_358 : i32 to index
          %swap3A_359 = arith.constant 0 : index
          %swap3A_360 = tpu.vector_load %arg18[%swap3A, %swap3A_359] {strides = array<i32>} : memref<250x16xf32, #tpu.memory_space<vmem>>, vector<1x16xf32>,
          %swap3A_361 = vector.shape_cast %swap3A_360 : vector<1x16xf32> to vector<16xf32>
          %swap3A_362 = vector.shape_cast %mul3A_349 : vector<16xf32> to vector<1x16xf32>
          tpu.vector_store %arg18[%swap3A, %swap3A_359], %swap3A_362 {strides = array<i32>} : memref<250x16xf32, #tpu.memory_space<vmem>>, vector<1x16xf32>,
          %add3A_363 = arith.constant 0 : i32
          %add3A_364 = arith.addi %add3A_337, %add3A_363 : i32
          %swap3A_365 = arith.index_cast %add3A_364 : i32 to index
          %swap3A_366 = arith.constant 0 : index
          %swap3A_367 = tpu.vector_load %arg19[%swap3A_365, %swap3A_366] {strides = array<i32>} : memref<250x16xf32, #tpu.memory_space<vmem>>, vector<1x16xf32>,
          %swap3A_368 = vector.shape_cast %swap3A_367 : vector<1x16xf32> to vector<16xf32>
          %swap3A_369 = vector.shape_cast %add3A_356 : vector<16xf32> to vector<1x16xf32>
          tpu.vector_store %arg19[%swap3A_365, %swap3A_366], %swap3A_369 {strides = array<i32>} : memref<250x16xf32, #tpu.memory_space<vmem>>, vector<1x16xf32>,
          %add3A_370 = arith.constant 1 : i32
          %add3A_371 = arith.addi %add3A_337, %add3A_370 : i32
          %get3A_372 = arith.index_cast %add3A_371 : i32 to index
          %get3A_373 = arith.constant 0 : index
          %get3A_374 = tpu.vector_load %arg18[%get3A_372, %get3A_373] {strides = array<i32>} : memref<250x16xf32, #tpu.memory_space<vmem>>, vector<1x16xf32>,
          %get3A_375 = vector.shape_cast %get3A_374 : vector<1x16xf32> to vector<16xf32>
          %add3A_376 = arith.constant 1 : i32
          %add3A_377 = arith.addi %add3A_337, %add3A_376 : i32
          %get3A_378 = arith.index_cast %add3A_377 : i32 to index
          %get3A_379 = arith.constant 0 : index
          %get3A_380 = tpu.vector_load %arg20[%get3A_378, %get3A_379] {strides = array<i32>} : memref<250x16xf32, #tpu.memory_space<vmem>>, vector<1x16xf32>,
          %get3A_381 = vector.shape_cast %get3A_380 : vector<1x16xf32> to vector<16xf32>
          %mul3A_382 = arith.mulf %get3A_375, %get3A_381 : vector<16xf32>
          %add3A_383 = arith.constant 1 : i32
          %add3A_384 = arith.addi %add3A_337, %add3A_383 : i32
          %get3A_385 = arith.index_cast %add3A_384 : i32 to index
          %get3A_386 = arith.constant 0 : index
          %get3A_387 = tpu.vector_load %arg19[%get3A_385, %get3A_386] {strides = array<i32>} : memref<250x16xf32, #tpu.memory_space<vmem>>, vector<1x16xf32>,
          %get3A_388 = vector.shape_cast %get3A_387 : vector<1x16xf32> to vector<16xf32>
          %add3A_389 = arith.addf %get3A_388, %mul3A_382 : vector<16xf32>
          %add3A_390 = arith.constant 1 : i32
          %add3A_391 = arith.addi %add3A_337, %add3A_390 : i32
          %swap3A_392 = arith.index_cast %add3A_391 : i32 to index
          %swap3A_393 = arith.constant 0 : index
          %swap3A_394 = tpu.vector_load %arg18[%swap3A_392, %swap3A_393] {strides = array<i32>} : memref<250x16xf32, #tpu.memory_space<vmem>>, vector<1x16xf32>,
          %swap3A_395 = vector.shape_cast %swap3A_394 : vector<1x16xf32> to vector<16xf32>
          %swap3A_396 = vector.shape_cast %mul3A_382 : vector<16xf32> to vector<1x16xf32>
          tpu.vector_store %arg18[%swap3A_392, %swap3A_393], %swap3A_396 {strides = array<i32>} : memref<250x16xf32, #tpu.memory_space<vmem>>, vector<1x16xf32>,
          %add3A_397 = arith.constant 1 : i32
          %add3A_398 = arith.addi %add3A_337, %add3A_397 : i32
          %swap3A_399 = arith.index_cast %add3A_398 : i32 to index
          %swap3A_400 = arith.constant 0 : index
          %swap3A_401 = tpu.vector_load %arg19[%swap3A_399, %swap3A_400] {strides = array<i32>} : memref<250x16xf32, #tpu.memory_space<vmem>>, vector<1x16xf32>,
          %swap3A_402 = vector.shape_cast %swap3A_401 : vector<1x16xf32> to vector<16xf32>
          %swap3A_403 = vector.shape_cast %add3A_389 : vector<16xf32> to vector<1x16xf32>
          tpu.vector_store %arg19[%swap3A_399, %swap3A_400], %swap3A_403 {strides = array<i32>} : memref<250x16xf32, #tpu.memory_space<vmem>>, vector<1x16xf32>,
          %add3A_404 = arith.constant 2 : i32
          %add3A_405 = arith.addi %add3A_337, %add3A_404 : i32
          %get3A_406 = arith.index_cast %add3A_405 : i32 to index
          %get3A_407 = arith.constant 0 : index
          %get3A_408 = tpu.vector_load %arg18[%get3A_406, %get3A_407] {strides = array<i32>} : memref<250x16xf32, #tpu.memory_space<vmem>>, vector<1x16xf32>,
          %get3A_409 = vector.shape_cast %get3A_408 : vector<1x16xf32> to vector<16xf32>
          %add3A_410 = arith.constant 2 : i32
          %add3A_411 = arith.addi %add3A_337, %add3A_410 : i32
          %get3A_412 = arith.index_cast %add3A_411 : i32 to index
          %get3A_413 = arith.constant 0 : index
          %get3A_414 = tpu.vector_load %arg20[%get3A_412, %get3A_413] {strides = array<i32>} : memref<250x16xf32, #tpu.memory_space<vmem>>, vector<1x16xf32>,
          %get3A_415 = vector.shape_cast %get3A_414 : vector<1x16xf32> to vector<16xf32>
          %mul3A_416 = arith.mulf %get3A_409, %get3A_415 : vector<16xf32>
          %add3A_417 = arith.constant 2 : i32
          %add3A_418 = arith.addi %add3A_337, %add3A_417 : i32
          %get3A_419 = arith.index_cast %add3A_418 : i32 to index
          %get3A_420 = arith.constant 0 : index
          %get3A_421 = tpu.vector_load %arg19[%get3A_419, %get3A_420] {strides = array<i32>} : memref<250x16xf32, #tpu.memory_space<vmem>>, vector<1x16xf32>,
          %get3A_422 = vector.shape_cast %get3A_421 : vector<1x16xf32> to vector<16xf32>
          %add3A_423 = arith.addf %get3A_422, %mul3A_416 : vector<16xf32>
          %add3A_424 = arith.constant 2 : i32
          %add3A_425 = arith.addi %add3A_337, %add3A_424 : i32
          %swap3A_426 = arith.index_cast %add3A_425 : i32 to index
          %swap3A_427 = arith.constant 0 : index
          %swap3A_428 = tpu.vector_load %arg18[%swap3A_426, %swap3A_427] {strides = array<i32>} : memref<250x16xf32, #tpu.memory_space<vmem>>, vector<1x16xf32>,
          %swap3A_429 = vector.shape_cast %swap3A_428 : vector<1x16xf32> to vector<16xf32>
          %swap3A_430 = vector.shape_cast %mul3A_416 : vector<16xf32> to vector<1x16xf32>
          tpu.vector_store %arg18[%swap3A_426, %swap3A_427], %swap3A_430 {strides = array<i32>} : memref<250x16xf32, #tpu.memory_space<vmem>>, vector<1x16xf32>,
          %add3A_431 = arith.constant 2 : i32
          %add3A_432 = arith.addi %add3A_337, %add3A_431 : i32
          %swap3A_433 = arith.index_cast %add3A_432 : i32 to index
          %swap3A_434 = arith.constant 0 : index
          %swap3A_435 = tpu.vector_load %arg19[%swap3A_433, %swap3A_434] {strides = array<i32>} : memref<250x16xf32, #tpu.memory_space<vmem>>, vector<1x16xf32>,
          %swap3A_436 = vector.shape_cast %swap3A_435 : vector<1x16xf32> to vector<16xf32>
          %swap3A_437 = vector.shape_cast %add3A_423 : vector<16xf32> to vector<1x16xf32>
          tpu.vector_store %arg19[%swap3A_433, %swap3A_434], %swap3A_437 {strides = array<i32>} : memref<250x16xf32, #tpu.memory_space<vmem>>, vector<1x16xf32>,
          %add3A_438 = arith.constant 3 : i32
          %add3A_439 = arith.addi %add3A_337, %add3A_438 : i32
          %get3A_440 = arith.index_cast %add3A_439 : i32 to index
          %get3A_441 = arith.constant 0 : index
          %get3A_442 = tpu.vector_load %arg18[%get3A_440, %get3A_441] {strides = array<i32>} : memref<250x16xf32, #tpu.memory_space<vmem>>, vector<1x16xf32>,
          %get3A_443 = vector.shape_cast %get3A_442 : vector<1x16xf32> to vector<16xf32>
          %add3A_444 = arith.constant 3 : i32
          %add3A_445 = arith.addi %add3A_337, %add3A_444 : i32
          %get3A_446 = arith.index_cast %add3A_445 : i32 to index
          %get3A_447 = arith.constant 0 : index
          %get3A_448 = tpu.vector_load %arg20[%get3A_446, %get3A_447] {strides = array<i32>} : memref<250x16xf32, #tpu.memory_space<vmem>>, vector<1x16xf32>,
          %get3A_449 = vector.shape_cast %get3A_448 : vector<1x16xf32> to vector<16xf32>
          %mul3A_450 = arith.mulf %get3A_443, %get3A_449 : vector<16xf32>
          %add3A_451 = arith.constant 3 : i32
          %add3A_452 = arith.addi %add3A_337, %add3A_451 : i32
          %get3A_453 = arith.index_cast %add3A_452 : i32 to index
          %get3A_454 = arith.constant 0 : index
          %get3A_455 = tpu.vector_load %arg19[%get3A_453, %get3A_454] {strides = array<i32>} : memref<250x16xf32, #tpu.memory_space<vmem>>, vector<1x16xf32>,
          %get3A_456 = vector.shape_cast %get3A_455 : vector<1x16xf32> to vector<16xf32>
          %add3A_457 = arith.addf %get3A_456, %mul3A_450 : vector<16xf32>
          %add3A_458 = arith.constant 3 : i32
          %add3A_459 = arith.addi %add3A_337, %add3A_458 : i32
          %swap3A_460 = arith.index_cast %add3A_459 : i32 to index
          %swap3A_461 = arith.constant 0 : index
          %swap3A_462 = tpu.vector_load %arg18[%swap3A_460, %swap3A_461] {strides = array<i32>} : memref<250x16xf32, #tpu.memory_space<vmem>>, vector<1x16xf32>,
          %swap3A_463 = vector.shape_cast %swap3A_462 : vector<1x16xf32> to vector<16xf32>
          %swap3A_464 = vector.shape_cast %mul3A_450 : vector<16xf32> to vector<1x16xf32>
          tpu.vector_store %arg18[%swap3A_460, %swap3A_461], %swap3A_464 {strides = array<i32>} : memref<250x16xf32, #tpu.memory_space<vmem>>, vector<1x16xf32>,
          %add3A_465 = arith.constant 3 : i32
          %add3A_466 = arith.addi %add3A_337, %add3A_465 : i32
          %swap3A_467 = arith.index_cast %add3A_466 : i32 to index
          %swap3A_468 = arith.constant 0 : index
          %swap3A_469 = tpu.vector_load %arg19[%swap3A_467, %swap3A_468] {strides = array<i32>} : memref<250x16xf32, #tpu.memory_space<vmem>>, vector<1x16xf32>,
          %swap3A_470 = vector.shape_cast %swap3A_469 : vector<1x16xf32> to vector<16xf32>
          %swap3A_471 = vector.shape_cast %add3A_457 : vector<16xf32> to vector<1x16xf32>
          tpu.vector_store %arg19[%swap3A_467, %swap3A_468], %swap3A_471 {strides = array<i32>} : memref<250x16xf32, #tpu.memory_space<vmem>>, vector<1x16xf32>,
          %add3A_472 = arith.constant 4 : i32
          %add3A_473 = arith.addi %add3A_337, %add3A_472 : i32
          %get3A_474 = arith.index_cast %add3A_473 : i32 to index
          %get3A_475 = arith.constant 0 : index
          %get3A_476 = tpu.vector_load %arg18[%get3A_474, %get3A_475] {strides = array<i32>} : memref<250x16xf32, #tpu.memory_space<vmem>>, vector<1x16xf32>,
          %get3A_477 = vector.shape_cast %get3A_476 : vector<1x16xf32> to vector<16xf32>
          %add3A_478 = arith.constant 4 : i32
          %add3A_479 = arith.addi %add3A_337, %add3A_478 : i32
          %get3A_480 = arith.index_cast %add3A_479 : i32 to index
          %get3A_481 = arith.constant 0 : index
          %get3A_482 = tpu.vector_load %arg20[%get3A_480, %get3A_481] {strides = array<i32>} : memref<250x16xf32, #tpu.memory_space<vmem>>, vector<1x16xf32>,
          %get3A_483 = vector.shape_cast %get3A_482 : vector<1x16xf32> to vector<16xf32>
          %mul3A_484 = arith.mulf %get3A_477, %get3A_483 : vector<16xf32>
          %add3A_485 = arith.constant 4 : i32
          %add3A_486 = arith.addi %add3A_337, %add3A_485 : i32
          %get3A_487 = arith.index_cast %add3A_486 : i32 to index
          %get3A_488 = arith.constant 0 : index
          %get3A_489 = tpu.vector_load %arg19[%get3A_487, %get3A_488] {strides = array<i32>} : memref<250x16xf32, #tpu.memory_space<vmem>>, vector<1x16xf32>,
          %get3A_490 = vector.shape_cast %get3A_489 : vector<1x16xf32> to vector<16xf32>
          %add3A_491 = arith.addf %get3A_490, %mul3A_484 : vector<16xf32>
          %add3A_492 = arith.constant 4 : i32
          %add3A_493 = arith.addi %add3A_337, %add3A_492 : i32
          %swap3A_494 = arith.index_cast %add3A_493 : i32 to index
          %swap3A_495 = arith.constant 0 : index
          %swap3A_496 = tpu.vector_load %arg18[%swap3A_494, %swap3A_495] {strides = array<i32>} : memref<250x16xf32, #tpu.memory_space<vmem>>, vector<1x16xf32>,
          %swap3A_497 = vector.shape_cast %swap3A_496 : vector<1x16xf32> to vector<16xf32>
          %swap3A_498 = vector.shape_cast %mul3A_484 : vector<16xf32> to vector<1x16xf32>
          tpu.vector_store %arg18[%swap3A_494, %swap3A_495], %swap3A_498 {strides = array<i32>} : memref<250x16xf32, #tpu.memory_space<vmem>>, vector<1x16xf32>,
          %add3A_499 = arith.constant 4 : i32
          %add3A_500 = arith.addi %add3A_337, %add3A_499 : i32
          %swap3A_501 = arith.index_cast %add3A_500 : i32 to index
          %swap3A_502 = arith.constant 0 : index
          %swap3A_503 = tpu.vector_load %arg19[%swap3A_501, %swap3A_502] {strides = array<i32>} : memref<250x16xf32, #tpu.memory_space<vmem>>, vector<1x16xf32>,
          %swap3A_504 = vector.shape_cast %swap3A_503 : vector<1x16xf32> to vector<16xf32>
          %swap3A_505 = vector.shape_cast %add3A_491 : vector<16xf32> to vector<1x16xf32>
          tpu.vector_store %arg19[%swap3A_501, %swap3A_502], %swap3A_505 {strides = array<i32>} : memref<250x16xf32, #tpu.memory_space<vmem>>, vector<1x16xf32>,
        }
        %scan3A_314 = arith.constant 50 : i32
        %add3A_315 = arith.addi %add3A_70, %mul3A_296 : i32
        %dma_start3A_316 = arith.constant 0 : i32
        %dma_start3A_317 = tpu.memref_slice %arg7[%add3A_315, %dma_start3A_316] : memref<200000x16xf32, #tpu.memory_space<hbm>> -> memref<250x16xf32, #tpu.memory_space<hbm>>
        %dma_start3A_318 = arith.constant 0 : i32
        %dma_start3A_319 = tpu.memref_slice %arg7[%add3A_315, %dma_start3A_318] : memref<200000x16xf32, #tpu.memory_space<hbm>> -> memref<250x16xf32, #tpu.memory_space<hbm>>
        tpu.enqueue_dma source(%arg18 : memref<250x16xf32, #tpu.memory_space<vmem>>) target(%dma_start3A_319 : memref<250x16xf32, #tpu.memory_space<hbm>>) target_semaphore(%arg28 : memref<!tpu.dma_semaphore, #tpu.memory_space<semaphore_mem>>)
        %add3A_320 = arith.addi %add3A_70, %mul3A_296 : i32
        %dma_start3A_321 = arith.constant 0 : i32
        %dma_start3A_322 = tpu.memref_slice %arg9[%add3A_320, %dma_start3A_321] : memref<200000x16xf32, #tpu.memory_space<hbm>> -> memref<250x16xf32, #tpu.memory_space<hbm>>
        %dma_start3A_323 = arith.constant 0 : i32
        %dma_start3A_324 = tpu.memref_slice %arg9[%add3A_320, %dma_start3A_323] : memref<200000x16xf32, #tpu.memory_space<hbm>> -> memref<250x16xf32, #tpu.memory_space<hbm>>
        tpu.enqueue_dma source(%arg19 : memref<250x16xf32, #tpu.memory_space<vmem>>) target(%dma_start3A_324 : memref<250x16xf32, #tpu.memory_space<hbm>>) target_semaphore(%arg29 : memref<!tpu.dma_semaphore, #tpu.memory_space<semaphore_mem>>)
        %dma_wait3A_325 = arith.constant 0 : i32
        %dma_wait3A_326 = tpu.memref_slice %arg7[%add3A_315, %dma_wait3A_325] : memref<200000x16xf32, #tpu.memory_space<hbm>> -> memref<250x16xf32, #tpu.memory_space<hbm>>
        %dma_wait3A_327 = arith.constant 0 : i32
        %dma_wait3A_328 = tpu.memref_slice %arg7[%add3A_315, %dma_wait3A_327] : memref<200000x16xf32, #tpu.memory_space<hbm>> -> memref<250x16xf32, #tpu.memory_space<hbm>>
        tpu.wait_dma2 semaphore(%arg28 : memref<!tpu.dma_semaphore, #tpu.memory_space<semaphore_mem>>) src(%arg18 : memref<250x16xf32, #tpu.memory_space<vmem>>) dst(%dma_wait3A_328 : memref<250x16xf32, #tpu.memory_space<hbm>>)
        %dma_wait3A_329 = arith.constant 0 : i32
        %dma_wait3A_330 = tpu.memref_slice %arg9[%add3A_320, %dma_wait3A_329] : memref<200000x16xf32, #tpu.memory_space<hbm>> -> memref<250x16xf32, #tpu.memory_space<hbm>>
        %dma_wait3A_331 = arith.constant 0 : i32
        %dma_wait3A_332 = tpu.memref_slice %arg9[%add3A_320, %dma_wait3A_331] : memref<200000x16xf32, #tpu.memory_space<hbm>> -> memref<250x16xf32, #tpu.memory_space<hbm>>
        tpu.wait_dma2 semaphore(%arg29 : memref<!tpu.dma_semaphore, #tpu.memory_space<semaphore_mem>>) src(%arg19 : memref<250x16xf32, #tpu.memory_space<vmem>>) dst(%dma_wait3A_332 : memref<250x16xf32, #tpu.memory_space<hbm>>)
      } else {
      }
    }
    %scan3A_90 = arith.constant 13 : i32
    %dma_wait3A = arith.constant 0 : i32
    %dma_wait3A_91 = tpu.memref_slice %arg11[%mul3A_78, %dma_wait3A] : memref<50000x16xf32, #tpu.memory_space<vmem_shared>> -> memref<3125x16xf32, #tpu.memory_space<vmem_shared>>
    %dma_wait3A_92 = tpu.memref_slice %arg4[%mul3A_78, %mul3A_62] : memref<50000x64xf32, #tpu.memory_space<hbm>> -> memref<3125x16xf32, #tpu.memory_space<hbm>>
    tpu.wait_dma2 semaphore(%arg24 : memref<!tpu.dma_semaphore, #tpu.memory_space<semaphore_mem>>) src(%dma_wait3A_92 : memref<3125x16xf32, #tpu.memory_space<hbm>>) dst(%dma_wait3A_91 : memref<3125x16xf32, #tpu.memory_space<vmem_shared>>)
    %barrier3A_93 = arith.constant 0 : index
    tpu.barrier barrier_id(%barrier3A_93)
    %scan3A_94 = arith.constant 0 : i32
    %scan3A_95 = arith.constant 50 : i32
    %scan3A_96 = arith.addi %scan3A_94, %scan3A_95 : i32
    %scan3A_97 = arith.constant 1 : i32
    scf.for %scan3A_285 = %scan3A_94 to %scan3A_96 step %scan3A_97  : i32 {
      %mul3A_286 = arith.constant 1 : i32
      %mul3A_287 = arith.muli %scan3A_285, %mul3A_286 : i32
      %add3A_288 = arith.constant 0 : i32
      %add3A_289 = arith.addi %add3A_288, %mul3A_287 : i32
      %mul3A_290 = arith.constant 50 : i32
      %mul3A_291 = arith.muli %arg1, %mul3A_290 : i32
      %add3A_292 = arith.addi %mul3A_291, %add3A_289 : i32
      %mul3A_293 = arith.constant 4 : i32
      %mul3A_294 = arith.muli %add3A_292, %mul3A_293 : i32
      %dma_start3A_295 = arith.constant 0 : i32
      %dma_start3A_296 = tpu.memref_slice %arg2[%mul3A_294, %dma_start3A_295] : memref<3200x256xi32, #tpu.memory_space<hbm>> -> memref<4x256xi32, #tpu.memory_space<hbm>>
      %dma_start3A_297 = arith.constant 0 : i32
      %dma_start3A_298 = tpu.memref_slice %arg2[%mul3A_294, %dma_start3A_297] : memref<3200x256xi32, #tpu.memory_space<hbm>> -> memref<4x256xi32, #tpu.memory_space<hbm>>
      tpu.enqueue_dma source(%dma_start3A_298 : memref<4x256xi32, #tpu.memory_space<hbm>>) target(%arg13 : memref<4x256xi32, #tpu.memory_space<vmem>>) target_semaphore(%arg22 : memref<!tpu.dma_semaphore, #tpu.memory_space<semaphore_mem>>)
      %dma_start3A_299 = arith.constant 0 : i32
      %dma_start3A_300 = tpu.memref_slice %arg3[%mul3A_294, %dma_start3A_299] : memref<3200x256xi32, #tpu.memory_space<hbm>> -> memref<4x256xi32, #tpu.memory_space<hbm>>
      %dma_start3A_301 = arith.constant 0 : i32
      %dma_start3A_302 = tpu.memref_slice %arg3[%mul3A_294, %dma_start3A_301] : memref<3200x256xi32, #tpu.memory_space<hbm>> -> memref<4x256xi32, #tpu.memory_space<hbm>>
      tpu.enqueue_dma source(%dma_start3A_302 : memref<4x256xi32, #tpu.memory_space<hbm>>) target(%arg14 : memref<4x256xi32, #tpu.memory_space<vmem>>) target_semaphore(%arg23 : memref<!tpu.dma_semaphore, #tpu.memory_space<semaphore_mem>>)
      %dma_wait3A_303 = arith.constant 0 : i32
      %dma_wait3A_304 = tpu.memref_slice %arg2[%mul3A_294, %dma_wait3A_303] : memref<3200x256xi32, #tpu.memory_space<hbm>> -> memref<4x256xi32, #tpu.memory_space<hbm>>
      %dma_wait3A_305 = arith.constant 0 : i32
      %dma_wait3A_306 = tpu.memref_slice %arg2[%mul3A_294, %dma_wait3A_305] : memref<3200x256xi32, #tpu.memory_space<hbm>> -> memref<4x256xi32, #tpu.memory_space<hbm>>
      tpu.wait_dma2 semaphore(%arg22 : memref<!tpu.dma_semaphore, #tpu.memory_space<semaphore_mem>>) src(%dma_wait3A_306 : memref<4x256xi32, #tpu.memory_space<hbm>>) dst(%arg13 : memref<4x256xi32, #tpu.memory_space<vmem>>)
      %dma_wait3A_307 = arith.constant 0 : i32
      %dma_wait3A_308 = tpu.memref_slice %arg3[%mul3A_294, %dma_wait3A_307] : memref<3200x256xi32, #tpu.memory_space<hbm>> -> memref<4x256xi32, #tpu.memory_space<hbm>>
      %dma_wait3A_309 = arith.constant 0 : i32
      %dma_wait3A_310 = tpu.memref_slice %arg3[%mul3A_294, %dma_wait3A_309] : memref<3200x256xi32, #tpu.memory_space<hbm>> -> memref<4x256xi32, #tpu.memory_space<hbm>>
      tpu.wait_dma2 semaphore(%arg23 : memref<!tpu.dma_semaphore, #tpu.memory_space<semaphore_mem>>) src(%dma_wait3A_310 : memref<4x256xi32, #tpu.memory_space<hbm>>) dst(%arg14 : memref<4x256xi32, #tpu.memory_space<vmem>>)
      %dma_start3A_311 = arith.constant 0 : i32
      %dma_start3A_312 = arith.constant 0 : i32
      %dma_start3A_313 = tpu.memref_slice %arg13[%dma_start3A_311, %dma_start3A_312] : memref<4x256xi32, #tpu.memory_space<vmem>> -> memref<1x256xi32, #tpu.memory_space<vmem>>
      %dma_start3A_314 = tpu.memref_squeeze %dma_start3A_313 : memref<1x256xi32, #tpu.memory_space<vmem>> -> memref<256xi32, #tpu.memory_space<vmem>>
      %dma_start3A_315 = arith.constant 0 : i32
      %dma_start3A_316 = arith.constant 0 : i32
      %dma_start3A_317 = tpu.memref_slice %arg11[%dma_start3A_315, %dma_start3A_316] : memref<50000x16xf32, #tpu.memory_space<vmem_shared>> -> memref<50000x16xf32, #tpu.memory_space<vmem_shared>>
      tpu.enqueue_indirect_dma source(%dma_start3A_317 : memref<50000x16xf32, #tpu.memory_space<vmem_shared>>) target(%arg15 : memref<256x16xf32, #tpu.memory_space<vmem>>) offsets(%dma_start3A_314 : memref<256xi32, #tpu.memory_space<vmem>>) semaphore(%arg24 : memref<!tpu.dma_semaphore, #tpu.memory_space<semaphore_mem>>)
      %dma_start3A_318 = arith.constant 1 : i32
      %dma_start3A_319 = arith.constant 0 : i32
      %dma_start3A_320 = tpu.memref_slice %arg13[%dma_start3A_318, %dma_start3A_319] : memref<4x256xi32, #tpu.memory_space<vmem>> -> memref<1x256xi32, #tpu.memory_space<vmem>>
      %dma_start3A_321 = tpu.memref_squeeze %dma_start3A_320 : memref<1x256xi32, #tpu.memory_space<vmem>> -> memref<256xi32, #tpu.memory_space<vmem>>
      %dma_start3A_322 = arith.constant 0 : i32
      %dma_start3A_323 = arith.constant 0 : i32
      %dma_start3A_324 = tpu.memref_slice %arg11[%dma_start3A_322, %dma_start3A_323] : memref<50000x16xf32, #tpu.memory_space<vmem_shared>> -> memref<50000x16xf32, #tpu.memory_space<vmem_shared>>
      tpu.enqueue_indirect_dma source(%dma_start3A_324 : memref<50000x16xf32, #tpu.memory_space<vmem_shared>>) target(%arg16 : memref<256x16xf32, #tpu.memory_space<vmem>>) offsets(%dma_start3A_321 : memref<256xi32, #tpu.memory_space<vmem>>) semaphore(%arg25 : memref<!tpu.dma_semaphore, #tpu.memory_space<semaphore_mem>>)
      %dma_wait3A_325 = arith.constant 0 : i32
      %dma_wait3A_326 = arith.constant 0 : i32
      %dma_wait3A_327 = tpu.memref_slice %arg13[%dma_wait3A_325, %dma_wait3A_326] : memref<4x256xi32, #tpu.memory_space<vmem>> -> memref<1x256xi32, #tpu.memory_space<vmem>>
      %dma_wait3A_328 = tpu.memref_squeeze %dma_wait3A_327 : memref<1x256xi32, #tpu.memory_space<vmem>> -> memref<256xi32, #tpu.memory_space<vmem>>
      %dma_wait3A_329 = arith.constant 0 : i32
      %dma_wait3A_330 = arith.constant 0 : i32
      %dma_wait3A_331 = tpu.memref_slice %arg11[%dma_wait3A_329, %dma_wait3A_330] : memref<50000x16xf32, #tpu.memory_space<vmem_shared>> -> memref<50000x16xf32, #tpu.memory_space<vmem_shared>>
      tpu.wait_indirect_dma semaphore(%arg24 : memref<!tpu.dma_semaphore, #tpu.memory_space<semaphore_mem>>) src(%dma_wait3A_331 : memref<50000x16xf32, #tpu.memory_space<vmem_shared>>) dst(%arg15 : memref<256x16xf32, #tpu.memory_space<vmem>>)
      %dma_start3A_332 = arith.constant 0 : i32
      %dma_start3A_333 = arith.constant 0 : i32
      %dma_start3A_334 = tpu.memref_slice %arg14[%dma_start3A_332, %dma_start3A_333] : memref<4x256xi32, #tpu.memory_space<vmem>> -> memref<1x256xi32, #tpu.memory_space<vmem>>
      %dma_start3A_335 = tpu.memref_squeeze %dma_start3A_334 : memref<1x256xi32, #tpu.memory_space<vmem>> -> memref<256xi32, #tpu.memory_space<vmem>>
      %dma_start3A_336 = arith.constant 0 : i32
      %dma_start3A_337 = arith.constant 0 : i32
      %dma_start3A_338 = tpu.memref_slice %arg12[%dma_start3A_336, %dma_start3A_337] : memref<50008x16xf32, #tpu.memory_space<vmem_shared>> -> memref<50008x16xf32, #tpu.memory_space<vmem_shared>>
      tpu.enqueue_indirect_dma source(%arg15 : memref<256x16xf32, #tpu.memory_space<vmem>>) target(%dma_start3A_338 : memref<50008x16xf32, #tpu.memory_space<vmem_shared>>) offsets(%dma_start3A_335 : memref<256xi32, #tpu.memory_space<vmem>>) semaphore(%arg27 : memref<!tpu.dma_semaphore, #tpu.memory_space<semaphore_mem>>) {add = true}
      %dma_start3A_339 = arith.constant 2 : i32
      %dma_start3A_340 = arith.constant 0 : i32
      %dma_start3A_341 = tpu.memref_slice %arg13[%dma_start3A_339, %dma_start3A_340] : memref<4x256xi32, #tpu.memory_space<vmem>> -> memref<1x256xi32, #tpu.memory_space<vmem>>
      %dma_start3A_342 = tpu.memref_squeeze %dma_start3A_341 : memref<1x256xi32, #tpu.memory_space<vmem>> -> memref<256xi32, #tpu.memory_space<vmem>>
      %dma_start3A_343 = arith.constant 0 : i32
      %dma_start3A_344 = arith.constant 0 : i32
      %dma_start3A_345 = tpu.memref_slice %arg11[%dma_start3A_343, %dma_start3A_344] : memref<50000x16xf32, #tpu.memory_space<vmem_shared>> -> memref<50000x16xf32, #tpu.memory_space<vmem_shared>>
      tpu.enqueue_indirect_dma source(%dma_start3A_345 : memref<50000x16xf32, #tpu.memory_space<vmem_shared>>) target(%arg17 : memref<256x16xf32, #tpu.memory_space<vmem>>) offsets(%dma_start3A_342 : memref<256xi32, #tpu.memory_space<vmem>>) semaphore(%arg26 : memref<!tpu.dma_semaphore, #tpu.memory_space<semaphore_mem>>)
      %dma_wait3A_346 = arith.constant 1 : i32
      %dma_wait3A_347 = arith.constant 0 : i32
      %dma_wait3A_348 = tpu.memref_slice %arg13[%dma_wait3A_346, %dma_wait3A_347] : memref<4x256xi32, #tpu.memory_space<vmem>> -> memref<1x256xi32, #tpu.memory_space<vmem>>
      %dma_wait3A_349 = tpu.memref_squeeze %dma_wait3A_348 : memref<1x256xi32, #tpu.memory_space<vmem>> -> memref<256xi32, #tpu.memory_space<vmem>>
      %dma_wait3A_350 = arith.constant 0 : i32
      %dma_wait3A_351 = arith.constant 0 : i32
      %dma_wait3A_352 = tpu.memref_slice %arg11[%dma_wait3A_350, %dma_wait3A_351] : memref<50000x16xf32, #tpu.memory_space<vmem_shared>> -> memref<50000x16xf32, #tpu.memory_space<vmem_shared>>
      tpu.wait_indirect_dma semaphore(%arg25 : memref<!tpu.dma_semaphore, #tpu.memory_space<semaphore_mem>>) src(%dma_wait3A_352 : memref<50000x16xf32, #tpu.memory_space<vmem_shared>>) dst(%arg16 : memref<256x16xf32, #tpu.memory_space<vmem>>)
      %dma_start3A_353 = arith.constant 1 : i32
      %dma_start3A_354 = arith.constant 0 : i32
      %dma_start3A_355 = tpu.memref_slice %arg14[%dma_start3A_353, %dma_start3A_354] : memref<4x256xi32, #tpu.memory_space<vmem>> -> memref<1x256xi32, #tpu.memory_space<vmem>>
      %dma_start3A_356 = tpu.memref_squeeze %dma_start3A_355 : memref<1x256xi32, #tpu.memory_space<vmem>> -> memref<256xi32, #tpu.memory_space<vmem>>
      %dma_start3A_357 = arith.constant 0 : i32
      %dma_start3A_358 = arith.constant 0 : i32
      %dma_start3A_359 = tpu.memref_slice %arg12[%dma_start3A_357, %dma_start3A_358] : memref<50008x16xf32, #tpu.memory_space<vmem_shared>> -> memref<50008x16xf32, #tpu.memory_space<vmem_shared>>
      tpu.enqueue_indirect_dma source(%arg16 : memref<256x16xf32, #tpu.memory_space<vmem>>) target(%dma_start3A_359 : memref<50008x16xf32, #tpu.memory_space<vmem_shared>>) offsets(%dma_start3A_356 : memref<256xi32, #tpu.memory_space<vmem>>) semaphore(%arg28 : memref<!tpu.dma_semaphore, #tpu.memory_space<semaphore_mem>>) {add = true}
      %dma_wait3A_360 = arith.constant 0 : i32
      %dma_wait3A_361 = arith.constant 0 : i32
      %dma_wait3A_362 = tpu.memref_slice %arg14[%dma_wait3A_360, %dma_wait3A_361] : memref<4x256xi32, #tpu.memory_space<vmem>> -> memref<1x256xi32, #tpu.memory_space<vmem>>
      %dma_wait3A_363 = tpu.memref_squeeze %dma_wait3A_362 : memref<1x256xi32, #tpu.memory_space<vmem>> -> memref<256xi32, #tpu.memory_space<vmem>>
      %dma_wait3A_364 = arith.constant 0 : i32
      %dma_wait3A_365 = arith.constant 0 : i32
      %dma_wait3A_366 = tpu.memref_slice %arg12[%dma_wait3A_364, %dma_wait3A_365] : memref<50008x16xf32, #tpu.memory_space<vmem_shared>> -> memref<50008x16xf32, #tpu.memory_space<vmem_shared>>
      tpu.wait_indirect_dma semaphore(%arg27 : memref<!tpu.dma_semaphore, #tpu.memory_space<semaphore_mem>>) src(%arg15 : memref<256x16xf32, #tpu.memory_space<vmem>>) dst(%dma_wait3A_366 : memref<50008x16xf32, #tpu.memory_space<vmem_shared>>)
      %dma_start3A_367 = arith.constant 3 : i32
      %dma_start3A_368 = arith.constant 0 : i32
      %dma_start3A_369 = tpu.memref_slice %arg13[%dma_start3A_367, %dma_start3A_368] : memref<4x256xi32, #tpu.memory_space<vmem>> -> memref<1x256xi32, #tpu.memory_space<vmem>>
      %dma_start3A_370 = tpu.memref_squeeze %dma_start3A_369 : memref<1x256xi32, #tpu.memory_space<vmem>> -> memref<256xi32, #tpu.memory_space<vmem>>
      %dma_start3A_371 = arith.constant 0 : i32
      %dma_start3A_372 = arith.constant 0 : i32
      %dma_start3A_373 = tpu.memref_slice %arg11[%dma_start3A_371, %dma_start3A_372] : memref<50000x16xf32, #tpu.memory_space<vmem_shared>> -> memref<50000x16xf32, #tpu.memory_space<vmem_shared>>
      tpu.enqueue_indirect_dma source(%dma_start3A_373 : memref<50000x16xf32, #tpu.memory_space<vmem_shared>>) target(%arg15 : memref<256x16xf32, #tpu.memory_space<vmem>>) offsets(%dma_start3A_370 : memref<256xi32, #tpu.memory_space<vmem>>) semaphore(%arg24 : memref<!tpu.dma_semaphore, #tpu.memory_space<semaphore_mem>>)
      %dma_wait3A_374 = arith.constant 2 : i32
      %dma_wait3A_375 = arith.constant 0 : i32
      %dma_wait3A_376 = tpu.memref_slice %arg13[%dma_wait3A_374, %dma_wait3A_375] : memref<4x256xi32, #tpu.memory_space<vmem>> -> memref<1x256xi32, #tpu.memory_space<vmem>>
      %dma_wait3A_377 = tpu.memref_squeeze %dma_wait3A_376 : memref<1x256xi32, #tpu.memory_space<vmem>> -> memref<256xi32, #tpu.memory_space<vmem>>
      %dma_wait3A_378 = arith.constant 0 : i32
      %dma_wait3A_379 = arith.constant 0 : i32
      %dma_wait3A_380 = tpu.memref_slice %arg11[%dma_wait3A_378, %dma_wait3A_379] : memref<50000x16xf32, #tpu.memory_space<vmem_shared>> -> memref<50000x16xf32, #tpu.memory_space<vmem_shared>>
      tpu.wait_indirect_dma semaphore(%arg26 : memref<!tpu.dma_semaphore, #tpu.memory_space<semaphore_mem>>) src(%dma_wait3A_380 : memref<50000x16xf32, #tpu.memory_space<vmem_shared>>) dst(%arg17 : memref<256x16xf32, #tpu.memory_space<vmem>>)
      %dma_start3A_381 = arith.constant 2 : i32
      %dma_start3A_382 = arith.constant 0 : i32
      %dma_start3A_383 = tpu.memref_slice %arg14[%dma_start3A_381, %dma_start3A_382] : memref<4x256xi32, #tpu.memory_space<vmem>> -> memref<1x256xi32, #tpu.memory_space<vmem>>
      %dma_start3A_384 = tpu.memref_squeeze %dma_start3A_383 : memref<1x256xi32, #tpu.memory_space<vmem>> -> memref<256xi32, #tpu.memory_space<vmem>>
      %dma_start3A_385 = arith.constant 0 : i32
      %dma_start3A_386 = arith.constant 0 : i32
      %dma_start3A_387 = tpu.memref_slice %arg12[%dma_start3A_385, %dma_start3A_386] : memref<50008x16xf32, #tpu.memory_space<vmem_shared>> -> memref<50008x16xf32, #tpu.memory_space<vmem_shared>>
      tpu.enqueue_indirect_dma source(%arg17 : memref<256x16xf32, #tpu.memory_space<vmem>>) target(%dma_start3A_387 : memref<50008x16xf32, #tpu.memory_space<vmem_shared>>) offsets(%dma_start3A_384 : memref<256xi32, #tpu.memory_space<vmem>>) semaphore(%arg29 : memref<!tpu.dma_semaphore, #tpu.memory_space<semaphore_mem>>) {add = true}
      %dma_wait3A_388 = arith.constant 3 : i32
      %dma_wait3A_389 = arith.constant 0 : i32
      %dma_wait3A_390 = tpu.memref_slice %arg13[%dma_wait3A_388, %dma_wait3A_389] : memref<4x256xi32, #tpu.memory_space<vmem>> -> memref<1x256xi32, #tpu.memory_space<vmem>>
      %dma_wait3A_391 = tpu.memref_squeeze %dma_wait3A_390 : memref<1x256xi32, #tpu.memory_space<vmem>> -> memref<256xi32, #tpu.memory_space<vmem>>
      %dma_wait3A_392 = arith.constant 0 : i32
      %dma_wait3A_393 = arith.constant 0 : i32
      %dma_wait3A_394 = tpu.memref_slice %arg11[%dma_wait3A_392, %dma_wait3A_393] : memref<50000x16xf32, #tpu.memory_space<vmem_shared>> -> memref<50000x16xf32, #tpu.memory_space<vmem_shared>>
      tpu.wait_indirect_dma semaphore(%arg24 : memref<!tpu.dma_semaphore, #tpu.memory_space<semaphore_mem>>) src(%dma_wait3A_394 : memref<50000x16xf32, #tpu.memory_space<vmem_shared>>) dst(%arg15 : memref<256x16xf32, #tpu.memory_space<vmem>>)
      %dma_start3A_395 = arith.constant 3 : i32
      %dma_start3A_396 = arith.constant 0 : i32
      %dma_start3A_397 = tpu.memref_slice %arg14[%dma_start3A_395, %dma_start3A_396] : memref<4x256xi32, #tpu.memory_space<vmem>> -> memref<1x256xi32, #tpu.memory_space<vmem>>
      %dma_start3A_398 = tpu.memref_squeeze %dma_start3A_397 : memref<1x256xi32, #tpu.memory_space<vmem>> -> memref<256xi32, #tpu.memory_space<vmem>>
      %dma_start3A_399 = arith.constant 0 : i32
      %dma_start3A_400 = arith.constant 0 : i32
      %dma_start3A_401 = tpu.memref_slice %arg12[%dma_start3A_399, %dma_start3A_400] : memref<50008x16xf32, #tpu.memory_space<vmem_shared>> -> memref<50008x16xf32, #tpu.memory_space<vmem_shared>>
      tpu.enqueue_indirect_dma source(%arg15 : memref<256x16xf32, #tpu.memory_space<vmem>>) target(%dma_start3A_401 : memref<50008x16xf32, #tpu.memory_space<vmem_shared>>) offsets(%dma_start3A_398 : memref<256xi32, #tpu.memory_space<vmem>>) semaphore(%arg27 : memref<!tpu.dma_semaphore, #tpu.memory_space<semaphore_mem>>) {add = true}
      %dma_wait3A_402 = arith.constant 1 : i32
      %dma_wait3A_403 = arith.constant 0 : i32
      %dma_wait3A_404 = tpu.memref_slice %arg14[%dma_wait3A_402, %dma_wait3A_403] : memref<4x256xi32, #tpu.memory_space<vmem>> -> memref<1x256xi32, #tpu.memory_space<vmem>>
      %dma_wait3A_405 = tpu.memref_squeeze %dma_wait3A_404 : memref<1x256xi32, #tpu.memory_space<vmem>> -> memref<256xi32, #tpu.memory_space<vmem>>
      %dma_wait3A_406 = arith.constant 0 : i32
      %dma_wait3A_407 = arith.constant 0 : i32
      %dma_wait3A_408 = tpu.memref_slice %arg12[%dma_wait3A_406, %dma_wait3A_407] : memref<50008x16xf32, #tpu.memory_space<vmem_shared>> -> memref<50008x16xf32, #tpu.memory_space<vmem_shared>>
      tpu.wait_indirect_dma semaphore(%arg28 : memref<!tpu.dma_semaphore, #tpu.memory_space<semaphore_mem>>) src(%arg16 : memref<256x16xf32, #tpu.memory_space<vmem>>) dst(%dma_wait3A_408 : memref<50008x16xf32, #tpu.memory_space<vmem_shared>>)
      %dma_wait3A_409 = arith.constant 2 : i32
      %dma_wait3A_410 = arith.constant 0 : i32
      %dma_wait3A_411 = tpu.memref_slice %arg14[%dma_wait3A_409, %dma_wait3A_410] : memref<4x256xi32, #tpu.memory_space<vmem>> -> memref<1x256xi32, #tpu.memory_space<vmem>>
      %dma_wait3A_412 = tpu.memref_squeeze %dma_wait3A_411 : memref<1x256xi32, #tpu.memory_space<vmem>> -> memref<256xi32, #tpu.memory_space<vmem>>
      %dma_wait3A_413 = arith.constant 0 : i32
      %dma_wait3A_414 = arith.constant 0 : i32
      %dma_wait3A_415 = tpu.memref_slice %arg12[%dma_wait3A_413, %dma_wait3A_414] : memref<50008x16xf32, #tpu.memory_space<vmem_shared>> -> memref<50008x16xf32, #tpu.memory_space<vmem_shared>>
      tpu.wait_indirect_dma semaphore(%arg29 : memref<!tpu.dma_semaphore, #tpu.memory_space<semaphore_mem>>) src(%arg17 : memref<256x16xf32, #tpu.memory_space<vmem>>) dst(%dma_wait3A_415 : memref<50008x16xf32, #tpu.memory_space<vmem_shared>>)
      %dma_wait3A_416 = arith.constant 3 : i32
      %dma_wait3A_417 = arith.constant 0 : i32
      %dma_wait3A_418 = tpu.memref_slice %arg14[%dma_wait3A_416, %dma_wait3A_417] : memref<4x256xi32, #tpu.memory_space<vmem>> -> memref<1x256xi32, #tpu.memory_space<vmem>>
      %dma_wait3A_419 = tpu.memref_squeeze %dma_wait3A_418 : memref<1x256xi32, #tpu.memory_space<vmem>> -> memref<256xi32, #tpu.memory_space<vmem>>
      %dma_wait3A_420 = arith.constant 0 : i32
      %dma_wait3A_421 = arith.constant 0 : i32
      %dma_wait3A_422 = tpu.memref_slice %arg12[%dma_wait3A_420, %dma_wait3A_421] : memref<50008x16xf32, #tpu.memory_space<vmem_shared>> -> memref<50008x16xf32, #tpu.memory_space<vmem_shared>>
      tpu.wait_indirect_dma semaphore(%arg27 : memref<!tpu.dma_semaphore, #tpu.memory_space<semaphore_mem>>) src(%arg15 : memref<256x16xf32, #tpu.memory_space<vmem>>) dst(%dma_wait3A_422 : memref<50008x16xf32, #tpu.memory_space<vmem_shared>>)
    }
    %scan3A_98 = arith.constant 50 : i32
    %barrier3A_99 = arith.constant 0 : index
    tpu.barrier barrier_id(%barrier3A_99)
    %add3A_100 = arith.constant 0 : i32
    %add3A_101 = arith.addi %mul3A_4, %add3A_100 : i32
    %mul3A_102 = arith.constant 2 : i32
    %mul3A_103 = arith.muli %mul3A_102, %arg0 : i32
    %add3A_104 = arith.constant 1 : i32
    %add3A_105 = arith.addi %mul3A_103, %add3A_104 : i32
    %mul3A_106 = arith.constant 16 : i32
    %mul3A_107 = arith.muli %add3A_105, %mul3A_106 : i32
    %add3A_108 = arith.constant 50000 : i32
    %add3A_109 = arith.addi %mul3A_4, %add3A_108 : i32
    %mul3A_110 = arith.constant 2 : i32
    %mul3A_111 = arith.muli %mul3A_110, %arg0 : i32
    %add3A_112 = arith.constant 1 : i32
    %add3A_113 = arith.addi %mul3A_111, %add3A_112 : i32
    %mul3A_114 = arith.constant 16 : i32
    %mul3A_115 = arith.muli %add3A_113, %mul3A_114 : i32
    %mul3A_116 = arith.constant 3125 : i32
    %mul3A_117 = arith.muli %arg1, %mul3A_116 : i32
    %add3A_118 = arith.addi %add3A_101, %mul3A_117 : i32
    %dma_start3A_119 = arith.constant 0 : i32
    %dma_start3A_120 = tpu.memref_slice %arg11[%mul3A_117, %dma_start3A_119] : memref<50000x16xf32, #tpu.memory_space<vmem_shared>> -> memref<3125x16xf32, #tpu.memory_space<vmem_shared>>
    %dma_start3A_121 = arith.constant 0 : i32
    %dma_start3A_122 = tpu.memref_slice %arg7[%add3A_118, %dma_start3A_121] : memref<200000x16xf32, #tpu.memory_space<hbm>> -> memref<3125x16xf32, #tpu.memory_space<hbm>>
    tpu.enqueue_dma source(%dma_start3A_122 : memref<3125x16xf32, #tpu.memory_space<hbm>>) target(%dma_start3A_120 : memref<3125x16xf32, #tpu.memory_space<vmem_shared>>) target_semaphore(%arg24 : memref<!tpu.dma_semaphore, #tpu.memory_space<semaphore_mem>>)
    %scan3A_123 = arith.constant 0 : i32
    %scan3A_124 = arith.constant 250 : i32
    %scan3A_125 = arith.addi %scan3A_123, %scan3A_124 : i32
    %scan3A_126 = arith.constant 1 : i32
    scf.for %scan3A_285 = %scan3A_123 to %scan3A_125 step %scan3A_126  : i32 {
      %mul3A_286 = arith.constant 1 : i32
      %mul3A_287 = arith.muli %scan3A_285, %mul3A_286 : i32
      %add3A_288 = arith.constant 0 : i32
      %add3A_289 = arith.addi %add3A_288, %mul3A_287 : i32
      %swap3A = arith.index_cast %add3A_289 : i32 to index
      %swap3A_290 = arith.constant 0 : index
      %swap3A_291 = tpu.vector_load %arg21[%swap3A, %swap3A_290] {strides = array<i32>} : memref<250x16xf32, #tpu.memory_space<vmem>>, vector<1x16xf32>,
      %swap3A_292 = vector.shape_cast %swap3A_291 : vector<1x16xf32> to vector<16xf32>
      %swap3A_293 = vector.shape_cast %broadcast_in_dim3A_5 : vector<16xf32> to vector<1x16xf32>
      tpu.vector_store %arg21[%swap3A, %swap3A_290], %swap3A_293 {strides = array<i32>} : memref<250x16xf32, #tpu.memory_space<vmem>>, vector<1x16xf32>,
    }
    %scan3A_127 = arith.constant 250 : i32
    %scan3A_128 = arith.constant 0 : i32
    %scan3A_129 = arith.constant 13 : i32
    %scan3A_130 = arith.addi %scan3A_128, %scan3A_129 : i32
    %scan3A_131 = arith.constant 1 : i32
    scf.for %scan3A_285 = %scan3A_128 to %scan3A_130 step %scan3A_131  : i32 {
      %mul3A_286 = arith.constant 1 : i32
      %mul3A_287 = arith.muli %scan3A_285, %mul3A_286 : i32
      %add3A_288 = arith.constant 0 : i32
      %add3A_289 = arith.addi %add3A_288, %mul3A_287 : i32
      %mul3A_290 = arith.constant 16 : i32
      %mul3A_291 = arith.muli %add3A_289, %mul3A_290 : i32
      %add3A_292 = arith.addi %mul3A_291, %arg1 : i32
      %lt3A = arith.constant 200 : i32
      %lt3A_293 = arith.cmpi slt, %add3A_292, %lt3A : i32
      %convert_element_type3A = arith.extui %lt3A_293 : i1 to i32
      %cond3A = arith.constant 0 : i32
      %cond3A_294 = arith.cmpi ne, %convert_element_type3A, %cond3A : i32
      scf.if %cond3A_294 {
        %mul3A_295 = arith.constant 250 : i32
        %mul3A_296 = arith.muli %add3A_292, %mul3A_295 : i32
        %dma_start3A_297 = tpu.memref_slice %arg4[%mul3A_296, %mul3A_107] : memref<50000x64xf32, #tpu.memory_space<hbm>> -> memref<250x16xf32, #tpu.memory_space<hbm>>
        %dma_start3A_298 = tpu.memref_slice %arg4[%mul3A_296, %mul3A_107] : memref<50000x64xf32, #tpu.memory_space<hbm>> -> memref<250x16xf32, #tpu.memory_space<hbm>>
        tpu.enqueue_dma source(%dma_start3A_298 : memref<250x16xf32, #tpu.memory_space<hbm>>) target(%arg19 : memref<250x16xf32, #tpu.memory_space<vmem>>) target_semaphore(%arg22 : memref<!tpu.dma_semaphore, #tpu.memory_space<semaphore_mem>>)
        %add3A_299 = arith.addi %mul3A_0, %mul3A_296 : i32
        %dma_start3A_300 = arith.constant 0 : i32
        %dma_start3A_301 = tpu.memref_slice %arg10[%add3A_299, %dma_start3A_300] : memref<100000x16xf32, #tpu.memory_space<hbm>> -> memref<250x16xf32, #tpu.memory_space<hbm>>
        %dma_start3A_302 = arith.constant 0 : i32
        %dma_start3A_303 = tpu.memref_slice %arg10[%add3A_299, %dma_start3A_302] : memref<100000x16xf32, #tpu.memory_space<hbm>> -> memref<250x16xf32, #tpu.memory_space<hbm>>
        tpu.enqueue_dma source(%dma_start3A_303 : memref<250x16xf32, #tpu.memory_space<hbm>>) target(%arg20 : memref<250x16xf32, #tpu.memory_space<vmem>>) target_semaphore(%arg23 : memref<!tpu.dma_semaphore, #tpu.memory_space<semaphore_mem>>)
        "tpu.region"() ({
          %run_scoped3A = tpu.sem_alloc : memref<!tpu.dma_semaphore, #tpu.memory_space<semaphore_mem>>
          %dma_start3A_333 = arith.constant 0 : i32
          %dma_start3A_334 = tpu.memref_slice %arg12[%mul3A_296, %dma_start3A_333] : memref<50008x16xf32, #tpu.memory_space<vmem_shared>> -> memref<250x16xf32, #tpu.memory_space<vmem_shared>>
          %dma_start3A_335 = arith.constant 0 : i32
          %dma_start3A_336 = tpu.memref_slice %arg12[%mul3A_296, %dma_start3A_335] : memref<50008x16xf32, #tpu.memory_space<vmem_shared>> -> memref<250x16xf32, #tpu.memory_space<vmem_shared>>
          tpu.enqueue_dma source(%dma_start3A_336 : memref<250x16xf32, #tpu.memory_space<vmem_shared>>) target(%arg18 : memref<250x16xf32, #tpu.memory_space<vmem>>) target_semaphore(%run_scoped3A : memref<!tpu.dma_semaphore, #tpu.memory_space<semaphore_mem>>)
          %dma_wait3A_337 = arith.constant 0 : i32
          %dma_wait3A_338 = tpu.memref_slice %arg12[%mul3A_296, %dma_wait3A_337] : memref<50008x16xf32, #tpu.memory_space<vmem_shared>> -> memref<250x16xf32, #tpu.memory_space<vmem_shared>>
          %dma_wait3A_339 = arith.constant 0 : i32
          %dma_wait3A_340 = tpu.memref_slice %arg12[%mul3A_296, %dma_wait3A_339] : memref<50008x16xf32, #tpu.memory_space<vmem_shared>> -> memref<250x16xf32, #tpu.memory_space<vmem_shared>>
          tpu.wait_dma2 semaphore(%run_scoped3A : memref<!tpu.dma_semaphore, #tpu.memory_space<semaphore_mem>>) src(%dma_wait3A_340 : memref<250x16xf32, #tpu.memory_space<vmem_shared>>) dst(%arg18 : memref<250x16xf32, #tpu.memory_space<vmem>>)
          tpu.yield
        }) : () -> ()
        "tpu.region"() ({
          %run_scoped3A = tpu.sem_alloc : memref<!tpu.dma_semaphore, #tpu.memory_space<semaphore_mem>>
          %dma_start3A_333 = arith.constant 0 : i32
          %dma_start3A_334 = tpu.memref_slice %arg12[%mul3A_296, %dma_start3A_333] : memref<50008x16xf32, #tpu.memory_space<vmem_shared>> -> memref<250x16xf32, #tpu.memory_space<vmem_shared>>
          %dma_start3A_335 = arith.constant 0 : i32
          %dma_start3A_336 = tpu.memref_slice %arg12[%mul3A_296, %dma_start3A_335] : memref<50008x16xf32, #tpu.memory_space<vmem_shared>> -> memref<250x16xf32, #tpu.memory_space<vmem_shared>>
          tpu.enqueue_dma source(%arg21 : memref<250x16xf32, #tpu.memory_space<vmem>>) target(%dma_start3A_336 : memref<250x16xf32, #tpu.memory_space<vmem_shared>>) target_semaphore(%run_scoped3A : memref<!tpu.dma_semaphore, #tpu.memory_space<semaphore_mem>>)
          %dma_wait3A_337 = arith.constant 0 : i32
          %dma_wait3A_338 = tpu.memref_slice %arg12[%mul3A_296, %dma_wait3A_337] : memref<50008x16xf32, #tpu.memory_space<vmem_shared>> -> memref<250x16xf32, #tpu.memory_space<vmem_shared>>
          %dma_wait3A_339 = arith.constant 0 : i32
          %dma_wait3A_340 = tpu.memref_slice %arg12[%mul3A_296, %dma_wait3A_339] : memref<50008x16xf32, #tpu.memory_space<vmem_shared>> -> memref<250x16xf32, #tpu.memory_space<vmem_shared>>
          tpu.wait_dma2 semaphore(%run_scoped3A : memref<!tpu.dma_semaphore, #tpu.memory_space<semaphore_mem>>) src(%arg21 : memref<250x16xf32, #tpu.memory_space<vmem>>) dst(%dma_wait3A_340 : memref<250x16xf32, #tpu.memory_space<vmem_shared>>)
          tpu.yield
        }) : () -> ()
        %dma_wait3A_304 = tpu.memref_slice %arg4[%mul3A_296, %mul3A_107] : memref<50000x64xf32, #tpu.memory_space<hbm>> -> memref<250x16xf32, #tpu.memory_space<hbm>>
        %dma_wait3A_305 = tpu.memref_slice %arg4[%mul3A_296, %mul3A_107] : memref<50000x64xf32, #tpu.memory_space<hbm>> -> memref<250x16xf32, #tpu.memory_space<hbm>>
        tpu.wait_dma2 semaphore(%arg22 : memref<!tpu.dma_semaphore, #tpu.memory_space<semaphore_mem>>) src(%dma_wait3A_305 : memref<250x16xf32, #tpu.memory_space<hbm>>) dst(%arg19 : memref<250x16xf32, #tpu.memory_space<vmem>>)
        %dma_wait3A_306 = arith.constant 0 : i32
        %dma_wait3A_307 = tpu.memref_slice %arg10[%add3A_299, %dma_wait3A_306] : memref<100000x16xf32, #tpu.memory_space<hbm>> -> memref<250x16xf32, #tpu.memory_space<hbm>>
        %dma_wait3A_308 = arith.constant 0 : i32
        %dma_wait3A_309 = tpu.memref_slice %arg10[%add3A_299, %dma_wait3A_308] : memref<100000x16xf32, #tpu.memory_space<hbm>> -> memref<250x16xf32, #tpu.memory_space<hbm>>
        tpu.wait_dma2 semaphore(%arg23 : memref<!tpu.dma_semaphore, #tpu.memory_space<semaphore_mem>>) src(%dma_wait3A_309 : memref<250x16xf32, #tpu.memory_space<hbm>>) dst(%arg20 : memref<250x16xf32, #tpu.memory_space<vmem>>)
        %scan3A_310 = arith.constant 0 : i32
        %scan3A_311 = arith.constant 50 : i32
        %scan3A_312 = arith.addi %scan3A_310, %scan3A_311 : i32
        %scan3A_313 = arith.constant 1 : i32
        scf.for %scan3A_333 = %scan3A_310 to %scan3A_312 step %scan3A_313  : i32 {
          %mul3A_334 = arith.constant 5 : i32
          %mul3A_335 = arith.muli %scan3A_333, %mul3A_334 : i32
          %add3A_336 = arith.constant 0 : i32
          %add3A_337 = arith.addi %add3A_336, %mul3A_335 : i32
          %add3A_338 = arith.constant 0 : i32
          %add3A_339 = arith.addi %add3A_337, %add3A_338 : i32
          %get3A = arith.index_cast %add3A_339 : i32 to index
          %get3A_340 = arith.constant 0 : index
          %get3A_341 = tpu.vector_load %arg18[%get3A, %get3A_340] {strides = array<i32>} : memref<250x16xf32, #tpu.memory_space<vmem>>, vector<1x16xf32>,
          %get3A_342 = vector.shape_cast %get3A_341 : vector<1x16xf32> to vector<16xf32>
          %add3A_343 = arith.constant 0 : i32
          %add3A_344 = arith.addi %add3A_337, %add3A_343 : i32
          %get3A_345 = arith.index_cast %add3A_344 : i32 to index
          %get3A_346 = arith.constant 0 : index
          %get3A_347 = tpu.vector_load %arg20[%get3A_345, %get3A_346] {strides = array<i32>} : memref<250x16xf32, #tpu.memory_space<vmem>>, vector<1x16xf32>,
          %get3A_348 = vector.shape_cast %get3A_347 : vector<1x16xf32> to vector<16xf32>
          %mul3A_349 = arith.mulf %get3A_342, %get3A_348 : vector<16xf32>
          %add3A_350 = arith.constant 0 : i32
          %add3A_351 = arith.addi %add3A_337, %add3A_350 : i32
          %get3A_352 = arith.index_cast %add3A_351 : i32 to index
          %get3A_353 = arith.constant 0 : index
          %get3A_354 = tpu.vector_load %arg19[%get3A_352, %get3A_353] {strides = array<i32>} : memref<250x16xf32, #tpu.memory_space<vmem>>, vector<1x16xf32>,
          %get3A_355 = vector.shape_cast %get3A_354 : vector<1x16xf32> to vector<16xf32>
          %add3A_356 = arith.addf %get3A_355, %mul3A_349 : vector<16xf32>
          %add3A_357 = arith.constant 0 : i32
          %add3A_358 = arith.addi %add3A_337, %add3A_357 : i32
          %swap3A = arith.index_cast %add3A_358 : i32 to index
          %swap3A_359 = arith.constant 0 : index
          %swap3A_360 = tpu.vector_load %arg18[%swap3A, %swap3A_359] {strides = array<i32>} : memref<250x16xf32, #tpu.memory_space<vmem>>, vector<1x16xf32>,
          %swap3A_361 = vector.shape_cast %swap3A_360 : vector<1x16xf32> to vector<16xf32>
          %swap3A_362 = vector.shape_cast %mul3A_349 : vector<16xf32> to vector<1x16xf32>
          tpu.vector_store %arg18[%swap3A, %swap3A_359], %swap3A_362 {strides = array<i32>} : memref<250x16xf32, #tpu.memory_space<vmem>>, vector<1x16xf32>,
          %add3A_363 = arith.constant 0 : i32
          %add3A_364 = arith.addi %add3A_337, %add3A_363 : i32
          %swap3A_365 = arith.index_cast %add3A_364 : i32 to index
          %swap3A_366 = arith.constant 0 : index
          %swap3A_367 = tpu.vector_load %arg19[%swap3A_365, %swap3A_366] {strides = array<i32>} : memref<250x16xf32, #tpu.memory_space<vmem>>, vector<1x16xf32>,
          %swap3A_368 = vector.shape_cast %swap3A_367 : vector<1x16xf32> to vector<16xf32>
          %swap3A_369 = vector.shape_cast %add3A_356 : vector<16xf32> to vector<1x16xf32>
          tpu.vector_store %arg19[%swap3A_365, %swap3A_366], %swap3A_369 {strides = array<i32>} : memref<250x16xf32, #tpu.memory_space<vmem>>, vector<1x16xf32>,
          %add3A_370 = arith.constant 1 : i32
          %add3A_371 = arith.addi %add3A_337, %add3A_370 : i32
          %get3A_372 = arith.index_cast %add3A_371 : i32 to index
          %get3A_373 = arith.constant 0 : index
          %get3A_374 = tpu.vector_load %arg18[%get3A_372, %get3A_373] {strides = array<i32>} : memref<250x16xf32, #tpu.memory_space<vmem>>, vector<1x16xf32>,
          %get3A_375 = vector.shape_cast %get3A_374 : vector<1x16xf32> to vector<16xf32>
          %add3A_376 = arith.constant 1 : i32
          %add3A_377 = arith.addi %add3A_337, %add3A_376 : i32
          %get3A_378 = arith.index_cast %add3A_377 : i32 to index
          %get3A_379 = arith.constant 0 : index
          %get3A_380 = tpu.vector_load %arg20[%get3A_378, %get3A_379] {strides = array<i32>} : memref<250x16xf32, #tpu.memory_space<vmem>>, vector<1x16xf32>,
          %get3A_381 = vector.shape_cast %get3A_380 : vector<1x16xf32> to vector<16xf32>
          %mul3A_382 = arith.mulf %get3A_375, %get3A_381 : vector<16xf32>
          %add3A_383 = arith.constant 1 : i32
          %add3A_384 = arith.addi %add3A_337, %add3A_383 : i32
          %get3A_385 = arith.index_cast %add3A_384 : i32 to index
          %get3A_386 = arith.constant 0 : index
          %get3A_387 = tpu.vector_load %arg19[%get3A_385, %get3A_386] {strides = array<i32>} : memref<250x16xf32, #tpu.memory_space<vmem>>, vector<1x16xf32>,
          %get3A_388 = vector.shape_cast %get3A_387 : vector<1x16xf32> to vector<16xf32>
          %add3A_389 = arith.addf %get3A_388, %mul3A_382 : vector<16xf32>
          %add3A_390 = arith.constant 1 : i32
          %add3A_391 = arith.addi %add3A_337, %add3A_390 : i32
          %swap3A_392 = arith.index_cast %add3A_391 : i32 to index
          %swap3A_393 = arith.constant 0 : index
          %swap3A_394 = tpu.vector_load %arg18[%swap3A_392, %swap3A_393] {strides = array<i32>} : memref<250x16xf32, #tpu.memory_space<vmem>>, vector<1x16xf32>,
          %swap3A_395 = vector.shape_cast %swap3A_394 : vector<1x16xf32> to vector<16xf32>
          %swap3A_396 = vector.shape_cast %mul3A_382 : vector<16xf32> to vector<1x16xf32>
          tpu.vector_store %arg18[%swap3A_392, %swap3A_393], %swap3A_396 {strides = array<i32>} : memref<250x16xf32, #tpu.memory_space<vmem>>, vector<1x16xf32>,
          %add3A_397 = arith.constant 1 : i32
          %add3A_398 = arith.addi %add3A_337, %add3A_397 : i32
          %swap3A_399 = arith.index_cast %add3A_398 : i32 to index
          %swap3A_400 = arith.constant 0 : index
          %swap3A_401 = tpu.vector_load %arg19[%swap3A_399, %swap3A_400] {strides = array<i32>} : memref<250x16xf32, #tpu.memory_space<vmem>>, vector<1x16xf32>,
          %swap3A_402 = vector.shape_cast %swap3A_401 : vector<1x16xf32> to vector<16xf32>
          %swap3A_403 = vector.shape_cast %add3A_389 : vector<16xf32> to vector<1x16xf32>
          tpu.vector_store %arg19[%swap3A_399, %swap3A_400], %swap3A_403 {strides = array<i32>} : memref<250x16xf32, #tpu.memory_space<vmem>>, vector<1x16xf32>,
          %add3A_404 = arith.constant 2 : i32
          %add3A_405 = arith.addi %add3A_337, %add3A_404 : i32
          %get3A_406 = arith.index_cast %add3A_405 : i32 to index
          %get3A_407 = arith.constant 0 : index
          %get3A_408 = tpu.vector_load %arg18[%get3A_406, %get3A_407] {strides = array<i32>} : memref<250x16xf32, #tpu.memory_space<vmem>>, vector<1x16xf32>,
          %get3A_409 = vector.shape_cast %get3A_408 : vector<1x16xf32> to vector<16xf32>
          %add3A_410 = arith.constant 2 : i32
          %add3A_411 = arith.addi %add3A_337, %add3A_410 : i32
          %get3A_412 = arith.index_cast %add3A_411 : i32 to index
          %get3A_413 = arith.constant 0 : index
          %get3A_414 = tpu.vector_load %arg20[%get3A_412, %get3A_413] {strides = array<i32>} : memref<250x16xf32, #tpu.memory_space<vmem>>, vector<1x16xf32>,
          %get3A_415 = vector.shape_cast %get3A_414 : vector<1x16xf32> to vector<16xf32>
          %mul3A_416 = arith.mulf %get3A_409, %get3A_415 : vector<16xf32>
          %add3A_417 = arith.constant 2 : i32
          %add3A_418 = arith.addi %add3A_337, %add3A_417 : i32
          %get3A_419 = arith.index_cast %add3A_418 : i32 to index
          %get3A_420 = arith.constant 0 : index
          %get3A_421 = tpu.vector_load %arg19[%get3A_419, %get3A_420] {strides = array<i32>} : memref<250x16xf32, #tpu.memory_space<vmem>>, vector<1x16xf32>,
          %get3A_422 = vector.shape_cast %get3A_421 : vector<1x16xf32> to vector<16xf32>
          %add3A_423 = arith.addf %get3A_422, %mul3A_416 : vector<16xf32>
          %add3A_424 = arith.constant 2 : i32
          %add3A_425 = arith.addi %add3A_337, %add3A_424 : i32
          %swap3A_426 = arith.index_cast %add3A_425 : i32 to index
          %swap3A_427 = arith.constant 0 : index
          %swap3A_428 = tpu.vector_load %arg18[%swap3A_426, %swap3A_427] {strides = array<i32>} : memref<250x16xf32, #tpu.memory_space<vmem>>, vector<1x16xf32>,
          %swap3A_429 = vector.shape_cast %swap3A_428 : vector<1x16xf32> to vector<16xf32>
          %swap3A_430 = vector.shape_cast %mul3A_416 : vector<16xf32> to vector<1x16xf32>
          tpu.vector_store %arg18[%swap3A_426, %swap3A_427], %swap3A_430 {strides = array<i32>} : memref<250x16xf32, #tpu.memory_space<vmem>>, vector<1x16xf32>,
          %add3A_431 = arith.constant 2 : i32
          %add3A_432 = arith.addi %add3A_337, %add3A_431 : i32
          %swap3A_433 = arith.index_cast %add3A_432 : i32 to index
          %swap3A_434 = arith.constant 0 : index
          %swap3A_435 = tpu.vector_load %arg19[%swap3A_433, %swap3A_434] {strides = array<i32>} : memref<250x16xf32, #tpu.memory_space<vmem>>, vector<1x16xf32>,
          %swap3A_436 = vector.shape_cast %swap3A_435 : vector<1x16xf32> to vector<16xf32>
          %swap3A_437 = vector.shape_cast %add3A_423 : vector<16xf32> to vector<1x16xf32>
          tpu.vector_store %arg19[%swap3A_433, %swap3A_434], %swap3A_437 {strides = array<i32>} : memref<250x16xf32, #tpu.memory_space<vmem>>, vector<1x16xf32>,
          %add3A_438 = arith.constant 3 : i32
          %add3A_439 = arith.addi %add3A_337, %add3A_438 : i32
          %get3A_440 = arith.index_cast %add3A_439 : i32 to index
          %get3A_441 = arith.constant 0 : index
          %get3A_442 = tpu.vector_load %arg18[%get3A_440, %get3A_441] {strides = array<i32>} : memref<250x16xf32, #tpu.memory_space<vmem>>, vector<1x16xf32>,
          %get3A_443 = vector.shape_cast %get3A_442 : vector<1x16xf32> to vector<16xf32>
          %add3A_444 = arith.constant 3 : i32
          %add3A_445 = arith.addi %add3A_337, %add3A_444 : i32
          %get3A_446 = arith.index_cast %add3A_445 : i32 to index
          %get3A_447 = arith.constant 0 : index
          %get3A_448 = tpu.vector_load %arg20[%get3A_446, %get3A_447] {strides = array<i32>} : memref<250x16xf32, #tpu.memory_space<vmem>>, vector<1x16xf32>,
          %get3A_449 = vector.shape_cast %get3A_448 : vector<1x16xf32> to vector<16xf32>
          %mul3A_450 = arith.mulf %get3A_443, %get3A_449 : vector<16xf32>
          %add3A_451 = arith.constant 3 : i32
          %add3A_452 = arith.addi %add3A_337, %add3A_451 : i32
          %get3A_453 = arith.index_cast %add3A_452 : i32 to index
          %get3A_454 = arith.constant 0 : index
          %get3A_455 = tpu.vector_load %arg19[%get3A_453, %get3A_454] {strides = array<i32>} : memref<250x16xf32, #tpu.memory_space<vmem>>, vector<1x16xf32>,
          %get3A_456 = vector.shape_cast %get3A_455 : vector<1x16xf32> to vector<16xf32>
          %add3A_457 = arith.addf %get3A_456, %mul3A_450 : vector<16xf32>
          %add3A_458 = arith.constant 3 : i32
          %add3A_459 = arith.addi %add3A_337, %add3A_458 : i32
          %swap3A_460 = arith.index_cast %add3A_459 : i32 to index
          %swap3A_461 = arith.constant 0 : index
          %swap3A_462 = tpu.vector_load %arg18[%swap3A_460, %swap3A_461] {strides = array<i32>} : memref<250x16xf32, #tpu.memory_space<vmem>>, vector<1x16xf32>,
          %swap3A_463 = vector.shape_cast %swap3A_462 : vector<1x16xf32> to vector<16xf32>
          %swap3A_464 = vector.shape_cast %mul3A_450 : vector<16xf32> to vector<1x16xf32>
          tpu.vector_store %arg18[%swap3A_460, %swap3A_461], %swap3A_464 {strides = array<i32>} : memref<250x16xf32, #tpu.memory_space<vmem>>, vector<1x16xf32>,
          %add3A_465 = arith.constant 3 : i32
          %add3A_466 = arith.addi %add3A_337, %add3A_465 : i32
          %swap3A_467 = arith.index_cast %add3A_466 : i32 to index
          %swap3A_468 = arith.constant 0 : index
          %swap3A_469 = tpu.vector_load %arg19[%swap3A_467, %swap3A_468] {strides = array<i32>} : memref<250x16xf32, #tpu.memory_space<vmem>>, vector<1x16xf32>,
          %swap3A_470 = vector.shape_cast %swap3A_469 : vector<1x16xf32> to vector<16xf32>
          %swap3A_471 = vector.shape_cast %add3A_457 : vector<16xf32> to vector<1x16xf32>
          tpu.vector_store %arg19[%swap3A_467, %swap3A_468], %swap3A_471 {strides = array<i32>} : memref<250x16xf32, #tpu.memory_space<vmem>>, vector<1x16xf32>,
          %add3A_472 = arith.constant 4 : i32
          %add3A_473 = arith.addi %add3A_337, %add3A_472 : i32
          %get3A_474 = arith.index_cast %add3A_473 : i32 to index
          %get3A_475 = arith.constant 0 : index
          %get3A_476 = tpu.vector_load %arg18[%get3A_474, %get3A_475] {strides = array<i32>} : memref<250x16xf32, #tpu.memory_space<vmem>>, vector<1x16xf32>,
          %get3A_477 = vector.shape_cast %get3A_476 : vector<1x16xf32> to vector<16xf32>
          %add3A_478 = arith.constant 4 : i32
          %add3A_479 = arith.addi %add3A_337, %add3A_478 : i32
          %get3A_480 = arith.index_cast %add3A_479 : i32 to index
          %get3A_481 = arith.constant 0 : index
          %get3A_482 = tpu.vector_load %arg20[%get3A_480, %get3A_481] {strides = array<i32>} : memref<250x16xf32, #tpu.memory_space<vmem>>, vector<1x16xf32>,
          %get3A_483 = vector.shape_cast %get3A_482 : vector<1x16xf32> to vector<16xf32>
          %mul3A_484 = arith.mulf %get3A_477, %get3A_483 : vector<16xf32>
          %add3A_485 = arith.constant 4 : i32
          %add3A_486 = arith.addi %add3A_337, %add3A_485 : i32
          %get3A_487 = arith.index_cast %add3A_486 : i32 to index
          %get3A_488 = arith.constant 0 : index
          %get3A_489 = tpu.vector_load %arg19[%get3A_487, %get3A_488] {strides = array<i32>} : memref<250x16xf32, #tpu.memory_space<vmem>>, vector<1x16xf32>,
          %get3A_490 = vector.shape_cast %get3A_489 : vector<1x16xf32> to vector<16xf32>
          %add3A_491 = arith.addf %get3A_490, %mul3A_484 : vector<16xf32>
          %add3A_492 = arith.constant 4 : i32
          %add3A_493 = arith.addi %add3A_337, %add3A_492 : i32
          %swap3A_494 = arith.index_cast %add3A_493 : i32 to index
          %swap3A_495 = arith.constant 0 : index
          %swap3A_496 = tpu.vector_load %arg18[%swap3A_494, %swap3A_495] {strides = array<i32>} : memref<250x16xf32, #tpu.memory_space<vmem>>, vector<1x16xf32>,
          %swap3A_497 = vector.shape_cast %swap3A_496 : vector<1x16xf32> to vector<16xf32>
          %swap3A_498 = vector.shape_cast %mul3A_484 : vector<16xf32> to vector<1x16xf32>
          tpu.vector_store %arg18[%swap3A_494, %swap3A_495], %swap3A_498 {strides = array<i32>} : memref<250x16xf32, #tpu.memory_space<vmem>>, vector<1x16xf32>,
          %add3A_499 = arith.constant 4 : i32
          %add3A_500 = arith.addi %add3A_337, %add3A_499 : i32
          %swap3A_501 = arith.index_cast %add3A_500 : i32 to index
          %swap3A_502 = arith.constant 0 : index
          %swap3A_503 = tpu.vector_load %arg19[%swap3A_501, %swap3A_502] {strides = array<i32>} : memref<250x16xf32, #tpu.memory_space<vmem>>, vector<1x16xf32>,
          %swap3A_504 = vector.shape_cast %swap3A_503 : vector<1x16xf32> to vector<16xf32>
          %swap3A_505 = vector.shape_cast %add3A_491 : vector<16xf32> to vector<1x16xf32>
          tpu.vector_store %arg19[%swap3A_501, %swap3A_502], %swap3A_505 {strides = array<i32>} : memref<250x16xf32, #tpu.memory_space<vmem>>, vector<1x16xf32>,
        }
        %scan3A_314 = arith.constant 50 : i32
        %add3A_315 = arith.addi %add3A_109, %mul3A_296 : i32
        %dma_start3A_316 = arith.constant 0 : i32
        %dma_start3A_317 = tpu.memref_slice %arg7[%add3A_315, %dma_start3A_316] : memref<200000x16xf32, #tpu.memory_space<hbm>> -> memref<250x16xf32, #tpu.memory_space<hbm>>
        %dma_start3A_318 = arith.constant 0 : i32
        %dma_start3A_319 = tpu.memref_slice %arg7[%add3A_315, %dma_start3A_318] : memref<200000x16xf32, #tpu.memory_space<hbm>> -> memref<250x16xf32, #tpu.memory_space<hbm>>
        tpu.enqueue_dma source(%arg18 : memref<250x16xf32, #tpu.memory_space<vmem>>) target(%dma_start3A_319 : memref<250x16xf32, #tpu.memory_space<hbm>>) target_semaphore(%arg28 : memref<!tpu.dma_semaphore, #tpu.memory_space<semaphore_mem>>)
        %add3A_320 = arith.addi %add3A_109, %mul3A_296 : i32
        %dma_start3A_321 = arith.constant 0 : i32
        %dma_start3A_322 = tpu.memref_slice %arg9[%add3A_320, %dma_start3A_321] : memref<200000x16xf32, #tpu.memory_space<hbm>> -> memref<250x16xf32, #tpu.memory_space<hbm>>
        %dma_start3A_323 = arith.constant 0 : i32
        %dma_start3A_324 = tpu.memref_slice %arg9[%add3A_320, %dma_start3A_323] : memref<200000x16xf32, #tpu.memory_space<hbm>> -> memref<250x16xf32, #tpu.memory_space<hbm>>
        tpu.enqueue_dma source(%arg19 : memref<250x16xf32, #tpu.memory_space<vmem>>) target(%dma_start3A_324 : memref<250x16xf32, #tpu.memory_space<hbm>>) target_semaphore(%arg29 : memref<!tpu.dma_semaphore, #tpu.memory_space<semaphore_mem>>)
        %dma_wait3A_325 = arith.constant 0 : i32
        %dma_wait3A_326 = tpu.memref_slice %arg7[%add3A_315, %dma_wait3A_325] : memref<200000x16xf32, #tpu.memory_space<hbm>> -> memref<250x16xf32, #tpu.memory_space<hbm>>
        %dma_wait3A_327 = arith.constant 0 : i32
        %dma_wait3A_328 = tpu.memref_slice %arg7[%add3A_315, %dma_wait3A_327] : memref<200000x16xf32, #tpu.memory_space<hbm>> -> memref<250x16xf32, #tpu.memory_space<hbm>>
        tpu.wait_dma2 semaphore(%arg28 : memref<!tpu.dma_semaphore, #tpu.memory_space<semaphore_mem>>) src(%arg18 : memref<250x16xf32, #tpu.memory_space<vmem>>) dst(%dma_wait3A_328 : memref<250x16xf32, #tpu.memory_space<hbm>>)
        %dma_wait3A_329 = arith.constant 0 : i32
        %dma_wait3A_330 = tpu.memref_slice %arg9[%add3A_320, %dma_wait3A_329] : memref<200000x16xf32, #tpu.memory_space<hbm>> -> memref<250x16xf32, #tpu.memory_space<hbm>>
        %dma_wait3A_331 = arith.constant 0 : i32
        %dma_wait3A_332 = tpu.memref_slice %arg9[%add3A_320, %dma_wait3A_331] : memref<200000x16xf32, #tpu.memory_space<hbm>> -> memref<250x16xf32, #tpu.memory_space<hbm>>
        tpu.wait_dma2 semaphore(%arg29 : memref<!tpu.dma_semaphore, #tpu.memory_space<semaphore_mem>>) src(%arg19 : memref<250x16xf32, #tpu.memory_space<vmem>>) dst(%dma_wait3A_332 : memref<250x16xf32, #tpu.memory_space<hbm>>)
      } else {
      }
    }
    %scan3A_132 = arith.constant 13 : i32
    %dma_wait3A_133 = arith.constant 0 : i32
    %dma_wait3A_134 = tpu.memref_slice %arg11[%mul3A_117, %dma_wait3A_133] : memref<50000x16xf32, #tpu.memory_space<vmem_shared>> -> memref<3125x16xf32, #tpu.memory_space<vmem_shared>>
    %dma_wait3A_135 = arith.constant 0 : i32
    %dma_wait3A_136 = tpu.memref_slice %arg7[%add3A_118, %dma_wait3A_135] : memref<200000x16xf32, #tpu.memory_space<hbm>> -> memref<3125x16xf32, #tpu.memory_space<hbm>>
    tpu.wait_dma2 semaphore(%arg24 : memref<!tpu.dma_semaphore, #tpu.memory_space<semaphore_mem>>) src(%dma_wait3A_136 : memref<3125x16xf32, #tpu.memory_space<hbm>>) dst(%dma_wait3A_134 : memref<3125x16xf32, #tpu.memory_space<vmem_shared>>)
    %barrier3A_137 = arith.constant 0 : index
    tpu.barrier barrier_id(%barrier3A_137)
    %scan3A_138 = arith.constant 0 : i32
    %scan3A_139 = arith.constant 50 : i32
    %scan3A_140 = arith.addi %scan3A_138, %scan3A_139 : i32
    %scan3A_141 = arith.constant 1 : i32
    scf.for %scan3A_285 = %scan3A_138 to %scan3A_140 step %scan3A_141  : i32 {
      %mul3A_286 = arith.constant 1 : i32
      %mul3A_287 = arith.muli %scan3A_285, %mul3A_286 : i32
      %add3A_288 = arith.constant 0 : i32
      %add3A_289 = arith.addi %add3A_288, %mul3A_287 : i32
      %mul3A_290 = arith.constant 50 : i32
      %mul3A_291 = arith.muli %arg1, %mul3A_290 : i32
      %add3A_292 = arith.addi %mul3A_291, %add3A_289 : i32
      %mul3A_293 = arith.constant 4 : i32
      %mul3A_294 = arith.muli %add3A_292, %mul3A_293 : i32
      %dma_start3A_295 = arith.constant 0 : i32
      %dma_start3A_296 = tpu.memref_slice %arg2[%mul3A_294, %dma_start3A_295] : memref<3200x256xi32, #tpu.memory_space<hbm>> -> memref<4x256xi32, #tpu.memory_space<hbm>>
      %dma_start3A_297 = arith.constant 0 : i32
      %dma_start3A_298 = tpu.memref_slice %arg2[%mul3A_294, %dma_start3A_297] : memref<3200x256xi32, #tpu.memory_space<hbm>> -> memref<4x256xi32, #tpu.memory_space<hbm>>
      tpu.enqueue_dma source(%dma_start3A_298 : memref<4x256xi32, #tpu.memory_space<hbm>>) target(%arg13 : memref<4x256xi32, #tpu.memory_space<vmem>>) target_semaphore(%arg22 : memref<!tpu.dma_semaphore, #tpu.memory_space<semaphore_mem>>)
      %dma_start3A_299 = arith.constant 0 : i32
      %dma_start3A_300 = tpu.memref_slice %arg3[%mul3A_294, %dma_start3A_299] : memref<3200x256xi32, #tpu.memory_space<hbm>> -> memref<4x256xi32, #tpu.memory_space<hbm>>
      %dma_start3A_301 = arith.constant 0 : i32
      %dma_start3A_302 = tpu.memref_slice %arg3[%mul3A_294, %dma_start3A_301] : memref<3200x256xi32, #tpu.memory_space<hbm>> -> memref<4x256xi32, #tpu.memory_space<hbm>>
      tpu.enqueue_dma source(%dma_start3A_302 : memref<4x256xi32, #tpu.memory_space<hbm>>) target(%arg14 : memref<4x256xi32, #tpu.memory_space<vmem>>) target_semaphore(%arg23 : memref<!tpu.dma_semaphore, #tpu.memory_space<semaphore_mem>>)
      %dma_wait3A_303 = arith.constant 0 : i32
      %dma_wait3A_304 = tpu.memref_slice %arg2[%mul3A_294, %dma_wait3A_303] : memref<3200x256xi32, #tpu.memory_space<hbm>> -> memref<4x256xi32, #tpu.memory_space<hbm>>
      %dma_wait3A_305 = arith.constant 0 : i32
      %dma_wait3A_306 = tpu.memref_slice %arg2[%mul3A_294, %dma_wait3A_305] : memref<3200x256xi32, #tpu.memory_space<hbm>> -> memref<4x256xi32, #tpu.memory_space<hbm>>
      tpu.wait_dma2 semaphore(%arg22 : memref<!tpu.dma_semaphore, #tpu.memory_space<semaphore_mem>>) src(%dma_wait3A_306 : memref<4x256xi32, #tpu.memory_space<hbm>>) dst(%arg13 : memref<4x256xi32, #tpu.memory_space<vmem>>)
      %dma_wait3A_307 = arith.constant 0 : i32
      %dma_wait3A_308 = tpu.memref_slice %arg3[%mul3A_294, %dma_wait3A_307] : memref<3200x256xi32, #tpu.memory_space<hbm>> -> memref<4x256xi32, #tpu.memory_space<hbm>>
      %dma_wait3A_309 = arith.constant 0 : i32
      %dma_wait3A_310 = tpu.memref_slice %arg3[%mul3A_294, %dma_wait3A_309] : memref<3200x256xi32, #tpu.memory_space<hbm>> -> memref<4x256xi32, #tpu.memory_space<hbm>>
      tpu.wait_dma2 semaphore(%arg23 : memref<!tpu.dma_semaphore, #tpu.memory_space<semaphore_mem>>) src(%dma_wait3A_310 : memref<4x256xi32, #tpu.memory_space<hbm>>) dst(%arg14 : memref<4x256xi32, #tpu.memory_space<vmem>>)
      %dma_start3A_311 = arith.constant 0 : i32
      %dma_start3A_312 = arith.constant 0 : i32
      %dma_start3A_313 = tpu.memref_slice %arg13[%dma_start3A_311, %dma_start3A_312] : memref<4x256xi32, #tpu.memory_space<vmem>> -> memref<1x256xi32, #tpu.memory_space<vmem>>
      %dma_start3A_314 = tpu.memref_squeeze %dma_start3A_313 : memref<1x256xi32, #tpu.memory_space<vmem>> -> memref<256xi32, #tpu.memory_space<vmem>>
      %dma_start3A_315 = arith.constant 0 : i32
      %dma_start3A_316 = arith.constant 0 : i32
      %dma_start3A_317 = tpu.memref_slice %arg11[%dma_start3A_315, %dma_start3A_316] : memref<50000x16xf32, #tpu.memory_space<vmem_shared>> -> memref<50000x16xf32, #tpu.memory_space<vmem_shared>>
      tpu.enqueue_indirect_dma source(%dma_start3A_317 : memref<50000x16xf32, #tpu.memory_space<vmem_shared>>) target(%arg15 : memref<256x16xf32, #tpu.memory_space<vmem>>) offsets(%dma_start3A_314 : memref<256xi32, #tpu.memory_space<vmem>>) semaphore(%arg24 : memref<!tpu.dma_semaphore, #tpu.memory_space<semaphore_mem>>)
      %dma_start3A_318 = arith.constant 1 : i32
      %dma_start3A_319 = arith.constant 0 : i32
      %dma_start3A_320 = tpu.memref_slice %arg13[%dma_start3A_318, %dma_start3A_319] : memref<4x256xi32, #tpu.memory_space<vmem>> -> memref<1x256xi32, #tpu.memory_space<vmem>>
      %dma_start3A_321 = tpu.memref_squeeze %dma_start3A_320 : memref<1x256xi32, #tpu.memory_space<vmem>> -> memref<256xi32, #tpu.memory_space<vmem>>
      %dma_start3A_322 = arith.constant 0 : i32
      %dma_start3A_323 = arith.constant 0 : i32
      %dma_start3A_324 = tpu.memref_slice %arg11[%dma_start3A_322, %dma_start3A_323] : memref<50000x16xf32, #tpu.memory_space<vmem_shared>> -> memref<50000x16xf32, #tpu.memory_space<vmem_shared>>
      tpu.enqueue_indirect_dma source(%dma_start3A_324 : memref<50000x16xf32, #tpu.memory_space<vmem_shared>>) target(%arg16 : memref<256x16xf32, #tpu.memory_space<vmem>>) offsets(%dma_start3A_321 : memref<256xi32, #tpu.memory_space<vmem>>) semaphore(%arg25 : memref<!tpu.dma_semaphore, #tpu.memory_space<semaphore_mem>>)
      %dma_wait3A_325 = arith.constant 0 : i32
      %dma_wait3A_326 = arith.constant 0 : i32
      %dma_wait3A_327 = tpu.memref_slice %arg13[%dma_wait3A_325, %dma_wait3A_326] : memref<4x256xi32, #tpu.memory_space<vmem>> -> memref<1x256xi32, #tpu.memory_space<vmem>>
      %dma_wait3A_328 = tpu.memref_squeeze %dma_wait3A_327 : memref<1x256xi32, #tpu.memory_space<vmem>> -> memref<256xi32, #tpu.memory_space<vmem>>
      %dma_wait3A_329 = arith.constant 0 : i32
      %dma_wait3A_330 = arith.constant 0 : i32
      %dma_wait3A_331 = tpu.memref_slice %arg11[%dma_wait3A_329, %dma_wait3A_330] : memref<50000x16xf32, #tpu.memory_space<vmem_shared>> -> memref<50000x16xf32, #tpu.memory_space<vmem_shared>>
      tpu.wait_indirect_dma semaphore(%arg24 : memref<!tpu.dma_semaphore, #tpu.memory_space<semaphore_mem>>) src(%dma_wait3A_331 : memref<50000x16xf32, #tpu.memory_space<vmem_shared>>) dst(%arg15 : memref<256x16xf32, #tpu.memory_space<vmem>>)
      %dma_start3A_332 = arith.constant 0 : i32
      %dma_start3A_333 = arith.constant 0 : i32
      %dma_start3A_334 = tpu.memref_slice %arg14[%dma_start3A_332, %dma_start3A_333] : memref<4x256xi32, #tpu.memory_space<vmem>> -> memref<1x256xi32, #tpu.memory_space<vmem>>
      %dma_start3A_335 = tpu.memref_squeeze %dma_start3A_334 : memref<1x256xi32, #tpu.memory_space<vmem>> -> memref<256xi32, #tpu.memory_space<vmem>>
      %dma_start3A_336 = arith.constant 0 : i32
      %dma_start3A_337 = arith.constant 0 : i32
      %dma_start3A_338 = tpu.memref_slice %arg12[%dma_start3A_336, %dma_start3A_337] : memref<50008x16xf32, #tpu.memory_space<vmem_shared>> -> memref<50008x16xf32, #tpu.memory_space<vmem_shared>>
      tpu.enqueue_indirect_dma source(%arg15 : memref<256x16xf32, #tpu.memory_space<vmem>>) target(%dma_start3A_338 : memref<50008x16xf32, #tpu.memory_space<vmem_shared>>) offsets(%dma_start3A_335 : memref<256xi32, #tpu.memory_space<vmem>>) semaphore(%arg27 : memref<!tpu.dma_semaphore, #tpu.memory_space<semaphore_mem>>) {add = true}
      %dma_start3A_339 = arith.constant 2 : i32
      %dma_start3A_340 = arith.constant 0 : i32
      %dma_start3A_341 = tpu.memref_slice %arg13[%dma_start3A_339, %dma_start3A_340] : memref<4x256xi32, #tpu.memory_space<vmem>> -> memref<1x256xi32, #tpu.memory_space<vmem>>
      %dma_start3A_342 = tpu.memref_squeeze %dma_start3A_341 : memref<1x256xi32, #tpu.memory_space<vmem>> -> memref<256xi32, #tpu.memory_space<vmem>>
      %dma_start3A_343 = arith.constant 0 : i32
      %dma_start3A_344 = arith.constant 0 : i32
      %dma_start3A_345 = tpu.memref_slice %arg11[%dma_start3A_343, %dma_start3A_344] : memref<50000x16xf32, #tpu.memory_space<vmem_shared>> -> memref<50000x16xf32, #tpu.memory_space<vmem_shared>>
      tpu.enqueue_indirect_dma source(%dma_start3A_345 : memref<50000x16xf32, #tpu.memory_space<vmem_shared>>) target(%arg17 : memref<256x16xf32, #tpu.memory_space<vmem>>) offsets(%dma_start3A_342 : memref<256xi32, #tpu.memory_space<vmem>>) semaphore(%arg26 : memref<!tpu.dma_semaphore, #tpu.memory_space<semaphore_mem>>)
      %dma_wait3A_346 = arith.constant 1 : i32
      %dma_wait3A_347 = arith.constant 0 : i32
      %dma_wait3A_348 = tpu.memref_slice %arg13[%dma_wait3A_346, %dma_wait3A_347] : memref<4x256xi32, #tpu.memory_space<vmem>> -> memref<1x256xi32, #tpu.memory_space<vmem>>
      %dma_wait3A_349 = tpu.memref_squeeze %dma_wait3A_348 : memref<1x256xi32, #tpu.memory_space<vmem>> -> memref<256xi32, #tpu.memory_space<vmem>>
      %dma_wait3A_350 = arith.constant 0 : i32
      %dma_wait3A_351 = arith.constant 0 : i32
      %dma_wait3A_352 = tpu.memref_slice %arg11[%dma_wait3A_350, %dma_wait3A_351] : memref<50000x16xf32, #tpu.memory_space<vmem_shared>> -> memref<50000x16xf32, #tpu.memory_space<vmem_shared>>
      tpu.wait_indirect_dma semaphore(%arg25 : memref<!tpu.dma_semaphore, #tpu.memory_space<semaphore_mem>>) src(%dma_wait3A_352 : memref<50000x16xf32, #tpu.memory_space<vmem_shared>>) dst(%arg16 : memref<256x16xf32, #tpu.memory_space<vmem>>)
      %dma_start3A_353 = arith.constant 1 : i32
      %dma_start3A_354 = arith.constant 0 : i32
      %dma_start3A_355 = tpu.memref_slice %arg14[%dma_start3A_353, %dma_start3A_354] : memref<4x256xi32, #tpu.memory_space<vmem>> -> memref<1x256xi32, #tpu.memory_space<vmem>>
      %dma_start3A_356 = tpu.memref_squeeze %dma_start3A_355 : memref<1x256xi32, #tpu.memory_space<vmem>> -> memref<256xi32, #tpu.memory_space<vmem>>
      %dma_start3A_357 = arith.constant 0 : i32
      %dma_start3A_358 = arith.constant 0 : i32
      %dma_start3A_359 = tpu.memref_slice %arg12[%dma_start3A_357, %dma_start3A_358] : memref<50008x16xf32, #tpu.memory_space<vmem_shared>> -> memref<50008x16xf32, #tpu.memory_space<vmem_shared>>
      tpu.enqueue_indirect_dma source(%arg16 : memref<256x16xf32, #tpu.memory_space<vmem>>) target(%dma_start3A_359 : memref<50008x16xf32, #tpu.memory_space<vmem_shared>>) offsets(%dma_start3A_356 : memref<256xi32, #tpu.memory_space<vmem>>) semaphore(%arg28 : memref<!tpu.dma_semaphore, #tpu.memory_space<semaphore_mem>>) {add = true}
      %dma_wait3A_360 = arith.constant 0 : i32
      %dma_wait3A_361 = arith.constant 0 : i32
      %dma_wait3A_362 = tpu.memref_slice %arg14[%dma_wait3A_360, %dma_wait3A_361] : memref<4x256xi32, #tpu.memory_space<vmem>> -> memref<1x256xi32, #tpu.memory_space<vmem>>
      %dma_wait3A_363 = tpu.memref_squeeze %dma_wait3A_362 : memref<1x256xi32, #tpu.memory_space<vmem>> -> memref<256xi32, #tpu.memory_space<vmem>>
      %dma_wait3A_364 = arith.constant 0 : i32
      %dma_wait3A_365 = arith.constant 0 : i32
      %dma_wait3A_366 = tpu.memref_slice %arg12[%dma_wait3A_364, %dma_wait3A_365] : memref<50008x16xf32, #tpu.memory_space<vmem_shared>> -> memref<50008x16xf32, #tpu.memory_space<vmem_shared>>
      tpu.wait_indirect_dma semaphore(%arg27 : memref<!tpu.dma_semaphore, #tpu.memory_space<semaphore_mem>>) src(%arg15 : memref<256x16xf32, #tpu.memory_space<vmem>>) dst(%dma_wait3A_366 : memref<50008x16xf32, #tpu.memory_space<vmem_shared>>)
      %dma_start3A_367 = arith.constant 3 : i32
      %dma_start3A_368 = arith.constant 0 : i32
      %dma_start3A_369 = tpu.memref_slice %arg13[%dma_start3A_367, %dma_start3A_368] : memref<4x256xi32, #tpu.memory_space<vmem>> -> memref<1x256xi32, #tpu.memory_space<vmem>>
      %dma_start3A_370 = tpu.memref_squeeze %dma_start3A_369 : memref<1x256xi32, #tpu.memory_space<vmem>> -> memref<256xi32, #tpu.memory_space<vmem>>
      %dma_start3A_371 = arith.constant 0 : i32
      %dma_start3A_372 = arith.constant 0 : i32
      %dma_start3A_373 = tpu.memref_slice %arg11[%dma_start3A_371, %dma_start3A_372] : memref<50000x16xf32, #tpu.memory_space<vmem_shared>> -> memref<50000x16xf32, #tpu.memory_space<vmem_shared>>
      tpu.enqueue_indirect_dma source(%dma_start3A_373 : memref<50000x16xf32, #tpu.memory_space<vmem_shared>>) target(%arg15 : memref<256x16xf32, #tpu.memory_space<vmem>>) offsets(%dma_start3A_370 : memref<256xi32, #tpu.memory_space<vmem>>) semaphore(%arg24 : memref<!tpu.dma_semaphore, #tpu.memory_space<semaphore_mem>>)
      %dma_wait3A_374 = arith.constant 2 : i32
      %dma_wait3A_375 = arith.constant 0 : i32
      %dma_wait3A_376 = tpu.memref_slice %arg13[%dma_wait3A_374, %dma_wait3A_375] : memref<4x256xi32, #tpu.memory_space<vmem>> -> memref<1x256xi32, #tpu.memory_space<vmem>>
      %dma_wait3A_377 = tpu.memref_squeeze %dma_wait3A_376 : memref<1x256xi32, #tpu.memory_space<vmem>> -> memref<256xi32, #tpu.memory_space<vmem>>
      %dma_wait3A_378 = arith.constant 0 : i32
      %dma_wait3A_379 = arith.constant 0 : i32
      %dma_wait3A_380 = tpu.memref_slice %arg11[%dma_wait3A_378, %dma_wait3A_379] : memref<50000x16xf32, #tpu.memory_space<vmem_shared>> -> memref<50000x16xf32, #tpu.memory_space<vmem_shared>>
      tpu.wait_indirect_dma semaphore(%arg26 : memref<!tpu.dma_semaphore, #tpu.memory_space<semaphore_mem>>) src(%dma_wait3A_380 : memref<50000x16xf32, #tpu.memory_space<vmem_shared>>) dst(%arg17 : memref<256x16xf32, #tpu.memory_space<vmem>>)
      %dma_start3A_381 = arith.constant 2 : i32
      %dma_start3A_382 = arith.constant 0 : i32
      %dma_start3A_383 = tpu.memref_slice %arg14[%dma_start3A_381, %dma_start3A_382] : memref<4x256xi32, #tpu.memory_space<vmem>> -> memref<1x256xi32, #tpu.memory_space<vmem>>
      %dma_start3A_384 = tpu.memref_squeeze %dma_start3A_383 : memref<1x256xi32, #tpu.memory_space<vmem>> -> memref<256xi32, #tpu.memory_space<vmem>>
      %dma_start3A_385 = arith.constant 0 : i32
      %dma_start3A_386 = arith.constant 0 : i32
      %dma_start3A_387 = tpu.memref_slice %arg12[%dma_start3A_385, %dma_start3A_386] : memref<50008x16xf32, #tpu.memory_space<vmem_shared>> -> memref<50008x16xf32, #tpu.memory_space<vmem_shared>>
      tpu.enqueue_indirect_dma source(%arg17 : memref<256x16xf32, #tpu.memory_space<vmem>>) target(%dma_start3A_387 : memref<50008x16xf32, #tpu.memory_space<vmem_shared>>) offsets(%dma_start3A_384 : memref<256xi32, #tpu.memory_space<vmem>>) semaphore(%arg29 : memref<!tpu.dma_semaphore, #tpu.memory_space<semaphore_mem>>) {add = true}
      %dma_wait3A_388 = arith.constant 3 : i32
      %dma_wait3A_389 = arith.constant 0 : i32
      %dma_wait3A_390 = tpu.memref_slice %arg13[%dma_wait3A_388, %dma_wait3A_389] : memref<4x256xi32, #tpu.memory_space<vmem>> -> memref<1x256xi32, #tpu.memory_space<vmem>>
      %dma_wait3A_391 = tpu.memref_squeeze %dma_wait3A_390 : memref<1x256xi32, #tpu.memory_space<vmem>> -> memref<256xi32, #tpu.memory_space<vmem>>
      %dma_wait3A_392 = arith.constant 0 : i32
      %dma_wait3A_393 = arith.constant 0 : i32
      %dma_wait3A_394 = tpu.memref_slice %arg11[%dma_wait3A_392, %dma_wait3A_393] : memref<50000x16xf32, #tpu.memory_space<vmem_shared>> -> memref<50000x16xf32, #tpu.memory_space<vmem_shared>>
      tpu.wait_indirect_dma semaphore(%arg24 : memref<!tpu.dma_semaphore, #tpu.memory_space<semaphore_mem>>) src(%dma_wait3A_394 : memref<50000x16xf32, #tpu.memory_space<vmem_shared>>) dst(%arg15 : memref<256x16xf32, #tpu.memory_space<vmem>>)
      %dma_start3A_395 = arith.constant 3 : i32
      %dma_start3A_396 = arith.constant 0 : i32
      %dma_start3A_397 = tpu.memref_slice %arg14[%dma_start3A_395, %dma_start3A_396] : memref<4x256xi32, #tpu.memory_space<vmem>> -> memref<1x256xi32, #tpu.memory_space<vmem>>
      %dma_start3A_398 = tpu.memref_squeeze %dma_start3A_397 : memref<1x256xi32, #tpu.memory_space<vmem>> -> memref<256xi32, #tpu.memory_space<vmem>>
      %dma_start3A_399 = arith.constant 0 : i32
      %dma_start3A_400 = arith.constant 0 : i32
      %dma_start3A_401 = tpu.memref_slice %arg12[%dma_start3A_399, %dma_start3A_400] : memref<50008x16xf32, #tpu.memory_space<vmem_shared>> -> memref<50008x16xf32, #tpu.memory_space<vmem_shared>>
      tpu.enqueue_indirect_dma source(%arg15 : memref<256x16xf32, #tpu.memory_space<vmem>>) target(%dma_start3A_401 : memref<50008x16xf32, #tpu.memory_space<vmem_shared>>) offsets(%dma_start3A_398 : memref<256xi32, #tpu.memory_space<vmem>>) semaphore(%arg27 : memref<!tpu.dma_semaphore, #tpu.memory_space<semaphore_mem>>) {add = true}
      %dma_wait3A_402 = arith.constant 1 : i32
      %dma_wait3A_403 = arith.constant 0 : i32
      %dma_wait3A_404 = tpu.memref_slice %arg14[%dma_wait3A_402, %dma_wait3A_403] : memref<4x256xi32, #tpu.memory_space<vmem>> -> memref<1x256xi32, #tpu.memory_space<vmem>>
      %dma_wait3A_405 = tpu.memref_squeeze %dma_wait3A_404 : memref<1x256xi32, #tpu.memory_space<vmem>> -> memref<256xi32, #tpu.memory_space<vmem>>
      %dma_wait3A_406 = arith.constant 0 : i32
      %dma_wait3A_407 = arith.constant 0 : i32
      %dma_wait3A_408 = tpu.memref_slice %arg12[%dma_wait3A_406, %dma_wait3A_407] : memref<50008x16xf32, #tpu.memory_space<vmem_shared>> -> memref<50008x16xf32, #tpu.memory_space<vmem_shared>>
      tpu.wait_indirect_dma semaphore(%arg28 : memref<!tpu.dma_semaphore, #tpu.memory_space<semaphore_mem>>) src(%arg16 : memref<256x16xf32, #tpu.memory_space<vmem>>) dst(%dma_wait3A_408 : memref<50008x16xf32, #tpu.memory_space<vmem_shared>>)
      %dma_wait3A_409 = arith.constant 2 : i32
      %dma_wait3A_410 = arith.constant 0 : i32
      %dma_wait3A_411 = tpu.memref_slice %arg14[%dma_wait3A_409, %dma_wait3A_410] : memref<4x256xi32, #tpu.memory_space<vmem>> -> memref<1x256xi32, #tpu.memory_space<vmem>>
      %dma_wait3A_412 = tpu.memref_squeeze %dma_wait3A_411 : memref<1x256xi32, #tpu.memory_space<vmem>> -> memref<256xi32, #tpu.memory_space<vmem>>
      %dma_wait3A_413 = arith.constant 0 : i32
      %dma_wait3A_414 = arith.constant 0 : i32
      %dma_wait3A_415 = tpu.memref_slice %arg12[%dma_wait3A_413, %dma_wait3A_414] : memref<50008x16xf32, #tpu.memory_space<vmem_shared>> -> memref<50008x16xf32, #tpu.memory_space<vmem_shared>>
      tpu.wait_indirect_dma semaphore(%arg29 : memref<!tpu.dma_semaphore, #tpu.memory_space<semaphore_mem>>) src(%arg17 : memref<256x16xf32, #tpu.memory_space<vmem>>) dst(%dma_wait3A_415 : memref<50008x16xf32, #tpu.memory_space<vmem_shared>>)
      %dma_wait3A_416 = arith.constant 3 : i32
      %dma_wait3A_417 = arith.constant 0 : i32
      %dma_wait3A_418 = tpu.memref_slice %arg14[%dma_wait3A_416, %dma_wait3A_417] : memref<4x256xi32, #tpu.memory_space<vmem>> -> memref<1x256xi32, #tpu.memory_space<vmem>>
      %dma_wait3A_419 = tpu.memref_squeeze %dma_wait3A_418 : memref<1x256xi32, #tpu.memory_space<vmem>> -> memref<256xi32, #tpu.memory_space<vmem>>
      %dma_wait3A_420 = arith.constant 0 : i32
      %dma_wait3A_421 = arith.constant 0 : i32
      %dma_wait3A_422 = tpu.memref_slice %arg12[%dma_wait3A_420, %dma_wait3A_421] : memref<50008x16xf32, #tpu.memory_space<vmem_shared>> -> memref<50008x16xf32, #tpu.memory_space<vmem_shared>>
      tpu.wait_indirect_dma semaphore(%arg27 : memref<!tpu.dma_semaphore, #tpu.memory_space<semaphore_mem>>) src(%arg15 : memref<256x16xf32, #tpu.memory_space<vmem>>) dst(%dma_wait3A_422 : memref<50008x16xf32, #tpu.memory_space<vmem_shared>>)
    }
    %scan3A_142 = arith.constant 50 : i32
    %barrier3A_143 = arith.constant 0 : index
    tpu.barrier barrier_id(%barrier3A_143)
    %add3A_144 = arith.constant 50000 : i32
    %add3A_145 = arith.addi %mul3A_4, %add3A_144 : i32
    %add3A_146 = arith.constant 0 : i32
    %add3A_147 = arith.addi %mul3A_4, %add3A_146 : i32
    %add3A_148 = arith.constant 0 : i32
    %add3A_149 = arith.addi %mul3A_4, %add3A_148 : i32
    %mul3A_150 = arith.constant 2 : i32
    %mul3A_151 = arith.muli %mul3A_150, %arg0 : i32
    %add3A_152 = arith.constant 0 : i32
    %add3A_153 = arith.addi %mul3A_151, %add3A_152 : i32
    %mul3A_154 = arith.constant 16 : i32
    %mul3A_155 = arith.muli %add3A_153, %mul3A_154 : i32
    %mul3A_156 = arith.constant 3125 : i32
    %mul3A_157 = arith.muli %arg1, %mul3A_156 : i32
    %add3A_158 = arith.addi %add3A_145, %mul3A_157 : i32
    %dma_start3A_159 = arith.constant 0 : i32
    %dma_start3A_160 = tpu.memref_slice %arg11[%mul3A_157, %dma_start3A_159] : memref<50000x16xf32, #tpu.memory_space<vmem_shared>> -> memref<3125x16xf32, #tpu.memory_space<vmem_shared>>
    %dma_start3A_161 = arith.constant 0 : i32
    %dma_start3A_162 = tpu.memref_slice %arg7[%add3A_158, %dma_start3A_161] : memref<200000x16xf32, #tpu.memory_space<hbm>> -> memref<3125x16xf32, #tpu.memory_space<hbm>>
    tpu.enqueue_dma source(%dma_start3A_162 : memref<3125x16xf32, #tpu.memory_space<hbm>>) target(%dma_start3A_160 : memref<3125x16xf32, #tpu.memory_space<vmem_shared>>) target_semaphore(%arg24 : memref<!tpu.dma_semaphore, #tpu.memory_space<semaphore_mem>>)
    %scan3A_163 = arith.constant 0 : i32
    %scan3A_164 = arith.constant 250 : i32
    %scan3A_165 = arith.addi %scan3A_163, %scan3A_164 : i32
    %scan3A_166 = arith.constant 1 : i32
    scf.for %scan3A_285 = %scan3A_163 to %scan3A_165 step %scan3A_166  : i32 {
      %mul3A_286 = arith.constant 1 : i32
      %mul3A_287 = arith.muli %scan3A_285, %mul3A_286 : i32
      %add3A_288 = arith.constant 0 : i32
      %add3A_289 = arith.addi %add3A_288, %mul3A_287 : i32
      %swap3A = arith.index_cast %add3A_289 : i32 to index
      %swap3A_290 = arith.constant 0 : index
      %swap3A_291 = tpu.vector_load %arg21[%swap3A, %swap3A_290] {strides = array<i32>} : memref<250x16xf32, #tpu.memory_space<vmem>>, vector<1x16xf32>,
      %swap3A_292 = vector.shape_cast %swap3A_291 : vector<1x16xf32> to vector<16xf32>
      %swap3A_293 = vector.shape_cast %broadcast_in_dim3A_5 : vector<16xf32> to vector<1x16xf32>
      tpu.vector_store %arg21[%swap3A, %swap3A_290], %swap3A_293 {strides = array<i32>} : memref<250x16xf32, #tpu.memory_space<vmem>>, vector<1x16xf32>,
    }
    %scan3A_167 = arith.constant 250 : i32
    %scan3A_168 = arith.constant 0 : i32
    %scan3A_169 = arith.constant 13 : i32
    %scan3A_170 = arith.addi %scan3A_168, %scan3A_169 : i32
    %scan3A_171 = arith.constant 1 : i32
    scf.for %scan3A_285 = %scan3A_168 to %scan3A_170 step %scan3A_171  : i32 {
      %mul3A_286 = arith.constant 1 : i32
      %mul3A_287 = arith.muli %scan3A_285, %mul3A_286 : i32
      %add3A_288 = arith.constant 0 : i32
      %add3A_289 = arith.addi %add3A_288, %mul3A_287 : i32
      %mul3A_290 = arith.constant 16 : i32
      %mul3A_291 = arith.muli %add3A_289, %mul3A_290 : i32
      %add3A_292 = arith.addi %mul3A_291, %arg1 : i32
      %lt3A = arith.constant 200 : i32
      %lt3A_293 = arith.cmpi slt, %add3A_292, %lt3A : i32
      %convert_element_type3A = arith.extui %lt3A_293 : i1 to i32
      %cond3A = arith.constant 0 : i32
      %cond3A_294 = arith.cmpi ne, %convert_element_type3A, %cond3A : i32
      scf.if %cond3A_294 {
        %mul3A_295 = arith.constant 250 : i32
        %mul3A_296 = arith.muli %add3A_292, %mul3A_295 : i32
        %add3A_297 = arith.addi %add3A_147, %mul3A_296 : i32
        %dma_start3A_298 = arith.constant 0 : i32
        %dma_start3A_299 = tpu.memref_slice %arg9[%add3A_297, %dma_start3A_298] : memref<200000x16xf32, #tpu.memory_space<hbm>> -> memref<250x16xf32, #tpu.memory_space<hbm>>
        %dma_start3A_300 = arith.constant 0 : i32
        %dma_start3A_301 = tpu.memref_slice %arg9[%add3A_297, %dma_start3A_300] : memref<200000x16xf32, #tpu.memory_space<hbm>> -> memref<250x16xf32, #tpu.memory_space<hbm>>
        tpu.enqueue_dma source(%dma_start3A_301 : memref<250x16xf32, #tpu.memory_space<hbm>>) target(%arg19 : memref<250x16xf32, #tpu.memory_space<vmem>>) target_semaphore(%arg22 : memref<!tpu.dma_semaphore, #tpu.memory_space<semaphore_mem>>)
        %add3A_302 = arith.addi %mul3A_0, %mul3A_296 : i32
        %dma_start3A_303 = arith.constant 0 : i32
        %dma_start3A_304 = tpu.memref_slice %arg10[%add3A_302, %dma_start3A_303] : memref<100000x16xf32, #tpu.memory_space<hbm>> -> memref<250x16xf32, #tpu.memory_space<hbm>>
        %dma_start3A_305 = arith.constant 0 : i32
        %dma_start3A_306 = tpu.memref_slice %arg10[%add3A_302, %dma_start3A_305] : memref<100000x16xf32, #tpu.memory_space<hbm>> -> memref<250x16xf32, #tpu.memory_space<hbm>>
        tpu.enqueue_dma source(%dma_start3A_306 : memref<250x16xf32, #tpu.memory_space<hbm>>) target(%arg20 : memref<250x16xf32, #tpu.memory_space<vmem>>) target_semaphore(%arg23 : memref<!tpu.dma_semaphore, #tpu.memory_space<semaphore_mem>>)
        "tpu.region"() ({
          %run_scoped3A = tpu.sem_alloc : memref<!tpu.dma_semaphore, #tpu.memory_space<semaphore_mem>>
          %dma_start3A_338 = arith.constant 0 : i32
          %dma_start3A_339 = tpu.memref_slice %arg12[%mul3A_296, %dma_start3A_338] : memref<50008x16xf32, #tpu.memory_space<vmem_shared>> -> memref<250x16xf32, #tpu.memory_space<vmem_shared>>
          %dma_start3A_340 = arith.constant 0 : i32
          %dma_start3A_341 = tpu.memref_slice %arg12[%mul3A_296, %dma_start3A_340] : memref<50008x16xf32, #tpu.memory_space<vmem_shared>> -> memref<250x16xf32, #tpu.memory_space<vmem_shared>>
          tpu.enqueue_dma source(%dma_start3A_341 : memref<250x16xf32, #tpu.memory_space<vmem_shared>>) target(%arg18 : memref<250x16xf32, #tpu.memory_space<vmem>>) target_semaphore(%run_scoped3A : memref<!tpu.dma_semaphore, #tpu.memory_space<semaphore_mem>>)
          %dma_wait3A_342 = arith.constant 0 : i32
          %dma_wait3A_343 = tpu.memref_slice %arg12[%mul3A_296, %dma_wait3A_342] : memref<50008x16xf32, #tpu.memory_space<vmem_shared>> -> memref<250x16xf32, #tpu.memory_space<vmem_shared>>
          %dma_wait3A_344 = arith.constant 0 : i32
          %dma_wait3A_345 = tpu.memref_slice %arg12[%mul3A_296, %dma_wait3A_344] : memref<50008x16xf32, #tpu.memory_space<vmem_shared>> -> memref<250x16xf32, #tpu.memory_space<vmem_shared>>
          tpu.wait_dma2 semaphore(%run_scoped3A : memref<!tpu.dma_semaphore, #tpu.memory_space<semaphore_mem>>) src(%dma_wait3A_345 : memref<250x16xf32, #tpu.memory_space<vmem_shared>>) dst(%arg18 : memref<250x16xf32, #tpu.memory_space<vmem>>)
          tpu.yield
        }) : () -> ()
        "tpu.region"() ({
          %run_scoped3A = tpu.sem_alloc : memref<!tpu.dma_semaphore, #tpu.memory_space<semaphore_mem>>
          %dma_start3A_338 = arith.constant 0 : i32
          %dma_start3A_339 = tpu.memref_slice %arg12[%mul3A_296, %dma_start3A_338] : memref<50008x16xf32, #tpu.memory_space<vmem_shared>> -> memref<250x16xf32, #tpu.memory_space<vmem_shared>>
          %dma_start3A_340 = arith.constant 0 : i32
          %dma_start3A_341 = tpu.memref_slice %arg12[%mul3A_296, %dma_start3A_340] : memref<50008x16xf32, #tpu.memory_space<vmem_shared>> -> memref<250x16xf32, #tpu.memory_space<vmem_shared>>
          tpu.enqueue_dma source(%arg21 : memref<250x16xf32, #tpu.memory_space<vmem>>) target(%dma_start3A_341 : memref<250x16xf32, #tpu.memory_space<vmem_shared>>) target_semaphore(%run_scoped3A : memref<!tpu.dma_semaphore, #tpu.memory_space<semaphore_mem>>)
          %dma_wait3A_342 = arith.constant 0 : i32
          %dma_wait3A_343 = tpu.memref_slice %arg12[%mul3A_296, %dma_wait3A_342] : memref<50008x16xf32, #tpu.memory_space<vmem_shared>> -> memref<250x16xf32, #tpu.memory_space<vmem_shared>>
          %dma_wait3A_344 = arith.constant 0 : i32
          %dma_wait3A_345 = tpu.memref_slice %arg12[%mul3A_296, %dma_wait3A_344] : memref<50008x16xf32, #tpu.memory_space<vmem_shared>> -> memref<250x16xf32, #tpu.memory_space<vmem_shared>>
          tpu.wait_dma2 semaphore(%run_scoped3A : memref<!tpu.dma_semaphore, #tpu.memory_space<semaphore_mem>>) src(%arg21 : memref<250x16xf32, #tpu.memory_space<vmem>>) dst(%dma_wait3A_345 : memref<250x16xf32, #tpu.memory_space<vmem_shared>>)
          tpu.yield
        }) : () -> ()
        %dma_wait3A_307 = arith.constant 0 : i32
        %dma_wait3A_308 = tpu.memref_slice %arg9[%add3A_297, %dma_wait3A_307] : memref<200000x16xf32, #tpu.memory_space<hbm>> -> memref<250x16xf32, #tpu.memory_space<hbm>>
        %dma_wait3A_309 = arith.constant 0 : i32
        %dma_wait3A_310 = tpu.memref_slice %arg9[%add3A_297, %dma_wait3A_309] : memref<200000x16xf32, #tpu.memory_space<hbm>> -> memref<250x16xf32, #tpu.memory_space<hbm>>
        tpu.wait_dma2 semaphore(%arg22 : memref<!tpu.dma_semaphore, #tpu.memory_space<semaphore_mem>>) src(%dma_wait3A_310 : memref<250x16xf32, #tpu.memory_space<hbm>>) dst(%arg19 : memref<250x16xf32, #tpu.memory_space<vmem>>)
        %dma_wait3A_311 = arith.constant 0 : i32
        %dma_wait3A_312 = tpu.memref_slice %arg10[%add3A_302, %dma_wait3A_311] : memref<100000x16xf32, #tpu.memory_space<hbm>> -> memref<250x16xf32, #tpu.memory_space<hbm>>
        %dma_wait3A_313 = arith.constant 0 : i32
        %dma_wait3A_314 = tpu.memref_slice %arg10[%add3A_302, %dma_wait3A_313] : memref<100000x16xf32, #tpu.memory_space<hbm>> -> memref<250x16xf32, #tpu.memory_space<hbm>>
        tpu.wait_dma2 semaphore(%arg23 : memref<!tpu.dma_semaphore, #tpu.memory_space<semaphore_mem>>) src(%dma_wait3A_314 : memref<250x16xf32, #tpu.memory_space<hbm>>) dst(%arg20 : memref<250x16xf32, #tpu.memory_space<vmem>>)
        %scan3A_315 = arith.constant 0 : i32
        %scan3A_316 = arith.constant 50 : i32
        %scan3A_317 = arith.addi %scan3A_315, %scan3A_316 : i32
        %scan3A_318 = arith.constant 1 : i32
        scf.for %scan3A_338 = %scan3A_315 to %scan3A_317 step %scan3A_318  : i32 {
          %mul3A_339 = arith.constant 5 : i32
          %mul3A_340 = arith.muli %scan3A_338, %mul3A_339 : i32
          %add3A_341 = arith.constant 0 : i32
          %add3A_342 = arith.addi %add3A_341, %mul3A_340 : i32
          %add3A_343 = arith.constant 0 : i32
          %add3A_344 = arith.addi %add3A_342, %add3A_343 : i32
          %get3A = arith.index_cast %add3A_344 : i32 to index
          %get3A_345 = arith.constant 0 : index
          %get3A_346 = tpu.vector_load %arg18[%get3A, %get3A_345] {strides = array<i32>} : memref<250x16xf32, #tpu.memory_space<vmem>>, vector<1x16xf32>,
          %get3A_347 = vector.shape_cast %get3A_346 : vector<1x16xf32> to vector<16xf32>
          %add3A_348 = arith.constant 0 : i32
          %add3A_349 = arith.addi %add3A_342, %add3A_348 : i32
          %get3A_350 = arith.index_cast %add3A_349 : i32 to index
          %get3A_351 = arith.constant 0 : index
          %get3A_352 = tpu.vector_load %arg20[%get3A_350, %get3A_351] {strides = array<i32>} : memref<250x16xf32, #tpu.memory_space<vmem>>, vector<1x16xf32>,
          %get3A_353 = vector.shape_cast %get3A_352 : vector<1x16xf32> to vector<16xf32>
          %mul3A_354 = arith.mulf %get3A_347, %get3A_353 : vector<16xf32>
          %add3A_355 = arith.constant 0 : i32
          %add3A_356 = arith.addi %add3A_342, %add3A_355 : i32
          %get3A_357 = arith.index_cast %add3A_356 : i32 to index
          %get3A_358 = arith.constant 0 : index
          %get3A_359 = tpu.vector_load %arg19[%get3A_357, %get3A_358] {strides = array<i32>} : memref<250x16xf32, #tpu.memory_space<vmem>>, vector<1x16xf32>,
          %get3A_360 = vector.shape_cast %get3A_359 : vector<1x16xf32> to vector<16xf32>
          %add3A_361 = arith.addf %get3A_360, %mul3A_354 : vector<16xf32>
          %add3A_362 = arith.constant 0 : i32
          %add3A_363 = arith.addi %add3A_342, %add3A_362 : i32
          %swap3A = arith.index_cast %add3A_363 : i32 to index
          %swap3A_364 = arith.constant 0 : index
          %swap3A_365 = tpu.vector_load %arg18[%swap3A, %swap3A_364] {strides = array<i32>} : memref<250x16xf32, #tpu.memory_space<vmem>>, vector<1x16xf32>,
          %swap3A_366 = vector.shape_cast %swap3A_365 : vector<1x16xf32> to vector<16xf32>
          %swap3A_367 = vector.shape_cast %mul3A_354 : vector<16xf32> to vector<1x16xf32>
          tpu.vector_store %arg18[%swap3A, %swap3A_364], %swap3A_367 {strides = array<i32>} : memref<250x16xf32, #tpu.memory_space<vmem>>, vector<1x16xf32>,
          %add3A_368 = arith.constant 0 : i32
          %add3A_369 = arith.addi %add3A_342, %add3A_368 : i32
          %swap3A_370 = arith.index_cast %add3A_369 : i32 to index
          %swap3A_371 = arith.constant 0 : index
          %swap3A_372 = tpu.vector_load %arg19[%swap3A_370, %swap3A_371] {strides = array<i32>} : memref<250x16xf32, #tpu.memory_space<vmem>>, vector<1x16xf32>,
          %swap3A_373 = vector.shape_cast %swap3A_372 : vector<1x16xf32> to vector<16xf32>
          %swap3A_374 = vector.shape_cast %add3A_361 : vector<16xf32> to vector<1x16xf32>
          tpu.vector_store %arg19[%swap3A_370, %swap3A_371], %swap3A_374 {strides = array<i32>} : memref<250x16xf32, #tpu.memory_space<vmem>>, vector<1x16xf32>,
          %add3A_375 = arith.constant 1 : i32
          %add3A_376 = arith.addi %add3A_342, %add3A_375 : i32
          %get3A_377 = arith.index_cast %add3A_376 : i32 to index
          %get3A_378 = arith.constant 0 : index
          %get3A_379 = tpu.vector_load %arg18[%get3A_377, %get3A_378] {strides = array<i32>} : memref<250x16xf32, #tpu.memory_space<vmem>>, vector<1x16xf32>,
          %get3A_380 = vector.shape_cast %get3A_379 : vector<1x16xf32> to vector<16xf32>
          %add3A_381 = arith.constant 1 : i32
          %add3A_382 = arith.addi %add3A_342, %add3A_381 : i32
          %get3A_383 = arith.index_cast %add3A_382 : i32 to index
          %get3A_384 = arith.constant 0 : index
          %get3A_385 = tpu.vector_load %arg20[%get3A_383, %get3A_384] {strides = array<i32>} : memref<250x16xf32, #tpu.memory_space<vmem>>, vector<1x16xf32>,
          %get3A_386 = vector.shape_cast %get3A_385 : vector<1x16xf32> to vector<16xf32>
          %mul3A_387 = arith.mulf %get3A_380, %get3A_386 : vector<16xf32>
          %add3A_388 = arith.constant 1 : i32
          %add3A_389 = arith.addi %add3A_342, %add3A_388 : i32
          %get3A_390 = arith.index_cast %add3A_389 : i32 to index
          %get3A_391 = arith.constant 0 : index
          %get3A_392 = tpu.vector_load %arg19[%get3A_390, %get3A_391] {strides = array<i32>} : memref<250x16xf32, #tpu.memory_space<vmem>>, vector<1x16xf32>,
          %get3A_393 = vector.shape_cast %get3A_392 : vector<1x16xf32> to vector<16xf32>
          %add3A_394 = arith.addf %get3A_393, %mul3A_387 : vector<16xf32>
          %add3A_395 = arith.constant 1 : i32
          %add3A_396 = arith.addi %add3A_342, %add3A_395 : i32
          %swap3A_397 = arith.index_cast %add3A_396 : i32 to index
          %swap3A_398 = arith.constant 0 : index
          %swap3A_399 = tpu.vector_load %arg18[%swap3A_397, %swap3A_398] {strides = array<i32>} : memref<250x16xf32, #tpu.memory_space<vmem>>, vector<1x16xf32>,
          %swap3A_400 = vector.shape_cast %swap3A_399 : vector<1x16xf32> to vector<16xf32>
          %swap3A_401 = vector.shape_cast %mul3A_387 : vector<16xf32> to vector<1x16xf32>
          tpu.vector_store %arg18[%swap3A_397, %swap3A_398], %swap3A_401 {strides = array<i32>} : memref<250x16xf32, #tpu.memory_space<vmem>>, vector<1x16xf32>,
          %add3A_402 = arith.constant 1 : i32
          %add3A_403 = arith.addi %add3A_342, %add3A_402 : i32
          %swap3A_404 = arith.index_cast %add3A_403 : i32 to index
          %swap3A_405 = arith.constant 0 : index
          %swap3A_406 = tpu.vector_load %arg19[%swap3A_404, %swap3A_405] {strides = array<i32>} : memref<250x16xf32, #tpu.memory_space<vmem>>, vector<1x16xf32>,
          %swap3A_407 = vector.shape_cast %swap3A_406 : vector<1x16xf32> to vector<16xf32>
          %swap3A_408 = vector.shape_cast %add3A_394 : vector<16xf32> to vector<1x16xf32>
          tpu.vector_store %arg19[%swap3A_404, %swap3A_405], %swap3A_408 {strides = array<i32>} : memref<250x16xf32, #tpu.memory_space<vmem>>, vector<1x16xf32>,
          %add3A_409 = arith.constant 2 : i32
          %add3A_410 = arith.addi %add3A_342, %add3A_409 : i32
          %get3A_411 = arith.index_cast %add3A_410 : i32 to index
          %get3A_412 = arith.constant 0 : index
          %get3A_413 = tpu.vector_load %arg18[%get3A_411, %get3A_412] {strides = array<i32>} : memref<250x16xf32, #tpu.memory_space<vmem>>, vector<1x16xf32>,
          %get3A_414 = vector.shape_cast %get3A_413 : vector<1x16xf32> to vector<16xf32>
          %add3A_415 = arith.constant 2 : i32
          %add3A_416 = arith.addi %add3A_342, %add3A_415 : i32
          %get3A_417 = arith.index_cast %add3A_416 : i32 to index
          %get3A_418 = arith.constant 0 : index
          %get3A_419 = tpu.vector_load %arg20[%get3A_417, %get3A_418] {strides = array<i32>} : memref<250x16xf32, #tpu.memory_space<vmem>>, vector<1x16xf32>,
          %get3A_420 = vector.shape_cast %get3A_419 : vector<1x16xf32> to vector<16xf32>
          %mul3A_421 = arith.mulf %get3A_414, %get3A_420 : vector<16xf32>
          %add3A_422 = arith.constant 2 : i32
          %add3A_423 = arith.addi %add3A_342, %add3A_422 : i32
          %get3A_424 = arith.index_cast %add3A_423 : i32 to index
          %get3A_425 = arith.constant 0 : index
          %get3A_426 = tpu.vector_load %arg19[%get3A_424, %get3A_425] {strides = array<i32>} : memref<250x16xf32, #tpu.memory_space<vmem>>, vector<1x16xf32>,
          %get3A_427 = vector.shape_cast %get3A_426 : vector<1x16xf32> to vector<16xf32>
          %add3A_428 = arith.addf %get3A_427, %mul3A_421 : vector<16xf32>
          %add3A_429 = arith.constant 2 : i32
          %add3A_430 = arith.addi %add3A_342, %add3A_429 : i32
          %swap3A_431 = arith.index_cast %add3A_430 : i32 to index
          %swap3A_432 = arith.constant 0 : index
          %swap3A_433 = tpu.vector_load %arg18[%swap3A_431, %swap3A_432] {strides = array<i32>} : memref<250x16xf32, #tpu.memory_space<vmem>>, vector<1x16xf32>,
          %swap3A_434 = vector.shape_cast %swap3A_433 : vector<1x16xf32> to vector<16xf32>
          %swap3A_435 = vector.shape_cast %mul3A_421 : vector<16xf32> to vector<1x16xf32>
          tpu.vector_store %arg18[%swap3A_431, %swap3A_432], %swap3A_435 {strides = array<i32>} : memref<250x16xf32, #tpu.memory_space<vmem>>, vector<1x16xf32>,
          %add3A_436 = arith.constant 2 : i32
          %add3A_437 = arith.addi %add3A_342, %add3A_436 : i32
          %swap3A_438 = arith.index_cast %add3A_437 : i32 to index
          %swap3A_439 = arith.constant 0 : index
          %swap3A_440 = tpu.vector_load %arg19[%swap3A_438, %swap3A_439] {strides = array<i32>} : memref<250x16xf32, #tpu.memory_space<vmem>>, vector<1x16xf32>,
          %swap3A_441 = vector.shape_cast %swap3A_440 : vector<1x16xf32> to vector<16xf32>
          %swap3A_442 = vector.shape_cast %add3A_428 : vector<16xf32> to vector<1x16xf32>
          tpu.vector_store %arg19[%swap3A_438, %swap3A_439], %swap3A_442 {strides = array<i32>} : memref<250x16xf32, #tpu.memory_space<vmem>>, vector<1x16xf32>,
          %add3A_443 = arith.constant 3 : i32
          %add3A_444 = arith.addi %add3A_342, %add3A_443 : i32
          %get3A_445 = arith.index_cast %add3A_444 : i32 to index
          %get3A_446 = arith.constant 0 : index
          %get3A_447 = tpu.vector_load %arg18[%get3A_445, %get3A_446] {strides = array<i32>} : memref<250x16xf32, #tpu.memory_space<vmem>>, vector<1x16xf32>,
          %get3A_448 = vector.shape_cast %get3A_447 : vector<1x16xf32> to vector<16xf32>
          %add3A_449 = arith.constant 3 : i32
          %add3A_450 = arith.addi %add3A_342, %add3A_449 : i32
          %get3A_451 = arith.index_cast %add3A_450 : i32 to index
          %get3A_452 = arith.constant 0 : index
          %get3A_453 = tpu.vector_load %arg20[%get3A_451, %get3A_452] {strides = array<i32>} : memref<250x16xf32, #tpu.memory_space<vmem>>, vector<1x16xf32>,
          %get3A_454 = vector.shape_cast %get3A_453 : vector<1x16xf32> to vector<16xf32>
          %mul3A_455 = arith.mulf %get3A_448, %get3A_454 : vector<16xf32>
          %add3A_456 = arith.constant 3 : i32
          %add3A_457 = arith.addi %add3A_342, %add3A_456 : i32
          %get3A_458 = arith.index_cast %add3A_457 : i32 to index
          %get3A_459 = arith.constant 0 : index
          %get3A_460 = tpu.vector_load %arg19[%get3A_458, %get3A_459] {strides = array<i32>} : memref<250x16xf32, #tpu.memory_space<vmem>>, vector<1x16xf32>,
          %get3A_461 = vector.shape_cast %get3A_460 : vector<1x16xf32> to vector<16xf32>
          %add3A_462 = arith.addf %get3A_461, %mul3A_455 : vector<16xf32>
          %add3A_463 = arith.constant 3 : i32
          %add3A_464 = arith.addi %add3A_342, %add3A_463 : i32
          %swap3A_465 = arith.index_cast %add3A_464 : i32 to index
          %swap3A_466 = arith.constant 0 : index
          %swap3A_467 = tpu.vector_load %arg18[%swap3A_465, %swap3A_466] {strides = array<i32>} : memref<250x16xf32, #tpu.memory_space<vmem>>, vector<1x16xf32>,
          %swap3A_468 = vector.shape_cast %swap3A_467 : vector<1x16xf32> to vector<16xf32>
          %swap3A_469 = vector.shape_cast %mul3A_455 : vector<16xf32> to vector<1x16xf32>
          tpu.vector_store %arg18[%swap3A_465, %swap3A_466], %swap3A_469 {strides = array<i32>} : memref<250x16xf32, #tpu.memory_space<vmem>>, vector<1x16xf32>,
          %add3A_470 = arith.constant 3 : i32
          %add3A_471 = arith.addi %add3A_342, %add3A_470 : i32
          %swap3A_472 = arith.index_cast %add3A_471 : i32 to index
          %swap3A_473 = arith.constant 0 : index
          %swap3A_474 = tpu.vector_load %arg19[%swap3A_472, %swap3A_473] {strides = array<i32>} : memref<250x16xf32, #tpu.memory_space<vmem>>, vector<1x16xf32>,
          %swap3A_475 = vector.shape_cast %swap3A_474 : vector<1x16xf32> to vector<16xf32>
          %swap3A_476 = vector.shape_cast %add3A_462 : vector<16xf32> to vector<1x16xf32>
          tpu.vector_store %arg19[%swap3A_472, %swap3A_473], %swap3A_476 {strides = array<i32>} : memref<250x16xf32, #tpu.memory_space<vmem>>, vector<1x16xf32>,
          %add3A_477 = arith.constant 4 : i32
          %add3A_478 = arith.addi %add3A_342, %add3A_477 : i32
          %get3A_479 = arith.index_cast %add3A_478 : i32 to index
          %get3A_480 = arith.constant 0 : index
          %get3A_481 = tpu.vector_load %arg18[%get3A_479, %get3A_480] {strides = array<i32>} : memref<250x16xf32, #tpu.memory_space<vmem>>, vector<1x16xf32>,
          %get3A_482 = vector.shape_cast %get3A_481 : vector<1x16xf32> to vector<16xf32>
          %add3A_483 = arith.constant 4 : i32
          %add3A_484 = arith.addi %add3A_342, %add3A_483 : i32
          %get3A_485 = arith.index_cast %add3A_484 : i32 to index
          %get3A_486 = arith.constant 0 : index
          %get3A_487 = tpu.vector_load %arg20[%get3A_485, %get3A_486] {strides = array<i32>} : memref<250x16xf32, #tpu.memory_space<vmem>>, vector<1x16xf32>,
          %get3A_488 = vector.shape_cast %get3A_487 : vector<1x16xf32> to vector<16xf32>
          %mul3A_489 = arith.mulf %get3A_482, %get3A_488 : vector<16xf32>
          %add3A_490 = arith.constant 4 : i32
          %add3A_491 = arith.addi %add3A_342, %add3A_490 : i32
          %get3A_492 = arith.index_cast %add3A_491 : i32 to index
          %get3A_493 = arith.constant 0 : index
          %get3A_494 = tpu.vector_load %arg19[%get3A_492, %get3A_493] {strides = array<i32>} : memref<250x16xf32, #tpu.memory_space<vmem>>, vector<1x16xf32>,
          %get3A_495 = vector.shape_cast %get3A_494 : vector<1x16xf32> to vector<16xf32>
          %add3A_496 = arith.addf %get3A_495, %mul3A_489 : vector<16xf32>
          %add3A_497 = arith.constant 4 : i32
          %add3A_498 = arith.addi %add3A_342, %add3A_497 : i32
          %swap3A_499 = arith.index_cast %add3A_498 : i32 to index
          %swap3A_500 = arith.constant 0 : index
          %swap3A_501 = tpu.vector_load %arg18[%swap3A_499, %swap3A_500] {strides = array<i32>} : memref<250x16xf32, #tpu.memory_space<vmem>>, vector<1x16xf32>,
          %swap3A_502 = vector.shape_cast %swap3A_501 : vector<1x16xf32> to vector<16xf32>
          %swap3A_503 = vector.shape_cast %mul3A_489 : vector<16xf32> to vector<1x16xf32>
          tpu.vector_store %arg18[%swap3A_499, %swap3A_500], %swap3A_503 {strides = array<i32>} : memref<250x16xf32, #tpu.memory_space<vmem>>, vector<1x16xf32>,
          %add3A_504 = arith.constant 4 : i32
          %add3A_505 = arith.addi %add3A_342, %add3A_504 : i32
          %swap3A_506 = arith.index_cast %add3A_505 : i32 to index
          %swap3A_507 = arith.constant 0 : index
          %swap3A_508 = tpu.vector_load %arg19[%swap3A_506, %swap3A_507] {strides = array<i32>} : memref<250x16xf32, #tpu.memory_space<vmem>>, vector<1x16xf32>,
          %swap3A_509 = vector.shape_cast %swap3A_508 : vector<1x16xf32> to vector<16xf32>
          %swap3A_510 = vector.shape_cast %add3A_496 : vector<16xf32> to vector<1x16xf32>
          tpu.vector_store %arg19[%swap3A_506, %swap3A_507], %swap3A_510 {strides = array<i32>} : memref<250x16xf32, #tpu.memory_space<vmem>>, vector<1x16xf32>,
        }
        %scan3A_319 = arith.constant 50 : i32
        %add3A_320 = arith.addi %add3A_149, %mul3A_296 : i32
        %dma_start3A_321 = arith.constant 0 : i32
        %dma_start3A_322 = tpu.memref_slice %arg8[%add3A_320, %dma_start3A_321] : memref<200000x16xf32, #tpu.memory_space<hbm>> -> memref<250x16xf32, #tpu.memory_space<hbm>>
        %dma_start3A_323 = arith.constant 0 : i32
        %dma_start3A_324 = tpu.memref_slice %arg8[%add3A_320, %dma_start3A_323] : memref<200000x16xf32, #tpu.memory_space<hbm>> -> memref<250x16xf32, #tpu.memory_space<hbm>>
        tpu.enqueue_dma source(%arg18 : memref<250x16xf32, #tpu.memory_space<vmem>>) target(%dma_start3A_324 : memref<250x16xf32, #tpu.memory_space<hbm>>) target_semaphore(%arg28 : memref<!tpu.dma_semaphore, #tpu.memory_space<semaphore_mem>>)
        %add3A_325 = arith.addi %add3A_149, %mul3A_296 : i32
        %dma_start3A_326 = arith.constant 0 : i32
        %dma_start3A_327 = tpu.memref_slice %arg9[%add3A_325, %dma_start3A_326] : memref<200000x16xf32, #tpu.memory_space<hbm>> -> memref<250x16xf32, #tpu.memory_space<hbm>>
        %dma_start3A_328 = arith.constant 0 : i32
        %dma_start3A_329 = tpu.memref_slice %arg9[%add3A_325, %dma_start3A_328] : memref<200000x16xf32, #tpu.memory_space<hbm>> -> memref<250x16xf32, #tpu.memory_space<hbm>>
        tpu.enqueue_dma source(%arg19 : memref<250x16xf32, #tpu.memory_space<vmem>>) target(%dma_start3A_329 : memref<250x16xf32, #tpu.memory_space<hbm>>) target_semaphore(%arg29 : memref<!tpu.dma_semaphore, #tpu.memory_space<semaphore_mem>>)
        %dma_wait3A_330 = arith.constant 0 : i32
        %dma_wait3A_331 = tpu.memref_slice %arg8[%add3A_320, %dma_wait3A_330] : memref<200000x16xf32, #tpu.memory_space<hbm>> -> memref<250x16xf32, #tpu.memory_space<hbm>>
        %dma_wait3A_332 = arith.constant 0 : i32
        %dma_wait3A_333 = tpu.memref_slice %arg8[%add3A_320, %dma_wait3A_332] : memref<200000x16xf32, #tpu.memory_space<hbm>> -> memref<250x16xf32, #tpu.memory_space<hbm>>
        tpu.wait_dma2 semaphore(%arg28 : memref<!tpu.dma_semaphore, #tpu.memory_space<semaphore_mem>>) src(%arg18 : memref<250x16xf32, #tpu.memory_space<vmem>>) dst(%dma_wait3A_333 : memref<250x16xf32, #tpu.memory_space<hbm>>)
        %dma_wait3A_334 = arith.constant 0 : i32
        %dma_wait3A_335 = tpu.memref_slice %arg9[%add3A_325, %dma_wait3A_334] : memref<200000x16xf32, #tpu.memory_space<hbm>> -> memref<250x16xf32, #tpu.memory_space<hbm>>
        %dma_wait3A_336 = arith.constant 0 : i32
        %dma_wait3A_337 = tpu.memref_slice %arg9[%add3A_325, %dma_wait3A_336] : memref<200000x16xf32, #tpu.memory_space<hbm>> -> memref<250x16xf32, #tpu.memory_space<hbm>>
        tpu.wait_dma2 semaphore(%arg29 : memref<!tpu.dma_semaphore, #tpu.memory_space<semaphore_mem>>) src(%arg19 : memref<250x16xf32, #tpu.memory_space<vmem>>) dst(%dma_wait3A_337 : memref<250x16xf32, #tpu.memory_space<hbm>>)
      } else {
      }
    }
    %scan3A_172 = arith.constant 13 : i32
    %dma_wait3A_173 = arith.constant 0 : i32
    %dma_wait3A_174 = tpu.memref_slice %arg11[%mul3A_157, %dma_wait3A_173] : memref<50000x16xf32, #tpu.memory_space<vmem_shared>> -> memref<3125x16xf32, #tpu.memory_space<vmem_shared>>
    %dma_wait3A_175 = arith.constant 0 : i32
    %dma_wait3A_176 = tpu.memref_slice %arg7[%add3A_158, %dma_wait3A_175] : memref<200000x16xf32, #tpu.memory_space<hbm>> -> memref<3125x16xf32, #tpu.memory_space<hbm>>
    tpu.wait_dma2 semaphore(%arg24 : memref<!tpu.dma_semaphore, #tpu.memory_space<semaphore_mem>>) src(%dma_wait3A_176 : memref<3125x16xf32, #tpu.memory_space<hbm>>) dst(%dma_wait3A_174 : memref<3125x16xf32, #tpu.memory_space<vmem_shared>>)
    %barrier3A_177 = arith.constant 0 : index
    tpu.barrier barrier_id(%barrier3A_177)
    %scan3A_178 = arith.constant 0 : i32
    %scan3A_179 = arith.constant 50 : i32
    %scan3A_180 = arith.addi %scan3A_178, %scan3A_179 : i32
    %scan3A_181 = arith.constant 1 : i32
    scf.for %scan3A_285 = %scan3A_178 to %scan3A_180 step %scan3A_181  : i32 {
      %mul3A_286 = arith.constant 1 : i32
      %mul3A_287 = arith.muli %scan3A_285, %mul3A_286 : i32
      %add3A_288 = arith.constant 0 : i32
      %add3A_289 = arith.addi %add3A_288, %mul3A_287 : i32
      %mul3A_290 = arith.constant 50 : i32
      %mul3A_291 = arith.muli %arg1, %mul3A_290 : i32
      %add3A_292 = arith.addi %mul3A_291, %add3A_289 : i32
      %mul3A_293 = arith.constant 4 : i32
      %mul3A_294 = arith.muli %add3A_292, %mul3A_293 : i32
      %dma_start3A_295 = arith.constant 0 : i32
      %dma_start3A_296 = tpu.memref_slice %arg2[%mul3A_294, %dma_start3A_295] : memref<3200x256xi32, #tpu.memory_space<hbm>> -> memref<4x256xi32, #tpu.memory_space<hbm>>
      %dma_start3A_297 = arith.constant 0 : i32
      %dma_start3A_298 = tpu.memref_slice %arg2[%mul3A_294, %dma_start3A_297] : memref<3200x256xi32, #tpu.memory_space<hbm>> -> memref<4x256xi32, #tpu.memory_space<hbm>>
      tpu.enqueue_dma source(%dma_start3A_298 : memref<4x256xi32, #tpu.memory_space<hbm>>) target(%arg13 : memref<4x256xi32, #tpu.memory_space<vmem>>) target_semaphore(%arg22 : memref<!tpu.dma_semaphore, #tpu.memory_space<semaphore_mem>>)
      %dma_start3A_299 = arith.constant 0 : i32
      %dma_start3A_300 = tpu.memref_slice %arg3[%mul3A_294, %dma_start3A_299] : memref<3200x256xi32, #tpu.memory_space<hbm>> -> memref<4x256xi32, #tpu.memory_space<hbm>>
      %dma_start3A_301 = arith.constant 0 : i32
      %dma_start3A_302 = tpu.memref_slice %arg3[%mul3A_294, %dma_start3A_301] : memref<3200x256xi32, #tpu.memory_space<hbm>> -> memref<4x256xi32, #tpu.memory_space<hbm>>
      tpu.enqueue_dma source(%dma_start3A_302 : memref<4x256xi32, #tpu.memory_space<hbm>>) target(%arg14 : memref<4x256xi32, #tpu.memory_space<vmem>>) target_semaphore(%arg23 : memref<!tpu.dma_semaphore, #tpu.memory_space<semaphore_mem>>)
      %dma_wait3A_303 = arith.constant 0 : i32
      %dma_wait3A_304 = tpu.memref_slice %arg2[%mul3A_294, %dma_wait3A_303] : memref<3200x256xi32, #tpu.memory_space<hbm>> -> memref<4x256xi32, #tpu.memory_space<hbm>>
      %dma_wait3A_305 = arith.constant 0 : i32
      %dma_wait3A_306 = tpu.memref_slice %arg2[%mul3A_294, %dma_wait3A_305] : memref<3200x256xi32, #tpu.memory_space<hbm>> -> memref<4x256xi32, #tpu.memory_space<hbm>>
      tpu.wait_dma2 semaphore(%arg22 : memref<!tpu.dma_semaphore, #tpu.memory_space<semaphore_mem>>) src(%dma_wait3A_306 : memref<4x256xi32, #tpu.memory_space<hbm>>) dst(%arg13 : memref<4x256xi32, #tpu.memory_space<vmem>>)
      %dma_wait3A_307 = arith.constant 0 : i32
      %dma_wait3A_308 = tpu.memref_slice %arg3[%mul3A_294, %dma_wait3A_307] : memref<3200x256xi32, #tpu.memory_space<hbm>> -> memref<4x256xi32, #tpu.memory_space<hbm>>
      %dma_wait3A_309 = arith.constant 0 : i32
      %dma_wait3A_310 = tpu.memref_slice %arg3[%mul3A_294, %dma_wait3A_309] : memref<3200x256xi32, #tpu.memory_space<hbm>> -> memref<4x256xi32, #tpu.memory_space<hbm>>
      tpu.wait_dma2 semaphore(%arg23 : memref<!tpu.dma_semaphore, #tpu.memory_space<semaphore_mem>>) src(%dma_wait3A_310 : memref<4x256xi32, #tpu.memory_space<hbm>>) dst(%arg14 : memref<4x256xi32, #tpu.memory_space<vmem>>)
      %dma_start3A_311 = arith.constant 0 : i32
      %dma_start3A_312 = arith.constant 0 : i32
      %dma_start3A_313 = tpu.memref_slice %arg13[%dma_start3A_311, %dma_start3A_312] : memref<4x256xi32, #tpu.memory_space<vmem>> -> memref<1x256xi32, #tpu.memory_space<vmem>>
      %dma_start3A_314 = tpu.memref_squeeze %dma_start3A_313 : memref<1x256xi32, #tpu.memory_space<vmem>> -> memref<256xi32, #tpu.memory_space<vmem>>
      %dma_start3A_315 = arith.constant 0 : i32
      %dma_start3A_316 = arith.constant 0 : i32
      %dma_start3A_317 = tpu.memref_slice %arg11[%dma_start3A_315, %dma_start3A_316] : memref<50000x16xf32, #tpu.memory_space<vmem_shared>> -> memref<50000x16xf32, #tpu.memory_space<vmem_shared>>
      tpu.enqueue_indirect_dma source(%dma_start3A_317 : memref<50000x16xf32, #tpu.memory_space<vmem_shared>>) target(%arg15 : memref<256x16xf32, #tpu.memory_space<vmem>>) offsets(%dma_start3A_314 : memref<256xi32, #tpu.memory_space<vmem>>) semaphore(%arg24 : memref<!tpu.dma_semaphore, #tpu.memory_space<semaphore_mem>>)
      %dma_start3A_318 = arith.constant 1 : i32
      %dma_start3A_319 = arith.constant 0 : i32
      %dma_start3A_320 = tpu.memref_slice %arg13[%dma_start3A_318, %dma_start3A_319] : memref<4x256xi32, #tpu.memory_space<vmem>> -> memref<1x256xi32, #tpu.memory_space<vmem>>
      %dma_start3A_321 = tpu.memref_squeeze %dma_start3A_320 : memref<1x256xi32, #tpu.memory_space<vmem>> -> memref<256xi32, #tpu.memory_space<vmem>>
      %dma_start3A_322 = arith.constant 0 : i32
      %dma_start3A_323 = arith.constant 0 : i32
      %dma_start3A_324 = tpu.memref_slice %arg11[%dma_start3A_322, %dma_start3A_323] : memref<50000x16xf32, #tpu.memory_space<vmem_shared>> -> memref<50000x16xf32, #tpu.memory_space<vmem_shared>>
      tpu.enqueue_indirect_dma source(%dma_start3A_324 : memref<50000x16xf32, #tpu.memory_space<vmem_shared>>) target(%arg16 : memref<256x16xf32, #tpu.memory_space<vmem>>) offsets(%dma_start3A_321 : memref<256xi32, #tpu.memory_space<vmem>>) semaphore(%arg25 : memref<!tpu.dma_semaphore, #tpu.memory_space<semaphore_mem>>)
      %dma_wait3A_325 = arith.constant 0 : i32
      %dma_wait3A_326 = arith.constant 0 : i32
      %dma_wait3A_327 = tpu.memref_slice %arg13[%dma_wait3A_325, %dma_wait3A_326] : memref<4x256xi32, #tpu.memory_space<vmem>> -> memref<1x256xi32, #tpu.memory_space<vmem>>
      %dma_wait3A_328 = tpu.memref_squeeze %dma_wait3A_327 : memref<1x256xi32, #tpu.memory_space<vmem>> -> memref<256xi32, #tpu.memory_space<vmem>>
      %dma_wait3A_329 = arith.constant 0 : i32
      %dma_wait3A_330 = arith.constant 0 : i32
      %dma_wait3A_331 = tpu.memref_slice %arg11[%dma_wait3A_329, %dma_wait3A_330] : memref<50000x16xf32, #tpu.memory_space<vmem_shared>> -> memref<50000x16xf32, #tpu.memory_space<vmem_shared>>
      tpu.wait_indirect_dma semaphore(%arg24 : memref<!tpu.dma_semaphore, #tpu.memory_space<semaphore_mem>>) src(%dma_wait3A_331 : memref<50000x16xf32, #tpu.memory_space<vmem_shared>>) dst(%arg15 : memref<256x16xf32, #tpu.memory_space<vmem>>)
      %dma_start3A_332 = arith.constant 0 : i32
      %dma_start3A_333 = arith.constant 0 : i32
      %dma_start3A_334 = tpu.memref_slice %arg14[%dma_start3A_332, %dma_start3A_333] : memref<4x256xi32, #tpu.memory_space<vmem>> -> memref<1x256xi32, #tpu.memory_space<vmem>>
      %dma_start3A_335 = tpu.memref_squeeze %dma_start3A_334 : memref<1x256xi32, #tpu.memory_space<vmem>> -> memref<256xi32, #tpu.memory_space<vmem>>
      %dma_start3A_336 = arith.constant 0 : i32
      %dma_start3A_337 = arith.constant 0 : i32
      %dma_start3A_338 = tpu.memref_slice %arg12[%dma_start3A_336, %dma_start3A_337] : memref<50008x16xf32, #tpu.memory_space<vmem_shared>> -> memref<50008x16xf32, #tpu.memory_space<vmem_shared>>
      tpu.enqueue_indirect_dma source(%arg15 : memref<256x16xf32, #tpu.memory_space<vmem>>) target(%dma_start3A_338 : memref<50008x16xf32, #tpu.memory_space<vmem_shared>>) offsets(%dma_start3A_335 : memref<256xi32, #tpu.memory_space<vmem>>) semaphore(%arg27 : memref<!tpu.dma_semaphore, #tpu.memory_space<semaphore_mem>>) {add = true}
      %dma_start3A_339 = arith.constant 2 : i32
      %dma_start3A_340 = arith.constant 0 : i32
      %dma_start3A_341 = tpu.memref_slice %arg13[%dma_start3A_339, %dma_start3A_340] : memref<4x256xi32, #tpu.memory_space<vmem>> -> memref<1x256xi32, #tpu.memory_space<vmem>>
      %dma_start3A_342 = tpu.memref_squeeze %dma_start3A_341 : memref<1x256xi32, #tpu.memory_space<vmem>> -> memref<256xi32, #tpu.memory_space<vmem>>
      %dma_start3A_343 = arith.constant 0 : i32
      %dma_start3A_344 = arith.constant 0 : i32
      %dma_start3A_345 = tpu.memref_slice %arg11[%dma_start3A_343, %dma_start3A_344] : memref<50000x16xf32, #tpu.memory_space<vmem_shared>> -> memref<50000x16xf32, #tpu.memory_space<vmem_shared>>
      tpu.enqueue_indirect_dma source(%dma_start3A_345 : memref<50000x16xf32, #tpu.memory_space<vmem_shared>>) target(%arg17 : memref<256x16xf32, #tpu.memory_space<vmem>>) offsets(%dma_start3A_342 : memref<256xi32, #tpu.memory_space<vmem>>) semaphore(%arg26 : memref<!tpu.dma_semaphore, #tpu.memory_space<semaphore_mem>>)
      %dma_wait3A_346 = arith.constant 1 : i32
      %dma_wait3A_347 = arith.constant 0 : i32
      %dma_wait3A_348 = tpu.memref_slice %arg13[%dma_wait3A_346, %dma_wait3A_347] : memref<4x256xi32, #tpu.memory_space<vmem>> -> memref<1x256xi32, #tpu.memory_space<vmem>>
      %dma_wait3A_349 = tpu.memref_squeeze %dma_wait3A_348 : memref<1x256xi32, #tpu.memory_space<vmem>> -> memref<256xi32, #tpu.memory_space<vmem>>
      %dma_wait3A_350 = arith.constant 0 : i32
      %dma_wait3A_351 = arith.constant 0 : i32
      %dma_wait3A_352 = tpu.memref_slice %arg11[%dma_wait3A_350, %dma_wait3A_351] : memref<50000x16xf32, #tpu.memory_space<vmem_shared>> -> memref<50000x16xf32, #tpu.memory_space<vmem_shared>>
      tpu.wait_indirect_dma semaphore(%arg25 : memref<!tpu.dma_semaphore, #tpu.memory_space<semaphore_mem>>) src(%dma_wait3A_352 : memref<50000x16xf32, #tpu.memory_space<vmem_shared>>) dst(%arg16 : memref<256x16xf32, #tpu.memory_space<vmem>>)
      %dma_start3A_353 = arith.constant 1 : i32
      %dma_start3A_354 = arith.constant 0 : i32
      %dma_start3A_355 = tpu.memref_slice %arg14[%dma_start3A_353, %dma_start3A_354] : memref<4x256xi32, #tpu.memory_space<vmem>> -> memref<1x256xi32, #tpu.memory_space<vmem>>
      %dma_start3A_356 = tpu.memref_squeeze %dma_start3A_355 : memref<1x256xi32, #tpu.memory_space<vmem>> -> memref<256xi32, #tpu.memory_space<vmem>>
      %dma_start3A_357 = arith.constant 0 : i32
      %dma_start3A_358 = arith.constant 0 : i32
      %dma_start3A_359 = tpu.memref_slice %arg12[%dma_start3A_357, %dma_start3A_358] : memref<50008x16xf32, #tpu.memory_space<vmem_shared>> -> memref<50008x16xf32, #tpu.memory_space<vmem_shared>>
      tpu.enqueue_indirect_dma source(%arg16 : memref<256x16xf32, #tpu.memory_space<vmem>>) target(%dma_start3A_359 : memref<50008x16xf32, #tpu.memory_space<vmem_shared>>) offsets(%dma_start3A_356 : memref<256xi32, #tpu.memory_space<vmem>>) semaphore(%arg28 : memref<!tpu.dma_semaphore, #tpu.memory_space<semaphore_mem>>) {add = true}
      %dma_wait3A_360 = arith.constant 0 : i32
      %dma_wait3A_361 = arith.constant 0 : i32
      %dma_wait3A_362 = tpu.memref_slice %arg14[%dma_wait3A_360, %dma_wait3A_361] : memref<4x256xi32, #tpu.memory_space<vmem>> -> memref<1x256xi32, #tpu.memory_space<vmem>>
      %dma_wait3A_363 = tpu.memref_squeeze %dma_wait3A_362 : memref<1x256xi32, #tpu.memory_space<vmem>> -> memref<256xi32, #tpu.memory_space<vmem>>
      %dma_wait3A_364 = arith.constant 0 : i32
      %dma_wait3A_365 = arith.constant 0 : i32
      %dma_wait3A_366 = tpu.memref_slice %arg12[%dma_wait3A_364, %dma_wait3A_365] : memref<50008x16xf32, #tpu.memory_space<vmem_shared>> -> memref<50008x16xf32, #tpu.memory_space<vmem_shared>>
      tpu.wait_indirect_dma semaphore(%arg27 : memref<!tpu.dma_semaphore, #tpu.memory_space<semaphore_mem>>) src(%arg15 : memref<256x16xf32, #tpu.memory_space<vmem>>) dst(%dma_wait3A_366 : memref<50008x16xf32, #tpu.memory_space<vmem_shared>>)
      %dma_start3A_367 = arith.constant 3 : i32
      %dma_start3A_368 = arith.constant 0 : i32
      %dma_start3A_369 = tpu.memref_slice %arg13[%dma_start3A_367, %dma_start3A_368] : memref<4x256xi32, #tpu.memory_space<vmem>> -> memref<1x256xi32, #tpu.memory_space<vmem>>
      %dma_start3A_370 = tpu.memref_squeeze %dma_start3A_369 : memref<1x256xi32, #tpu.memory_space<vmem>> -> memref<256xi32, #tpu.memory_space<vmem>>
      %dma_start3A_371 = arith.constant 0 : i32
      %dma_start3A_372 = arith.constant 0 : i32
      %dma_start3A_373 = tpu.memref_slice %arg11[%dma_start3A_371, %dma_start3A_372] : memref<50000x16xf32, #tpu.memory_space<vmem_shared>> -> memref<50000x16xf32, #tpu.memory_space<vmem_shared>>
      tpu.enqueue_indirect_dma source(%dma_start3A_373 : memref<50000x16xf32, #tpu.memory_space<vmem_shared>>) target(%arg15 : memref<256x16xf32, #tpu.memory_space<vmem>>) offsets(%dma_start3A_370 : memref<256xi32, #tpu.memory_space<vmem>>) semaphore(%arg24 : memref<!tpu.dma_semaphore, #tpu.memory_space<semaphore_mem>>)
      %dma_wait3A_374 = arith.constant 2 : i32
      %dma_wait3A_375 = arith.constant 0 : i32
      %dma_wait3A_376 = tpu.memref_slice %arg13[%dma_wait3A_374, %dma_wait3A_375] : memref<4x256xi32, #tpu.memory_space<vmem>> -> memref<1x256xi32, #tpu.memory_space<vmem>>
      %dma_wait3A_377 = tpu.memref_squeeze %dma_wait3A_376 : memref<1x256xi32, #tpu.memory_space<vmem>> -> memref<256xi32, #tpu.memory_space<vmem>>
      %dma_wait3A_378 = arith.constant 0 : i32
      %dma_wait3A_379 = arith.constant 0 : i32
      %dma_wait3A_380 = tpu.memref_slice %arg11[%dma_wait3A_378, %dma_wait3A_379] : memref<50000x16xf32, #tpu.memory_space<vmem_shared>> -> memref<50000x16xf32, #tpu.memory_space<vmem_shared>>
      tpu.wait_indirect_dma semaphore(%arg26 : memref<!tpu.dma_semaphore, #tpu.memory_space<semaphore_mem>>) src(%dma_wait3A_380 : memref<50000x16xf32, #tpu.memory_space<vmem_shared>>) dst(%arg17 : memref<256x16xf32, #tpu.memory_space<vmem>>)
      %dma_start3A_381 = arith.constant 2 : i32
      %dma_start3A_382 = arith.constant 0 : i32
      %dma_start3A_383 = tpu.memref_slice %arg14[%dma_start3A_381, %dma_start3A_382] : memref<4x256xi32, #tpu.memory_space<vmem>> -> memref<1x256xi32, #tpu.memory_space<vmem>>
      %dma_start3A_384 = tpu.memref_squeeze %dma_start3A_383 : memref<1x256xi32, #tpu.memory_space<vmem>> -> memref<256xi32, #tpu.memory_space<vmem>>
      %dma_start3A_385 = arith.constant 0 : i32
      %dma_start3A_386 = arith.constant 0 : i32
      %dma_start3A_387 = tpu.memref_slice %arg12[%dma_start3A_385, %dma_start3A_386] : memref<50008x16xf32, #tpu.memory_space<vmem_shared>> -> memref<50008x16xf32, #tpu.memory_space<vmem_shared>>
      tpu.enqueue_indirect_dma source(%arg17 : memref<256x16xf32, #tpu.memory_space<vmem>>) target(%dma_start3A_387 : memref<50008x16xf32, #tpu.memory_space<vmem_shared>>) offsets(%dma_start3A_384 : memref<256xi32, #tpu.memory_space<vmem>>) semaphore(%arg29 : memref<!tpu.dma_semaphore, #tpu.memory_space<semaphore_mem>>) {add = true}
      %dma_wait3A_388 = arith.constant 3 : i32
      %dma_wait3A_389 = arith.constant 0 : i32
      %dma_wait3A_390 = tpu.memref_slice %arg13[%dma_wait3A_388, %dma_wait3A_389] : memref<4x256xi32, #tpu.memory_space<vmem>> -> memref<1x256xi32, #tpu.memory_space<vmem>>
      %dma_wait3A_391 = tpu.memref_squeeze %dma_wait3A_390 : memref<1x256xi32, #tpu.memory_space<vmem>> -> memref<256xi32, #tpu.memory_space<vmem>>
      %dma_wait3A_392 = arith.constant 0 : i32
      %dma_wait3A_393 = arith.constant 0 : i32
      %dma_wait3A_394 = tpu.memref_slice %arg11[%dma_wait3A_392, %dma_wait3A_393] : memref<50000x16xf32, #tpu.memory_space<vmem_shared>> -> memref<50000x16xf32, #tpu.memory_space<vmem_shared>>
      tpu.wait_indirect_dma semaphore(%arg24 : memref<!tpu.dma_semaphore, #tpu.memory_space<semaphore_mem>>) src(%dma_wait3A_394 : memref<50000x16xf32, #tpu.memory_space<vmem_shared>>) dst(%arg15 : memref<256x16xf32, #tpu.memory_space<vmem>>)
      %dma_start3A_395 = arith.constant 3 : i32
      %dma_start3A_396 = arith.constant 0 : i32
      %dma_start3A_397 = tpu.memref_slice %arg14[%dma_start3A_395, %dma_start3A_396] : memref<4x256xi32, #tpu.memory_space<vmem>> -> memref<1x256xi32, #tpu.memory_space<vmem>>
      %dma_start3A_398 = tpu.memref_squeeze %dma_start3A_397 : memref<1x256xi32, #tpu.memory_space<vmem>> -> memref<256xi32, #tpu.memory_space<vmem>>
      %dma_start3A_399 = arith.constant 0 : i32
      %dma_start3A_400 = arith.constant 0 : i32
      %dma_start3A_401 = tpu.memref_slice %arg12[%dma_start3A_399, %dma_start3A_400] : memref<50008x16xf32, #tpu.memory_space<vmem_shared>> -> memref<50008x16xf32, #tpu.memory_space<vmem_shared>>
      tpu.enqueue_indirect_dma source(%arg15 : memref<256x16xf32, #tpu.memory_space<vmem>>) target(%dma_start3A_401 : memref<50008x16xf32, #tpu.memory_space<vmem_shared>>) offsets(%dma_start3A_398 : memref<256xi32, #tpu.memory_space<vmem>>) semaphore(%arg27 : memref<!tpu.dma_semaphore, #tpu.memory_space<semaphore_mem>>) {add = true}
      %dma_wait3A_402 = arith.constant 1 : i32
      %dma_wait3A_403 = arith.constant 0 : i32
      %dma_wait3A_404 = tpu.memref_slice %arg14[%dma_wait3A_402, %dma_wait3A_403] : memref<4x256xi32, #tpu.memory_space<vmem>> -> memref<1x256xi32, #tpu.memory_space<vmem>>
      %dma_wait3A_405 = tpu.memref_squeeze %dma_wait3A_404 : memref<1x256xi32, #tpu.memory_space<vmem>> -> memref<256xi32, #tpu.memory_space<vmem>>
      %dma_wait3A_406 = arith.constant 0 : i32
      %dma_wait3A_407 = arith.constant 0 : i32
      %dma_wait3A_408 = tpu.memref_slice %arg12[%dma_wait3A_406, %dma_wait3A_407] : memref<50008x16xf32, #tpu.memory_space<vmem_shared>> -> memref<50008x16xf32, #tpu.memory_space<vmem_shared>>
      tpu.wait_indirect_dma semaphore(%arg28 : memref<!tpu.dma_semaphore, #tpu.memory_space<semaphore_mem>>) src(%arg16 : memref<256x16xf32, #tpu.memory_space<vmem>>) dst(%dma_wait3A_408 : memref<50008x16xf32, #tpu.memory_space<vmem_shared>>)
      %dma_wait3A_409 = arith.constant 2 : i32
      %dma_wait3A_410 = arith.constant 0 : i32
      %dma_wait3A_411 = tpu.memref_slice %arg14[%dma_wait3A_409, %dma_wait3A_410] : memref<4x256xi32, #tpu.memory_space<vmem>> -> memref<1x256xi32, #tpu.memory_space<vmem>>
      %dma_wait3A_412 = tpu.memref_squeeze %dma_wait3A_411 : memref<1x256xi32, #tpu.memory_space<vmem>> -> memref<256xi32, #tpu.memory_space<vmem>>
      %dma_wait3A_413 = arith.constant 0 : i32
      %dma_wait3A_414 = arith.constant 0 : i32
      %dma_wait3A_415 = tpu.memref_slice %arg12[%dma_wait3A_413, %dma_wait3A_414] : memref<50008x16xf32, #tpu.memory_space<vmem_shared>> -> memref<50008x16xf32, #tpu.memory_space<vmem_shared>>
      tpu.wait_indirect_dma semaphore(%arg29 : memref<!tpu.dma_semaphore, #tpu.memory_space<semaphore_mem>>) src(%arg17 : memref<256x16xf32, #tpu.memory_space<vmem>>) dst(%dma_wait3A_415 : memref<50008x16xf32, #tpu.memory_space<vmem_shared>>)
      %dma_wait3A_416 = arith.constant 3 : i32
      %dma_wait3A_417 = arith.constant 0 : i32
      %dma_wait3A_418 = tpu.memref_slice %arg14[%dma_wait3A_416, %dma_wait3A_417] : memref<4x256xi32, #tpu.memory_space<vmem>> -> memref<1x256xi32, #tpu.memory_space<vmem>>
      %dma_wait3A_419 = tpu.memref_squeeze %dma_wait3A_418 : memref<1x256xi32, #tpu.memory_space<vmem>> -> memref<256xi32, #tpu.memory_space<vmem>>
      %dma_wait3A_420 = arith.constant 0 : i32
      %dma_wait3A_421 = arith.constant 0 : i32
      %dma_wait3A_422 = tpu.memref_slice %arg12[%dma_wait3A_420, %dma_wait3A_421] : memref<50008x16xf32, #tpu.memory_space<vmem_shared>> -> memref<50008x16xf32, #tpu.memory_space<vmem_shared>>
      tpu.wait_indirect_dma semaphore(%arg27 : memref<!tpu.dma_semaphore, #tpu.memory_space<semaphore_mem>>) src(%arg15 : memref<256x16xf32, #tpu.memory_space<vmem>>) dst(%dma_wait3A_422 : memref<50008x16xf32, #tpu.memory_space<vmem_shared>>)
    }
    %scan3A_182 = arith.constant 50 : i32
    %barrier3A_183 = arith.constant 0 : index
    tpu.barrier barrier_id(%barrier3A_183)
    %add3A_184 = arith.constant 0 : i32
    %add3A_185 = arith.addi %mul3A_4, %add3A_184 : i32
    %add3A_186 = arith.constant 50000 : i32
    %add3A_187 = arith.addi %mul3A_4, %add3A_186 : i32
    %add3A_188 = arith.constant 50000 : i32
    %add3A_189 = arith.addi %mul3A_4, %add3A_188 : i32
    %mul3A_190 = arith.constant 2 : i32
    %mul3A_191 = arith.muli %mul3A_190, %arg0 : i32
    %add3A_192 = arith.constant 1 : i32
    %add3A_193 = arith.addi %mul3A_191, %add3A_192 : i32
    %mul3A_194 = arith.constant 16 : i32
    %mul3A_195 = arith.muli %add3A_193, %mul3A_194 : i32
    %mul3A_196 = arith.constant 3125 : i32
    %mul3A_197 = arith.muli %arg1, %mul3A_196 : i32
    %add3A_198 = arith.addi %add3A_185, %mul3A_197 : i32
    %dma_start3A_199 = arith.constant 0 : i32
    %dma_start3A_200 = tpu.memref_slice %arg11[%mul3A_197, %dma_start3A_199] : memref<50000x16xf32, #tpu.memory_space<vmem_shared>> -> memref<3125x16xf32, #tpu.memory_space<vmem_shared>>
    %dma_start3A_201 = arith.constant 0 : i32
    %dma_start3A_202 = tpu.memref_slice %arg8[%add3A_198, %dma_start3A_201] : memref<200000x16xf32, #tpu.memory_space<hbm>> -> memref<3125x16xf32, #tpu.memory_space<hbm>>
    tpu.enqueue_dma source(%dma_start3A_202 : memref<3125x16xf32, #tpu.memory_space<hbm>>) target(%dma_start3A_200 : memref<3125x16xf32, #tpu.memory_space<vmem_shared>>) target_semaphore(%arg24 : memref<!tpu.dma_semaphore, #tpu.memory_space<semaphore_mem>>)
    %scan3A_203 = arith.constant 0 : i32
    %scan3A_204 = arith.constant 250 : i32
    %scan3A_205 = arith.addi %scan3A_203, %scan3A_204 : i32
    %scan3A_206 = arith.constant 1 : i32
    scf.for %scan3A_285 = %scan3A_203 to %scan3A_205 step %scan3A_206  : i32 {
      %mul3A_286 = arith.constant 1 : i32
      %mul3A_287 = arith.muli %scan3A_285, %mul3A_286 : i32
      %add3A_288 = arith.constant 0 : i32
      %add3A_289 = arith.addi %add3A_288, %mul3A_287 : i32
      %swap3A = arith.index_cast %add3A_289 : i32 to index
      %swap3A_290 = arith.constant 0 : index
      %swap3A_291 = tpu.vector_load %arg21[%swap3A, %swap3A_290] {strides = array<i32>} : memref<250x16xf32, #tpu.memory_space<vmem>>, vector<1x16xf32>,
      %swap3A_292 = vector.shape_cast %swap3A_291 : vector<1x16xf32> to vector<16xf32>
      %swap3A_293 = vector.shape_cast %broadcast_in_dim3A_5 : vector<16xf32> to vector<1x16xf32>
      tpu.vector_store %arg21[%swap3A, %swap3A_290], %swap3A_293 {strides = array<i32>} : memref<250x16xf32, #tpu.memory_space<vmem>>, vector<1x16xf32>,
    }
    %scan3A_207 = arith.constant 250 : i32
    %scan3A_208 = arith.constant 0 : i32
    %scan3A_209 = arith.constant 13 : i32
    %scan3A_210 = arith.addi %scan3A_208, %scan3A_209 : i32
    %scan3A_211 = arith.constant 1 : i32
    scf.for %scan3A_285 = %scan3A_208 to %scan3A_210 step %scan3A_211  : i32 {
      %mul3A_286 = arith.constant 1 : i32
      %mul3A_287 = arith.muli %scan3A_285, %mul3A_286 : i32
      %add3A_288 = arith.constant 0 : i32
      %add3A_289 = arith.addi %add3A_288, %mul3A_287 : i32
      %mul3A_290 = arith.constant 16 : i32
      %mul3A_291 = arith.muli %add3A_289, %mul3A_290 : i32
      %add3A_292 = arith.addi %mul3A_291, %arg1 : i32
      %lt3A = arith.constant 200 : i32
      %lt3A_293 = arith.cmpi slt, %add3A_292, %lt3A : i32
      %convert_element_type3A = arith.extui %lt3A_293 : i1 to i32
      %cond3A = arith.constant 0 : i32
      %cond3A_294 = arith.cmpi ne, %convert_element_type3A, %cond3A : i32
      scf.if %cond3A_294 {
        %mul3A_295 = arith.constant 250 : i32
        %mul3A_296 = arith.muli %add3A_292, %mul3A_295 : i32
        %add3A_297 = arith.addi %add3A_187, %mul3A_296 : i32
        %dma_start3A_298 = arith.constant 0 : i32
        %dma_start3A_299 = tpu.memref_slice %arg9[%add3A_297, %dma_start3A_298] : memref<200000x16xf32, #tpu.memory_space<hbm>> -> memref<250x16xf32, #tpu.memory_space<hbm>>
        %dma_start3A_300 = arith.constant 0 : i32
        %dma_start3A_301 = tpu.memref_slice %arg9[%add3A_297, %dma_start3A_300] : memref<200000x16xf32, #tpu.memory_space<hbm>> -> memref<250x16xf32, #tpu.memory_space<hbm>>
        tpu.enqueue_dma source(%dma_start3A_301 : memref<250x16xf32, #tpu.memory_space<hbm>>) target(%arg19 : memref<250x16xf32, #tpu.memory_space<vmem>>) target_semaphore(%arg22 : memref<!tpu.dma_semaphore, #tpu.memory_space<semaphore_mem>>)
        %add3A_302 = arith.addi %mul3A_0, %mul3A_296 : i32
        %dma_start3A_303 = arith.constant 0 : i32
        %dma_start3A_304 = tpu.memref_slice %arg10[%add3A_302, %dma_start3A_303] : memref<100000x16xf32, #tpu.memory_space<hbm>> -> memref<250x16xf32, #tpu.memory_space<hbm>>
        %dma_start3A_305 = arith.constant 0 : i32
        %dma_start3A_306 = tpu.memref_slice %arg10[%add3A_302, %dma_start3A_305] : memref<100000x16xf32, #tpu.memory_space<hbm>> -> memref<250x16xf32, #tpu.memory_space<hbm>>
        tpu.enqueue_dma source(%dma_start3A_306 : memref<250x16xf32, #tpu.memory_space<hbm>>) target(%arg20 : memref<250x16xf32, #tpu.memory_space<vmem>>) target_semaphore(%arg23 : memref<!tpu.dma_semaphore, #tpu.memory_space<semaphore_mem>>)
        "tpu.region"() ({
          %run_scoped3A = tpu.sem_alloc : memref<!tpu.dma_semaphore, #tpu.memory_space<semaphore_mem>>
          %dma_start3A_338 = arith.constant 0 : i32
          %dma_start3A_339 = tpu.memref_slice %arg12[%mul3A_296, %dma_start3A_338] : memref<50008x16xf32, #tpu.memory_space<vmem_shared>> -> memref<250x16xf32, #tpu.memory_space<vmem_shared>>
          %dma_start3A_340 = arith.constant 0 : i32
          %dma_start3A_341 = tpu.memref_slice %arg12[%mul3A_296, %dma_start3A_340] : memref<50008x16xf32, #tpu.memory_space<vmem_shared>> -> memref<250x16xf32, #tpu.memory_space<vmem_shared>>
          tpu.enqueue_dma source(%dma_start3A_341 : memref<250x16xf32, #tpu.memory_space<vmem_shared>>) target(%arg18 : memref<250x16xf32, #tpu.memory_space<vmem>>) target_semaphore(%run_scoped3A : memref<!tpu.dma_semaphore, #tpu.memory_space<semaphore_mem>>)
          %dma_wait3A_342 = arith.constant 0 : i32
          %dma_wait3A_343 = tpu.memref_slice %arg12[%mul3A_296, %dma_wait3A_342] : memref<50008x16xf32, #tpu.memory_space<vmem_shared>> -> memref<250x16xf32, #tpu.memory_space<vmem_shared>>
          %dma_wait3A_344 = arith.constant 0 : i32
          %dma_wait3A_345 = tpu.memref_slice %arg12[%mul3A_296, %dma_wait3A_344] : memref<50008x16xf32, #tpu.memory_space<vmem_shared>> -> memref<250x16xf32, #tpu.memory_space<vmem_shared>>
          tpu.wait_dma2 semaphore(%run_scoped3A : memref<!tpu.dma_semaphore, #tpu.memory_space<semaphore_mem>>) src(%dma_wait3A_345 : memref<250x16xf32, #tpu.memory_space<vmem_shared>>) dst(%arg18 : memref<250x16xf32, #tpu.memory_space<vmem>>)
          tpu.yield
        }) : () -> ()
        "tpu.region"() ({
          %run_scoped3A = tpu.sem_alloc : memref<!tpu.dma_semaphore, #tpu.memory_space<semaphore_mem>>
          %dma_start3A_338 = arith.constant 0 : i32
          %dma_start3A_339 = tpu.memref_slice %arg12[%mul3A_296, %dma_start3A_338] : memref<50008x16xf32, #tpu.memory_space<vmem_shared>> -> memref<250x16xf32, #tpu.memory_space<vmem_shared>>
          %dma_start3A_340 = arith.constant 0 : i32
          %dma_start3A_341 = tpu.memref_slice %arg12[%mul3A_296, %dma_start3A_340] : memref<50008x16xf32, #tpu.memory_space<vmem_shared>> -> memref<250x16xf32, #tpu.memory_space<vmem_shared>>
          tpu.enqueue_dma source(%arg21 : memref<250x16xf32, #tpu.memory_space<vmem>>) target(%dma_start3A_341 : memref<250x16xf32, #tpu.memory_space<vmem_shared>>) target_semaphore(%run_scoped3A : memref<!tpu.dma_semaphore, #tpu.memory_space<semaphore_mem>>)
          %dma_wait3A_342 = arith.constant 0 : i32
          %dma_wait3A_343 = tpu.memref_slice %arg12[%mul3A_296, %dma_wait3A_342] : memref<50008x16xf32, #tpu.memory_space<vmem_shared>> -> memref<250x16xf32, #tpu.memory_space<vmem_shared>>
          %dma_wait3A_344 = arith.constant 0 : i32
          %dma_wait3A_345 = tpu.memref_slice %arg12[%mul3A_296, %dma_wait3A_344] : memref<50008x16xf32, #tpu.memory_space<vmem_shared>> -> memref<250x16xf32, #tpu.memory_space<vmem_shared>>
          tpu.wait_dma2 semaphore(%run_scoped3A : memref<!tpu.dma_semaphore, #tpu.memory_space<semaphore_mem>>) src(%arg21 : memref<250x16xf32, #tpu.memory_space<vmem>>) dst(%dma_wait3A_345 : memref<250x16xf32, #tpu.memory_space<vmem_shared>>)
          tpu.yield
        }) : () -> ()
        %dma_wait3A_307 = arith.constant 0 : i32
        %dma_wait3A_308 = tpu.memref_slice %arg9[%add3A_297, %dma_wait3A_307] : memref<200000x16xf32, #tpu.memory_space<hbm>> -> memref<250x16xf32, #tpu.memory_space<hbm>>
        %dma_wait3A_309 = arith.constant 0 : i32
        %dma_wait3A_310 = tpu.memref_slice %arg9[%add3A_297, %dma_wait3A_309] : memref<200000x16xf32, #tpu.memory_space<hbm>> -> memref<250x16xf32, #tpu.memory_space<hbm>>
        tpu.wait_dma2 semaphore(%arg22 : memref<!tpu.dma_semaphore, #tpu.memory_space<semaphore_mem>>) src(%dma_wait3A_310 : memref<250x16xf32, #tpu.memory_space<hbm>>) dst(%arg19 : memref<250x16xf32, #tpu.memory_space<vmem>>)
        %dma_wait3A_311 = arith.constant 0 : i32
        %dma_wait3A_312 = tpu.memref_slice %arg10[%add3A_302, %dma_wait3A_311] : memref<100000x16xf32, #tpu.memory_space<hbm>> -> memref<250x16xf32, #tpu.memory_space<hbm>>
        %dma_wait3A_313 = arith.constant 0 : i32
        %dma_wait3A_314 = tpu.memref_slice %arg10[%add3A_302, %dma_wait3A_313] : memref<100000x16xf32, #tpu.memory_space<hbm>> -> memref<250x16xf32, #tpu.memory_space<hbm>>
        tpu.wait_dma2 semaphore(%arg23 : memref<!tpu.dma_semaphore, #tpu.memory_space<semaphore_mem>>) src(%dma_wait3A_314 : memref<250x16xf32, #tpu.memory_space<hbm>>) dst(%arg20 : memref<250x16xf32, #tpu.memory_space<vmem>>)
        %scan3A_315 = arith.constant 0 : i32
        %scan3A_316 = arith.constant 50 : i32
        %scan3A_317 = arith.addi %scan3A_315, %scan3A_316 : i32
        %scan3A_318 = arith.constant 1 : i32
        scf.for %scan3A_338 = %scan3A_315 to %scan3A_317 step %scan3A_318  : i32 {
          %mul3A_339 = arith.constant 5 : i32
          %mul3A_340 = arith.muli %scan3A_338, %mul3A_339 : i32
          %add3A_341 = arith.constant 0 : i32
          %add3A_342 = arith.addi %add3A_341, %mul3A_340 : i32
          %add3A_343 = arith.constant 0 : i32
          %add3A_344 = arith.addi %add3A_342, %add3A_343 : i32
          %get3A = arith.index_cast %add3A_344 : i32 to index
          %get3A_345 = arith.constant 0 : index
          %get3A_346 = tpu.vector_load %arg18[%get3A, %get3A_345] {strides = array<i32>} : memref<250x16xf32, #tpu.memory_space<vmem>>, vector<1x16xf32>,
          %get3A_347 = vector.shape_cast %get3A_346 : vector<1x16xf32> to vector<16xf32>
          %add3A_348 = arith.constant 0 : i32
          %add3A_349 = arith.addi %add3A_342, %add3A_348 : i32
          %get3A_350 = arith.index_cast %add3A_349 : i32 to index
          %get3A_351 = arith.constant 0 : index
          %get3A_352 = tpu.vector_load %arg20[%get3A_350, %get3A_351] {strides = array<i32>} : memref<250x16xf32, #tpu.memory_space<vmem>>, vector<1x16xf32>,
          %get3A_353 = vector.shape_cast %get3A_352 : vector<1x16xf32> to vector<16xf32>
          %mul3A_354 = arith.mulf %get3A_347, %get3A_353 : vector<16xf32>
          %add3A_355 = arith.constant 0 : i32
          %add3A_356 = arith.addi %add3A_342, %add3A_355 : i32
          %get3A_357 = arith.index_cast %add3A_356 : i32 to index
          %get3A_358 = arith.constant 0 : index
          %get3A_359 = tpu.vector_load %arg19[%get3A_357, %get3A_358] {strides = array<i32>} : memref<250x16xf32, #tpu.memory_space<vmem>>, vector<1x16xf32>,
          %get3A_360 = vector.shape_cast %get3A_359 : vector<1x16xf32> to vector<16xf32>
          %add3A_361 = arith.addf %get3A_360, %mul3A_354 : vector<16xf32>
          %add3A_362 = arith.constant 0 : i32
          %add3A_363 = arith.addi %add3A_342, %add3A_362 : i32
          %swap3A = arith.index_cast %add3A_363 : i32 to index
          %swap3A_364 = arith.constant 0 : index
          %swap3A_365 = tpu.vector_load %arg18[%swap3A, %swap3A_364] {strides = array<i32>} : memref<250x16xf32, #tpu.memory_space<vmem>>, vector<1x16xf32>,
          %swap3A_366 = vector.shape_cast %swap3A_365 : vector<1x16xf32> to vector<16xf32>
          %swap3A_367 = vector.shape_cast %mul3A_354 : vector<16xf32> to vector<1x16xf32>
          tpu.vector_store %arg18[%swap3A, %swap3A_364], %swap3A_367 {strides = array<i32>} : memref<250x16xf32, #tpu.memory_space<vmem>>, vector<1x16xf32>,
          %add3A_368 = arith.constant 0 : i32
          %add3A_369 = arith.addi %add3A_342, %add3A_368 : i32
          %swap3A_370 = arith.index_cast %add3A_369 : i32 to index
          %swap3A_371 = arith.constant 0 : index
          %swap3A_372 = tpu.vector_load %arg19[%swap3A_370, %swap3A_371] {strides = array<i32>} : memref<250x16xf32, #tpu.memory_space<vmem>>, vector<1x16xf32>,
          %swap3A_373 = vector.shape_cast %swap3A_372 : vector<1x16xf32> to vector<16xf32>
          %swap3A_374 = vector.shape_cast %add3A_361 : vector<16xf32> to vector<1x16xf32>
          tpu.vector_store %arg19[%swap3A_370, %swap3A_371], %swap3A_374 {strides = array<i32>} : memref<250x16xf32, #tpu.memory_space<vmem>>, vector<1x16xf32>,
          %add3A_375 = arith.constant 1 : i32
          %add3A_376 = arith.addi %add3A_342, %add3A_375 : i32
          %get3A_377 = arith.index_cast %add3A_376 : i32 to index
          %get3A_378 = arith.constant 0 : index
          %get3A_379 = tpu.vector_load %arg18[%get3A_377, %get3A_378] {strides = array<i32>} : memref<250x16xf32, #tpu.memory_space<vmem>>, vector<1x16xf32>,
          %get3A_380 = vector.shape_cast %get3A_379 : vector<1x16xf32> to vector<16xf32>
          %add3A_381 = arith.constant 1 : i32
          %add3A_382 = arith.addi %add3A_342, %add3A_381 : i32
          %get3A_383 = arith.index_cast %add3A_382 : i32 to index
          %get3A_384 = arith.constant 0 : index
          %get3A_385 = tpu.vector_load %arg20[%get3A_383, %get3A_384] {strides = array<i32>} : memref<250x16xf32, #tpu.memory_space<vmem>>, vector<1x16xf32>,
          %get3A_386 = vector.shape_cast %get3A_385 : vector<1x16xf32> to vector<16xf32>
          %mul3A_387 = arith.mulf %get3A_380, %get3A_386 : vector<16xf32>
          %add3A_388 = arith.constant 1 : i32
          %add3A_389 = arith.addi %add3A_342, %add3A_388 : i32
          %get3A_390 = arith.index_cast %add3A_389 : i32 to index
          %get3A_391 = arith.constant 0 : index
          %get3A_392 = tpu.vector_load %arg19[%get3A_390, %get3A_391] {strides = array<i32>} : memref<250x16xf32, #tpu.memory_space<vmem>>, vector<1x16xf32>,
          %get3A_393 = vector.shape_cast %get3A_392 : vector<1x16xf32> to vector<16xf32>
          %add3A_394 = arith.addf %get3A_393, %mul3A_387 : vector<16xf32>
          %add3A_395 = arith.constant 1 : i32
          %add3A_396 = arith.addi %add3A_342, %add3A_395 : i32
          %swap3A_397 = arith.index_cast %add3A_396 : i32 to index
          %swap3A_398 = arith.constant 0 : index
          %swap3A_399 = tpu.vector_load %arg18[%swap3A_397, %swap3A_398] {strides = array<i32>} : memref<250x16xf32, #tpu.memory_space<vmem>>, vector<1x16xf32>,
          %swap3A_400 = vector.shape_cast %swap3A_399 : vector<1x16xf32> to vector<16xf32>
          %swap3A_401 = vector.shape_cast %mul3A_387 : vector<16xf32> to vector<1x16xf32>
          tpu.vector_store %arg18[%swap3A_397, %swap3A_398], %swap3A_401 {strides = array<i32>} : memref<250x16xf32, #tpu.memory_space<vmem>>, vector<1x16xf32>,
          %add3A_402 = arith.constant 1 : i32
          %add3A_403 = arith.addi %add3A_342, %add3A_402 : i32
          %swap3A_404 = arith.index_cast %add3A_403 : i32 to index
          %swap3A_405 = arith.constant 0 : index
          %swap3A_406 = tpu.vector_load %arg19[%swap3A_404, %swap3A_405] {strides = array<i32>} : memref<250x16xf32, #tpu.memory_space<vmem>>, vector<1x16xf32>,
          %swap3A_407 = vector.shape_cast %swap3A_406 : vector<1x16xf32> to vector<16xf32>
          %swap3A_408 = vector.shape_cast %add3A_394 : vector<16xf32> to vector<1x16xf32>
          tpu.vector_store %arg19[%swap3A_404, %swap3A_405], %swap3A_408 {strides = array<i32>} : memref<250x16xf32, #tpu.memory_space<vmem>>, vector<1x16xf32>,
          %add3A_409 = arith.constant 2 : i32
          %add3A_410 = arith.addi %add3A_342, %add3A_409 : i32
          %get3A_411 = arith.index_cast %add3A_410 : i32 to index
          %get3A_412 = arith.constant 0 : index
          %get3A_413 = tpu.vector_load %arg18[%get3A_411, %get3A_412] {strides = array<i32>} : memref<250x16xf32, #tpu.memory_space<vmem>>, vector<1x16xf32>,
          %get3A_414 = vector.shape_cast %get3A_413 : vector<1x16xf32> to vector<16xf32>
          %add3A_415 = arith.constant 2 : i32
          %add3A_416 = arith.addi %add3A_342, %add3A_415 : i32
          %get3A_417 = arith.index_cast %add3A_416 : i32 to index
          %get3A_418 = arith.constant 0 : index
          %get3A_419 = tpu.vector_load %arg20[%get3A_417, %get3A_418] {strides = array<i32>} : memref<250x16xf32, #tpu.memory_space<vmem>>, vector<1x16xf32>,
          %get3A_420 = vector.shape_cast %get3A_419 : vector<1x16xf32> to vector<16xf32>
          %mul3A_421 = arith.mulf %get3A_414, %get3A_420 : vector<16xf32>
          %add3A_422 = arith.constant 2 : i32
          %add3A_423 = arith.addi %add3A_342, %add3A_422 : i32
          %get3A_424 = arith.index_cast %add3A_423 : i32 to index
          %get3A_425 = arith.constant 0 : index
          %get3A_426 = tpu.vector_load %arg19[%get3A_424, %get3A_425] {strides = array<i32>} : memref<250x16xf32, #tpu.memory_space<vmem>>, vector<1x16xf32>,
          %get3A_427 = vector.shape_cast %get3A_426 : vector<1x16xf32> to vector<16xf32>
          %add3A_428 = arith.addf %get3A_427, %mul3A_421 : vector<16xf32>
          %add3A_429 = arith.constant 2 : i32
          %add3A_430 = arith.addi %add3A_342, %add3A_429 : i32
          %swap3A_431 = arith.index_cast %add3A_430 : i32 to index
          %swap3A_432 = arith.constant 0 : index
          %swap3A_433 = tpu.vector_load %arg18[%swap3A_431, %swap3A_432] {strides = array<i32>} : memref<250x16xf32, #tpu.memory_space<vmem>>, vector<1x16xf32>,
          %swap3A_434 = vector.shape_cast %swap3A_433 : vector<1x16xf32> to vector<16xf32>
          %swap3A_435 = vector.shape_cast %mul3A_421 : vector<16xf32> to vector<1x16xf32>
          tpu.vector_store %arg18[%swap3A_431, %swap3A_432], %swap3A_435 {strides = array<i32>} : memref<250x16xf32, #tpu.memory_space<vmem>>, vector<1x16xf32>,
          %add3A_436 = arith.constant 2 : i32
          %add3A_437 = arith.addi %add3A_342, %add3A_436 : i32
          %swap3A_438 = arith.index_cast %add3A_437 : i32 to index
          %swap3A_439 = arith.constant 0 : index
          %swap3A_440 = tpu.vector_load %arg19[%swap3A_438, %swap3A_439] {strides = array<i32>} : memref<250x16xf32, #tpu.memory_space<vmem>>, vector<1x16xf32>,
          %swap3A_441 = vector.shape_cast %swap3A_440 : vector<1x16xf32> to vector<16xf32>
          %swap3A_442 = vector.shape_cast %add3A_428 : vector<16xf32> to vector<1x16xf32>
          tpu.vector_store %arg19[%swap3A_438, %swap3A_439], %swap3A_442 {strides = array<i32>} : memref<250x16xf32, #tpu.memory_space<vmem>>, vector<1x16xf32>,
          %add3A_443 = arith.constant 3 : i32
          %add3A_444 = arith.addi %add3A_342, %add3A_443 : i32
          %get3A_445 = arith.index_cast %add3A_444 : i32 to index
          %get3A_446 = arith.constant 0 : index
          %get3A_447 = tpu.vector_load %arg18[%get3A_445, %get3A_446] {strides = array<i32>} : memref<250x16xf32, #tpu.memory_space<vmem>>, vector<1x16xf32>,
          %get3A_448 = vector.shape_cast %get3A_447 : vector<1x16xf32> to vector<16xf32>
          %add3A_449 = arith.constant 3 : i32
          %add3A_450 = arith.addi %add3A_342, %add3A_449 : i32
          %get3A_451 = arith.index_cast %add3A_450 : i32 to index
          %get3A_452 = arith.constant 0 : index
          %get3A_453 = tpu.vector_load %arg20[%get3A_451, %get3A_452] {strides = array<i32>} : memref<250x16xf32, #tpu.memory_space<vmem>>, vector<1x16xf32>,
          %get3A_454 = vector.shape_cast %get3A_453 : vector<1x16xf32> to vector<16xf32>
          %mul3A_455 = arith.mulf %get3A_448, %get3A_454 : vector<16xf32>
          %add3A_456 = arith.constant 3 : i32
          %add3A_457 = arith.addi %add3A_342, %add3A_456 : i32
          %get3A_458 = arith.index_cast %add3A_457 : i32 to index
          %get3A_459 = arith.constant 0 : index
          %get3A_460 = tpu.vector_load %arg19[%get3A_458, %get3A_459] {strides = array<i32>} : memref<250x16xf32, #tpu.memory_space<vmem>>, vector<1x16xf32>,
          %get3A_461 = vector.shape_cast %get3A_460 : vector<1x16xf32> to vector<16xf32>
          %add3A_462 = arith.addf %get3A_461, %mul3A_455 : vector<16xf32>
          %add3A_463 = arith.constant 3 : i32
          %add3A_464 = arith.addi %add3A_342, %add3A_463 : i32
          %swap3A_465 = arith.index_cast %add3A_464 : i32 to index
          %swap3A_466 = arith.constant 0 : index
          %swap3A_467 = tpu.vector_load %arg18[%swap3A_465, %swap3A_466] {strides = array<i32>} : memref<250x16xf32, #tpu.memory_space<vmem>>, vector<1x16xf32>,
          %swap3A_468 = vector.shape_cast %swap3A_467 : vector<1x16xf32> to vector<16xf32>
          %swap3A_469 = vector.shape_cast %mul3A_455 : vector<16xf32> to vector<1x16xf32>
          tpu.vector_store %arg18[%swap3A_465, %swap3A_466], %swap3A_469 {strides = array<i32>} : memref<250x16xf32, #tpu.memory_space<vmem>>, vector<1x16xf32>,
          %add3A_470 = arith.constant 3 : i32
          %add3A_471 = arith.addi %add3A_342, %add3A_470 : i32
          %swap3A_472 = arith.index_cast %add3A_471 : i32 to index
          %swap3A_473 = arith.constant 0 : index
          %swap3A_474 = tpu.vector_load %arg19[%swap3A_472, %swap3A_473] {strides = array<i32>} : memref<250x16xf32, #tpu.memory_space<vmem>>, vector<1x16xf32>,
          %swap3A_475 = vector.shape_cast %swap3A_474 : vector<1x16xf32> to vector<16xf32>
          %swap3A_476 = vector.shape_cast %add3A_462 : vector<16xf32> to vector<1x16xf32>
          tpu.vector_store %arg19[%swap3A_472, %swap3A_473], %swap3A_476 {strides = array<i32>} : memref<250x16xf32, #tpu.memory_space<vmem>>, vector<1x16xf32>,
          %add3A_477 = arith.constant 4 : i32
          %add3A_478 = arith.addi %add3A_342, %add3A_477 : i32
          %get3A_479 = arith.index_cast %add3A_478 : i32 to index
          %get3A_480 = arith.constant 0 : index
          %get3A_481 = tpu.vector_load %arg18[%get3A_479, %get3A_480] {strides = array<i32>} : memref<250x16xf32, #tpu.memory_space<vmem>>, vector<1x16xf32>,
          %get3A_482 = vector.shape_cast %get3A_481 : vector<1x16xf32> to vector<16xf32>
          %add3A_483 = arith.constant 4 : i32
          %add3A_484 = arith.addi %add3A_342, %add3A_483 : i32
          %get3A_485 = arith.index_cast %add3A_484 : i32 to index
          %get3A_486 = arith.constant 0 : index
          %get3A_487 = tpu.vector_load %arg20[%get3A_485, %get3A_486] {strides = array<i32>} : memref<250x16xf32, #tpu.memory_space<vmem>>, vector<1x16xf32>,
          %get3A_488 = vector.shape_cast %get3A_487 : vector<1x16xf32> to vector<16xf32>
          %mul3A_489 = arith.mulf %get3A_482, %get3A_488 : vector<16xf32>
          %add3A_490 = arith.constant 4 : i32
          %add3A_491 = arith.addi %add3A_342, %add3A_490 : i32
          %get3A_492 = arith.index_cast %add3A_491 : i32 to index
          %get3A_493 = arith.constant 0 : index
          %get3A_494 = tpu.vector_load %arg19[%get3A_492, %get3A_493] {strides = array<i32>} : memref<250x16xf32, #tpu.memory_space<vmem>>, vector<1x16xf32>,
          %get3A_495 = vector.shape_cast %get3A_494 : vector<1x16xf32> to vector<16xf32>
          %add3A_496 = arith.addf %get3A_495, %mul3A_489 : vector<16xf32>
          %add3A_497 = arith.constant 4 : i32
          %add3A_498 = arith.addi %add3A_342, %add3A_497 : i32
          %swap3A_499 = arith.index_cast %add3A_498 : i32 to index
          %swap3A_500 = arith.constant 0 : index
          %swap3A_501 = tpu.vector_load %arg18[%swap3A_499, %swap3A_500] {strides = array<i32>} : memref<250x16xf32, #tpu.memory_space<vmem>>, vector<1x16xf32>,
          %swap3A_502 = vector.shape_cast %swap3A_501 : vector<1x16xf32> to vector<16xf32>
          %swap3A_503 = vector.shape_cast %mul3A_489 : vector<16xf32> to vector<1x16xf32>
          tpu.vector_store %arg18[%swap3A_499, %swap3A_500], %swap3A_503 {strides = array<i32>} : memref<250x16xf32, #tpu.memory_space<vmem>>, vector<1x16xf32>,
          %add3A_504 = arith.constant 4 : i32
          %add3A_505 = arith.addi %add3A_342, %add3A_504 : i32
          %swap3A_506 = arith.index_cast %add3A_505 : i32 to index
          %swap3A_507 = arith.constant 0 : index
          %swap3A_508 = tpu.vector_load %arg19[%swap3A_506, %swap3A_507] {strides = array<i32>} : memref<250x16xf32, #tpu.memory_space<vmem>>, vector<1x16xf32>,
          %swap3A_509 = vector.shape_cast %swap3A_508 : vector<1x16xf32> to vector<16xf32>
          %swap3A_510 = vector.shape_cast %add3A_496 : vector<16xf32> to vector<1x16xf32>
          tpu.vector_store %arg19[%swap3A_506, %swap3A_507], %swap3A_510 {strides = array<i32>} : memref<250x16xf32, #tpu.memory_space<vmem>>, vector<1x16xf32>,
        }
        %scan3A_319 = arith.constant 50 : i32
        %add3A_320 = arith.addi %add3A_189, %mul3A_296 : i32
        %dma_start3A_321 = arith.constant 0 : i32
        %dma_start3A_322 = tpu.memref_slice %arg8[%add3A_320, %dma_start3A_321] : memref<200000x16xf32, #tpu.memory_space<hbm>> -> memref<250x16xf32, #tpu.memory_space<hbm>>
        %dma_start3A_323 = arith.constant 0 : i32
        %dma_start3A_324 = tpu.memref_slice %arg8[%add3A_320, %dma_start3A_323] : memref<200000x16xf32, #tpu.memory_space<hbm>> -> memref<250x16xf32, #tpu.memory_space<hbm>>
        tpu.enqueue_dma source(%arg18 : memref<250x16xf32, #tpu.memory_space<vmem>>) target(%dma_start3A_324 : memref<250x16xf32, #tpu.memory_space<hbm>>) target_semaphore(%arg28 : memref<!tpu.dma_semaphore, #tpu.memory_space<semaphore_mem>>)
        %add3A_325 = arith.addi %add3A_189, %mul3A_296 : i32
        %dma_start3A_326 = arith.constant 0 : i32
        %dma_start3A_327 = tpu.memref_slice %arg9[%add3A_325, %dma_start3A_326] : memref<200000x16xf32, #tpu.memory_space<hbm>> -> memref<250x16xf32, #tpu.memory_space<hbm>>
        %dma_start3A_328 = arith.constant 0 : i32
        %dma_start3A_329 = tpu.memref_slice %arg9[%add3A_325, %dma_start3A_328] : memref<200000x16xf32, #tpu.memory_space<hbm>> -> memref<250x16xf32, #tpu.memory_space<hbm>>
        tpu.enqueue_dma source(%arg19 : memref<250x16xf32, #tpu.memory_space<vmem>>) target(%dma_start3A_329 : memref<250x16xf32, #tpu.memory_space<hbm>>) target_semaphore(%arg29 : memref<!tpu.dma_semaphore, #tpu.memory_space<semaphore_mem>>)
        %dma_wait3A_330 = arith.constant 0 : i32
        %dma_wait3A_331 = tpu.memref_slice %arg8[%add3A_320, %dma_wait3A_330] : memref<200000x16xf32, #tpu.memory_space<hbm>> -> memref<250x16xf32, #tpu.memory_space<hbm>>
        %dma_wait3A_332 = arith.constant 0 : i32
        %dma_wait3A_333 = tpu.memref_slice %arg8[%add3A_320, %dma_wait3A_332] : memref<200000x16xf32, #tpu.memory_space<hbm>> -> memref<250x16xf32, #tpu.memory_space<hbm>>
        tpu.wait_dma2 semaphore(%arg28 : memref<!tpu.dma_semaphore, #tpu.memory_space<semaphore_mem>>) src(%arg18 : memref<250x16xf32, #tpu.memory_space<vmem>>) dst(%dma_wait3A_333 : memref<250x16xf32, #tpu.memory_space<hbm>>)
        %dma_wait3A_334 = arith.constant 0 : i32
        %dma_wait3A_335 = tpu.memref_slice %arg9[%add3A_325, %dma_wait3A_334] : memref<200000x16xf32, #tpu.memory_space<hbm>> -> memref<250x16xf32, #tpu.memory_space<hbm>>
        %dma_wait3A_336 = arith.constant 0 : i32
        %dma_wait3A_337 = tpu.memref_slice %arg9[%add3A_325, %dma_wait3A_336] : memref<200000x16xf32, #tpu.memory_space<hbm>> -> memref<250x16xf32, #tpu.memory_space<hbm>>
        tpu.wait_dma2 semaphore(%arg29 : memref<!tpu.dma_semaphore, #tpu.memory_space<semaphore_mem>>) src(%arg19 : memref<250x16xf32, #tpu.memory_space<vmem>>) dst(%dma_wait3A_337 : memref<250x16xf32, #tpu.memory_space<hbm>>)
      } else {
      }
    }
    %scan3A_212 = arith.constant 13 : i32
    %dma_wait3A_213 = arith.constant 0 : i32
    %dma_wait3A_214 = tpu.memref_slice %arg11[%mul3A_197, %dma_wait3A_213] : memref<50000x16xf32, #tpu.memory_space<vmem_shared>> -> memref<3125x16xf32, #tpu.memory_space<vmem_shared>>
    %dma_wait3A_215 = arith.constant 0 : i32
    %dma_wait3A_216 = tpu.memref_slice %arg8[%add3A_198, %dma_wait3A_215] : memref<200000x16xf32, #tpu.memory_space<hbm>> -> memref<3125x16xf32, #tpu.memory_space<hbm>>
    tpu.wait_dma2 semaphore(%arg24 : memref<!tpu.dma_semaphore, #tpu.memory_space<semaphore_mem>>) src(%dma_wait3A_216 : memref<3125x16xf32, #tpu.memory_space<hbm>>) dst(%dma_wait3A_214 : memref<3125x16xf32, #tpu.memory_space<vmem_shared>>)
    %barrier3A_217 = arith.constant 0 : index
    tpu.barrier barrier_id(%barrier3A_217)
    %scan3A_218 = arith.constant 0 : i32
    %scan3A_219 = arith.constant 50 : i32
    %scan3A_220 = arith.addi %scan3A_218, %scan3A_219 : i32
    %scan3A_221 = arith.constant 1 : i32
    scf.for %scan3A_285 = %scan3A_218 to %scan3A_220 step %scan3A_221  : i32 {
      %mul3A_286 = arith.constant 1 : i32
      %mul3A_287 = arith.muli %scan3A_285, %mul3A_286 : i32
      %add3A_288 = arith.constant 0 : i32
      %add3A_289 = arith.addi %add3A_288, %mul3A_287 : i32
      %mul3A_290 = arith.constant 50 : i32
      %mul3A_291 = arith.muli %arg1, %mul3A_290 : i32
      %add3A_292 = arith.addi %mul3A_291, %add3A_289 : i32
      %mul3A_293 = arith.constant 4 : i32
      %mul3A_294 = arith.muli %add3A_292, %mul3A_293 : i32
      %dma_start3A_295 = arith.constant 0 : i32
      %dma_start3A_296 = tpu.memref_slice %arg2[%mul3A_294, %dma_start3A_295] : memref<3200x256xi32, #tpu.memory_space<hbm>> -> memref<4x256xi32, #tpu.memory_space<hbm>>
      %dma_start3A_297 = arith.constant 0 : i32
      %dma_start3A_298 = tpu.memref_slice %arg2[%mul3A_294, %dma_start3A_297] : memref<3200x256xi32, #tpu.memory_space<hbm>> -> memref<4x256xi32, #tpu.memory_space<hbm>>
      tpu.enqueue_dma source(%dma_start3A_298 : memref<4x256xi32, #tpu.memory_space<hbm>>) target(%arg13 : memref<4x256xi32, #tpu.memory_space<vmem>>) target_semaphore(%arg22 : memref<!tpu.dma_semaphore, #tpu.memory_space<semaphore_mem>>)
      %dma_start3A_299 = arith.constant 0 : i32
      %dma_start3A_300 = tpu.memref_slice %arg3[%mul3A_294, %dma_start3A_299] : memref<3200x256xi32, #tpu.memory_space<hbm>> -> memref<4x256xi32, #tpu.memory_space<hbm>>
      %dma_start3A_301 = arith.constant 0 : i32
      %dma_start3A_302 = tpu.memref_slice %arg3[%mul3A_294, %dma_start3A_301] : memref<3200x256xi32, #tpu.memory_space<hbm>> -> memref<4x256xi32, #tpu.memory_space<hbm>>
      tpu.enqueue_dma source(%dma_start3A_302 : memref<4x256xi32, #tpu.memory_space<hbm>>) target(%arg14 : memref<4x256xi32, #tpu.memory_space<vmem>>) target_semaphore(%arg23 : memref<!tpu.dma_semaphore, #tpu.memory_space<semaphore_mem>>)
      %dma_wait3A_303 = arith.constant 0 : i32
      %dma_wait3A_304 = tpu.memref_slice %arg2[%mul3A_294, %dma_wait3A_303] : memref<3200x256xi32, #tpu.memory_space<hbm>> -> memref<4x256xi32, #tpu.memory_space<hbm>>
      %dma_wait3A_305 = arith.constant 0 : i32
      %dma_wait3A_306 = tpu.memref_slice %arg2[%mul3A_294, %dma_wait3A_305] : memref<3200x256xi32, #tpu.memory_space<hbm>> -> memref<4x256xi32, #tpu.memory_space<hbm>>
      tpu.wait_dma2 semaphore(%arg22 : memref<!tpu.dma_semaphore, #tpu.memory_space<semaphore_mem>>) src(%dma_wait3A_306 : memref<4x256xi32, #tpu.memory_space<hbm>>) dst(%arg13 : memref<4x256xi32, #tpu.memory_space<vmem>>)
      %dma_wait3A_307 = arith.constant 0 : i32
      %dma_wait3A_308 = tpu.memref_slice %arg3[%mul3A_294, %dma_wait3A_307] : memref<3200x256xi32, #tpu.memory_space<hbm>> -> memref<4x256xi32, #tpu.memory_space<hbm>>
      %dma_wait3A_309 = arith.constant 0 : i32
      %dma_wait3A_310 = tpu.memref_slice %arg3[%mul3A_294, %dma_wait3A_309] : memref<3200x256xi32, #tpu.memory_space<hbm>> -> memref<4x256xi32, #tpu.memory_space<hbm>>
      tpu.wait_dma2 semaphore(%arg23 : memref<!tpu.dma_semaphore, #tpu.memory_space<semaphore_mem>>) src(%dma_wait3A_310 : memref<4x256xi32, #tpu.memory_space<hbm>>) dst(%arg14 : memref<4x256xi32, #tpu.memory_space<vmem>>)
      %dma_start3A_311 = arith.constant 0 : i32
      %dma_start3A_312 = arith.constant 0 : i32
      %dma_start3A_313 = tpu.memref_slice %arg13[%dma_start3A_311, %dma_start3A_312] : memref<4x256xi32, #tpu.memory_space<vmem>> -> memref<1x256xi32, #tpu.memory_space<vmem>>
      %dma_start3A_314 = tpu.memref_squeeze %dma_start3A_313 : memref<1x256xi32, #tpu.memory_space<vmem>> -> memref<256xi32, #tpu.memory_space<vmem>>
      %dma_start3A_315 = arith.constant 0 : i32
      %dma_start3A_316 = arith.constant 0 : i32
      %dma_start3A_317 = tpu.memref_slice %arg11[%dma_start3A_315, %dma_start3A_316] : memref<50000x16xf32, #tpu.memory_space<vmem_shared>> -> memref<50000x16xf32, #tpu.memory_space<vmem_shared>>
      tpu.enqueue_indirect_dma source(%dma_start3A_317 : memref<50000x16xf32, #tpu.memory_space<vmem_shared>>) target(%arg15 : memref<256x16xf32, #tpu.memory_space<vmem>>) offsets(%dma_start3A_314 : memref<256xi32, #tpu.memory_space<vmem>>) semaphore(%arg24 : memref<!tpu.dma_semaphore, #tpu.memory_space<semaphore_mem>>)
      %dma_start3A_318 = arith.constant 1 : i32
      %dma_start3A_319 = arith.constant 0 : i32
      %dma_start3A_320 = tpu.memref_slice %arg13[%dma_start3A_318, %dma_start3A_319] : memref<4x256xi32, #tpu.memory_space<vmem>> -> memref<1x256xi32, #tpu.memory_space<vmem>>
      %dma_start3A_321 = tpu.memref_squeeze %dma_start3A_320 : memref<1x256xi32, #tpu.memory_space<vmem>> -> memref<256xi32, #tpu.memory_space<vmem>>
      %dma_start3A_322 = arith.constant 0 : i32
      %dma_start3A_323 = arith.constant 0 : i32
      %dma_start3A_324 = tpu.memref_slice %arg11[%dma_start3A_322, %dma_start3A_323] : memref<50000x16xf32, #tpu.memory_space<vmem_shared>> -> memref<50000x16xf32, #tpu.memory_space<vmem_shared>>
      tpu.enqueue_indirect_dma source(%dma_start3A_324 : memref<50000x16xf32, #tpu.memory_space<vmem_shared>>) target(%arg16 : memref<256x16xf32, #tpu.memory_space<vmem>>) offsets(%dma_start3A_321 : memref<256xi32, #tpu.memory_space<vmem>>) semaphore(%arg25 : memref<!tpu.dma_semaphore, #tpu.memory_space<semaphore_mem>>)
      %dma_wait3A_325 = arith.constant 0 : i32
      %dma_wait3A_326 = arith.constant 0 : i32
      %dma_wait3A_327 = tpu.memref_slice %arg13[%dma_wait3A_325, %dma_wait3A_326] : memref<4x256xi32, #tpu.memory_space<vmem>> -> memref<1x256xi32, #tpu.memory_space<vmem>>
      %dma_wait3A_328 = tpu.memref_squeeze %dma_wait3A_327 : memref<1x256xi32, #tpu.memory_space<vmem>> -> memref<256xi32, #tpu.memory_space<vmem>>
      %dma_wait3A_329 = arith.constant 0 : i32
      %dma_wait3A_330 = arith.constant 0 : i32
      %dma_wait3A_331 = tpu.memref_slice %arg11[%dma_wait3A_329, %dma_wait3A_330] : memref<50000x16xf32, #tpu.memory_space<vmem_shared>> -> memref<50000x16xf32, #tpu.memory_space<vmem_shared>>
      tpu.wait_indirect_dma semaphore(%arg24 : memref<!tpu.dma_semaphore, #tpu.memory_space<semaphore_mem>>) src(%dma_wait3A_331 : memref<50000x16xf32, #tpu.memory_space<vmem_shared>>) dst(%arg15 : memref<256x16xf32, #tpu.memory_space<vmem>>)
      %dma_start3A_332 = arith.constant 0 : i32
      %dma_start3A_333 = arith.constant 0 : i32
      %dma_start3A_334 = tpu.memref_slice %arg14[%dma_start3A_332, %dma_start3A_333] : memref<4x256xi32, #tpu.memory_space<vmem>> -> memref<1x256xi32, #tpu.memory_space<vmem>>
      %dma_start3A_335 = tpu.memref_squeeze %dma_start3A_334 : memref<1x256xi32, #tpu.memory_space<vmem>> -> memref<256xi32, #tpu.memory_space<vmem>>
      %dma_start3A_336 = arith.constant 0 : i32
      %dma_start3A_337 = arith.constant 0 : i32
      %dma_start3A_338 = tpu.memref_slice %arg12[%dma_start3A_336, %dma_start3A_337] : memref<50008x16xf32, #tpu.memory_space<vmem_shared>> -> memref<50008x16xf32, #tpu.memory_space<vmem_shared>>
      tpu.enqueue_indirect_dma source(%arg15 : memref<256x16xf32, #tpu.memory_space<vmem>>) target(%dma_start3A_338 : memref<50008x16xf32, #tpu.memory_space<vmem_shared>>) offsets(%dma_start3A_335 : memref<256xi32, #tpu.memory_space<vmem>>) semaphore(%arg27 : memref<!tpu.dma_semaphore, #tpu.memory_space<semaphore_mem>>) {add = true}
      %dma_start3A_339 = arith.constant 2 : i32
      %dma_start3A_340 = arith.constant 0 : i32
      %dma_start3A_341 = tpu.memref_slice %arg13[%dma_start3A_339, %dma_start3A_340] : memref<4x256xi32, #tpu.memory_space<vmem>> -> memref<1x256xi32, #tpu.memory_space<vmem>>
      %dma_start3A_342 = tpu.memref_squeeze %dma_start3A_341 : memref<1x256xi32, #tpu.memory_space<vmem>> -> memref<256xi32, #tpu.memory_space<vmem>>
      %dma_start3A_343 = arith.constant 0 : i32
      %dma_start3A_344 = arith.constant 0 : i32
      %dma_start3A_345 = tpu.memref_slice %arg11[%dma_start3A_343, %dma_start3A_344] : memref<50000x16xf32, #tpu.memory_space<vmem_shared>> -> memref<50000x16xf32, #tpu.memory_space<vmem_shared>>
      tpu.enqueue_indirect_dma source(%dma_start3A_345 : memref<50000x16xf32, #tpu.memory_space<vmem_shared>>) target(%arg17 : memref<256x16xf32, #tpu.memory_space<vmem>>) offsets(%dma_start3A_342 : memref<256xi32, #tpu.memory_space<vmem>>) semaphore(%arg26 : memref<!tpu.dma_semaphore, #tpu.memory_space<semaphore_mem>>)
      %dma_wait3A_346 = arith.constant 1 : i32
      %dma_wait3A_347 = arith.constant 0 : i32
      %dma_wait3A_348 = tpu.memref_slice %arg13[%dma_wait3A_346, %dma_wait3A_347] : memref<4x256xi32, #tpu.memory_space<vmem>> -> memref<1x256xi32, #tpu.memory_space<vmem>>
      %dma_wait3A_349 = tpu.memref_squeeze %dma_wait3A_348 : memref<1x256xi32, #tpu.memory_space<vmem>> -> memref<256xi32, #tpu.memory_space<vmem>>
      %dma_wait3A_350 = arith.constant 0 : i32
      %dma_wait3A_351 = arith.constant 0 : i32
      %dma_wait3A_352 = tpu.memref_slice %arg11[%dma_wait3A_350, %dma_wait3A_351] : memref<50000x16xf32, #tpu.memory_space<vmem_shared>> -> memref<50000x16xf32, #tpu.memory_space<vmem_shared>>
      tpu.wait_indirect_dma semaphore(%arg25 : memref<!tpu.dma_semaphore, #tpu.memory_space<semaphore_mem>>) src(%dma_wait3A_352 : memref<50000x16xf32, #tpu.memory_space<vmem_shared>>) dst(%arg16 : memref<256x16xf32, #tpu.memory_space<vmem>>)
      %dma_start3A_353 = arith.constant 1 : i32
      %dma_start3A_354 = arith.constant 0 : i32
      %dma_start3A_355 = tpu.memref_slice %arg14[%dma_start3A_353, %dma_start3A_354] : memref<4x256xi32, #tpu.memory_space<vmem>> -> memref<1x256xi32, #tpu.memory_space<vmem>>
      %dma_start3A_356 = tpu.memref_squeeze %dma_start3A_355 : memref<1x256xi32, #tpu.memory_space<vmem>> -> memref<256xi32, #tpu.memory_space<vmem>>
      %dma_start3A_357 = arith.constant 0 : i32
      %dma_start3A_358 = arith.constant 0 : i32
      %dma_start3A_359 = tpu.memref_slice %arg12[%dma_start3A_357, %dma_start3A_358] : memref<50008x16xf32, #tpu.memory_space<vmem_shared>> -> memref<50008x16xf32, #tpu.memory_space<vmem_shared>>
      tpu.enqueue_indirect_dma source(%arg16 : memref<256x16xf32, #tpu.memory_space<vmem>>) target(%dma_start3A_359 : memref<50008x16xf32, #tpu.memory_space<vmem_shared>>) offsets(%dma_start3A_356 : memref<256xi32, #tpu.memory_space<vmem>>) semaphore(%arg28 : memref<!tpu.dma_semaphore, #tpu.memory_space<semaphore_mem>>) {add = true}
      %dma_wait3A_360 = arith.constant 0 : i32
      %dma_wait3A_361 = arith.constant 0 : i32
      %dma_wait3A_362 = tpu.memref_slice %arg14[%dma_wait3A_360, %dma_wait3A_361] : memref<4x256xi32, #tpu.memory_space<vmem>> -> memref<1x256xi32, #tpu.memory_space<vmem>>
      %dma_wait3A_363 = tpu.memref_squeeze %dma_wait3A_362 : memref<1x256xi32, #tpu.memory_space<vmem>> -> memref<256xi32, #tpu.memory_space<vmem>>
      %dma_wait3A_364 = arith.constant 0 : i32
      %dma_wait3A_365 = arith.constant 0 : i32
      %dma_wait3A_366 = tpu.memref_slice %arg12[%dma_wait3A_364, %dma_wait3A_365] : memref<50008x16xf32, #tpu.memory_space<vmem_shared>> -> memref<50008x16xf32, #tpu.memory_space<vmem_shared>>
      tpu.wait_indirect_dma semaphore(%arg27 : memref<!tpu.dma_semaphore, #tpu.memory_space<semaphore_mem>>) src(%arg15 : memref<256x16xf32, #tpu.memory_space<vmem>>) dst(%dma_wait3A_366 : memref<50008x16xf32, #tpu.memory_space<vmem_shared>>)
      %dma_start3A_367 = arith.constant 3 : i32
      %dma_start3A_368 = arith.constant 0 : i32
      %dma_start3A_369 = tpu.memref_slice %arg13[%dma_start3A_367, %dma_start3A_368] : memref<4x256xi32, #tpu.memory_space<vmem>> -> memref<1x256xi32, #tpu.memory_space<vmem>>
      %dma_start3A_370 = tpu.memref_squeeze %dma_start3A_369 : memref<1x256xi32, #tpu.memory_space<vmem>> -> memref<256xi32, #tpu.memory_space<vmem>>
      %dma_start3A_371 = arith.constant 0 : i32
      %dma_start3A_372 = arith.constant 0 : i32
      %dma_start3A_373 = tpu.memref_slice %arg11[%dma_start3A_371, %dma_start3A_372] : memref<50000x16xf32, #tpu.memory_space<vmem_shared>> -> memref<50000x16xf32, #tpu.memory_space<vmem_shared>>
      tpu.enqueue_indirect_dma source(%dma_start3A_373 : memref<50000x16xf32, #tpu.memory_space<vmem_shared>>) target(%arg15 : memref<256x16xf32, #tpu.memory_space<vmem>>) offsets(%dma_start3A_370 : memref<256xi32, #tpu.memory_space<vmem>>) semaphore(%arg24 : memref<!tpu.dma_semaphore, #tpu.memory_space<semaphore_mem>>)
      %dma_wait3A_374 = arith.constant 2 : i32
      %dma_wait3A_375 = arith.constant 0 : i32
      %dma_wait3A_376 = tpu.memref_slice %arg13[%dma_wait3A_374, %dma_wait3A_375] : memref<4x256xi32, #tpu.memory_space<vmem>> -> memref<1x256xi32, #tpu.memory_space<vmem>>
      %dma_wait3A_377 = tpu.memref_squeeze %dma_wait3A_376 : memref<1x256xi32, #tpu.memory_space<vmem>> -> memref<256xi32, #tpu.memory_space<vmem>>
      %dma_wait3A_378 = arith.constant 0 : i32
      %dma_wait3A_379 = arith.constant 0 : i32
      %dma_wait3A_380 = tpu.memref_slice %arg11[%dma_wait3A_378, %dma_wait3A_379] : memref<50000x16xf32, #tpu.memory_space<vmem_shared>> -> memref<50000x16xf32, #tpu.memory_space<vmem_shared>>
      tpu.wait_indirect_dma semaphore(%arg26 : memref<!tpu.dma_semaphore, #tpu.memory_space<semaphore_mem>>) src(%dma_wait3A_380 : memref<50000x16xf32, #tpu.memory_space<vmem_shared>>) dst(%arg17 : memref<256x16xf32, #tpu.memory_space<vmem>>)
      %dma_start3A_381 = arith.constant 2 : i32
      %dma_start3A_382 = arith.constant 0 : i32
      %dma_start3A_383 = tpu.memref_slice %arg14[%dma_start3A_381, %dma_start3A_382] : memref<4x256xi32, #tpu.memory_space<vmem>> -> memref<1x256xi32, #tpu.memory_space<vmem>>
      %dma_start3A_384 = tpu.memref_squeeze %dma_start3A_383 : memref<1x256xi32, #tpu.memory_space<vmem>> -> memref<256xi32, #tpu.memory_space<vmem>>
      %dma_start3A_385 = arith.constant 0 : i32
      %dma_start3A_386 = arith.constant 0 : i32
      %dma_start3A_387 = tpu.memref_slice %arg12[%dma_start3A_385, %dma_start3A_386] : memref<50008x16xf32, #tpu.memory_space<vmem_shared>> -> memref<50008x16xf32, #tpu.memory_space<vmem_shared>>
      tpu.enqueue_indirect_dma source(%arg17 : memref<256x16xf32, #tpu.memory_space<vmem>>) target(%dma_start3A_387 : memref<50008x16xf32, #tpu.memory_space<vmem_shared>>) offsets(%dma_start3A_384 : memref<256xi32, #tpu.memory_space<vmem>>) semaphore(%arg29 : memref<!tpu.dma_semaphore, #tpu.memory_space<semaphore_mem>>) {add = true}
      %dma_wait3A_388 = arith.constant 3 : i32
      %dma_wait3A_389 = arith.constant 0 : i32
      %dma_wait3A_390 = tpu.memref_slice %arg13[%dma_wait3A_388, %dma_wait3A_389] : memref<4x256xi32, #tpu.memory_space<vmem>> -> memref<1x256xi32, #tpu.memory_space<vmem>>
      %dma_wait3A_391 = tpu.memref_squeeze %dma_wait3A_390 : memref<1x256xi32, #tpu.memory_space<vmem>> -> memref<256xi32, #tpu.memory_space<vmem>>
      %dma_wait3A_392 = arith.constant 0 : i32
      %dma_wait3A_393 = arith.constant 0 : i32
      %dma_wait3A_394 = tpu.memref_slice %arg11[%dma_wait3A_392, %dma_wait3A_393] : memref<50000x16xf32, #tpu.memory_space<vmem_shared>> -> memref<50000x16xf32, #tpu.memory_space<vmem_shared>>
      tpu.wait_indirect_dma semaphore(%arg24 : memref<!tpu.dma_semaphore, #tpu.memory_space<semaphore_mem>>) src(%dma_wait3A_394 : memref<50000x16xf32, #tpu.memory_space<vmem_shared>>) dst(%arg15 : memref<256x16xf32, #tpu.memory_space<vmem>>)
      %dma_start3A_395 = arith.constant 3 : i32
      %dma_start3A_396 = arith.constant 0 : i32
      %dma_start3A_397 = tpu.memref_slice %arg14[%dma_start3A_395, %dma_start3A_396] : memref<4x256xi32, #tpu.memory_space<vmem>> -> memref<1x256xi32, #tpu.memory_space<vmem>>
      %dma_start3A_398 = tpu.memref_squeeze %dma_start3A_397 : memref<1x256xi32, #tpu.memory_space<vmem>> -> memref<256xi32, #tpu.memory_space<vmem>>
      %dma_start3A_399 = arith.constant 0 : i32
      %dma_start3A_400 = arith.constant 0 : i32
      %dma_start3A_401 = tpu.memref_slice %arg12[%dma_start3A_399, %dma_start3A_400] : memref<50008x16xf32, #tpu.memory_space<vmem_shared>> -> memref<50008x16xf32, #tpu.memory_space<vmem_shared>>
      tpu.enqueue_indirect_dma source(%arg15 : memref<256x16xf32, #tpu.memory_space<vmem>>) target(%dma_start3A_401 : memref<50008x16xf32, #tpu.memory_space<vmem_shared>>) offsets(%dma_start3A_398 : memref<256xi32, #tpu.memory_space<vmem>>) semaphore(%arg27 : memref<!tpu.dma_semaphore, #tpu.memory_space<semaphore_mem>>) {add = true}
      %dma_wait3A_402 = arith.constant 1 : i32
      %dma_wait3A_403 = arith.constant 0 : i32
      %dma_wait3A_404 = tpu.memref_slice %arg14[%dma_wait3A_402, %dma_wait3A_403] : memref<4x256xi32, #tpu.memory_space<vmem>> -> memref<1x256xi32, #tpu.memory_space<vmem>>
      %dma_wait3A_405 = tpu.memref_squeeze %dma_wait3A_404 : memref<1x256xi32, #tpu.memory_space<vmem>> -> memref<256xi32, #tpu.memory_space<vmem>>
      %dma_wait3A_406 = arith.constant 0 : i32
      %dma_wait3A_407 = arith.constant 0 : i32
      %dma_wait3A_408 = tpu.memref_slice %arg12[%dma_wait3A_406, %dma_wait3A_407] : memref<50008x16xf32, #tpu.memory_space<vmem_shared>> -> memref<50008x16xf32, #tpu.memory_space<vmem_shared>>
      tpu.wait_indirect_dma semaphore(%arg28 : memref<!tpu.dma_semaphore, #tpu.memory_space<semaphore_mem>>) src(%arg16 : memref<256x16xf32, #tpu.memory_space<vmem>>) dst(%dma_wait3A_408 : memref<50008x16xf32, #tpu.memory_space<vmem_shared>>)
      %dma_wait3A_409 = arith.constant 2 : i32
      %dma_wait3A_410 = arith.constant 0 : i32
      %dma_wait3A_411 = tpu.memref_slice %arg14[%dma_wait3A_409, %dma_wait3A_410] : memref<4x256xi32, #tpu.memory_space<vmem>> -> memref<1x256xi32, #tpu.memory_space<vmem>>
      %dma_wait3A_412 = tpu.memref_squeeze %dma_wait3A_411 : memref<1x256xi32, #tpu.memory_space<vmem>> -> memref<256xi32, #tpu.memory_space<vmem>>
      %dma_wait3A_413 = arith.constant 0 : i32
      %dma_wait3A_414 = arith.constant 0 : i32
      %dma_wait3A_415 = tpu.memref_slice %arg12[%dma_wait3A_413, %dma_wait3A_414] : memref<50008x16xf32, #tpu.memory_space<vmem_shared>> -> memref<50008x16xf32, #tpu.memory_space<vmem_shared>>
      tpu.wait_indirect_dma semaphore(%arg29 : memref<!tpu.dma_semaphore, #tpu.memory_space<semaphore_mem>>) src(%arg17 : memref<256x16xf32, #tpu.memory_space<vmem>>) dst(%dma_wait3A_415 : memref<50008x16xf32, #tpu.memory_space<vmem_shared>>)
      %dma_wait3A_416 = arith.constant 3 : i32
      %dma_wait3A_417 = arith.constant 0 : i32
      %dma_wait3A_418 = tpu.memref_slice %arg14[%dma_wait3A_416, %dma_wait3A_417] : memref<4x256xi32, #tpu.memory_space<vmem>> -> memref<1x256xi32, #tpu.memory_space<vmem>>
      %dma_wait3A_419 = tpu.memref_squeeze %dma_wait3A_418 : memref<1x256xi32, #tpu.memory_space<vmem>> -> memref<256xi32, #tpu.memory_space<vmem>>
      %dma_wait3A_420 = arith.constant 0 : i32
      %dma_wait3A_421 = arith.constant 0 : i32
      %dma_wait3A_422 = tpu.memref_slice %arg12[%dma_wait3A_420, %dma_wait3A_421] : memref<50008x16xf32, #tpu.memory_space<vmem_shared>> -> memref<50008x16xf32, #tpu.memory_space<vmem_shared>>
      tpu.wait_indirect_dma semaphore(%arg27 : memref<!tpu.dma_semaphore, #tpu.memory_space<semaphore_mem>>) src(%arg15 : memref<256x16xf32, #tpu.memory_space<vmem>>) dst(%dma_wait3A_422 : memref<50008x16xf32, #tpu.memory_space<vmem_shared>>)
    }
    %scan3A_222 = arith.constant 50 : i32
    %barrier3A_223 = arith.constant 0 : index
    tpu.barrier barrier_id(%barrier3A_223)
    %add3A_224 = arith.constant 50000 : i32
    %add3A_225 = arith.addi %mul3A_4, %add3A_224 : i32
    %add3A_226 = arith.constant 0 : i32
    %add3A_227 = arith.addi %mul3A_4, %add3A_226 : i32
    %add3A_228 = arith.constant 0 : i32
    %add3A_229 = arith.addi %mul3A_4, %add3A_228 : i32
    %mul3A_230 = arith.constant 2 : i32
    %mul3A_231 = arith.muli %mul3A_230, %arg0 : i32
    %add3A_232 = arith.constant 0 : i32
    %add3A_233 = arith.addi %mul3A_231, %add3A_232 : i32
    %mul3A_234 = arith.constant 16 : i32
    %mul3A_235 = arith.muli %add3A_233, %mul3A_234 : i32
    %mul3A_236 = arith.constant 3125 : i32
    %mul3A_237 = arith.muli %arg1, %mul3A_236 : i32
    %add3A_238 = arith.addi %add3A_225, %mul3A_237 : i32
    %dma_start3A_239 = arith.constant 0 : i32
    %dma_start3A_240 = tpu.memref_slice %arg11[%mul3A_237, %dma_start3A_239] : memref<50000x16xf32, #tpu.memory_space<vmem_shared>> -> memref<3125x16xf32, #tpu.memory_space<vmem_shared>>
    %dma_start3A_241 = arith.constant 0 : i32
    %dma_start3A_242 = tpu.memref_slice %arg8[%add3A_238, %dma_start3A_241] : memref<200000x16xf32, #tpu.memory_space<hbm>> -> memref<3125x16xf32, #tpu.memory_space<hbm>>
    tpu.enqueue_dma source(%dma_start3A_242 : memref<3125x16xf32, #tpu.memory_space<hbm>>) target(%dma_start3A_240 : memref<3125x16xf32, #tpu.memory_space<vmem_shared>>) target_semaphore(%arg24 : memref<!tpu.dma_semaphore, #tpu.memory_space<semaphore_mem>>)
    %scan3A_243 = arith.constant 0 : i32
    %scan3A_244 = arith.constant 250 : i32
    %scan3A_245 = arith.addi %scan3A_243, %scan3A_244 : i32
    %scan3A_246 = arith.constant 1 : i32
    scf.for %scan3A_285 = %scan3A_243 to %scan3A_245 step %scan3A_246  : i32 {
      %mul3A_286 = arith.constant 1 : i32
      %mul3A_287 = arith.muli %scan3A_285, %mul3A_286 : i32
      %add3A_288 = arith.constant 0 : i32
      %add3A_289 = arith.addi %add3A_288, %mul3A_287 : i32
      %swap3A = arith.index_cast %add3A_289 : i32 to index
      %swap3A_290 = arith.constant 0 : index
      %swap3A_291 = tpu.vector_load %arg21[%swap3A, %swap3A_290] {strides = array<i32>} : memref<250x16xf32, #tpu.memory_space<vmem>>, vector<1x16xf32>,
      %swap3A_292 = vector.shape_cast %swap3A_291 : vector<1x16xf32> to vector<16xf32>
      %swap3A_293 = vector.shape_cast %broadcast_in_dim3A_5 : vector<16xf32> to vector<1x16xf32>
      tpu.vector_store %arg21[%swap3A, %swap3A_290], %swap3A_293 {strides = array<i32>} : memref<250x16xf32, #tpu.memory_space<vmem>>, vector<1x16xf32>,
    }
    %scan3A_247 = arith.constant 250 : i32
    %scan3A_248 = arith.constant 0 : i32
    %scan3A_249 = arith.constant 13 : i32
    %scan3A_250 = arith.addi %scan3A_248, %scan3A_249 : i32
    %scan3A_251 = arith.constant 1 : i32
    scf.for %scan3A_285 = %scan3A_248 to %scan3A_250 step %scan3A_251  : i32 {
      %mul3A_286 = arith.constant 1 : i32
      %mul3A_287 = arith.muli %scan3A_285, %mul3A_286 : i32
      %add3A_288 = arith.constant 0 : i32
      %add3A_289 = arith.addi %add3A_288, %mul3A_287 : i32
      %mul3A_290 = arith.constant 16 : i32
      %mul3A_291 = arith.muli %add3A_289, %mul3A_290 : i32
      %add3A_292 = arith.addi %mul3A_291, %arg1 : i32
      %lt3A = arith.constant 200 : i32
      %lt3A_293 = arith.cmpi slt, %add3A_292, %lt3A : i32
      %convert_element_type3A = arith.extui %lt3A_293 : i1 to i32
      %cond3A = arith.constant 0 : i32
      %cond3A_294 = arith.cmpi ne, %convert_element_type3A, %cond3A : i32
      scf.if %cond3A_294 {
        %mul3A_295 = arith.constant 250 : i32
        %mul3A_296 = arith.muli %add3A_292, %mul3A_295 : i32
        %add3A_297 = arith.addi %add3A_227, %mul3A_296 : i32
        %dma_start3A_298 = arith.constant 0 : i32
        %dma_start3A_299 = tpu.memref_slice %arg9[%add3A_297, %dma_start3A_298] : memref<200000x16xf32, #tpu.memory_space<hbm>> -> memref<250x16xf32, #tpu.memory_space<hbm>>
        %dma_start3A_300 = arith.constant 0 : i32
        %dma_start3A_301 = tpu.memref_slice %arg9[%add3A_297, %dma_start3A_300] : memref<200000x16xf32, #tpu.memory_space<hbm>> -> memref<250x16xf32, #tpu.memory_space<hbm>>
        tpu.enqueue_dma source(%dma_start3A_301 : memref<250x16xf32, #tpu.memory_space<hbm>>) target(%arg19 : memref<250x16xf32, #tpu.memory_space<vmem>>) target_semaphore(%arg22 : memref<!tpu.dma_semaphore, #tpu.memory_space<semaphore_mem>>)
        %add3A_302 = arith.addi %mul3A_0, %mul3A_296 : i32
        %dma_start3A_303 = arith.constant 0 : i32
        %dma_start3A_304 = tpu.memref_slice %arg10[%add3A_302, %dma_start3A_303] : memref<100000x16xf32, #tpu.memory_space<hbm>> -> memref<250x16xf32, #tpu.memory_space<hbm>>
        %dma_start3A_305 = arith.constant 0 : i32
        %dma_start3A_306 = tpu.memref_slice %arg10[%add3A_302, %dma_start3A_305] : memref<100000x16xf32, #tpu.memory_space<hbm>> -> memref<250x16xf32, #tpu.memory_space<hbm>>
        tpu.enqueue_dma source(%dma_start3A_306 : memref<250x16xf32, #tpu.memory_space<hbm>>) target(%arg20 : memref<250x16xf32, #tpu.memory_space<vmem>>) target_semaphore(%arg23 : memref<!tpu.dma_semaphore, #tpu.memory_space<semaphore_mem>>)
        "tpu.region"() ({
          %run_scoped3A = tpu.sem_alloc : memref<!tpu.dma_semaphore, #tpu.memory_space<semaphore_mem>>
          %dma_start3A_329 = arith.constant 0 : i32
          %dma_start3A_330 = tpu.memref_slice %arg12[%mul3A_296, %dma_start3A_329] : memref<50008x16xf32, #tpu.memory_space<vmem_shared>> -> memref<250x16xf32, #tpu.memory_space<vmem_shared>>
          %dma_start3A_331 = arith.constant 0 : i32
          %dma_start3A_332 = tpu.memref_slice %arg12[%mul3A_296, %dma_start3A_331] : memref<50008x16xf32, #tpu.memory_space<vmem_shared>> -> memref<250x16xf32, #tpu.memory_space<vmem_shared>>
          tpu.enqueue_dma source(%dma_start3A_332 : memref<250x16xf32, #tpu.memory_space<vmem_shared>>) target(%arg18 : memref<250x16xf32, #tpu.memory_space<vmem>>) target_semaphore(%run_scoped3A : memref<!tpu.dma_semaphore, #tpu.memory_space<semaphore_mem>>)
          %dma_wait3A_333 = arith.constant 0 : i32
          %dma_wait3A_334 = tpu.memref_slice %arg12[%mul3A_296, %dma_wait3A_333] : memref<50008x16xf32, #tpu.memory_space<vmem_shared>> -> memref<250x16xf32, #tpu.memory_space<vmem_shared>>
          %dma_wait3A_335 = arith.constant 0 : i32
          %dma_wait3A_336 = tpu.memref_slice %arg12[%mul3A_296, %dma_wait3A_335] : memref<50008x16xf32, #tpu.memory_space<vmem_shared>> -> memref<250x16xf32, #tpu.memory_space<vmem_shared>>
          tpu.wait_dma2 semaphore(%run_scoped3A : memref<!tpu.dma_semaphore, #tpu.memory_space<semaphore_mem>>) src(%dma_wait3A_336 : memref<250x16xf32, #tpu.memory_space<vmem_shared>>) dst(%arg18 : memref<250x16xf32, #tpu.memory_space<vmem>>)
          tpu.yield
        }) : () -> ()
        "tpu.region"() ({
          %run_scoped3A = tpu.sem_alloc : memref<!tpu.dma_semaphore, #tpu.memory_space<semaphore_mem>>
          %dma_start3A_329 = arith.constant 0 : i32
          %dma_start3A_330 = tpu.memref_slice %arg12[%mul3A_296, %dma_start3A_329] : memref<50008x16xf32, #tpu.memory_space<vmem_shared>> -> memref<250x16xf32, #tpu.memory_space<vmem_shared>>
          %dma_start3A_331 = arith.constant 0 : i32
          %dma_start3A_332 = tpu.memref_slice %arg12[%mul3A_296, %dma_start3A_331] : memref<50008x16xf32, #tpu.memory_space<vmem_shared>> -> memref<250x16xf32, #tpu.memory_space<vmem_shared>>
          tpu.enqueue_dma source(%arg21 : memref<250x16xf32, #tpu.memory_space<vmem>>) target(%dma_start3A_332 : memref<250x16xf32, #tpu.memory_space<vmem_shared>>) target_semaphore(%run_scoped3A : memref<!tpu.dma_semaphore, #tpu.memory_space<semaphore_mem>>)
          %dma_wait3A_333 = arith.constant 0 : i32
          %dma_wait3A_334 = tpu.memref_slice %arg12[%mul3A_296, %dma_wait3A_333] : memref<50008x16xf32, #tpu.memory_space<vmem_shared>> -> memref<250x16xf32, #tpu.memory_space<vmem_shared>>
          %dma_wait3A_335 = arith.constant 0 : i32
          %dma_wait3A_336 = tpu.memref_slice %arg12[%mul3A_296, %dma_wait3A_335] : memref<50008x16xf32, #tpu.memory_space<vmem_shared>> -> memref<250x16xf32, #tpu.memory_space<vmem_shared>>
          tpu.wait_dma2 semaphore(%run_scoped3A : memref<!tpu.dma_semaphore, #tpu.memory_space<semaphore_mem>>) src(%arg21 : memref<250x16xf32, #tpu.memory_space<vmem>>) dst(%dma_wait3A_336 : memref<250x16xf32, #tpu.memory_space<vmem_shared>>)
          tpu.yield
        }) : () -> ()
        %dma_wait3A_307 = arith.constant 0 : i32
        %dma_wait3A_308 = tpu.memref_slice %arg9[%add3A_297, %dma_wait3A_307] : memref<200000x16xf32, #tpu.memory_space<hbm>> -> memref<250x16xf32, #tpu.memory_space<hbm>>
        %dma_wait3A_309 = arith.constant 0 : i32
        %dma_wait3A_310 = tpu.memref_slice %arg9[%add3A_297, %dma_wait3A_309] : memref<200000x16xf32, #tpu.memory_space<hbm>> -> memref<250x16xf32, #tpu.memory_space<hbm>>
        tpu.wait_dma2 semaphore(%arg22 : memref<!tpu.dma_semaphore, #tpu.memory_space<semaphore_mem>>) src(%dma_wait3A_310 : memref<250x16xf32, #tpu.memory_space<hbm>>) dst(%arg19 : memref<250x16xf32, #tpu.memory_space<vmem>>)
        %dma_wait3A_311 = arith.constant 0 : i32
        %dma_wait3A_312 = tpu.memref_slice %arg10[%add3A_302, %dma_wait3A_311] : memref<100000x16xf32, #tpu.memory_space<hbm>> -> memref<250x16xf32, #tpu.memory_space<hbm>>
        %dma_wait3A_313 = arith.constant 0 : i32
        %dma_wait3A_314 = tpu.memref_slice %arg10[%add3A_302, %dma_wait3A_313] : memref<100000x16xf32, #tpu.memory_space<hbm>> -> memref<250x16xf32, #tpu.memory_space<hbm>>
        tpu.wait_dma2 semaphore(%arg23 : memref<!tpu.dma_semaphore, #tpu.memory_space<semaphore_mem>>) src(%dma_wait3A_314 : memref<250x16xf32, #tpu.memory_space<hbm>>) dst(%arg20 : memref<250x16xf32, #tpu.memory_space<vmem>>)
        %scan3A_315 = arith.constant 0 : i32
        %scan3A_316 = arith.constant 50 : i32
        %scan3A_317 = arith.addi %scan3A_315, %scan3A_316 : i32
        %scan3A_318 = arith.constant 1 : i32
        scf.for %scan3A_329 = %scan3A_315 to %scan3A_317 step %scan3A_318  : i32 {
          %mul3A_330 = arith.constant 5 : i32
          %mul3A_331 = arith.muli %scan3A_329, %mul3A_330 : i32
          %add3A_332 = arith.constant 0 : i32
          %add3A_333 = arith.addi %add3A_332, %mul3A_331 : i32
          %add3A_334 = arith.constant 0 : i32
          %add3A_335 = arith.addi %add3A_333, %add3A_334 : i32
          %get3A = arith.index_cast %add3A_335 : i32 to index
          %get3A_336 = arith.constant 0 : index
          %get3A_337 = tpu.vector_load %arg18[%get3A, %get3A_336] {strides = array<i32>} : memref<250x16xf32, #tpu.memory_space<vmem>>, vector<1x16xf32>,
          %get3A_338 = vector.shape_cast %get3A_337 : vector<1x16xf32> to vector<16xf32>
          %add3A_339 = arith.constant 0 : i32
          %add3A_340 = arith.addi %add3A_333, %add3A_339 : i32
          %get3A_341 = arith.index_cast %add3A_340 : i32 to index
          %get3A_342 = arith.constant 0 : index
          %get3A_343 = tpu.vector_load %arg20[%get3A_341, %get3A_342] {strides = array<i32>} : memref<250x16xf32, #tpu.memory_space<vmem>>, vector<1x16xf32>,
          %get3A_344 = vector.shape_cast %get3A_343 : vector<1x16xf32> to vector<16xf32>
          %mul3A_345 = arith.mulf %get3A_338, %get3A_344 : vector<16xf32>
          %add3A_346 = arith.constant 0 : i32
          %add3A_347 = arith.addi %add3A_333, %add3A_346 : i32
          %get3A_348 = arith.index_cast %add3A_347 : i32 to index
          %get3A_349 = arith.constant 0 : index
          %get3A_350 = tpu.vector_load %arg19[%get3A_348, %get3A_349] {strides = array<i32>} : memref<250x16xf32, #tpu.memory_space<vmem>>, vector<1x16xf32>,
          %get3A_351 = vector.shape_cast %get3A_350 : vector<1x16xf32> to vector<16xf32>
          %add3A_352 = arith.addf %get3A_351, %mul3A_345 : vector<16xf32>
          %mul3A_353 = arith.constant 2.500000e-01 : f32
          %mul3A_354 = vector.broadcast %mul3A_353 : f32 to vector<16xf32>
          %mul3A_355 = arith.mulf %add3A_352, %mul3A_354 : vector<16xf32>
          %add3A_356 = arith.constant 0 : i32
          %add3A_357 = arith.addi %add3A_333, %add3A_356 : i32
          %swap3A = arith.index_cast %add3A_357 : i32 to index
          %swap3A_358 = arith.constant 0 : index
          %swap3A_359 = tpu.vector_load %arg19[%swap3A, %swap3A_358] {strides = array<i32>} : memref<250x16xf32, #tpu.memory_space<vmem>>, vector<1x16xf32>,
          %swap3A_360 = vector.shape_cast %swap3A_359 : vector<1x16xf32> to vector<16xf32>
          %swap3A_361 = vector.shape_cast %mul3A_355 : vector<16xf32> to vector<1x16xf32>
          tpu.vector_store %arg19[%swap3A, %swap3A_358], %swap3A_361 {strides = array<i32>} : memref<250x16xf32, #tpu.memory_space<vmem>>, vector<1x16xf32>,
          %add3A_362 = arith.constant 1 : i32
          %add3A_363 = arith.addi %add3A_333, %add3A_362 : i32
          %get3A_364 = arith.index_cast %add3A_363 : i32 to index
          %get3A_365 = arith.constant 0 : index
          %get3A_366 = tpu.vector_load %arg18[%get3A_364, %get3A_365] {strides = array<i32>} : memref<250x16xf32, #tpu.memory_space<vmem>>, vector<1x16xf32>,
          %get3A_367 = vector.shape_cast %get3A_366 : vector<1x16xf32> to vector<16xf32>
          %add3A_368 = arith.constant 1 : i32
          %add3A_369 = arith.addi %add3A_333, %add3A_368 : i32
          %get3A_370 = arith.index_cast %add3A_369 : i32 to index
          %get3A_371 = arith.constant 0 : index
          %get3A_372 = tpu.vector_load %arg20[%get3A_370, %get3A_371] {strides = array<i32>} : memref<250x16xf32, #tpu.memory_space<vmem>>, vector<1x16xf32>,
          %get3A_373 = vector.shape_cast %get3A_372 : vector<1x16xf32> to vector<16xf32>
          %mul3A_374 = arith.mulf %get3A_367, %get3A_373 : vector<16xf32>
          %add3A_375 = arith.constant 1 : i32
          %add3A_376 = arith.addi %add3A_333, %add3A_375 : i32
          %get3A_377 = arith.index_cast %add3A_376 : i32 to index
          %get3A_378 = arith.constant 0 : index
          %get3A_379 = tpu.vector_load %arg19[%get3A_377, %get3A_378] {strides = array<i32>} : memref<250x16xf32, #tpu.memory_space<vmem>>, vector<1x16xf32>,
          %get3A_380 = vector.shape_cast %get3A_379 : vector<1x16xf32> to vector<16xf32>
          %add3A_381 = arith.addf %get3A_380, %mul3A_374 : vector<16xf32>
          %mul3A_382 = arith.constant 2.500000e-01 : f32
          %mul3A_383 = vector.broadcast %mul3A_382 : f32 to vector<16xf32>
          %mul3A_384 = arith.mulf %add3A_381, %mul3A_383 : vector<16xf32>
          %add3A_385 = arith.constant 1 : i32
          %add3A_386 = arith.addi %add3A_333, %add3A_385 : i32
          %swap3A_387 = arith.index_cast %add3A_386 : i32 to index
          %swap3A_388 = arith.constant 0 : index
          %swap3A_389 = tpu.vector_load %arg19[%swap3A_387, %swap3A_388] {strides = array<i32>} : memref<250x16xf32, #tpu.memory_space<vmem>>, vector<1x16xf32>,
          %swap3A_390 = vector.shape_cast %swap3A_389 : vector<1x16xf32> to vector<16xf32>
          %swap3A_391 = vector.shape_cast %mul3A_384 : vector<16xf32> to vector<1x16xf32>
          tpu.vector_store %arg19[%swap3A_387, %swap3A_388], %swap3A_391 {strides = array<i32>} : memref<250x16xf32, #tpu.memory_space<vmem>>, vector<1x16xf32>,
          %add3A_392 = arith.constant 2 : i32
          %add3A_393 = arith.addi %add3A_333, %add3A_392 : i32
          %get3A_394 = arith.index_cast %add3A_393 : i32 to index
          %get3A_395 = arith.constant 0 : index
          %get3A_396 = tpu.vector_load %arg18[%get3A_394, %get3A_395] {strides = array<i32>} : memref<250x16xf32, #tpu.memory_space<vmem>>, vector<1x16xf32>,
          %get3A_397 = vector.shape_cast %get3A_396 : vector<1x16xf32> to vector<16xf32>
          %add3A_398 = arith.constant 2 : i32
          %add3A_399 = arith.addi %add3A_333, %add3A_398 : i32
          %get3A_400 = arith.index_cast %add3A_399 : i32 to index
          %get3A_401 = arith.constant 0 : index
          %get3A_402 = tpu.vector_load %arg20[%get3A_400, %get3A_401] {strides = array<i32>} : memref<250x16xf32, #tpu.memory_space<vmem>>, vector<1x16xf32>,
          %get3A_403 = vector.shape_cast %get3A_402 : vector<1x16xf32> to vector<16xf32>
          %mul3A_404 = arith.mulf %get3A_397, %get3A_403 : vector<16xf32>
          %add3A_405 = arith.constant 2 : i32
          %add3A_406 = arith.addi %add3A_333, %add3A_405 : i32
          %get3A_407 = arith.index_cast %add3A_406 : i32 to index
          %get3A_408 = arith.constant 0 : index
          %get3A_409 = tpu.vector_load %arg19[%get3A_407, %get3A_408] {strides = array<i32>} : memref<250x16xf32, #tpu.memory_space<vmem>>, vector<1x16xf32>,
          %get3A_410 = vector.shape_cast %get3A_409 : vector<1x16xf32> to vector<16xf32>
          %add3A_411 = arith.addf %get3A_410, %mul3A_404 : vector<16xf32>
          %mul3A_412 = arith.constant 2.500000e-01 : f32
          %mul3A_413 = vector.broadcast %mul3A_412 : f32 to vector<16xf32>
          %mul3A_414 = arith.mulf %add3A_411, %mul3A_413 : vector<16xf32>
          %add3A_415 = arith.constant 2 : i32
          %add3A_416 = arith.addi %add3A_333, %add3A_415 : i32
          %swap3A_417 = arith.index_cast %add3A_416 : i32 to index
          %swap3A_418 = arith.constant 0 : index
          %swap3A_419 = tpu.vector_load %arg19[%swap3A_417, %swap3A_418] {strides = array<i32>} : memref<250x16xf32, #tpu.memory_space<vmem>>, vector<1x16xf32>,
          %swap3A_420 = vector.shape_cast %swap3A_419 : vector<1x16xf32> to vector<16xf32>
          %swap3A_421 = vector.shape_cast %mul3A_414 : vector<16xf32> to vector<1x16xf32>
          tpu.vector_store %arg19[%swap3A_417, %swap3A_418], %swap3A_421 {strides = array<i32>} : memref<250x16xf32, #tpu.memory_space<vmem>>, vector<1x16xf32>,
          %add3A_422 = arith.constant 3 : i32
          %add3A_423 = arith.addi %add3A_333, %add3A_422 : i32
          %get3A_424 = arith.index_cast %add3A_423 : i32 to index
          %get3A_425 = arith.constant 0 : index
          %get3A_426 = tpu.vector_load %arg18[%get3A_424, %get3A_425] {strides = array<i32>} : memref<250x16xf32, #tpu.memory_space<vmem>>, vector<1x16xf32>,
          %get3A_427 = vector.shape_cast %get3A_426 : vector<1x16xf32> to vector<16xf32>
          %add3A_428 = arith.constant 3 : i32
          %add3A_429 = arith.addi %add3A_333, %add3A_428 : i32
          %get3A_430 = arith.index_cast %add3A_429 : i32 to index
          %get3A_431 = arith.constant 0 : index
          %get3A_432 = tpu.vector_load %arg20[%get3A_430, %get3A_431] {strides = array<i32>} : memref<250x16xf32, #tpu.memory_space<vmem>>, vector<1x16xf32>,
          %get3A_433 = vector.shape_cast %get3A_432 : vector<1x16xf32> to vector<16xf32>
          %mul3A_434 = arith.mulf %get3A_427, %get3A_433 : vector<16xf32>
          %add3A_435 = arith.constant 3 : i32
          %add3A_436 = arith.addi %add3A_333, %add3A_435 : i32
          %get3A_437 = arith.index_cast %add3A_436 : i32 to index
          %get3A_438 = arith.constant 0 : index
          %get3A_439 = tpu.vector_load %arg19[%get3A_437, %get3A_438] {strides = array<i32>} : memref<250x16xf32, #tpu.memory_space<vmem>>, vector<1x16xf32>,
          %get3A_440 = vector.shape_cast %get3A_439 : vector<1x16xf32> to vector<16xf32>
          %add3A_441 = arith.addf %get3A_440, %mul3A_434 : vector<16xf32>
          %mul3A_442 = arith.constant 2.500000e-01 : f32
          %mul3A_443 = vector.broadcast %mul3A_442 : f32 to vector<16xf32>
          %mul3A_444 = arith.mulf %add3A_441, %mul3A_443 : vector<16xf32>
          %add3A_445 = arith.constant 3 : i32
          %add3A_446 = arith.addi %add3A_333, %add3A_445 : i32
          %swap3A_447 = arith.index_cast %add3A_446 : i32 to index
          %swap3A_448 = arith.constant 0 : index
          %swap3A_449 = tpu.vector_load %arg19[%swap3A_447, %swap3A_448] {strides = array<i32>} : memref<250x16xf32, #tpu.memory_space<vmem>>, vector<1x16xf32>,
          %swap3A_450 = vector.shape_cast %swap3A_449 : vector<1x16xf32> to vector<16xf32>
          %swap3A_451 = vector.shape_cast %mul3A_444 : vector<16xf32> to vector<1x16xf32>
          tpu.vector_store %arg19[%swap3A_447, %swap3A_448], %swap3A_451 {strides = array<i32>} : memref<250x16xf32, #tpu.memory_space<vmem>>, vector<1x16xf32>,
          %add3A_452 = arith.constant 4 : i32
          %add3A_453 = arith.addi %add3A_333, %add3A_452 : i32
          %get3A_454 = arith.index_cast %add3A_453 : i32 to index
          %get3A_455 = arith.constant 0 : index
          %get3A_456 = tpu.vector_load %arg18[%get3A_454, %get3A_455] {strides = array<i32>} : memref<250x16xf32, #tpu.memory_space<vmem>>, vector<1x16xf32>,
          %get3A_457 = vector.shape_cast %get3A_456 : vector<1x16xf32> to vector<16xf32>
          %add3A_458 = arith.constant 4 : i32
          %add3A_459 = arith.addi %add3A_333, %add3A_458 : i32
          %get3A_460 = arith.index_cast %add3A_459 : i32 to index
          %get3A_461 = arith.constant 0 : index
          %get3A_462 = tpu.vector_load %arg20[%get3A_460, %get3A_461] {strides = array<i32>} : memref<250x16xf32, #tpu.memory_space<vmem>>, vector<1x16xf32>,
          %get3A_463 = vector.shape_cast %get3A_462 : vector<1x16xf32> to vector<16xf32>
          %mul3A_464 = arith.mulf %get3A_457, %get3A_463 : vector<16xf32>
          %add3A_465 = arith.constant 4 : i32
          %add3A_466 = arith.addi %add3A_333, %add3A_465 : i32
          %get3A_467 = arith.index_cast %add3A_466 : i32 to index
          %get3A_468 = arith.constant 0 : index
          %get3A_469 = tpu.vector_load %arg19[%get3A_467, %get3A_468] {strides = array<i32>} : memref<250x16xf32, #tpu.memory_space<vmem>>, vector<1x16xf32>,
          %get3A_470 = vector.shape_cast %get3A_469 : vector<1x16xf32> to vector<16xf32>
          %add3A_471 = arith.addf %get3A_470, %mul3A_464 : vector<16xf32>
          %mul3A_472 = arith.constant 2.500000e-01 : f32
          %mul3A_473 = vector.broadcast %mul3A_472 : f32 to vector<16xf32>
          %mul3A_474 = arith.mulf %add3A_471, %mul3A_473 : vector<16xf32>
          %add3A_475 = arith.constant 4 : i32
          %add3A_476 = arith.addi %add3A_333, %add3A_475 : i32
          %swap3A_477 = arith.index_cast %add3A_476 : i32 to index
          %swap3A_478 = arith.constant 0 : index
          %swap3A_479 = tpu.vector_load %arg19[%swap3A_477, %swap3A_478] {strides = array<i32>} : memref<250x16xf32, #tpu.memory_space<vmem>>, vector<1x16xf32>,
          %swap3A_480 = vector.shape_cast %swap3A_479 : vector<1x16xf32> to vector<16xf32>
          %swap3A_481 = vector.shape_cast %mul3A_474 : vector<16xf32> to vector<1x16xf32>
          tpu.vector_store %arg19[%swap3A_477, %swap3A_478], %swap3A_481 {strides = array<i32>} : memref<250x16xf32, #tpu.memory_space<vmem>>, vector<1x16xf32>,
        }
        %scan3A_319 = arith.constant 50 : i32
        %lt3A_320 = arith.constant 25000 : i32
        %lt3A_321 = arith.cmpi slt, %mul3A_296, %lt3A_320 : i32
        %convert_element_type3A_322 = arith.extui %lt3A_321 : i1 to i32
        %cond3A_323 = arith.constant 0 : i32
        %cond3A_324 = arith.cmpi ne, %convert_element_type3A_322, %cond3A_323 : i32
        scf.if %cond3A_324 {
          "tpu.region"() ({
            %run_scoped3A = tpu.sem_alloc : memref<!tpu.dma_semaphore, #tpu.memory_space<semaphore_mem>>
            %dma_start3A_329 = tpu.memref_slice %arg5[%mul3A_296, %mul3A_235] : memref<25000x64xf32, #tpu.memory_space<hbm>> -> memref<250x16xf32, #tpu.memory_space<hbm>>
            %dma_start3A_330 = tpu.memref_slice %arg5[%mul3A_296, %mul3A_235] : memref<25000x64xf32, #tpu.memory_space<hbm>> -> memref<250x16xf32, #tpu.memory_space<hbm>>
            tpu.enqueue_dma source(%arg19 : memref<250x16xf32, #tpu.memory_space<vmem>>) target(%dma_start3A_330 : memref<250x16xf32, #tpu.memory_space<hbm>>) target_semaphore(%run_scoped3A : memref<!tpu.dma_semaphore, #tpu.memory_space<semaphore_mem>>)
            %dma_wait3A_331 = tpu.memref_slice %arg5[%mul3A_296, %mul3A_235] : memref<25000x64xf32, #tpu.memory_space<hbm>> -> memref<250x16xf32, #tpu.memory_space<hbm>>
            %dma_wait3A_332 = tpu.memref_slice %arg5[%mul3A_296, %mul3A_235] : memref<25000x64xf32, #tpu.memory_space<hbm>> -> memref<250x16xf32, #tpu.memory_space<hbm>>
            tpu.wait_dma2 semaphore(%run_scoped3A : memref<!tpu.dma_semaphore, #tpu.memory_space<semaphore_mem>>) src(%arg19 : memref<250x16xf32, #tpu.memory_space<vmem>>) dst(%dma_wait3A_332 : memref<250x16xf32, #tpu.memory_space<hbm>>)
            tpu.yield
          }) : () -> ()
        } else {
        }
        %ge3A = arith.constant 25000 : i32
        %ge3A_325 = arith.cmpi sge, %mul3A_296, %ge3A : i32
        %convert_element_type3A_326 = arith.extui %ge3A_325 : i1 to i32
        %cond3A_327 = arith.constant 0 : i32
        %cond3A_328 = arith.cmpi ne, %convert_element_type3A_326, %cond3A_327 : i32
        scf.if %cond3A_328 {
          %sub3A = arith.constant 25000 : i32
          %sub3A_329 = arith.subi %mul3A_296, %sub3A : i32
          "tpu.region"() ({
            %run_scoped3A = tpu.sem_alloc : memref<!tpu.dma_semaphore, #tpu.memory_space<semaphore_mem>>
            %dma_start3A_330 = tpu.memref_slice %arg6[%sub3A_329, %mul3A_235] : memref<25000x64xf32, #tpu.memory_space<hbm>> -> memref<250x16xf32, #tpu.memory_space<hbm>>
            %dma_start3A_331 = tpu.memref_slice %arg6[%sub3A_329, %mul3A_235] : memref<25000x64xf32, #tpu.memory_space<hbm>> -> memref<250x16xf32, #tpu.memory_space<hbm>>
            tpu.enqueue_dma source(%arg19 : memref<250x16xf32, #tpu.memory_space<vmem>>) target(%dma_start3A_331 : memref<250x16xf32, #tpu.memory_space<hbm>>) target_semaphore(%run_scoped3A : memref<!tpu.dma_semaphore, #tpu.memory_space<semaphore_mem>>)
            %dma_wait3A_332 = tpu.memref_slice %arg6[%sub3A_329, %mul3A_235] : memref<25000x64xf32, #tpu.memory_space<hbm>> -> memref<250x16xf32, #tpu.memory_space<hbm>>
            %dma_wait3A_333 = tpu.memref_slice %arg6[%sub3A_329, %mul3A_235] : memref<25000x64xf32, #tpu.memory_space<hbm>> -> memref<250x16xf32, #tpu.memory_space<hbm>>
            tpu.wait_dma2 semaphore(%run_scoped3A : memref<!tpu.dma_semaphore, #tpu.memory_space<semaphore_mem>>) src(%arg19 : memref<250x16xf32, #tpu.memory_space<vmem>>) dst(%dma_wait3A_333 : memref<250x16xf32, #tpu.memory_space<hbm>>)
            tpu.yield
          }) : () -> ()
        } else {
        }
      } else {
      }
    }
    %scan3A_252 = arith.constant 13 : i32
    %dma_wait3A_253 = arith.constant 0 : i32
    %dma_wait3A_254 = tpu.memref_slice %arg11[%mul3A_237, %dma_wait3A_253] : memref<50000x16xf32, #tpu.memory_space<vmem_shared>> -> memref<3125x16xf32, #tpu.memory_space<vmem_shared>>
    %dma_wait3A_255 = arith.constant 0 : i32
    %dma_wait3A_256 = tpu.memref_slice %arg8[%add3A_238, %dma_wait3A_255] : memref<200000x16xf32, #tpu.memory_space<hbm>> -> memref<3125x16xf32, #tpu.memory_space<hbm>>
    tpu.wait_dma2 semaphore(%arg24 : memref<!tpu.dma_semaphore, #tpu.memory_space<semaphore_mem>>) src(%dma_wait3A_256 : memref<3125x16xf32, #tpu.memory_space<hbm>>) dst(%dma_wait3A_254 : memref<3125x16xf32, #tpu.memory_space<vmem_shared>>)
    %barrier3A_257 = arith.constant 0 : index
    tpu.barrier barrier_id(%barrier3A_257)
    %scan3A_258 = arith.constant 0 : i32
    %scan3A_259 = arith.constant 50 : i32
    %scan3A_260 = arith.addi %scan3A_258, %scan3A_259 : i32
    %scan3A_261 = arith.constant 1 : i32
    scf.for %scan3A_285 = %scan3A_258 to %scan3A_260 step %scan3A_261  : i32 {
      %mul3A_286 = arith.constant 1 : i32
      %mul3A_287 = arith.muli %scan3A_285, %mul3A_286 : i32
      %add3A_288 = arith.constant 0 : i32
      %add3A_289 = arith.addi %add3A_288, %mul3A_287 : i32
      %mul3A_290 = arith.constant 50 : i32
      %mul3A_291 = arith.muli %arg1, %mul3A_290 : i32
      %add3A_292 = arith.addi %mul3A_291, %add3A_289 : i32
      %mul3A_293 = arith.constant 4 : i32
      %mul3A_294 = arith.muli %add3A_292, %mul3A_293 : i32
      %dma_start3A_295 = arith.constant 0 : i32
      %dma_start3A_296 = tpu.memref_slice %arg2[%mul3A_294, %dma_start3A_295] : memref<3200x256xi32, #tpu.memory_space<hbm>> -> memref<4x256xi32, #tpu.memory_space<hbm>>
      %dma_start3A_297 = arith.constant 0 : i32
      %dma_start3A_298 = tpu.memref_slice %arg2[%mul3A_294, %dma_start3A_297] : memref<3200x256xi32, #tpu.memory_space<hbm>> -> memref<4x256xi32, #tpu.memory_space<hbm>>
      tpu.enqueue_dma source(%dma_start3A_298 : memref<4x256xi32, #tpu.memory_space<hbm>>) target(%arg13 : memref<4x256xi32, #tpu.memory_space<vmem>>) target_semaphore(%arg22 : memref<!tpu.dma_semaphore, #tpu.memory_space<semaphore_mem>>)
      %dma_start3A_299 = arith.constant 0 : i32
      %dma_start3A_300 = tpu.memref_slice %arg3[%mul3A_294, %dma_start3A_299] : memref<3200x256xi32, #tpu.memory_space<hbm>> -> memref<4x256xi32, #tpu.memory_space<hbm>>
      %dma_start3A_301 = arith.constant 0 : i32
      %dma_start3A_302 = tpu.memref_slice %arg3[%mul3A_294, %dma_start3A_301] : memref<3200x256xi32, #tpu.memory_space<hbm>> -> memref<4x256xi32, #tpu.memory_space<hbm>>
      tpu.enqueue_dma source(%dma_start3A_302 : memref<4x256xi32, #tpu.memory_space<hbm>>) target(%arg14 : memref<4x256xi32, #tpu.memory_space<vmem>>) target_semaphore(%arg23 : memref<!tpu.dma_semaphore, #tpu.memory_space<semaphore_mem>>)
      %dma_wait3A_303 = arith.constant 0 : i32
      %dma_wait3A_304 = tpu.memref_slice %arg2[%mul3A_294, %dma_wait3A_303] : memref<3200x256xi32, #tpu.memory_space<hbm>> -> memref<4x256xi32, #tpu.memory_space<hbm>>
      %dma_wait3A_305 = arith.constant 0 : i32
      %dma_wait3A_306 = tpu.memref_slice %arg2[%mul3A_294, %dma_wait3A_305] : memref<3200x256xi32, #tpu.memory_space<hbm>> -> memref<4x256xi32, #tpu.memory_space<hbm>>
      tpu.wait_dma2 semaphore(%arg22 : memref<!tpu.dma_semaphore, #tpu.memory_space<semaphore_mem>>) src(%dma_wait3A_306 : memref<4x256xi32, #tpu.memory_space<hbm>>) dst(%arg13 : memref<4x256xi32, #tpu.memory_space<vmem>>)
      %dma_wait3A_307 = arith.constant 0 : i32
      %dma_wait3A_308 = tpu.memref_slice %arg3[%mul3A_294, %dma_wait3A_307] : memref<3200x256xi32, #tpu.memory_space<hbm>> -> memref<4x256xi32, #tpu.memory_space<hbm>>
      %dma_wait3A_309 = arith.constant 0 : i32
      %dma_wait3A_310 = tpu.memref_slice %arg3[%mul3A_294, %dma_wait3A_309] : memref<3200x256xi32, #tpu.memory_space<hbm>> -> memref<4x256xi32, #tpu.memory_space<hbm>>
      tpu.wait_dma2 semaphore(%arg23 : memref<!tpu.dma_semaphore, #tpu.memory_space<semaphore_mem>>) src(%dma_wait3A_310 : memref<4x256xi32, #tpu.memory_space<hbm>>) dst(%arg14 : memref<4x256xi32, #tpu.memory_space<vmem>>)
      %dma_start3A_311 = arith.constant 0 : i32
      %dma_start3A_312 = arith.constant 0 : i32
      %dma_start3A_313 = tpu.memref_slice %arg13[%dma_start3A_311, %dma_start3A_312] : memref<4x256xi32, #tpu.memory_space<vmem>> -> memref<1x256xi32, #tpu.memory_space<vmem>>
      %dma_start3A_314 = tpu.memref_squeeze %dma_start3A_313 : memref<1x256xi32, #tpu.memory_space<vmem>> -> memref<256xi32, #tpu.memory_space<vmem>>
      %dma_start3A_315 = arith.constant 0 : i32
      %dma_start3A_316 = arith.constant 0 : i32
      %dma_start3A_317 = tpu.memref_slice %arg11[%dma_start3A_315, %dma_start3A_316] : memref<50000x16xf32, #tpu.memory_space<vmem_shared>> -> memref<50000x16xf32, #tpu.memory_space<vmem_shared>>
      tpu.enqueue_indirect_dma source(%dma_start3A_317 : memref<50000x16xf32, #tpu.memory_space<vmem_shared>>) target(%arg15 : memref<256x16xf32, #tpu.memory_space<vmem>>) offsets(%dma_start3A_314 : memref<256xi32, #tpu.memory_space<vmem>>) semaphore(%arg24 : memref<!tpu.dma_semaphore, #tpu.memory_space<semaphore_mem>>)
      %dma_start3A_318 = arith.constant 1 : i32
      %dma_start3A_319 = arith.constant 0 : i32
      %dma_start3A_320 = tpu.memref_slice %arg13[%dma_start3A_318, %dma_start3A_319] : memref<4x256xi32, #tpu.memory_space<vmem>> -> memref<1x256xi32, #tpu.memory_space<vmem>>
      %dma_start3A_321 = tpu.memref_squeeze %dma_start3A_320 : memref<1x256xi32, #tpu.memory_space<vmem>> -> memref<256xi32, #tpu.memory_space<vmem>>
      %dma_start3A_322 = arith.constant 0 : i32
      %dma_start3A_323 = arith.constant 0 : i32
      %dma_start3A_324 = tpu.memref_slice %arg11[%dma_start3A_322, %dma_start3A_323] : memref<50000x16xf32, #tpu.memory_space<vmem_shared>> -> memref<50000x16xf32, #tpu.memory_space<vmem_shared>>
      tpu.enqueue_indirect_dma source(%dma_start3A_324 : memref<50000x16xf32, #tpu.memory_space<vmem_shared>>) target(%arg16 : memref<256x16xf32, #tpu.memory_space<vmem>>) offsets(%dma_start3A_321 : memref<256xi32, #tpu.memory_space<vmem>>) semaphore(%arg25 : memref<!tpu.dma_semaphore, #tpu.memory_space<semaphore_mem>>)
      %dma_wait3A_325 = arith.constant 0 : i32
      %dma_wait3A_326 = arith.constant 0 : i32
      %dma_wait3A_327 = tpu.memref_slice %arg13[%dma_wait3A_325, %dma_wait3A_326] : memref<4x256xi32, #tpu.memory_space<vmem>> -> memref<1x256xi32, #tpu.memory_space<vmem>>
      %dma_wait3A_328 = tpu.memref_squeeze %dma_wait3A_327 : memref<1x256xi32, #tpu.memory_space<vmem>> -> memref<256xi32, #tpu.memory_space<vmem>>
      %dma_wait3A_329 = arith.constant 0 : i32
      %dma_wait3A_330 = arith.constant 0 : i32
      %dma_wait3A_331 = tpu.memref_slice %arg11[%dma_wait3A_329, %dma_wait3A_330] : memref<50000x16xf32, #tpu.memory_space<vmem_shared>> -> memref<50000x16xf32, #tpu.memory_space<vmem_shared>>
      tpu.wait_indirect_dma semaphore(%arg24 : memref<!tpu.dma_semaphore, #tpu.memory_space<semaphore_mem>>) src(%dma_wait3A_331 : memref<50000x16xf32, #tpu.memory_space<vmem_shared>>) dst(%arg15 : memref<256x16xf32, #tpu.memory_space<vmem>>)
      %dma_start3A_332 = arith.constant 0 : i32
      %dma_start3A_333 = arith.constant 0 : i32
      %dma_start3A_334 = tpu.memref_slice %arg14[%dma_start3A_332, %dma_start3A_333] : memref<4x256xi32, #tpu.memory_space<vmem>> -> memref<1x256xi32, #tpu.memory_space<vmem>>
      %dma_start3A_335 = tpu.memref_squeeze %dma_start3A_334 : memref<1x256xi32, #tpu.memory_space<vmem>> -> memref<256xi32, #tpu.memory_space<vmem>>
      %dma_start3A_336 = arith.constant 0 : i32
      %dma_start3A_337 = arith.constant 0 : i32
      %dma_start3A_338 = tpu.memref_slice %arg12[%dma_start3A_336, %dma_start3A_337] : memref<50008x16xf32, #tpu.memory_space<vmem_shared>> -> memref<50008x16xf32, #tpu.memory_space<vmem_shared>>
      tpu.enqueue_indirect_dma source(%arg15 : memref<256x16xf32, #tpu.memory_space<vmem>>) target(%dma_start3A_338 : memref<50008x16xf32, #tpu.memory_space<vmem_shared>>) offsets(%dma_start3A_335 : memref<256xi32, #tpu.memory_space<vmem>>) semaphore(%arg27 : memref<!tpu.dma_semaphore, #tpu.memory_space<semaphore_mem>>) {add = true}
      %dma_start3A_339 = arith.constant 2 : i32
      %dma_start3A_340 = arith.constant 0 : i32
      %dma_start3A_341 = tpu.memref_slice %arg13[%dma_start3A_339, %dma_start3A_340] : memref<4x256xi32, #tpu.memory_space<vmem>> -> memref<1x256xi32, #tpu.memory_space<vmem>>
      %dma_start3A_342 = tpu.memref_squeeze %dma_start3A_341 : memref<1x256xi32, #tpu.memory_space<vmem>> -> memref<256xi32, #tpu.memory_space<vmem>>
      %dma_start3A_343 = arith.constant 0 : i32
      %dma_start3A_344 = arith.constant 0 : i32
      %dma_start3A_345 = tpu.memref_slice %arg11[%dma_start3A_343, %dma_start3A_344] : memref<50000x16xf32, #tpu.memory_space<vmem_shared>> -> memref<50000x16xf32, #tpu.memory_space<vmem_shared>>
      tpu.enqueue_indirect_dma source(%dma_start3A_345 : memref<50000x16xf32, #tpu.memory_space<vmem_shared>>) target(%arg17 : memref<256x16xf32, #tpu.memory_space<vmem>>) offsets(%dma_start3A_342 : memref<256xi32, #tpu.memory_space<vmem>>) semaphore(%arg26 : memref<!tpu.dma_semaphore, #tpu.memory_space<semaphore_mem>>)
      %dma_wait3A_346 = arith.constant 1 : i32
      %dma_wait3A_347 = arith.constant 0 : i32
      %dma_wait3A_348 = tpu.memref_slice %arg13[%dma_wait3A_346, %dma_wait3A_347] : memref<4x256xi32, #tpu.memory_space<vmem>> -> memref<1x256xi32, #tpu.memory_space<vmem>>
      %dma_wait3A_349 = tpu.memref_squeeze %dma_wait3A_348 : memref<1x256xi32, #tpu.memory_space<vmem>> -> memref<256xi32, #tpu.memory_space<vmem>>
      %dma_wait3A_350 = arith.constant 0 : i32
      %dma_wait3A_351 = arith.constant 0 : i32
      %dma_wait3A_352 = tpu.memref_slice %arg11[%dma_wait3A_350, %dma_wait3A_351] : memref<50000x16xf32, #tpu.memory_space<vmem_shared>> -> memref<50000x16xf32, #tpu.memory_space<vmem_shared>>
      tpu.wait_indirect_dma semaphore(%arg25 : memref<!tpu.dma_semaphore, #tpu.memory_space<semaphore_mem>>) src(%dma_wait3A_352 : memref<50000x16xf32, #tpu.memory_space<vmem_shared>>) dst(%arg16 : memref<256x16xf32, #tpu.memory_space<vmem>>)
      %dma_start3A_353 = arith.constant 1 : i32
      %dma_start3A_354 = arith.constant 0 : i32
      %dma_start3A_355 = tpu.memref_slice %arg14[%dma_start3A_353, %dma_start3A_354] : memref<4x256xi32, #tpu.memory_space<vmem>> -> memref<1x256xi32, #tpu.memory_space<vmem>>
      %dma_start3A_356 = tpu.memref_squeeze %dma_start3A_355 : memref<1x256xi32, #tpu.memory_space<vmem>> -> memref<256xi32, #tpu.memory_space<vmem>>
      %dma_start3A_357 = arith.constant 0 : i32
      %dma_start3A_358 = arith.constant 0 : i32
      %dma_start3A_359 = tpu.memref_slice %arg12[%dma_start3A_357, %dma_start3A_358] : memref<50008x16xf32, #tpu.memory_space<vmem_shared>> -> memref<50008x16xf32, #tpu.memory_space<vmem_shared>>
      tpu.enqueue_indirect_dma source(%arg16 : memref<256x16xf32, #tpu.memory_space<vmem>>) target(%dma_start3A_359 : memref<50008x16xf32, #tpu.memory_space<vmem_shared>>) offsets(%dma_start3A_356 : memref<256xi32, #tpu.memory_space<vmem>>) semaphore(%arg28 : memref<!tpu.dma_semaphore, #tpu.memory_space<semaphore_mem>>) {add = true}
      %dma_wait3A_360 = arith.constant 0 : i32
      %dma_wait3A_361 = arith.constant 0 : i32
      %dma_wait3A_362 = tpu.memref_slice %arg14[%dma_wait3A_360, %dma_wait3A_361] : memref<4x256xi32, #tpu.memory_space<vmem>> -> memref<1x256xi32, #tpu.memory_space<vmem>>
      %dma_wait3A_363 = tpu.memref_squeeze %dma_wait3A_362 : memref<1x256xi32, #tpu.memory_space<vmem>> -> memref<256xi32, #tpu.memory_space<vmem>>
      %dma_wait3A_364 = arith.constant 0 : i32
      %dma_wait3A_365 = arith.constant 0 : i32
      %dma_wait3A_366 = tpu.memref_slice %arg12[%dma_wait3A_364, %dma_wait3A_365] : memref<50008x16xf32, #tpu.memory_space<vmem_shared>> -> memref<50008x16xf32, #tpu.memory_space<vmem_shared>>
      tpu.wait_indirect_dma semaphore(%arg27 : memref<!tpu.dma_semaphore, #tpu.memory_space<semaphore_mem>>) src(%arg15 : memref<256x16xf32, #tpu.memory_space<vmem>>) dst(%dma_wait3A_366 : memref<50008x16xf32, #tpu.memory_space<vmem_shared>>)
      %dma_start3A_367 = arith.constant 3 : i32
      %dma_start3A_368 = arith.constant 0 : i32
      %dma_start3A_369 = tpu.memref_slice %arg13[%dma_start3A_367, %dma_start3A_368] : memref<4x256xi32, #tpu.memory_space<vmem>> -> memref<1x256xi32, #tpu.memory_space<vmem>>
      %dma_start3A_370 = tpu.memref_squeeze %dma_start3A_369 : memref<1x256xi32, #tpu.memory_space<vmem>> -> memref<256xi32, #tpu.memory_space<vmem>>
      %dma_start3A_371 = arith.constant 0 : i32
      %dma_start3A_372 = arith.constant 0 : i32
      %dma_start3A_373 = tpu.memref_slice %arg11[%dma_start3A_371, %dma_start3A_372] : memref<50000x16xf32, #tpu.memory_space<vmem_shared>> -> memref<50000x16xf32, #tpu.memory_space<vmem_shared>>
      tpu.enqueue_indirect_dma source(%dma_start3A_373 : memref<50000x16xf32, #tpu.memory_space<vmem_shared>>) target(%arg15 : memref<256x16xf32, #tpu.memory_space<vmem>>) offsets(%dma_start3A_370 : memref<256xi32, #tpu.memory_space<vmem>>) semaphore(%arg24 : memref<!tpu.dma_semaphore, #tpu.memory_space<semaphore_mem>>)
      %dma_wait3A_374 = arith.constant 2 : i32
      %dma_wait3A_375 = arith.constant 0 : i32
      %dma_wait3A_376 = tpu.memref_slice %arg13[%dma_wait3A_374, %dma_wait3A_375] : memref<4x256xi32, #tpu.memory_space<vmem>> -> memref<1x256xi32, #tpu.memory_space<vmem>>
      %dma_wait3A_377 = tpu.memref_squeeze %dma_wait3A_376 : memref<1x256xi32, #tpu.memory_space<vmem>> -> memref<256xi32, #tpu.memory_space<vmem>>
      %dma_wait3A_378 = arith.constant 0 : i32
      %dma_wait3A_379 = arith.constant 0 : i32
      %dma_wait3A_380 = tpu.memref_slice %arg11[%dma_wait3A_378, %dma_wait3A_379] : memref<50000x16xf32, #tpu.memory_space<vmem_shared>> -> memref<50000x16xf32, #tpu.memory_space<vmem_shared>>
      tpu.wait_indirect_dma semaphore(%arg26 : memref<!tpu.dma_semaphore, #tpu.memory_space<semaphore_mem>>) src(%dma_wait3A_380 : memref<50000x16xf32, #tpu.memory_space<vmem_shared>>) dst(%arg17 : memref<256x16xf32, #tpu.memory_space<vmem>>)
      %dma_start3A_381 = arith.constant 2 : i32
      %dma_start3A_382 = arith.constant 0 : i32
      %dma_start3A_383 = tpu.memref_slice %arg14[%dma_start3A_381, %dma_start3A_382] : memref<4x256xi32, #tpu.memory_space<vmem>> -> memref<1x256xi32, #tpu.memory_space<vmem>>
      %dma_start3A_384 = tpu.memref_squeeze %dma_start3A_383 : memref<1x256xi32, #tpu.memory_space<vmem>> -> memref<256xi32, #tpu.memory_space<vmem>>
      %dma_start3A_385 = arith.constant 0 : i32
      %dma_start3A_386 = arith.constant 0 : i32
      %dma_start3A_387 = tpu.memref_slice %arg12[%dma_start3A_385, %dma_start3A_386] : memref<50008x16xf32, #tpu.memory_space<vmem_shared>> -> memref<50008x16xf32, #tpu.memory_space<vmem_shared>>
      tpu.enqueue_indirect_dma source(%arg17 : memref<256x16xf32, #tpu.memory_space<vmem>>) target(%dma_start3A_387 : memref<50008x16xf32, #tpu.memory_space<vmem_shared>>) offsets(%dma_start3A_384 : memref<256xi32, #tpu.memory_space<vmem>>) semaphore(%arg29 : memref<!tpu.dma_semaphore, #tpu.memory_space<semaphore_mem>>) {add = true}
      %dma_wait3A_388 = arith.constant 3 : i32
      %dma_wait3A_389 = arith.constant 0 : i32
      %dma_wait3A_390 = tpu.memref_slice %arg13[%dma_wait3A_388, %dma_wait3A_389] : memref<4x256xi32, #tpu.memory_space<vmem>> -> memref<1x256xi32, #tpu.memory_space<vmem>>
      %dma_wait3A_391 = tpu.memref_squeeze %dma_wait3A_390 : memref<1x256xi32, #tpu.memory_space<vmem>> -> memref<256xi32, #tpu.memory_space<vmem>>
      %dma_wait3A_392 = arith.constant 0 : i32
      %dma_wait3A_393 = arith.constant 0 : i32
      %dma_wait3A_394 = tpu.memref_slice %arg11[%dma_wait3A_392, %dma_wait3A_393] : memref<50000x16xf32, #tpu.memory_space<vmem_shared>> -> memref<50000x16xf32, #tpu.memory_space<vmem_shared>>
      tpu.wait_indirect_dma semaphore(%arg24 : memref<!tpu.dma_semaphore, #tpu.memory_space<semaphore_mem>>) src(%dma_wait3A_394 : memref<50000x16xf32, #tpu.memory_space<vmem_shared>>) dst(%arg15 : memref<256x16xf32, #tpu.memory_space<vmem>>)
      %dma_start3A_395 = arith.constant 3 : i32
      %dma_start3A_396 = arith.constant 0 : i32
      %dma_start3A_397 = tpu.memref_slice %arg14[%dma_start3A_395, %dma_start3A_396] : memref<4x256xi32, #tpu.memory_space<vmem>> -> memref<1x256xi32, #tpu.memory_space<vmem>>
      %dma_start3A_398 = tpu.memref_squeeze %dma_start3A_397 : memref<1x256xi32, #tpu.memory_space<vmem>> -> memref<256xi32, #tpu.memory_space<vmem>>
      %dma_start3A_399 = arith.constant 0 : i32
      %dma_start3A_400 = arith.constant 0 : i32
      %dma_start3A_401 = tpu.memref_slice %arg12[%dma_start3A_399, %dma_start3A_400] : memref<50008x16xf32, #tpu.memory_space<vmem_shared>> -> memref<50008x16xf32, #tpu.memory_space<vmem_shared>>
      tpu.enqueue_indirect_dma source(%arg15 : memref<256x16xf32, #tpu.memory_space<vmem>>) target(%dma_start3A_401 : memref<50008x16xf32, #tpu.memory_space<vmem_shared>>) offsets(%dma_start3A_398 : memref<256xi32, #tpu.memory_space<vmem>>) semaphore(%arg27 : memref<!tpu.dma_semaphore, #tpu.memory_space<semaphore_mem>>) {add = true}
      %dma_wait3A_402 = arith.constant 1 : i32
      %dma_wait3A_403 = arith.constant 0 : i32
      %dma_wait3A_404 = tpu.memref_slice %arg14[%dma_wait3A_402, %dma_wait3A_403] : memref<4x256xi32, #tpu.memory_space<vmem>> -> memref<1x256xi32, #tpu.memory_space<vmem>>
      %dma_wait3A_405 = tpu.memref_squeeze %dma_wait3A_404 : memref<1x256xi32, #tpu.memory_space<vmem>> -> memref<256xi32, #tpu.memory_space<vmem>>
      %dma_wait3A_406 = arith.constant 0 : i32
      %dma_wait3A_407 = arith.constant 0 : i32
      %dma_wait3A_408 = tpu.memref_slice %arg12[%dma_wait3A_406, %dma_wait3A_407] : memref<50008x16xf32, #tpu.memory_space<vmem_shared>> -> memref<50008x16xf32, #tpu.memory_space<vmem_shared>>
      tpu.wait_indirect_dma semaphore(%arg28 : memref<!tpu.dma_semaphore, #tpu.memory_space<semaphore_mem>>) src(%arg16 : memref<256x16xf32, #tpu.memory_space<vmem>>) dst(%dma_wait3A_408 : memref<50008x16xf32, #tpu.memory_space<vmem_shared>>)
      %dma_wait3A_409 = arith.constant 2 : i32
      %dma_wait3A_410 = arith.constant 0 : i32
      %dma_wait3A_411 = tpu.memref_slice %arg14[%dma_wait3A_409, %dma_wait3A_410] : memref<4x256xi32, #tpu.memory_space<vmem>> -> memref<1x256xi32, #tpu.memory_space<vmem>>
      %dma_wait3A_412 = tpu.memref_squeeze %dma_wait3A_411 : memref<1x256xi32, #tpu.memory_space<vmem>> -> memref<256xi32, #tpu.memory_space<vmem>>
      %dma_wait3A_413 = arith.constant 0 : i32
      %dma_wait3A_414 = arith.constant 0 : i32
      %dma_wait3A_415 = tpu.memref_slice %arg12[%dma_wait3A_413, %dma_wait3A_414] : memref<50008x16xf32, #tpu.memory_space<vmem_shared>> -> memref<50008x16xf32, #tpu.memory_space<vmem_shared>>
      tpu.wait_indirect_dma semaphore(%arg29 : memref<!tpu.dma_semaphore, #tpu.memory_space<semaphore_mem>>) src(%arg17 : memref<256x16xf32, #tpu.memory_space<vmem>>) dst(%dma_wait3A_415 : memref<50008x16xf32, #tpu.memory_space<vmem_shared>>)
      %dma_wait3A_416 = arith.constant 3 : i32
      %dma_wait3A_417 = arith.constant 0 : i32
      %dma_wait3A_418 = tpu.memref_slice %arg14[%dma_wait3A_416, %dma_wait3A_417] : memref<4x256xi32, #tpu.memory_space<vmem>> -> memref<1x256xi32, #tpu.memory_space<vmem>>
      %dma_wait3A_419 = tpu.memref_squeeze %dma_wait3A_418 : memref<1x256xi32, #tpu.memory_space<vmem>> -> memref<256xi32, #tpu.memory_space<vmem>>
      %dma_wait3A_420 = arith.constant 0 : i32
      %dma_wait3A_421 = arith.constant 0 : i32
      %dma_wait3A_422 = tpu.memref_slice %arg12[%dma_wait3A_420, %dma_wait3A_421] : memref<50008x16xf32, #tpu.memory_space<vmem_shared>> -> memref<50008x16xf32, #tpu.memory_space<vmem_shared>>
      tpu.wait_indirect_dma semaphore(%arg27 : memref<!tpu.dma_semaphore, #tpu.memory_space<semaphore_mem>>) src(%arg15 : memref<256x16xf32, #tpu.memory_space<vmem>>) dst(%dma_wait3A_422 : memref<50008x16xf32, #tpu.memory_space<vmem_shared>>)
    }
    %scan3A_262 = arith.constant 50 : i32
    %barrier3A_263 = arith.constant 0 : index
    tpu.barrier barrier_id(%barrier3A_263)
    %add3A_264 = arith.constant 50000 : i32
    %add3A_265 = arith.addi %mul3A_4, %add3A_264 : i32
    %add3A_266 = arith.constant 50000 : i32
    %add3A_267 = arith.addi %mul3A_4, %add3A_266 : i32
    %mul3A_268 = arith.constant 2 : i32
    %mul3A_269 = arith.muli %mul3A_268, %arg0 : i32
    %add3A_270 = arith.constant 1 : i32
    %add3A_271 = arith.addi %mul3A_269, %add3A_270 : i32
    %mul3A_272 = arith.constant 16 : i32
    %mul3A_273 = arith.muli %add3A_271, %mul3A_272 : i32
    %scan3A_274 = arith.constant 0 : i32
    %scan3A_275 = arith.constant 250 : i32
    %scan3A_276 = arith.addi %scan3A_274, %scan3A_275 : i32
    %scan3A_277 = arith.constant 1 : i32
    scf.for %scan3A_285 = %scan3A_274 to %scan3A_276 step %scan3A_277  : i32 {
      %mul3A_286 = arith.constant 1 : i32
      %mul3A_287 = arith.muli %scan3A_285, %mul3A_286 : i32
      %add3A_288 = arith.constant 0 : i32
      %add3A_289 = arith.addi %add3A_288, %mul3A_287 : i32
      %swap3A = arith.index_cast %add3A_289 : i32 to index
      %swap3A_290 = arith.constant 0 : index
      %swap3A_291 = tpu.vector_load %arg21[%swap3A, %swap3A_290] {strides = array<i32>} : memref<250x16xf32, #tpu.memory_space<vmem>>, vector<1x16xf32>,
      %swap3A_292 = vector.shape_cast %swap3A_291 : vector<1x16xf32> to vector<16xf32>
      %swap3A_293 = vector.shape_cast %broadcast_in_dim3A_5 : vector<16xf32> to vector<1x16xf32>
      tpu.vector_store %arg21[%swap3A, %swap3A_290], %swap3A_293 {strides = array<i32>} : memref<250x16xf32, #tpu.memory_space<vmem>>, vector<1x16xf32>,
    }
    %scan3A_278 = arith.constant 250 : i32
    %scan3A_279 = arith.constant 0 : i32
    %scan3A_280 = arith.constant 13 : i32
    %scan3A_281 = arith.addi %scan3A_279, %scan3A_280 : i32
    %scan3A_282 = arith.constant 1 : i32
    scf.for %scan3A_285 = %scan3A_279 to %scan3A_281 step %scan3A_282  : i32 {
      %mul3A_286 = arith.constant 1 : i32
      %mul3A_287 = arith.muli %scan3A_285, %mul3A_286 : i32
      %add3A_288 = arith.constant 0 : i32
      %add3A_289 = arith.addi %add3A_288, %mul3A_287 : i32
      %mul3A_290 = arith.constant 16 : i32
      %mul3A_291 = arith.muli %add3A_289, %mul3A_290 : i32
      %add3A_292 = arith.addi %mul3A_291, %arg1 : i32
      %lt3A = arith.constant 200 : i32
      %lt3A_293 = arith.cmpi slt, %add3A_292, %lt3A : i32
      %convert_element_type3A = arith.extui %lt3A_293 : i1 to i32
      %cond3A = arith.constant 0 : i32
      %cond3A_294 = arith.cmpi ne, %convert_element_type3A, %cond3A : i32
      scf.if %cond3A_294 {
        %mul3A_295 = arith.constant 250 : i32
        %mul3A_296 = arith.muli %add3A_292, %mul3A_295 : i32
        %add3A_297 = arith.addi %add3A_265, %mul3A_296 : i32
        %dma_start3A_298 = arith.constant 0 : i32
        %dma_start3A_299 = tpu.memref_slice %arg9[%add3A_297, %dma_start3A_298] : memref<200000x16xf32, #tpu.memory_space<hbm>> -> memref<250x16xf32, #tpu.memory_space<hbm>>
        %dma_start3A_300 = arith.constant 0 : i32
        %dma_start3A_301 = tpu.memref_slice %arg9[%add3A_297, %dma_start3A_300] : memref<200000x16xf32, #tpu.memory_space<hbm>> -> memref<250x16xf32, #tpu.memory_space<hbm>>
        tpu.enqueue_dma source(%dma_start3A_301 : memref<250x16xf32, #tpu.memory_space<hbm>>) target(%arg19 : memref<250x16xf32, #tpu.memory_space<vmem>>) target_semaphore(%arg22 : memref<!tpu.dma_semaphore, #tpu.memory_space<semaphore_mem>>)
        %add3A_302 = arith.addi %mul3A_0, %mul3A_296 : i32
        %dma_start3A_303 = arith.constant 0 : i32
        %dma_start3A_304 = tpu.memref_slice %arg10[%add3A_302, %dma_start3A_303] : memref<100000x16xf32, #tpu.memory_space<hbm>> -> memref<250x16xf32, #tpu.memory_space<hbm>>
        %dma_start3A_305 = arith.constant 0 : i32
        %dma_start3A_306 = tpu.memref_slice %arg10[%add3A_302, %dma_start3A_305] : memref<100000x16xf32, #tpu.memory_space<hbm>> -> memref<250x16xf32, #tpu.memory_space<hbm>>
        tpu.enqueue_dma source(%dma_start3A_306 : memref<250x16xf32, #tpu.memory_space<hbm>>) target(%arg20 : memref<250x16xf32, #tpu.memory_space<vmem>>) target_semaphore(%arg23 : memref<!tpu.dma_semaphore, #tpu.memory_space<semaphore_mem>>)
        "tpu.region"() ({
          %run_scoped3A = tpu.sem_alloc : memref<!tpu.dma_semaphore, #tpu.memory_space<semaphore_mem>>
          %dma_start3A_329 = arith.constant 0 : i32
          %dma_start3A_330 = tpu.memref_slice %arg12[%mul3A_296, %dma_start3A_329] : memref<50008x16xf32, #tpu.memory_space<vmem_shared>> -> memref<250x16xf32, #tpu.memory_space<vmem_shared>>
          %dma_start3A_331 = arith.constant 0 : i32
          %dma_start3A_332 = tpu.memref_slice %arg12[%mul3A_296, %dma_start3A_331] : memref<50008x16xf32, #tpu.memory_space<vmem_shared>> -> memref<250x16xf32, #tpu.memory_space<vmem_shared>>
          tpu.enqueue_dma source(%dma_start3A_332 : memref<250x16xf32, #tpu.memory_space<vmem_shared>>) target(%arg18 : memref<250x16xf32, #tpu.memory_space<vmem>>) target_semaphore(%run_scoped3A : memref<!tpu.dma_semaphore, #tpu.memory_space<semaphore_mem>>)
          %dma_wait3A_333 = arith.constant 0 : i32
          %dma_wait3A_334 = tpu.memref_slice %arg12[%mul3A_296, %dma_wait3A_333] : memref<50008x16xf32, #tpu.memory_space<vmem_shared>> -> memref<250x16xf32, #tpu.memory_space<vmem_shared>>
          %dma_wait3A_335 = arith.constant 0 : i32
          %dma_wait3A_336 = tpu.memref_slice %arg12[%mul3A_296, %dma_wait3A_335] : memref<50008x16xf32, #tpu.memory_space<vmem_shared>> -> memref<250x16xf32, #tpu.memory_space<vmem_shared>>
          tpu.wait_dma2 semaphore(%run_scoped3A : memref<!tpu.dma_semaphore, #tpu.memory_space<semaphore_mem>>) src(%dma_wait3A_336 : memref<250x16xf32, #tpu.memory_space<vmem_shared>>) dst(%arg18 : memref<250x16xf32, #tpu.memory_space<vmem>>)
          tpu.yield
        }) : () -> ()
        %dma_wait3A_307 = arith.constant 0 : i32
        %dma_wait3A_308 = tpu.memref_slice %arg9[%add3A_297, %dma_wait3A_307] : memref<200000x16xf32, #tpu.memory_space<hbm>> -> memref<250x16xf32, #tpu.memory_space<hbm>>
        %dma_wait3A_309 = arith.constant 0 : i32
        %dma_wait3A_310 = tpu.memref_slice %arg9[%add3A_297, %dma_wait3A_309] : memref<200000x16xf32, #tpu.memory_space<hbm>> -> memref<250x16xf32, #tpu.memory_space<hbm>>
        tpu.wait_dma2 semaphore(%arg22 : memref<!tpu.dma_semaphore, #tpu.memory_space<semaphore_mem>>) src(%dma_wait3A_310 : memref<250x16xf32, #tpu.memory_space<hbm>>) dst(%arg19 : memref<250x16xf32, #tpu.memory_space<vmem>>)
        %dma_wait3A_311 = arith.constant 0 : i32
        %dma_wait3A_312 = tpu.memref_slice %arg10[%add3A_302, %dma_wait3A_311] : memref<100000x16xf32, #tpu.memory_space<hbm>> -> memref<250x16xf32, #tpu.memory_space<hbm>>
        %dma_wait3A_313 = arith.constant 0 : i32
        %dma_wait3A_314 = tpu.memref_slice %arg10[%add3A_302, %dma_wait3A_313] : memref<100000x16xf32, #tpu.memory_space<hbm>> -> memref<250x16xf32, #tpu.memory_space<hbm>>
        tpu.wait_dma2 semaphore(%arg23 : memref<!tpu.dma_semaphore, #tpu.memory_space<semaphore_mem>>) src(%dma_wait3A_314 : memref<250x16xf32, #tpu.memory_space<hbm>>) dst(%arg20 : memref<250x16xf32, #tpu.memory_space<vmem>>)
        %scan3A_315 = arith.constant 0 : i32
        %scan3A_316 = arith.constant 50 : i32
        %scan3A_317 = arith.addi %scan3A_315, %scan3A_316 : i32
        %scan3A_318 = arith.constant 1 : i32
        scf.for %scan3A_329 = %scan3A_315 to %scan3A_317 step %scan3A_318  : i32 {
          %mul3A_330 = arith.constant 5 : i32
          %mul3A_331 = arith.muli %scan3A_329, %mul3A_330 : i32
          %add3A_332 = arith.constant 0 : i32
          %add3A_333 = arith.addi %add3A_332, %mul3A_331 : i32
          %add3A_334 = arith.constant 0 : i32
          %add3A_335 = arith.addi %add3A_333, %add3A_334 : i32
          %get3A = arith.index_cast %add3A_335 : i32 to index
          %get3A_336 = arith.constant 0 : index
          %get3A_337 = tpu.vector_load %arg18[%get3A, %get3A_336] {strides = array<i32>} : memref<250x16xf32, #tpu.memory_space<vmem>>, vector<1x16xf32>,
          %get3A_338 = vector.shape_cast %get3A_337 : vector<1x16xf32> to vector<16xf32>
          %add3A_339 = arith.constant 0 : i32
          %add3A_340 = arith.addi %add3A_333, %add3A_339 : i32
          %get3A_341 = arith.index_cast %add3A_340 : i32 to index
          %get3A_342 = arith.constant 0 : index
          %get3A_343 = tpu.vector_load %arg20[%get3A_341, %get3A_342] {strides = array<i32>} : memref<250x16xf32, #tpu.memory_space<vmem>>, vector<1x16xf32>,
          %get3A_344 = vector.shape_cast %get3A_343 : vector<1x16xf32> to vector<16xf32>
          %mul3A_345 = arith.mulf %get3A_338, %get3A_344 : vector<16xf32>
          %add3A_346 = arith.constant 0 : i32
          %add3A_347 = arith.addi %add3A_333, %add3A_346 : i32
          %get3A_348 = arith.index_cast %add3A_347 : i32 to index
          %get3A_349 = arith.constant 0 : index
          %get3A_350 = tpu.vector_load %arg19[%get3A_348, %get3A_349] {strides = array<i32>} : memref<250x16xf32, #tpu.memory_space<vmem>>, vector<1x16xf32>,
          %get3A_351 = vector.shape_cast %get3A_350 : vector<1x16xf32> to vector<16xf32>
          %add3A_352 = arith.addf %get3A_351, %mul3A_345 : vector<16xf32>
          %mul3A_353 = arith.constant 2.500000e-01 : f32
          %mul3A_354 = vector.broadcast %mul3A_353 : f32 to vector<16xf32>
          %mul3A_355 = arith.mulf %add3A_352, %mul3A_354 : vector<16xf32>
          %add3A_356 = arith.constant 0 : i32
          %add3A_357 = arith.addi %add3A_333, %add3A_356 : i32
          %swap3A = arith.index_cast %add3A_357 : i32 to index
          %swap3A_358 = arith.constant 0 : index
          %swap3A_359 = tpu.vector_load %arg19[%swap3A, %swap3A_358] {strides = array<i32>} : memref<250x16xf32, #tpu.memory_space<vmem>>, vector<1x16xf32>,
          %swap3A_360 = vector.shape_cast %swap3A_359 : vector<1x16xf32> to vector<16xf32>
          %swap3A_361 = vector.shape_cast %mul3A_355 : vector<16xf32> to vector<1x16xf32>
          tpu.vector_store %arg19[%swap3A, %swap3A_358], %swap3A_361 {strides = array<i32>} : memref<250x16xf32, #tpu.memory_space<vmem>>, vector<1x16xf32>,
          %add3A_362 = arith.constant 1 : i32
          %add3A_363 = arith.addi %add3A_333, %add3A_362 : i32
          %get3A_364 = arith.index_cast %add3A_363 : i32 to index
          %get3A_365 = arith.constant 0 : index
          %get3A_366 = tpu.vector_load %arg18[%get3A_364, %get3A_365] {strides = array<i32>} : memref<250x16xf32, #tpu.memory_space<vmem>>, vector<1x16xf32>,
          %get3A_367 = vector.shape_cast %get3A_366 : vector<1x16xf32> to vector<16xf32>
          %add3A_368 = arith.constant 1 : i32
          %add3A_369 = arith.addi %add3A_333, %add3A_368 : i32
          %get3A_370 = arith.index_cast %add3A_369 : i32 to index
          %get3A_371 = arith.constant 0 : index
          %get3A_372 = tpu.vector_load %arg20[%get3A_370, %get3A_371] {strides = array<i32>} : memref<250x16xf32, #tpu.memory_space<vmem>>, vector<1x16xf32>,
          %get3A_373 = vector.shape_cast %get3A_372 : vector<1x16xf32> to vector<16xf32>
          %mul3A_374 = arith.mulf %get3A_367, %get3A_373 : vector<16xf32>
          %add3A_375 = arith.constant 1 : i32
          %add3A_376 = arith.addi %add3A_333, %add3A_375 : i32
          %get3A_377 = arith.index_cast %add3A_376 : i32 to index
          %get3A_378 = arith.constant 0 : index
          %get3A_379 = tpu.vector_load %arg19[%get3A_377, %get3A_378] {strides = array<i32>} : memref<250x16xf32, #tpu.memory_space<vmem>>, vector<1x16xf32>,
          %get3A_380 = vector.shape_cast %get3A_379 : vector<1x16xf32> to vector<16xf32>
          %add3A_381 = arith.addf %get3A_380, %mul3A_374 : vector<16xf32>
          %mul3A_382 = arith.constant 2.500000e-01 : f32
          %mul3A_383 = vector.broadcast %mul3A_382 : f32 to vector<16xf32>
          %mul3A_384 = arith.mulf %add3A_381, %mul3A_383 : vector<16xf32>
          %add3A_385 = arith.constant 1 : i32
          %add3A_386 = arith.addi %add3A_333, %add3A_385 : i32
          %swap3A_387 = arith.index_cast %add3A_386 : i32 to index
          %swap3A_388 = arith.constant 0 : index
          %swap3A_389 = tpu.vector_load %arg19[%swap3A_387, %swap3A_388] {strides = array<i32>} : memref<250x16xf32, #tpu.memory_space<vmem>>, vector<1x16xf32>,
          %swap3A_390 = vector.shape_cast %swap3A_389 : vector<1x16xf32> to vector<16xf32>
          %swap3A_391 = vector.shape_cast %mul3A_384 : vector<16xf32> to vector<1x16xf32>
          tpu.vector_store %arg19[%swap3A_387, %swap3A_388], %swap3A_391 {strides = array<i32>} : memref<250x16xf32, #tpu.memory_space<vmem>>, vector<1x16xf32>,
          %add3A_392 = arith.constant 2 : i32
          %add3A_393 = arith.addi %add3A_333, %add3A_392 : i32
          %get3A_394 = arith.index_cast %add3A_393 : i32 to index
          %get3A_395 = arith.constant 0 : index
          %get3A_396 = tpu.vector_load %arg18[%get3A_394, %get3A_395] {strides = array<i32>} : memref<250x16xf32, #tpu.memory_space<vmem>>, vector<1x16xf32>,
          %get3A_397 = vector.shape_cast %get3A_396 : vector<1x16xf32> to vector<16xf32>
          %add3A_398 = arith.constant 2 : i32
          %add3A_399 = arith.addi %add3A_333, %add3A_398 : i32
          %get3A_400 = arith.index_cast %add3A_399 : i32 to index
          %get3A_401 = arith.constant 0 : index
          %get3A_402 = tpu.vector_load %arg20[%get3A_400, %get3A_401] {strides = array<i32>} : memref<250x16xf32, #tpu.memory_space<vmem>>, vector<1x16xf32>,
          %get3A_403 = vector.shape_cast %get3A_402 : vector<1x16xf32> to vector<16xf32>
          %mul3A_404 = arith.mulf %get3A_397, %get3A_403 : vector<16xf32>
          %add3A_405 = arith.constant 2 : i32
          %add3A_406 = arith.addi %add3A_333, %add3A_405 : i32
          %get3A_407 = arith.index_cast %add3A_406 : i32 to index
          %get3A_408 = arith.constant 0 : index
          %get3A_409 = tpu.vector_load %arg19[%get3A_407, %get3A_408] {strides = array<i32>} : memref<250x16xf32, #tpu.memory_space<vmem>>, vector<1x16xf32>,
          %get3A_410 = vector.shape_cast %get3A_409 : vector<1x16xf32> to vector<16xf32>
          %add3A_411 = arith.addf %get3A_410, %mul3A_404 : vector<16xf32>
          %mul3A_412 = arith.constant 2.500000e-01 : f32
          %mul3A_413 = vector.broadcast %mul3A_412 : f32 to vector<16xf32>
          %mul3A_414 = arith.mulf %add3A_411, %mul3A_413 : vector<16xf32>
          %add3A_415 = arith.constant 2 : i32
          %add3A_416 = arith.addi %add3A_333, %add3A_415 : i32
          %swap3A_417 = arith.index_cast %add3A_416 : i32 to index
          %swap3A_418 = arith.constant 0 : index
          %swap3A_419 = tpu.vector_load %arg19[%swap3A_417, %swap3A_418] {strides = array<i32>} : memref<250x16xf32, #tpu.memory_space<vmem>>, vector<1x16xf32>,
          %swap3A_420 = vector.shape_cast %swap3A_419 : vector<1x16xf32> to vector<16xf32>
          %swap3A_421 = vector.shape_cast %mul3A_414 : vector<16xf32> to vector<1x16xf32>
          tpu.vector_store %arg19[%swap3A_417, %swap3A_418], %swap3A_421 {strides = array<i32>} : memref<250x16xf32, #tpu.memory_space<vmem>>, vector<1x16xf32>,
          %add3A_422 = arith.constant 3 : i32
          %add3A_423 = arith.addi %add3A_333, %add3A_422 : i32
          %get3A_424 = arith.index_cast %add3A_423 : i32 to index
          %get3A_425 = arith.constant 0 : index
          %get3A_426 = tpu.vector_load %arg18[%get3A_424, %get3A_425] {strides = array<i32>} : memref<250x16xf32, #tpu.memory_space<vmem>>, vector<1x16xf32>,
          %get3A_427 = vector.shape_cast %get3A_426 : vector<1x16xf32> to vector<16xf32>
          %add3A_428 = arith.constant 3 : i32
          %add3A_429 = arith.addi %add3A_333, %add3A_428 : i32
          %get3A_430 = arith.index_cast %add3A_429 : i32 to index
          %get3A_431 = arith.constant 0 : index
          %get3A_432 = tpu.vector_load %arg20[%get3A_430, %get3A_431] {strides = array<i32>} : memref<250x16xf32, #tpu.memory_space<vmem>>, vector<1x16xf32>,
          %get3A_433 = vector.shape_cast %get3A_432 : vector<1x16xf32> to vector<16xf32>
          %mul3A_434 = arith.mulf %get3A_427, %get3A_433 : vector<16xf32>
          %add3A_435 = arith.constant 3 : i32
          %add3A_436 = arith.addi %add3A_333, %add3A_435 : i32
          %get3A_437 = arith.index_cast %add3A_436 : i32 to index
          %get3A_438 = arith.constant 0 : index
          %get3A_439 = tpu.vector_load %arg19[%get3A_437, %get3A_438] {strides = array<i32>} : memref<250x16xf32, #tpu.memory_space<vmem>>, vector<1x16xf32>,
          %get3A_440 = vector.shape_cast %get3A_439 : vector<1x16xf32> to vector<16xf32>
          %add3A_441 = arith.addf %get3A_440, %mul3A_434 : vector<16xf32>
          %mul3A_442 = arith.constant 2.500000e-01 : f32
          %mul3A_443 = vector.broadcast %mul3A_442 : f32 to vector<16xf32>
          %mul3A_444 = arith.mulf %add3A_441, %mul3A_443 : vector<16xf32>
          %add3A_445 = arith.constant 3 : i32
          %add3A_446 = arith.addi %add3A_333, %add3A_445 : i32
          %swap3A_447 = arith.index_cast %add3A_446 : i32 to index
          %swap3A_448 = arith.constant 0 : index
          %swap3A_449 = tpu.vector_load %arg19[%swap3A_447, %swap3A_448] {strides = array<i32>} : memref<250x16xf32, #tpu.memory_space<vmem>>, vector<1x16xf32>,
          %swap3A_450 = vector.shape_cast %swap3A_449 : vector<1x16xf32> to vector<16xf32>
          %swap3A_451 = vector.shape_cast %mul3A_444 : vector<16xf32> to vector<1x16xf32>
          tpu.vector_store %arg19[%swap3A_447, %swap3A_448], %swap3A_451 {strides = array<i32>} : memref<250x16xf32, #tpu.memory_space<vmem>>, vector<1x16xf32>,
          %add3A_452 = arith.constant 4 : i32
          %add3A_453 = arith.addi %add3A_333, %add3A_452 : i32
          %get3A_454 = arith.index_cast %add3A_453 : i32 to index
          %get3A_455 = arith.constant 0 : index
          %get3A_456 = tpu.vector_load %arg18[%get3A_454, %get3A_455] {strides = array<i32>} : memref<250x16xf32, #tpu.memory_space<vmem>>, vector<1x16xf32>,
          %get3A_457 = vector.shape_cast %get3A_456 : vector<1x16xf32> to vector<16xf32>
          %add3A_458 = arith.constant 4 : i32
          %add3A_459 = arith.addi %add3A_333, %add3A_458 : i32
          %get3A_460 = arith.index_cast %add3A_459 : i32 to index
          %get3A_461 = arith.constant 0 : index
          %get3A_462 = tpu.vector_load %arg20[%get3A_460, %get3A_461] {strides = array<i32>} : memref<250x16xf32, #tpu.memory_space<vmem>>, vector<1x16xf32>,
          %get3A_463 = vector.shape_cast %get3A_462 : vector<1x16xf32> to vector<16xf32>
          %mul3A_464 = arith.mulf %get3A_457, %get3A_463 : vector<16xf32>
          %add3A_465 = arith.constant 4 : i32
          %add3A_466 = arith.addi %add3A_333, %add3A_465 : i32
          %get3A_467 = arith.index_cast %add3A_466 : i32 to index
          %get3A_468 = arith.constant 0 : index
          %get3A_469 = tpu.vector_load %arg19[%get3A_467, %get3A_468] {strides = array<i32>} : memref<250x16xf32, #tpu.memory_space<vmem>>, vector<1x16xf32>,
          %get3A_470 = vector.shape_cast %get3A_469 : vector<1x16xf32> to vector<16xf32>
          %add3A_471 = arith.addf %get3A_470, %mul3A_464 : vector<16xf32>
          %mul3A_472 = arith.constant 2.500000e-01 : f32
          %mul3A_473 = vector.broadcast %mul3A_472 : f32 to vector<16xf32>
          %mul3A_474 = arith.mulf %add3A_471, %mul3A_473 : vector<16xf32>
          %add3A_475 = arith.constant 4 : i32
          %add3A_476 = arith.addi %add3A_333, %add3A_475 : i32
          %swap3A_477 = arith.index_cast %add3A_476 : i32 to index
          %swap3A_478 = arith.constant 0 : index
          %swap3A_479 = tpu.vector_load %arg19[%swap3A_477, %swap3A_478] {strides = array<i32>} : memref<250x16xf32, #tpu.memory_space<vmem>>, vector<1x16xf32>,
          %swap3A_480 = vector.shape_cast %swap3A_479 : vector<1x16xf32> to vector<16xf32>
          %swap3A_481 = vector.shape_cast %mul3A_474 : vector<16xf32> to vector<1x16xf32>
          tpu.vector_store %arg19[%swap3A_477, %swap3A_478], %swap3A_481 {strides = array<i32>} : memref<250x16xf32, #tpu.memory_space<vmem>>, vector<1x16xf32>,
        }
        %scan3A_319 = arith.constant 50 : i32
        %lt3A_320 = arith.constant 25000 : i32
        %lt3A_321 = arith.cmpi slt, %mul3A_296, %lt3A_320 : i32
        %convert_element_type3A_322 = arith.extui %lt3A_321 : i1 to i32
        %cond3A_323 = arith.constant 0 : i32
        %cond3A_324 = arith.cmpi ne, %convert_element_type3A_322, %cond3A_323 : i32
        scf.if %cond3A_324 {
          "tpu.region"() ({
            %run_scoped3A = tpu.sem_alloc : memref<!tpu.dma_semaphore, #tpu.memory_space<semaphore_mem>>
            %dma_start3A_329 = tpu.memref_slice %arg5[%mul3A_296, %mul3A_273] : memref<25000x64xf32, #tpu.memory_space<hbm>> -> memref<250x16xf32, #tpu.memory_space<hbm>>
            %dma_start3A_330 = tpu.memref_slice %arg5[%mul3A_296, %mul3A_273] : memref<25000x64xf32, #tpu.memory_space<hbm>> -> memref<250x16xf32, #tpu.memory_space<hbm>>
            tpu.enqueue_dma source(%arg19 : memref<250x16xf32, #tpu.memory_space<vmem>>) target(%dma_start3A_330 : memref<250x16xf32, #tpu.memory_space<hbm>>) target_semaphore(%run_scoped3A : memref<!tpu.dma_semaphore, #tpu.memory_space<semaphore_mem>>)
            %dma_wait3A_331 = tpu.memref_slice %arg5[%mul3A_296, %mul3A_273] : memref<25000x64xf32, #tpu.memory_space<hbm>> -> memref<250x16xf32, #tpu.memory_space<hbm>>
            %dma_wait3A_332 = tpu.memref_slice %arg5[%mul3A_296, %mul3A_273] : memref<25000x64xf32, #tpu.memory_space<hbm>> -> memref<250x16xf32, #tpu.memory_space<hbm>>
            tpu.wait_dma2 semaphore(%run_scoped3A : memref<!tpu.dma_semaphore, #tpu.memory_space<semaphore_mem>>) src(%arg19 : memref<250x16xf32, #tpu.memory_space<vmem>>) dst(%dma_wait3A_332 : memref<250x16xf32, #tpu.memory_space<hbm>>)
            tpu.yield
          }) : () -> ()
        } else {
        }
        %ge3A = arith.constant 25000 : i32
        %ge3A_325 = arith.cmpi sge, %mul3A_296, %ge3A : i32
        %convert_element_type3A_326 = arith.extui %ge3A_325 : i1 to i32
        %cond3A_327 = arith.constant 0 : i32
        %cond3A_328 = arith.cmpi ne, %convert_element_type3A_326, %cond3A_327 : i32
        scf.if %cond3A_328 {
          %sub3A = arith.constant 25000 : i32
          %sub3A_329 = arith.subi %mul3A_296, %sub3A : i32
          "tpu.region"() ({
            %run_scoped3A = tpu.sem_alloc : memref<!tpu.dma_semaphore, #tpu.memory_space<semaphore_mem>>
            %dma_start3A_330 = tpu.memref_slice %arg6[%sub3A_329, %mul3A_273] : memref<25000x64xf32, #tpu.memory_space<hbm>> -> memref<250x16xf32, #tpu.memory_space<hbm>>
            %dma_start3A_331 = tpu.memref_slice %arg6[%sub3A_329, %mul3A_273] : memref<25000x64xf32, #tpu.memory_space<hbm>> -> memref<250x16xf32, #tpu.memory_space<hbm>>
            tpu.enqueue_dma source(%arg19 : memref<250x16xf32, #tpu.memory_space<vmem>>) target(%dma_start3A_331 : memref<250x16xf32, #tpu.memory_space<hbm>>) target_semaphore(%run_scoped3A : memref<!tpu.dma_semaphore, #tpu.memory_space<semaphore_mem>>)
            %dma_wait3A_332 = tpu.memref_slice %arg6[%sub3A_329, %mul3A_273] : memref<25000x64xf32, #tpu.memory_space<hbm>> -> memref<250x16xf32, #tpu.memory_space<hbm>>
            %dma_wait3A_333 = tpu.memref_slice %arg6[%sub3A_329, %mul3A_273] : memref<25000x64xf32, #tpu.memory_space<hbm>> -> memref<250x16xf32, #tpu.memory_space<hbm>>
            tpu.wait_dma2 semaphore(%run_scoped3A : memref<!tpu.dma_semaphore, #tpu.memory_space<semaphore_mem>>) src(%arg19 : memref<250x16xf32, #tpu.memory_space<vmem>>) dst(%dma_wait3A_333 : memref<250x16xf32, #tpu.memory_space<hbm>>)
            tpu.yield
          }) : () -> ()
        } else {
        }
      } else {
      }
    }
    %scan3A_283 = arith.constant 13 : i32
    %barrier3A_284 = arith.constant 0 : index
    tpu.barrier barrier_id(%barrier3A_284)
    return
  }
}

</mosaic_0001>

<sc_bundles>
// kernel: kernel.3.cloned.1.call-start
scs
__scs_entry_jumppad:
0x0: {  	(pc) =	sbr.rel $0x88, $3  }
0x1: {  	(tag) =	ssettag $0x0;
	lr =	simm.s32 $0x1  }
0x2: {  	[smem:$0x3F9E] =	sst lr;
	_ =	strace $0xD0000000  }
0x3: {  	_ = 	snop  }
0x4: {  	_ = 	snop  }
0x5: {  	_ = 	snop  }
0x6: {  	_ = 	snop  }
0x7: {  	_ = 	snop  }
__scs_overlays_trampoline_lowered:
0x8: {  	[smem:$0x3FAD] =	sst s0  }
0x9: {  	[smem:$0x3FAE] =	sst s1  }
0xa: {  	[smem:$0x3FAF] =	sst s2  }
0xb: {  	[smem:$0x3FB0] =	sst s3  }
0xc: {  	[smem:$0x3FB1] =	sst s4  }
0xd: {  	[smem:$0x3FB2] =	sst s5  }
0xe: {  	[smem:$0x3FB3] =	sst s6  }
0xf: {  	[smem:$0x3FB4] =	sst s7  }
0x10: {  	[smem:$0x3FB5] =	sst s8  }
0x11: {  	[smem:$0x3FB6] =	sst s9;
	s0 =	simm.s32 @!p0 $0x0  }
0x12: {  	s1 =	sld [smem:$0x3F9C];
	s0 =	simm.s32 @p0 $0x1  }
0x13: {  	[smem:$0x3FB7] =	sst s0;
	s0 =	simm.s32 @!p1 $0x0  }
0x14: {  	s2 =	sld [smem:$0x3F9B];
	s0 =	simm.s32 @p1 $0x1  }
0x15: {  	[smem:$0x3FB8] =	sst s0;
	s0 =	simm.s32 @!p2 $0x0  }
0x16: {  	s3 =	sld [smem:$0x3FDB];
	s0 =	simm.s32 @p2 $0x1  }
0x17: {  	s4 =	simm.s32 $0x1BF5;
	[smem:$0x3FBA] =	sst s0  }
0x18: {  	s0 =	sld [smem:$0x3F9D];
	_ =	swait.ge [sflag:s4], $0x0  }
0x19: {  	s7 =	sld [smem:$0x3F9E]  }
0x1a: {  	s8 =	sadd.s32 $0xFFFFE003, lr  }
0x1b: {  	s9 =	sadd.s32 $0xFFFFFEF7, lr;
	s5 =	simm.s32 $0xFFFFFFFF;
	p2 =	slt.u32 s8, $0xFFFFF086  }
0x1c: {  	p1 =	slt.u32 s9, $0xF7A;
	s5 =	simm.s32 @!p2 $0x0  }
0x1d: {  	s5 =	simm.s32 @p1 $0x1;
	p0 =	seq.s32 s7, s2  }
0x1e: {  	s7 =	smul.u32 @!p0 $0xF7A, s2;
	p2 =	seq.s32 @!p0 s5, $0x0  }
0x1f: {  	s9 =	smul.u32 $0xF7A, s1;
	s8 =	simm.s32 @!p0 $0x1BF5;
	p2 =	por !p2, p0  }
0x20: {  	[sflag:s8] =	ssyncset.s32 @!p0 $0xFFFFF086;
	s6 =	sadd.s32 @!p0 s3, s7;
	s7 =	simm.s32 @!p0 $0x108  }
0x21: {  	s3 =	sadd.s32 s3, s9;
	s6 =	sadd.s32 @!p0 $0x88, s6;
	s7 =	simm.s32 @p2 $0x1082  }
0x22: {  	[simem:s7], [sflag:s8] =	dma.local @!p0 [hbm:s6], $0xF7A  }
0x23: {  	s9 =	sor.u32 $0xD0000000, s2;
	s6 =	simm.s32 $0x108;
	_ =	swait.ge @!p0 [sflag:s8], $0x0  }
0x24: {  	s3 =	sadd.s32 $0x88, s3;
	s6 =	simm.s32 @!p1 $0x1082;
	[sflag:s4] =	ssyncset.s32 $0xFFFFF086  }
0x25: {  	[simem:s6], [sflag:s4] =	dma.local [hbm:s3], $0xF7A  }
0x26: {  	[smem:$0x3F9E] =	sst s1;
	(tag) =	ssettag s2;
	_ =	strace s9  }
0x27: {  	s1 =	sld [smem:$0x3FAE]  }
0x28: {  	s2 =	sld [smem:$0x3FAF]  }
0x29: {  	s4 =	sld [smem:$0x3FB1]  }
0x2a: {  	p0 =	seq.s32 s5, $0x0;
	s5 =	sld [smem:$0x3FB2]  }
0x2b: {  	s6 =	sld [smem:$0x3FB3]  }
0x2c: {  	s7 =	sld [smem:$0x3FB4]  }
0x2d: {  	s3 =	simm.s32 $0x108;
	s8 =	sld [smem:$0x3FB5]  }
0x2e: {  	s3 =	simm.s32 @!p0 $0x1082;
	s9 =	sld [smem:$0x3FB6]  }
0x2f: {  	lr =	sadd.s32 s0, s3;
	s0 =	sld [smem:$0x3FAD]  }
0x30: {  	s3 =	sld [smem:$0x3FB0]  }
0x31: {  	[smem:$0x3FB9] =	sst s10  }
0x32: {  	s10 =	sld [smem:$0x3FB7];
	_ =	sdelay $0x3  }
0x33: {  	p0 =	seq.s32 s10, $0x1;
	s10 =	sld [smem:$0x3FB9];
	_ =	sdelay $0x3  }
0x34: {  	[smem:$0x3FB9] =	sst s10  }
0x35: {  	s10 =	sld [smem:$0x3FB8];
	_ =	sdelay $0x3  }
0x36: {  	p1 =	seq.s32 s10, $0x1;
	s10 =	sld [smem:$0x3FB9];
	_ =	sdelay $0x3  }
0x37: {  	[smem:$0x3FB9] =	sst s10  }
0x38: {  	s10 =	sld [smem:$0x3FBA]  }
0x39: {  	_ = 	snop;
	(pc) =	sbr.ind lr, $3  }
0x3a: {  	_ = 	snop  }
0x3b: {  	_ = 	snop  }
0x3c: {  	p2 =	seq.s32 s10, $0x1;
	s10 =	sld [smem:$0x3FB9]  }
0x3d: {  	_ =	shalt  }
0x3e: {  	_ =	shalt  }
0x3f: {  	_ =	shalt  }
0x40: {  	_ =	shalt  }
0x41: {  	_ =	shalt  }
0x42: {  	_ =	shalt  }
0x43: {  	_ =	shalt  }
0x44: {  	_ =	shalt  }
0x45: {  	_ =	shalt  }
0x46: {  	_ =	shalt  }
0x47: {  	_ =	shalt  }
0x48: {  	_ =	shalt  }
0x49: {  	_ =	shalt  }
0x4a: {  	_ =	shalt  }
0x4b: {  	_ =	shalt  }
0x4c: {  	_ =	shalt  }
0x4d: {  	_ =	shalt  }
0x4e: {  	_ =	shalt  }
0x4f: {  	_ =	shalt  }
0x50: {  	_ =	shalt  }
0x51: {  	_ =	shalt  }
0x52: {  	_ =	shalt  }
0x53: {  	_ =	shalt  }
0x54: {  	_ =	shalt  }
0x55: {  	_ =	shalt  }
0x56: {  	_ =	shalt  }
0x57: {  	_ =	shalt  }
0x58: {  	_ =	shalt  }
0x59: {  	_ =	shalt  }
0x5a: {  	_ =	shalt  }
0x5b: {  	_ =	shalt  }
0x5c: {  	_ =	shalt  }
0x5d: {  	_ =	shalt  }
0x5e: {  	_ =	shalt  }
0x5f: {  	_ =	shalt  }
0x60: {  	_ =	shalt  }
0x61: {  	_ =	shalt  }
0x62: {  	_ =	shalt  }
0x63: {  	_ =	shalt  }
0x64: {  	_ =	shalt  }
0x65: {  	_ =	shalt  }
0x66: {  	_ =	shalt  }
0x67: {  	_ =	shalt  }
0x68: {  	_ =	shalt  }
0x69: {  	_ =	shalt  }
0x6a: {  	_ =	shalt  }
0x6b: {  	_ =	shalt  }
0x6c: {  	_ =	shalt  }
0x6d: {  	_ =	shalt  }
0x6e: {  	_ =	shalt  }
0x6f: {  	_ =	shalt  }
0x70: {  	_ =	shalt  }
0x71: {  	_ =	shalt  }
0x72: {  	_ =	shalt  }
0x73: {  	_ =	shalt  }
0x74: {  	_ =	shalt  }
0x75: {  	_ =	shalt  }
0x76: {  	_ =	shalt  }
0x77: {  	_ =	shalt  }
0x78: {  	_ =	shalt  }
0x79: {  	_ =	shalt  }
0x7a: {  	_ =	shalt  }
0x7b: {  	_ =	shalt  }
0x7c: {  	_ =	shalt  }
0x7d: {  	_ =	shalt  }
0x7e: {  	_ =	shalt  }
0x7f: {  	_ =	shalt  }
0x80: {  	_ =	shalt  }
0x81: {  	_ =	shalt  }
0x82: {  	_ =	shalt  }
0x83: {  	_ =	shalt  }
0x84: {  	_ =	shalt  }
0x85: {  	_ =	shalt  }
0x86: {  	_ =	shalt  }
0x87: {  	_ =	shalt  }
.Lfunc_end0:
.L_simem_size_0:
called_computation_lowered:
.L_overlay_start_0:
0x88: {  	s2 =	sld [smem:$0x3FD9]  }
0x89: {  	s3 =	sld [smem:$0x3FFE];
	_ =	sdelay $0x1  }
0x8a: {  	s1 =	srdreg.scid  }
0x8b: {  	s0 =	sand.u32 $0x1, s1  }
0x8c: {  	s14 =	sshll.u32 s0, $0xA;
	s2 =	sadd.s32 s3, s2  }
0x8d: {  	s2 =	sadd.s32 s2, s14  }
0x8e: {  	[smem:$0x3FC5] =	sst s2  }
0x8f: {  	_ = 	snop  }
0x90: {  	s2 =	sld [smem:$0x3FD0];
	_ =	sdelay $0x2  }
0x91: {  	s15 =	simm.s32 $0xA;
	s4 =	simm.s32 $0x10  }
0x92: {  	[smem:s4], [sflag:s15] =	dma.local [hbm:s2], $0x1  }
0x93: {  	_ =	swait.eq [sflag:s15], $0x1  }
0x94: {  	[sflag:s15] =	ssyncset.done $0x0  }
0x95: {  	s16 =	sld [smem:$0x10];
	[sflag:s15] =	ssyncadd.s32 $0xFFFFFFFF  }
0x96: {  	s17 =	sld [smem:$0x11];
	(tm) =	ssettm $0x1  }
0x97: {  	s18 =	sld [smem:$0x3FFB];
	_ =	sdelay $0x3  }
0x98: {  	_ =	strace s18  }
0x99: {  	s4 =	sld [smem:$0x3FFC];
	_ =	sdelay $0x3  }
0x9a: {  	_ =	strace s4  }
0x9b: {  	s4 =	sld [smem:$0x3FFD];
	_ =	sdelay $0x3  }
0x9c: {  	_ =	strace s4  }
0x9d: {  	_ =	strace $0x8FFFFFFF  }
0x9e: {  	s19 =	sld [smem:$0x3FDB];
	_ =	sdelay $0x1  }
0x9f: {  	s5 =	simm.s32 $_scs_section_size  }
0xa0: {  	s6 =	simm.s32 $_size__tile_overlayer_lowered;
	s7 =	simm.s32 $_tile_overlayer_lowered  }
0xa1: {  	s22 =	simm.s32 $0x1BFF;
	s21 =	sshll.u32 s7, $0x1;
	s4 =	sadd.s32 s5, s19  }
0xa2: {  	s8 =	simm.s32 $0x0;
	s20 =	sshll.u32 s6, $0x1;
	s6 =	sadd.s32 s21, s4  }
0xa3: {  	[timem:s8], [sflag:s22] =	dma.local [hbm:s6], s20  }
0xa4: {  	_ =	swait.ge [sflag:s22], s20  }
0xa5: {  	s5 =	ssub.s32 $0x0, s20;
	[sflag:s22] =	ssyncset.done $0x0  }
0xa6: {  	[sflag:s22] =	ssyncadd.s32 s5;
	_ =	sdelay $0x1  }
0xa7: {  	s23 =	simm.s32 $0x1B8B  }
0xa8: {  	_ =	swait.ge [sflag:s23], $0x1  }
0xa9: {  	[sflag:s23] =	ssyncset.done $0x0  }
0xaa: {  	s25 =	simm.s32 $0x1B8E;
	s24 =	sld [smem:$0x3FFE];
	[sflag:s23] =	ssyncadd.s32 $0xFFFFFFFF  }
0xab: {  	s26 =	simm.s32 $execute0_lowered;
	[smem:$0x3FD2] =	sst s25  }
0xac: {  	s6 =	sshll.u32 s26, $0x1;
	_ =	strace $0x80000046;
	[dreg:$0x1] =	wrdreg $0xFFFFFFFF  }
0xad: {  	s28 =	simm.s32 $_size_execute0_lowered;
	s4 =	sadd.s32 s4, s6;
	[dreg:$0x0] =	wrdreg $0x0  }
0xae: {  	s6 =	sshll.u32 s28, $0x1;
	[dreg:$0x2] =	wrdreg s4  }
0xaf: {  	[dreg:$0x3] =	wrdreg s6  }
0xb0: {  	[dreg:$0x4] =	wrdreg $0xC0  }
0xb1: {  	_ =	task [dreg:s8], $0x5FFFF  }
0xb2: {  	[dreg:$0x1] =	wrdreg $0xFFFFFFFF  }
0xb3: {  	[dreg:$0x0] =	wrdreg $0x60  }
0xb4: {  	[dreg:$0x2] =	wrdreg s24  }
0xb5: {  	[dreg:$0x3] =	wrdreg s17  }
0xb6: {  	[dreg:$0x4] =	wrdreg s16  }
0xb7: {  	[dreg:$0x5] =	wrdreg $0xC3500  }
0xb8: {  	[dreg:$0x6] =	wrdreg $0x0  }
0xb9: {  	[dreg:$0x7] =	wrdreg $0x9  }
0xba: {  	_ =	task.clear_ibuf [dreg:s8], $0x8FFFF;
	_ =	strace $0x90000046  }
0xbb: {  	s29 =	simm.s32 $0x9;
	_ =	strace $0x80000048  }
0xbc: {  	_ =	swait.ge [sflag:s29], $0x1  }
0xbd: {  	[sflag:s29] =	ssyncadd.s32 $0xFFFFFFFF  }
0xbe: {  	_ =	strace $0x90000048  }
0xbf: {  	_ =	sfence  }
0xc0: {  	s30 =	sld [smem:$0x0];
	_ =	sdelay $0x2  }
0xc1: {  	s31 =	sshll.u32 s1, $0xD;
	s1 =	sshrl.u32 s1, $0x2  }
0xc2: {  	s3 =	sand.u32 $0x4000, s31;
	s1 =	sadd.s32 s1, s30  }
0xc3: {  	s0 =	sor.u32 s3, s0;
	s1 =	sshll.u32 s1, $0x11  }
0xc4: {  	s0 =	sor.u32 s1, s0  }
0xc5: {  	s0 =	sadd.s32 $0x8F2B, s0  }
0xc6: {  	[sflag:s0] =	ssyncadd.remote.s32 $0x1  }
0xc7: {  	_ =	sfence.sel $0xFFFF  }
0xc8: {  	[dreg:$0x0] =	wrdreg $0xFFFFFFFF;
	(pc) =	sbr.abs _section_cstart, $3  }
0xc9: {  	[dreg:$0x1] =	wrdreg $0xFFFFFFFF  }
0xca: {  	_ =	task.clear_ibuf [dreg:s8], $0x2FFFF;
	_ =	strace $0x9FFFFFFF  }
0xcb: {  	(tm) =	ssettm $0x7FFFFFFF  }
tec
execute0_lowered:
.L_overlay_start_1:
0x0: {  	(tag) =	ssettag $0x1  }
0x1: {  	s0 =	rddreg [dreg:$0x0]  }
0x2: {  	s4 =	rddreg [dreg:$0x3]  }
0x3: {  	s5 =	rddreg [dreg:$0x4];
	s6 =	simm.s32 $0x0;
	s28 =	stileid.u32  }
0x4: {  	s2 =	srdreg.scid;
	s31 =	simm.s32 $0x189A8;
	[smem:$0x7FF] =	sst s6  }
0x5: {  	s1 =	smul.u32 $0x1900, s28;
	s9 =	sadd.s32 $0x1200, s0;
	s3 =	sadd.s32 $0x1BA200, s0  }
0x6: {  	s10 =	sadd.s32 $0x94E00, s0;
	_ =	strace $0x80000047;
	[dreg:$0x7] =	wrdreg s3  }
0x7: {  	s2 =	sand.u32 $0x1, s2;
	s16 =	smul.u32 $0x30D40, s28;
	[dreg:$0x6] =	wrdreg s9  }
0x8: {  	s11 =	sadd.s32 $0xF6A00, s0;
	s17 =	smul.u32 $0xC35, s28;
	[dreg:$0x8] =	wrdreg s10  }
0x9: {  	s7 =	smul.u32 $0xC350, s2;
	s13 =	sshll.u32 s2, $0x5;
	[dreg:$0x9] =	wrdreg s11  }
0xa: {  	s25 =	smul.u32 $0x3E80, s28;
	s14 =	ssub.s32 $0x2, s2;
	[dreg:$0xd] =	wrdreg s13  }
0xb: {  	s1 =	sadd.s32 s1, s0;
	s0 =	sadd.s32 $0x158600, s0;
	[dreg:$0xa] =	wrdreg s7  }
0xc: {  	s12 =	smul.u32 $0x186A0, s2;
	s20 =	sor.u32 $0x10, s13;
	[dreg:$0xb] =	wrdreg s0  }
0xd: {  	s15 =	sshrl.u32 s14, $0x1;
	s18 =	sshrl.u32 s16, $0x2;
	[dreg:$0xf] =	wrdreg s20  }
0xe: {  	s8 =	sor.u32 s13, s16;
	s3 =	sadd.s32 s18, s5;
	[dreg:$0xc] =	wrdreg s12  }
0xf: {  	s0 =	ssub.s32 s14, s15;
	s23 =	sadd.s32 $0xC350, s12;
	[dreg:$0xe] =	wrdreg s3  }
0x10: {  	s19 =	sshrl.u32 s8, $0x3;
	s14 =	sor.u32 $0xFFE79600, s13;
	[dreg:$0x11] =	wrdreg s23  }
0x11: {  	s21 =	sor.u32 s16, s20;
	s15 =	sor.u32 $0xFFE79610, s13;
	[dreg:$0x1a] =	wrdreg s14  }
0x12: {  	s22 =	sadd.s32 s17, s12;
	s3 =	sadd.s32 s9, s19;
	[dreg:$0x1b] =	wrdreg s15  }
0x13: {  	s7 =	sshll.u32 s22, $0x1;
	s0 =	smax.u32 s0, $0x1;
	[dreg:$0x10] =	wrdreg s3  }
0x14: {  	s2 =	sadd.s32 s17, s23;
	s24 =	sadd.s32 s10, s7;
	[dreg:$0x17] =	wrdreg s0  }
0x15: {  	s3 =	sshrl.u32 s21, $0x3;
	s7 =	sadd.s32 s11, s7;
	[dreg:$0x13] =	wrdreg s24  }
0x16: {  	s2 =	sshll.u32 s2, $0x1;
	s3 =	sadd.s32 s9, s3;
	[dreg:$0x14] =	wrdreg s7  }
0x17: {  	s26 =	sor.u32 $0xC0, s28;
	s10 =	sadd.s32 s10, s2;
	[dreg:$0x12] =	wrdreg s3  }
0x18: {  	s2 =	sadd.s32 s11, s2;
	s11 =	sshrl.u32 s25, $0x2;
	[dreg:$0x15] =	wrdreg s10  }
0x19: {  	p0 =	sgt.u32 s26, $0xC7;
	[dreg:$0x16] =	wrdreg s2;
	s2 =	sadd.s32 s11, s4  }
0x1a: {  	s29 =	sadd.s32 $0x62E00, s1;
	s16 =	sadd.s32 $0xFA00, s2;
	[dreg:$0x18] =	wrdreg s2  }
0x1b: {  	s30 =	sadd.s32 $0x7BE00, s1;
	s17 =	sadd.s32 $0x1F400, s2;
	[dreg:$0x1c] =	wrdreg s16  }
0x1c: {  	s8 =	simm.s32 $0x3;
	s18 =	sadd.s32 $0x2EE00, s2;
	[dreg:$0x1d] =	wrdreg s17  }
0x1d: {  	s13 =	simm.s32 $0x188A8;
	s19 =	sadd.s32 $0x3E800, s2;
	[dreg:$0x1e] =	wrdreg s18  }
0x1e: {  	s1 =	simm.s32 $0x5;
	s20 =	sadd.s32 $0x4E200, s2;
	[dreg:$0x1f] =	wrdreg s19  }
0x1f: {  	s14 =	simm.s32 $0x19EA8;
	s21 =	sadd.s32 $0x5DC00, s2;
	[smem:$0x7F7] =	sst s20  }
0x20: {  	s9 =	smul.u32 $0x3E80, s26;
	s22 =	sadd.s32 $0x6D600, s2;
	[smem:$0x7F8] =	sst s21  }
0x21: {  	s7 =	simm.s32 $0x1;
	s23 =	sadd.s32 $0x7D000, s2;
	[smem:$0x7F9] =	sst s22  }
0x22: {  	s10 =	simm.s32 $0x186A8;
	s24 =	sadd.s32 $0x8CA00, s2;
	[smem:$0x7FA] =	sst s23  }
0x23: {  	s12 =	sshrl.u32 s9, $0x2;
	s25 =	sadd.s32 $0x9C400, s2;
	[smem:$0x7FB] =	sst s24  }
0x24: {  	s26 =	sadd.s32 $0xABE00, s2;
	s9 =	simm.s32 $0x2;
	[smem:$0x7FC] =	sst s25  }
0x25: {  	s2 =	simm.s32 $0x4;
	s0 =	sadd.s32 s12, s4;
	[smem:$0x7FD] =	sst s26  }
.Ltmp0:
0x26: {  	s17 =	simm.s32 $0x9;
	s19 =	simm.s32 $0x18AA8;
	(pc) =	sbr.rel .LBB2_1-.Ltmp0, $4  }
0x27: {  	s20 =	simm.s32 $0x100;
	s21 =	simm.s32 $0x18EA8;
	s22 =	simm.s32 $0x18BA8  }
0x28: {  	s23 =	simm.s32 $0x18CA8;
	s24 =	simm.s32 $0x18DA8;
	s26 =	simm.s32 $0x6  }
0x29: {  	s25 =	simm.s32 $0x8;
	s16 =	simm.s32 $0x187A8;
	s18 =	simm.s32 $0x1AEA8  }
0x2a: {  	v0 =	vimm.f32 $0.0e+00;
	v1 =	vimm.f32 $1.000000000e+00;
	s12 =	simm.s32 $0x0;
	[dreg:$0x19] =	wrdreg s0;
	s0 =	simm.s32 $0x7  }
.LBB2_75:
0x2b: {  	s12 =	sld [smem:$0x7F6];
	_ =	sdelay $0x2  }
0x2c: {  	s3 =	rddreg [dreg:$0x17];
	s12 =	sadd.s32 $0x1, s12  }
0x2d: {  	p1 =	sne.s32 s12, s3  }
.Ltmp1:
0x2e: {  	_ = 	snop;
	(pc) =	sbr.rel @!p1 .LBB2_76-.Ltmp1, $2  }
0x2f: {  	_ =	sdelay $0x1  }
0x30: {  	[bflag:$0x0] =	sbarrier.arrive $0xFFFF;
	_ =	sdelay $0x1  }
.LBB2_1:
0x31: {  	s3 =	simm.s32 $0x40;
	s11 =	simm.s32 $0x0  }
.LBB2_2:
0x32: {  	p1 =	sne.s32 s3, $0x3E40;
	[tilespmem:s11+$0x1CE48] =	vst v0;
	s11 =	smov.u32 s3;
	s3 =	sadd.s32 $0x40, s3  }
.Ltmp2:
0x33: {  	(pc) =	sbr.rel @p1 .LBB2_2-.Ltmp2, $2  }
0x34: {  	_ =	sdelay $0x2  }
0x35: {  	s11 =	sshra.s32 s11, $0x2  }
0x36: {  	[smem:$0x7F6] =	sst s12  }
0x37: {  	[tilespmem:s11+$0x1CE48] =	vst v0;
	s3 =	rddreg [dreg:$0x18];
	s11 =	simm.s32 $0x1CE48  }
0x38: {  	[spmem:s3] =	stream.linear.scatter [tilespmem:s11], [sflag:$0x9], $0xFA0, $0x38;
	[tilespmem:$0x1FD28] =	vst v63  }
0x39: {  	_ =	swait.ge [sflag:s17], $0xFA0  }
0x3a: {  	[sflag:s17] =	ssyncset.done $0x0  }
0x3b: {  	s15 =	rddreg [dreg:$0x1c];
	[sflag:s17] =	ssyncadd.s32 $0xFFFFF060  }
0x3c: {  	[spmem:s15] =	stream.linear.scatter [tilespmem:s11], [sflag:$0x9], $0xFA0, $0x38;
	[tilespmem:$0x1FD28] =	vst v63  }
0x3d: {  	_ =	swait.ge [sflag:s17], $0xFA0  }
0x3e: {  	[sflag:s17] =	ssyncset.done $0x0  }
0x3f: {  	s12 =	rddreg [dreg:$0x1d];
	[sflag:s17] =	ssyncadd.s32 $0xFFFFF060  }
0x40: {  	[spmem:s12] =	stream.linear.scatter [tilespmem:s11], [sflag:$0x9], $0xFA0, $0x38;
	[tilespmem:$0x1FD28] =	vst v63  }
0x41: {  	_ =	swait.ge [sflag:s17], $0xFA0  }
0x42: {  	[sflag:s17] =	ssyncset.done $0x0  }
0x43: {  	s15 =	rddreg [dreg:$0x1e];
	[sflag:s17] =	ssyncadd.s32 $0xFFFFF060  }
0x44: {  	[spmem:s15] =	stream.linear.scatter [tilespmem:s11], [sflag:$0x9], $0xFA0, $0x38;
	[tilespmem:$0x1FD28] =	vst v63  }
0x45: {  	_ =	swait.ge [sflag:s17], $0xFA0  }
0x46: {  	[sflag:s17] =	ssyncset.done $0x0  }
0x47: {  	s12 =	rddreg [dreg:$0x1f];
	[sflag:s17] =	ssyncadd.s32 $0xFFFFF060  }
0x48: {  	[spmem:s12] =	stream.linear.scatter [tilespmem:s11], [sflag:$0x9], $0xFA0, $0x38;
	[tilespmem:$0x1FD28] =	vst v63  }
0x49: {  	_ =	swait.ge [sflag:s17], $0xFA0  }
0x4a: {  	s15 =	sld [smem:$0x7F7]  }
0x4b: {  	[sflag:s17] =	ssyncset.done $0x0  }
0x4c: {  	[sflag:s17] =	ssyncadd.s32 $0xFFFFF060  }
0x4d: {  	[spmem:s15] =	stream.linear.scatter [tilespmem:s11], [sflag:$0x9], $0xFA0, $0x38;
	[tilespmem:$0x1FD28] =	vst v63  }
0x4e: {  	_ =	swait.ge [sflag:s17], $0xFA0  }
0x4f: {  	s12 =	sld [smem:$0x7F8]  }
0x50: {  	[sflag:s17] =	ssyncset.done $0x0  }
0x51: {  	[sflag:s17] =	ssyncadd.s32 $0xFFFFF060  }
0x52: {  	[spmem:s12] =	stream.linear.scatter [tilespmem:s11], [sflag:$0x9], $0xFA0, $0x38;
	[tilespmem:$0x1FD28] =	vst v63  }
0x53: {  	_ =	swait.ge [sflag:s17], $0xFA0  }
0x54: {  	s15 =	sld [smem:$0x7F9]  }
0x55: {  	[sflag:s17] =	ssyncset.done $0x0  }
0x56: {  	[sflag:s17] =	ssyncadd.s32 $0xFFFFF060  }
0x57: {  	[spmem:s15] =	stream.linear.scatter [tilespmem:s11], [sflag:$0x9], $0xFA0, $0x38;
	[tilespmem:$0x1FD28] =	vst v63  }
0x58: {  	_ =	swait.ge [sflag:s17], $0xFA0  }
0x59: {  	s12 =	sld [smem:$0x7FA]  }
0x5a: {  	[sflag:s17] =	ssyncset.done $0x0  }
0x5b: {  	[sflag:s17] =	ssyncadd.s32 $0xFFFFF060  }
0x5c: {  	[spmem:s12] =	stream.linear.scatter [tilespmem:s11], [sflag:$0x9], $0xFA0, $0x38;
	[tilespmem:$0x1FD28] =	vst v63  }
0x5d: {  	_ =	swait.ge [sflag:s17], $0xFA0  }
0x5e: {  	s15 =	sld [smem:$0x7FB]  }
0x5f: {  	[sflag:s17] =	ssyncset.done $0x0  }
0x60: {  	[sflag:s17] =	ssyncadd.s32 $0xFFFFF060  }
0x61: {  	[spmem:s15] =	stream.linear.scatter [tilespmem:s11], [sflag:$0x9], $0xFA0, $0x38;
	[tilespmem:$0x1FD28] =	vst v63  }
0x62: {  	_ =	swait.ge [sflag:s17], $0xFA0  }
0x63: {  	s12 =	sld [smem:$0x7FC]  }
0x64: {  	[sflag:s17] =	ssyncset.done $0x0  }
0x65: {  	[sflag:s17] =	ssyncadd.s32 $0xFFFFF060  }
0x66: {  	[spmem:s12] =	stream.linear.scatter [tilespmem:s11], [sflag:$0x9], $0xFA0, $0x38;
	[tilespmem:$0x1FD28] =	vst v63  }
0x67: {  	_ =	swait.ge [sflag:s17], $0xFA0  }
0x68: {  	s15 =	sld [smem:$0x7FD]  }
0x69: {  	[sflag:s17] =	ssyncset.done $0x0  }
0x6a: {  	[sflag:s17] =	ssyncadd.s32 $0xFFFFF060  }
0x6b: {  	[spmem:s15] =	stream.linear.scatter [tilespmem:s11], [sflag:$0x9], $0xFA0, $0x38;
	[tilespmem:$0x1FD28] =	vst v63  }
0x6c: {  	_ =	swait.ge [sflag:s17], $0xFA0  }
0x6d: {  	[sflag:s17] =	ssyncset.done $0x0  }
0x6e: {  	s3 =	simm.s32 @!p0 $0x1CE48;
	s11 =	rddreg [dreg:$0x19];
	[sflag:s17] =	ssyncadd.s32 $0xFFFFF060  }
0x6f: {  	[spmem:s11] =	stream.linear.scatter @!p0 [tilespmem:s3], [sflag:$0x9], $0xFA0, $0x38;
	[tilespmem:$0x1FD28] =	vst v63  }
0x70: {  	s3 =	simm.s32 @!p0 $0x9  }
0x71: {  	_ =	swait.ge @!p0 [sflag:s3], $0xFA0  }
0x72: {  	[sflag:s3] =	ssyncset.done @!p0 $0x0  }
0x73: {  	[sflag:s3] =	ssyncadd.s32 @!p0 $0xFFFFF060  }
0x74: {  	s11 =	simm.s32 $0x0;
	s3 =	simm.s32 $0x40;
	[bflag:$0x0] =	sbarrier.arrive $0xFFFF  }
.LBB2_4:
0x75: {  	p1 =	sne.s32 s3, $0x3FC0;
	[tilespmem:s11+$0x18EA8] =	vst v1;
	s11 =	smov.u32 s3;
	s3 =	sadd.s32 $0x40, s3  }
.Ltmp3:
0x76: {  	(pc) =	sbr.rel @p1 .LBB2_4-.Ltmp3, $2  }
0x77: {  	_ =	sdelay $0x2  }
0x78: {  	s11 =	sshra.s32 s11, $0x2  }
0x79: {  	[tilespmem:s11+$0x18EA8] =	vst v1;
	s3 =	sadd.s32 $0x0, s29  }
0x7a: {  	[tilespmem:s19], [sflag:$0x9] =	stream.linear.gather [hbm4b:s3+s6], $0x400, $0x38;
	[tilespmem:$0x1FD28] =	vst v63  }
0x7b: {  	_ =	swait.ge [sflag:s17], $0x400  }
0x7c: {  	[sflag:s17] =	ssyncset.done $0x0  }
0x7d: {  	[sflag:s17] =	ssyncadd.s32 $0xFFFFFC00  }
0x7e: {  	[spmem:s4] =	stream.indirect.scatter.add.f32 [tilespmem:s21], [sflag:$0x6], $0x10, s19, s20, $0xb8;
	[tilespmem:$0x1FD28] =	vst v63  }
0x7f: {  	_ = 	snop  }
0x80: {  	[spmem:s4] =	stream.indirect.scatter.add.f32 [tilespmem:s21], [sflag:$0x7], $0x10, s22, s20, $0xb8;
	[tilespmem:$0x1FD28] =	vst v63  }
0x81: {  	_ = 	snop  }
0x82: {  	[spmem:s4] =	stream.indirect.scatter.add.f32 [tilespmem:s21], [sflag:$0x8], $0x10, s23, s20, $0xb8;
	[tilespmem:$0x1FD28] =	vst v63  }
0x83: {  	_ = 	snop  }
0x84: {  	[spmem:s4] =	stream.indirect.scatter.add.f32 [tilespmem:s21], [sflag:$0x6], $0x10, s24, s20, $0xb8;
	[tilespmem:$0x1FD28] =	vst v63  }
0x85: {  	_ =	swait.ge [sflag:s26], $0x1000  }
0x86: {  	[sflag:s26] =	ssyncset.done $0x0  }
0x87: {  	[sflag:s26] =	ssyncadd.s32 $0xFFFFF000  }
0x88: {  	_ =	swait.ge [sflag:s0], $0x1000  }
0x89: {  	[sflag:s0] =	ssyncset.done $0x0  }
0x8a: {  	[sflag:s0] =	ssyncadd.s32 $0xFFFFF000  }
0x8b: {  	_ =	swait.ge [sflag:s25], $0x1000  }
0x8c: {  	[sflag:s25] =	ssyncset.done $0x0  }
0x8d: {  	[sflag:s25] =	ssyncadd.s32 $0xFFFFF000  }
0x8e: {  	_ =	swait.ge [sflag:s26], $0x1000  }
0x8f: {  	s11 =	simm.s32 $0x100;
	s3 =	simm.s32 $0x80;
	[sflag:s26] =	ssyncset.done $0x0  }
.LBB2_6:
0x90: {  	s12 =	sadd.s32 s3, s29  }
0x91: {  	[sflag:s26] =	ssyncadd.s32 $0xFFFFF000;
	s3 =	smov.u32 s11;
	s15 =	sadd.s32 $0x80, s11  }
0x92: {  	[tilespmem:s19], [sflag:$0x9] =	stream.linear.gather [hbm4b:s12+s6], $0x400, $0x38;
	[tilespmem:$0x1FD28] =	vst v63  }
0x93: {  	p1 =	sne.s32 s11, $0x1880;
	_ =	swait.ge [sflag:s17], $0x400  }
0x94: {  	[sflag:s17] =	ssyncset.done $0x0  }
0x95: {  	[sflag:s17] =	ssyncadd.s32 $0xFFFFFC00  }
0x96: {  	[spmem:s4] =	stream.indirect.scatter.add.f32 [tilespmem:s21], [sflag:$0x6], $0x10, s19, s20, $0xb8;
	[tilespmem:$0x1FD28] =	vst v63  }
0x97: {  	_ = 	snop  }
0x98: {  	[spmem:s4] =	stream.indirect.scatter.add.f32 [tilespmem:s21], [sflag:$0x7], $0x10, s22, s20, $0xb8;
	[tilespmem:$0x1FD28] =	vst v63  }
0x99: {  	_ = 	snop  }
0x9a: {  	[spmem:s4] =	stream.indirect.scatter.add.f32 [tilespmem:s21], [sflag:$0x8], $0x10, s23, s20, $0xb8;
	[tilespmem:$0x1FD28] =	vst v63  }
0x9b: {  	_ = 	snop  }
0x9c: {  	[spmem:s4] =	stream.indirect.scatter.add.f32 [tilespmem:s21], [sflag:$0x6], $0x10, s24, s20, $0xb8;
	[tilespmem:$0x1FD28] =	vst v63  }
0x9d: {  	_ =	swait.ge [sflag:s26], $0x1000  }
0x9e: {  	[sflag:s26] =	ssyncset.done $0x0  }
0x9f: {  	[sflag:s26] =	ssyncadd.s32 $0xFFFFF000  }
0xa0: {  	_ =	swait.ge [sflag:s0], $0x1000  }
0xa1: {  	[sflag:s0] =	ssyncset.done $0x0  }
0xa2: {  	[sflag:s0] =	ssyncadd.s32 $0xFFFFF000  }
.Ltmp4:
0xa3: {  	_ =	swait.ge [sflag:s25], $0x1000;
	(pc) =	sbr.rel @p1 .LBB2_6-.Ltmp4, $4  }
0xa4: {  	[sflag:s25] =	ssyncset.done $0x0  }
0xa5: {  	[sflag:s25] =	ssyncadd.s32 $0xFFFFF000  }
0xa6: {  	_ =	swait.ge [sflag:s26], $0x1000  }
0xa7: {  	s11 =	smov.u32 s15;
	[sflag:s26] =	ssyncset.done $0x0  }
0xa8: {  	s3 =	sadd.s32 s3, s29;
	[sflag:s26] =	ssyncadd.s32 $0xFFFFF000  }
0xa9: {  	[tilespmem:s19], [sflag:$0x9] =	stream.linear.gather [hbm4b:s3+s6], $0x400, $0x38;
	[tilespmem:$0x1FD28] =	vst v63  }
0xaa: {  	_ =	swait.ge [sflag:s17], $0x400  }
0xab: {  	[sflag:s17] =	ssyncset.done $0x0  }
0xac: {  	[sflag:s17] =	ssyncadd.s32 $0xFFFFFC00  }
0xad: {  	[spmem:s4] =	stream.indirect.scatter.add.f32 [tilespmem:s21], [sflag:$0x6], $0x10, s19, s20, $0xb8;
	[tilespmem:$0x1FD28] =	vst v63  }
0xae: {  	_ = 	snop  }
0xaf: {  	[spmem:s4] =	stream.indirect.scatter.add.f32 [tilespmem:s21], [sflag:$0x7], $0x10, s22, s20, $0xb8;
	[tilespmem:$0x1FD28] =	vst v63  }
0xb0: {  	_ = 	snop  }
0xb1: {  	[spmem:s4] =	stream.indirect.scatter.add.f32 [tilespmem:s21], [sflag:$0x8], $0x10, s23, s20, $0xb8;
	[tilespmem:$0x1FD28] =	vst v63  }
0xb2: {  	_ = 	snop  }
0xb3: {  	[spmem:s4] =	stream.indirect.scatter.add.f32 [tilespmem:s21], [sflag:$0x6], $0x10, s24, s20, $0xb8;
	[tilespmem:$0x1FD28] =	vst v63  }
0xb4: {  	_ =	swait.ge [sflag:s26], $0x1000  }
0xb5: {  	[sflag:s26] =	ssyncset.done $0x0  }
0xb6: {  	[sflag:s26] =	ssyncadd.s32 $0xFFFFF000  }
0xb7: {  	_ =	swait.ge [sflag:s0], $0x1000  }
0xb8: {  	[sflag:s0] =	ssyncset.done $0x0  }
0xb9: {  	[sflag:s0] =	ssyncadd.s32 $0xFFFFF000  }
0xba: {  	_ =	swait.ge [sflag:s25], $0x1000  }
0xbb: {  	[sflag:s25] =	ssyncset.done $0x0  }
0xbc: {  	[sflag:s25] =	ssyncadd.s32 $0xFFFFF000  }
.Ltmp5:
0xbd: {  	_ =	swait.ge [sflag:s26], $0x1000;
	(pc) =	sbr.rel .LBB2_8-.Ltmp5, $4  }
0xbe: {  	[sflag:s26] =	ssyncset.done $0x0  }
0xbf: {  	[sflag:s26] =	ssyncadd.s32 $0xFFFFF000  }
0xc0: {  	[bflag:$0x0] =	sbarrier.arrive $0xFFFF  }
0xc1: {  	s12 =	simm.s32 $0x0  }
.LBB2_12:
0xc2: {  	s12 =	sadd.s32 $0x1, s12  }
0xc3: {  	p1 =	sne.s32 s12, $0xD  }
.Ltmp6:
0xc4: {  	_ = 	snop;
	(pc) =	sbr.rel @!p1 .LBB2_13-.Ltmp6, $1  }
0xc5: {  	_ =	sdelay $0x3  }
.LBB2_8:
0xc6: {  	s3 =	sshll.u32 s12, $0x4  }
0xc7: {  	s3 =	sor.u32 s28, s3  }
0xc8: {  	p1 =	sgt.u32 s3, $0xC7  }
.Ltmp7:
0xc9: {  	_ = 	snop;
	(pc) =	sbr.rel @p1 .LBB2_12-.Ltmp7, $1  }
0xca: {  	_ =	sdelay $0x3  }
0xcb: {  	s15 =	smul.u32 $0x3E80, s3;
	_ =	sdelay $0x1  }
0xcc: {  	[smem:$0x7F5] =	sst s3;
	s3 =	sshra.s32 s15, $0x2  }
0xcd: {  	s11 =	simm.s32 $0x1BEA8;
	s17 =	simm.s32 $0xA;
	s3 =	sadd.s32 s3, s4  }
0xce: {  	[tilespmem:s11], [sflag:$0xA] =	stream.linear.gather [spmem:s3], $0xFA0, $0x38;
	[tilespmem:$0x1FD28] =	vst v63  }
0xcf: {  	_ =	swait.ge [sflag:s17], $0xFA0  }
0xd0: {  	[sflag:s17] =	ssyncset.done $0x0  }
0xd1: {  	s11 =	simm.s32 $0x0;
	[sflag:s17] =	ssyncadd.s32 $0xFFFFF060  }
0xd2: {  	v2 =	vld [tilespmem:s11+$0x1BEE8]  }
0xd3: {  	v3 =	vld [tilespmem:s11+$0x1BEA8]  }
0xd4: {  	v4 =	vld [tilespmem:s11+$0x1BEB8]  }
0xd5: {  	v5 =	vld [tilespmem:s11+$0x1BEC8]  }
0xd6: {  	s15 =	simm.s32 $0x50;
	v6 =	vld [tilespmem:s11+$0x1BED8]  }
0xd7: {  	v7 =	vld [tilespmem:s15+$0x1BEE8]  }
0xd8: {  	v8 =	vld [tilespmem:s15+$0x1BEA8];
	v2 =	vmax.f32 v2, $1.000000000e+00  }
0xd9: {  	v9 =	vld [tilespmem:s15+$0x1BEC8];
	v3 =	vmax.f32 v3, $1.000000000e+00;
	(erf) = vrcp.f32 v2  }
0xda: {  	v2 =	vmax.f32 v4, $1.000000000e+00;
	(erf) = vrcp.f32 v3;
	v3 =	vld [tilespmem:s15+$0x1BEB8]  }
0xdb: {  	v4 =	vmax.f32 v5, $1.000000000e+00;
	(erf) = vrcp.f32 v2  }
0xdc: {  	v10 =	vld [tilespmem:s15+$0x1BED8];
	v2 =	vmax.f32 v6, $1.000000000e+00;
	(erf) = vrcp.f32 v4  }
0xdd: {  	v4 =	vmax.f32 v7, $1.000000000e+00;
	(erf) = vrcp.f32 v2  }
0xde: {  	v6 =	vmax.f32 v8, $1.000000000e+00;
	(erf) = vrcp.f32 v4  }
0xdf: {  	v7 =	vmax.f32 v9, $1.000000000e+00;
	v3 =	vmax.f32 v3, $1.000000000e+00;
	(erf) = vrcp.f32 v6  }
0xe0: {  	s3 =	simm.s32 $0xA0;
	(erf) = vrcp.f32 v3  }
0xe1: {  	v8 =	vmax.f32 v10, $1.000000000e+00;
	v2 =	vld [tilespmem:s3+$0x1BEE8];
	(erf) = vrcp.f32 v7  }
0xe2: {  	v5 =	vld [tilespmem:s3+$0x1BEA8];
	v7 =	vpop (erf);
	(erf) = vrcp.f32 v8  }
0xe3: {  	v4 =	vld [tilespmem:s3+$0x1BEB8]  }
0xe4: {  	v6 =	vld [tilespmem:s3+$0x1BEC8]  }
0xe5: {  	s28 =	simm.s32 $0x3C0;
	v3 =	vld [tilespmem:s3+$0x1BED8];
	[tilespmem:s11+$0x1DE28] =	vst v7;
	v7 =	vpop (erf)  }
.LBB2_10:
0xe6: {  	s17 =	sshra.s32 s28, $0x2;
	p1 =	sne.s32 s28, $0x3D40;
	s28 =	sadd.s32 $0x140, s28;
	v8 =	vmax.f32 v2, $1.000000000e+00;
	[tilespmem:s11+$0x1DDE8] =	vst v7;
	v7 =	vpop (erf)  }
.Ltmp8:
0xe7: {  	v2 =	vld [tilespmem:s17+$0x1BEE8];
	v9 =	vmax.f32 v5, $1.000000000e+00;
	(erf) = vrcp.f32 v8;
	[tilespmem:s11+$0x1DDF8] =	vst v7;
	v7 =	vpop (erf);
	(pc) =	sbr.rel @p1 .LBB2_10-.Ltmp8, $4  }
0xe8: {  	v5 =	vld [tilespmem:s17+$0x1BEA8];
	v10 =	vmax.f32 v4, $1.000000000e+00;
	(erf) = vrcp.f32 v9;
	[tilespmem:s11+$0x1DE08] =	vst v7;
	v7 =	vpop (erf)  }
0xe9: {  	v4 =	vld [tilespmem:s17+$0x1BEB8];
	v9 =	vmax.f32 v6, $1.000000000e+00;
	(erf) = vrcp.f32 v10;
	[tilespmem:s11+$0x1DE18] =	vst v7;
	s11 =	smov.u32 s15;
	s15 =	smov.u32 s3;
	s3 =	smov.u32 s17  }
0xea: {  	v6 =	vld [tilespmem:s3+$0x1BEC8];
	v10 =	vmax.f32 v3, $1.000000000e+00;
	(erf) = vrcp.f32 v9;
	v8 =	vpop (erf)  }
0xeb: {  	v3 =	vld [tilespmem:s3+$0x1BED8];
	(erf) = vrcp.f32 v10;
	[tilespmem:s11+$0x1DE28] =	vst v8;
	v7 =	vpop (erf)  }
0xec: {  	v2 =	vmax.f32 v2, $1.000000000e+00;
	_ =	sdelay $0x2  }
0xed: {  	[tilespmem:s11+$0x1DDE8] =	vst v7;
	(erf) = vrcp.f32 v2;
	v2 =	vpop (erf)  }
0xee: {  	v5 =	vmax.f32 v5, $1.000000000e+00;
	[tilespmem:s11+$0x1DDF8] =	vst v2;
	v2 =	vpop (erf)  }
0xef: {  	v4 =	vmax.f32 v4, $1.000000000e+00;
	(erf) = vrcp.f32 v5;
	[tilespmem:s11+$0x1DE08] =	vst v2;
	v2 =	vpop (erf)  }
0xf0: {  	v63 =	vmax.f32 v6, $1.000000000e+00;
	(erf) = vrcp.f32 v4;
	[tilespmem:s11+$0x1DE18] =	vst v2;
	v2 =	vpop (erf)  }
0xf1: {  	v3 =	vmax.f32 v3, $1.000000000e+00;
	(erf) = vrcp.f32 v63;
	[tilespmem:s15+$0x1DE28] =	vst v2;
	v2 =	vpop (erf)  }
0xf2: {  	(erf) = vrcp.f32 v3;
	[tilespmem:s15+$0x1DDE8] =	vst v2;
	v2 =	vpop (erf)  }
0xf3: {  	[tilespmem:s15+$0x1DDF8] =	vst v2;
	v2 =	vpop (erf)  }
0xf4: {  	[tilespmem:s15+$0x1DE08] =	vst v2;
	v2 =	vpop (erf)  }
0xf5: {  	[tilespmem:s15+$0x1DE18] =	vst v2;
	s15 =	sld [smem:$0x7F5];
	_ =	sdelay $0x1  }
0xf6: {  	v2 =	vpop (erf)  }
0xf7: {  	[tilespmem:s3+$0x1DE28] =	vst v2;
	v2 =	vpop (erf);
	s11 =	smul.u32 $0xFA, s15  }
0xf8: {  	s17 =	rddreg [dreg:$0xa];
	[tilespmem:s3+$0x1DDE8] =	vst v2;
	v2 =	vpop (erf)  }
0xf9: {  	[tilespmem:s3+$0x1DDF8] =	vst v2;
	v2 =	vpop (erf);
	s11 =	sadd.s32 s17, s11  }
0xfa: {  	s15 =	rddreg [dreg:$0x2];
	[tilespmem:s3+$0x1DE08] =	vst v2;
	v2 =	vpop (erf);
	s11 =	sshll.u32 s11, $0x1  }
0xfb: {  	[tilespmem:s3+$0x1DE18] =	vst v2;
	s17 =	simm.s32 $0x1DDE8;
	s3 =	sadd.s32 s15, s11  }
0xfc: {  	[hbm4b:s3+s6] =	stream.linear.scatter [tilespmem:s17], [sflag:$0x9], $0xFA0, $0x38;
	[tilespmem:$0x1FD28] =	vst v63  }
.Ltmp9:
0xfd: {  	_ = 	snop;
	(pc) =	sbr.rel .LBB2_12-.Ltmp9, $4  }
0xfe: {  	s17 =	simm.s32 $0x9  }
0xff: {  	_ =	swait.ge [sflag:s17], $0xFA0  }
0x100: {  	[sflag:s17] =	ssyncset.done $0x0  }
0x101: {  	s28 =	stileid.u32;
	[sflag:s17] =	ssyncadd.s32 $0xFFFFF060  }
.LBB2_13:
0x102: {  	s3 =	simm.s32 $0x40;
	s11 =	simm.s32 $0x0  }
.LBB2_14:
0x103: {  	p1 =	sne.s32 s3, $0x3E40;
	[tilespmem:s11+$0x1CE48] =	vst v0;
	s11 =	smov.u32 s3;
	s3 =	sadd.s32 $0x40, s3  }
.Ltmp10:
0x104: {  	(pc) =	sbr.rel @p1 .LBB2_14-.Ltmp10, $2  }
0x105: {  	_ =	sdelay $0x2  }
0x106: {  	s11 =	sshra.s32 s11, $0x2  }
0x107: {  	[tilespmem:s11+$0x1CE48] =	vst v0;
	s3 =	rddreg [dreg:$0x18];
	s11 =	simm.s32 $0x1CE48  }
0x108: {  	[spmem:s3] =	stream.linear.scatter [tilespmem:s11], [sflag:$0x9], $0xFA0, $0x38;
	[tilespmem:$0x1FD28] =	vst v63  }
0x109: {  	_ =	swait.ge [sflag:s17], $0xFA0  }
0x10a: {  	[sflag:s17] =	ssyncset.done $0x0  }
0x10b: {  	s12 =	rddreg [dreg:$0x1c];
	[sflag:s17] =	ssyncadd.s32 $0xFFFFF060  }
0x10c: {  	[spmem:s12] =	stream.linear.scatter [tilespmem:s11], [sflag:$0x9], $0xFA0, $0x38;
	[tilespmem:$0x1FD28] =	vst v63  }
0x10d: {  	_ =	swait.ge [sflag:s17], $0xFA0  }
0x10e: {  	[sflag:s17] =	ssyncset.done $0x0  }
0x10f: {  	s15 =	rddreg [dreg:$0x1d];
	[sflag:s17] =	ssyncadd.s32 $0xFFFFF060  }
0x110: {  	[spmem:s15] =	stream.linear.scatter [tilespmem:s11], [sflag:$0x9], $0xFA0, $0x38;
	[tilespmem:$0x1FD28] =	vst v63  }
0x111: {  	_ =	swait.ge [sflag:s17], $0xFA0  }
0x112: {  	[sflag:s17] =	ssyncset.done $0x0  }
0x113: {  	s12 =	rddreg [dreg:$0x1e];
	[sflag:s17] =	ssyncadd.s32 $0xFFFFF060  }
0x114: {  	[spmem:s12] =	stream.linear.scatter [tilespmem:s11], [sflag:$0x9], $0xFA0, $0x38;
	[tilespmem:$0x1FD28] =	vst v63  }
0x115: {  	_ =	swait.ge [sflag:s17], $0xFA0  }
0x116: {  	[sflag:s17] =	ssyncset.done $0x0  }
0x117: {  	s15 =	rddreg [dreg:$0x1f];
	[sflag:s17] =	ssyncadd.s32 $0xFFFFF060  }
0x118: {  	[spmem:s15] =	stream.linear.scatter [tilespmem:s11], [sflag:$0x9], $0xFA0, $0x38;
	[tilespmem:$0x1FD28] =	vst v63  }
0x119: {  	_ =	swait.ge [sflag:s17], $0xFA0  }
0x11a: {  	s12 =	sld [smem:$0x7F7]  }
0x11b: {  	[sflag:s17] =	ssyncset.done $0x0  }
0x11c: {  	[sflag:s17] =	ssyncadd.s32 $0xFFFFF060  }
0x11d: {  	[spmem:s12] =	stream.linear.scatter [tilespmem:s11], [sflag:$0x9], $0xFA0, $0x38;
	[tilespmem:$0x1FD28] =	vst v63  }
0x11e: {  	_ =	swait.ge [sflag:s17], $0xFA0  }
0x11f: {  	s15 =	sld [smem:$0x7F8]  }
0x120: {  	[sflag:s17] =	ssyncset.done $0x0  }
0x121: {  	[sflag:s17] =	ssyncadd.s32 $0xFFFFF060  }
0x122: {  	[spmem:s15] =	stream.linear.scatter [tilespmem:s11], [sflag:$0x9], $0xFA0, $0x38;
	[tilespmem:$0x1FD28] =	vst v63  }
0x123: {  	_ =	swait.ge [sflag:s17], $0xFA0  }
0x124: {  	s12 =	sld [smem:$0x7F9]  }
0x125: {  	[sflag:s17] =	ssyncset.done $0x0  }
0x126: {  	[sflag:s17] =	ssyncadd.s32 $0xFFFFF060  }
0x127: {  	[spmem:s12] =	stream.linear.scatter [tilespmem:s11], [sflag:$0x9], $0xFA0, $0x38;
	[tilespmem:$0x1FD28] =	vst v63  }
0x128: {  	_ =	swait.ge [sflag:s17], $0xFA0  }
0x129: {  	s15 =	sld [smem:$0x7FA]  }
0x12a: {  	[sflag:s17] =	ssyncset.done $0x0  }
0x12b: {  	[sflag:s17] =	ssyncadd.s32 $0xFFFFF060  }
0x12c: {  	[spmem:s15] =	stream.linear.scatter [tilespmem:s11], [sflag:$0x9], $0xFA0, $0x38;
	[tilespmem:$0x1FD28] =	vst v63  }
0x12d: {  	_ =	swait.ge [sflag:s17], $0xFA0  }
0x12e: {  	s12 =	sld [smem:$0x7FB]  }
0x12f: {  	[sflag:s17] =	ssyncset.done $0x0  }
0x130: {  	[sflag:s17] =	ssyncadd.s32 $0xFFFFF060  }
0x131: {  	[spmem:s12] =	stream.linear.scatter [tilespmem:s11], [sflag:$0x9], $0xFA0, $0x38;
	[tilespmem:$0x1FD28] =	vst v63  }
0x132: {  	_ =	swait.ge [sflag:s17], $0xFA0  }
0x133: {  	s15 =	sld [smem:$0x7FC]  }
0x134: {  	[sflag:s17] =	ssyncset.done $0x0  }
0x135: {  	[sflag:s17] =	ssyncadd.s32 $0xFFFFF060  }
0x136: {  	[spmem:s15] =	stream.linear.scatter [tilespmem:s11], [sflag:$0x9], $0xFA0, $0x38;
	[tilespmem:$0x1FD28] =	vst v63  }
0x137: {  	_ =	swait.ge [sflag:s17], $0xFA0  }
0x138: {  	s12 =	sld [smem:$0x7FD]  }
0x139: {  	[sflag:s17] =	ssyncset.done $0x0  }
0x13a: {  	[sflag:s17] =	ssyncadd.s32 $0xFFFFF060  }
0x13b: {  	[spmem:s12] =	stream.linear.scatter [tilespmem:s11], [sflag:$0x9], $0xFA0, $0x38;
	[tilespmem:$0x1FD28] =	vst v63  }
0x13c: {  	_ =	swait.ge [sflag:s17], $0xFA0  }
0x13d: {  	[sflag:s17] =	ssyncset.done $0x0  }
0x13e: {  	s3 =	simm.s32 @!p0 $0x1CE48;
	s11 =	rddreg [dreg:$0x19];
	[sflag:s17] =	ssyncadd.s32 $0xFFFFF060  }
0x13f: {  	[spmem:s11] =	stream.linear.scatter @!p0 [tilespmem:s3], [sflag:$0x9], $0xFA0, $0x38;
	[tilespmem:$0x1FD28] =	vst v63  }
0x140: {  	s3 =	simm.s32 @!p0 $0x9  }
0x141: {  	s15 =	sshll.u32 s28, $0x6;
	_ =	swait.ge @!p0 [sflag:s3], $0xFA0  }
0x142: {  	[sflag:s3] =	ssyncset.done @!p0 $0x0;
	[smem:$0x7F3] =	sst s15  }
0x143: {  	s12 =	rddreg [dreg:$0xe];
	[sflag:s3] =	ssyncadd.s32 @!p0 $0xFFFFF060  }
0x144: {  	s3 =	sor.u32 $0x1C09, s15;
	s12 =	sshrl.u32 s12, $0x3;
	s15 =	rddreg [dreg:$0x10]  }
0x145: {  	[smem:$0x7F4] =	sst s12  }
0x146: {  	[spmem:s12@s9], [sflag:s3] =	dma.strided [hbm:s15@s25], $0x186A, s7, $0x2   }
0x147: {  	_ =	swait.ge [sflag:s17], $0x186A  }
0x148: {  	[sflag:s17] =	ssyncset.done $0x0  }
0x149: {  	[sflag:s17] =	ssyncadd.s32 $0xFFFFE796  }
0x14a: {  	s15 =	sadd.s32 $0x0, s30;
	[bflag:$0x0] =	sbarrier.arrive $0xFFFF  }
0x14b: {  	[tilespmem:s10], [sflag:$0x1] =	stream.linear.gather [hbm4b:s15+s6], $0x400, $0x38;
	[tilespmem:$0x1FD28] =	vst v63  }
0x14c: {  	s17 =	sadd.s32 $0x0, s29  }
0x14d: {  	[tilespmem:s19], [sflag:$0x2] =	stream.linear.gather [hbm4b:s17+s6], $0x400, $0x38;
	[tilespmem:$0x1FD28] =	vst v63  }
0x14e: {  	_ =	swait.ge [sflag:s7], $0x400  }
0x14f: {  	[sflag:s7] =	ssyncset.done $0x0  }
0x150: {  	[sflag:s7] =	ssyncadd.s32 $0xFFFFFC00  }
0x151: {  	_ =	swait.ge [sflag:s9], $0x400  }
0x152: {  	[sflag:s9] =	ssyncset.done $0x0  }
0x153: {  	[sflag:s9] =	ssyncadd.s32 $0xFFFFFC00  }
0x154: {  	[tilespmem:s21], [sflag:$0x3] =	stream.indirect.gather [spmem:s5], $0x10, s10, s20, $0xb8;
	[tilespmem:$0x1FD28] =	vst v63  }
0x155: {  	_ = 	snop  }
0x156: {  	[tilespmem:s14], [sflag:$0x4] =	stream.indirect.gather [spmem:s5], $0x10, s16, s20, $0xb8;
	[tilespmem:$0x1FD28] =	vst v63  }
0x157: {  	_ =	swait.ge [sflag:s8], $0x1000  }
0x158: {  	[sflag:s8] =	ssyncset.done $0x0  }
0x159: {  	[sflag:s8] =	ssyncadd.s32 $0xFFFFF000  }
0x15a: {  	[spmem:s4] =	stream.indirect.scatter.add.f32 [tilespmem:s21], [sflag:$0x6], $0x10, s19, s20, $0xb8;
	[tilespmem:$0x1FD28] =	vst v63  }
0x15b: {  	_ = 	snop  }
0x15c: {  	[tilespmem:s18], [sflag:$0x5] =	stream.indirect.gather [spmem:s5], $0x10, s13, s20, $0xb8;
	[tilespmem:$0x1FD28] =	vst v63  }
0x15d: {  	_ =	swait.ge [sflag:s2], $0x1000  }
0x15e: {  	[sflag:s2] =	ssyncset.done $0x0  }
0x15f: {  	[sflag:s2] =	ssyncadd.s32 $0xFFFFF000  }
0x160: {  	[spmem:s4] =	stream.indirect.scatter.add.f32 [tilespmem:s14], [sflag:$0x7], $0x10, s22, s20, $0xb8;
	[tilespmem:$0x1FD28] =	vst v63  }
0x161: {  	_ =	swait.ge [sflag:s26], $0x1000  }
0x162: {  	[sflag:s26] =	ssyncset.done $0x0  }
0x163: {  	[sflag:s26] =	ssyncadd.s32 $0xFFFFF000  }
0x164: {  	[tilespmem:s21], [sflag:$0x3] =	stream.indirect.gather [spmem:s5], $0x10, s31, s20, $0xb8;
	[tilespmem:$0x1FD28] =	vst v63  }
0x165: {  	_ =	swait.ge [sflag:s1], $0x1000  }
0x166: {  	[sflag:s1] =	ssyncset.done $0x0  }
0x167: {  	[sflag:s1] =	ssyncadd.s32 $0xFFFFF000  }
0x168: {  	[spmem:s4] =	stream.indirect.scatter.add.f32 [tilespmem:s18], [sflag:$0x8], $0x10, s23, s20, $0xb8;
	[tilespmem:$0x1FD28] =	vst v63  }
0x169: {  	_ =	swait.ge [sflag:s8], $0x1000  }
0x16a: {  	[sflag:s8] =	ssyncset.done $0x0  }
0x16b: {  	[sflag:s8] =	ssyncadd.s32 $0xFFFFF000  }
0x16c: {  	[spmem:s4] =	stream.indirect.scatter.add.f32 [tilespmem:s21], [sflag:$0x6], $0x10, s24, s20, $0xb8;
	[tilespmem:$0x1FD28] =	vst v63  }
0x16d: {  	_ =	swait.ge [sflag:s0], $0x1000  }
0x16e: {  	[sflag:s0] =	ssyncset.done $0x0  }
0x16f: {  	[sflag:s0] =	ssyncadd.s32 $0xFFFFF000  }
0x170: {  	_ =	swait.ge [sflag:s25], $0x1000  }
0x171: {  	[sflag:s25] =	ssyncset.done $0x0  }
0x172: {  	[sflag:s25] =	ssyncadd.s32 $0xFFFFF000  }
0x173: {  	_ =	swait.ge [sflag:s26], $0x1000  }
0x174: {  	s3 =	simm.s32 $0x80;
	s12 =	simm.s32 $0x100;
	[sflag:s26] =	ssyncset.done $0x0  }
.LBB2_16:
0x175: {  	s15 =	sadd.s32 s3, s30  }
0x176: {  	[sflag:s26] =	ssyncadd.s32 $0xFFFFF000;
	s17 =	smov.u32 s12;
	s11 =	sadd.s32 $0x80, s12  }
0x177: {  	[tilespmem:s10], [sflag:$0x1] =	stream.linear.gather [hbm4b:s15+s6], $0x400, $0x38;
	[tilespmem:$0x1FD28] =	vst v63  }
0x178: {  	p1 =	sne.s32 s12, $0x1880;
	s12 =	sadd.s32 s3, s29;
	s3 =	smov.u32 s17  }
0x179: {  	[tilespmem:s19], [sflag:$0x2] =	stream.linear.gather [hbm4b:s12+s6], $0x400, $0x38;
	[tilespmem:$0x1FD28] =	vst v63  }
0x17a: {  	_ =	swait.ge [sflag:s7], $0x400  }
0x17b: {  	[sflag:s7] =	ssyncset.done $0x0  }
0x17c: {  	[sflag:s7] =	ssyncadd.s32 $0xFFFFFC00  }
0x17d: {  	_ =	swait.ge [sflag:s9], $0x400  }
0x17e: {  	[sflag:s9] =	ssyncset.done $0x0  }
0x17f: {  	[sflag:s9] =	ssyncadd.s32 $0xFFFFFC00  }
0x180: {  	[tilespmem:s21], [sflag:$0x3] =	stream.indirect.gather [spmem:s5], $0x10, s10, s20, $0xb8;
	[tilespmem:$0x1FD28] =	vst v63  }
0x181: {  	_ = 	snop  }
0x182: {  	[tilespmem:s14], [sflag:$0x4] =	stream.indirect.gather [spmem:s5], $0x10, s16, s20, $0xb8;
	[tilespmem:$0x1FD28] =	vst v63  }
0x183: {  	_ =	swait.ge [sflag:s8], $0x1000  }
0x184: {  	[sflag:s8] =	ssyncset.done $0x0  }
0x185: {  	[sflag:s8] =	ssyncadd.s32 $0xFFFFF000  }
0x186: {  	[spmem:s4] =	stream.indirect.scatter.add.f32 [tilespmem:s21], [sflag:$0x6], $0x10, s19, s20, $0xb8;
	[tilespmem:$0x1FD28] =	vst v63  }
0x187: {  	_ = 	snop  }
0x188: {  	[tilespmem:s18], [sflag:$0x5] =	stream.indirect.gather [spmem:s5], $0x10, s13, s20, $0xb8;
	[tilespmem:$0x1FD28] =	vst v63  }
0x189: {  	_ =	swait.ge [sflag:s2], $0x1000  }
0x18a: {  	[sflag:s2] =	ssyncset.done $0x0  }
0x18b: {  	[sflag:s2] =	ssyncadd.s32 $0xFFFFF000  }
0x18c: {  	[spmem:s4] =	stream.indirect.scatter.add.f32 [tilespmem:s14], [sflag:$0x7], $0x10, s22, s20, $0xb8;
	[tilespmem:$0x1FD28] =	vst v63  }
0x18d: {  	_ =	swait.ge [sflag:s26], $0x1000  }
0x18e: {  	[sflag:s26] =	ssyncset.done $0x0  }
0x18f: {  	[sflag:s26] =	ssyncadd.s32 $0xFFFFF000  }
0x190: {  	[tilespmem:s21], [sflag:$0x3] =	stream.indirect.gather [spmem:s5], $0x10, s31, s20, $0xb8;
	[tilespmem:$0x1FD28] =	vst v63  }
0x191: {  	_ =	swait.ge [sflag:s1], $0x1000  }
0x192: {  	[sflag:s1] =	ssyncset.done $0x0  }
0x193: {  	[sflag:s1] =	ssyncadd.s32 $0xFFFFF000  }
0x194: {  	[spmem:s4] =	stream.indirect.scatter.add.f32 [tilespmem:s18], [sflag:$0x8], $0x10, s23, s20, $0xb8;
	[tilespmem:$0x1FD28] =	vst v63  }
0x195: {  	_ =	swait.ge [sflag:s8], $0x1000  }
0x196: {  	[sflag:s8] =	ssyncset.done $0x0  }
0x197: {  	[sflag:s8] =	ssyncadd.s32 $0xFFFFF000  }
0x198: {  	[spmem:s4] =	stream.indirect.scatter.add.f32 [tilespmem:s21], [sflag:$0x6], $0x10, s24, s20, $0xb8;
	[tilespmem:$0x1FD28] =	vst v63  }
0x199: {  	_ =	swait.ge [sflag:s0], $0x1000  }
0x19a: {  	[sflag:s0] =	ssyncset.done $0x0  }
0x19b: {  	[sflag:s0] =	ssyncadd.s32 $0xFFFFF000  }
.Ltmp11:
0x19c: {  	_ =	swait.ge [sflag:s25], $0x1000;
	(pc) =	sbr.rel @p1 .LBB2_16-.Ltmp11, $4  }
0x19d: {  	[sflag:s25] =	ssyncset.done $0x0  }
0x19e: {  	[sflag:s25] =	ssyncadd.s32 $0xFFFFF000  }
0x19f: {  	_ =	swait.ge [sflag:s26], $0x1000  }
0x1a0: {  	s12 =	smov.u32 s11;
	[sflag:s26] =	ssyncset.done $0x0  }
0x1a1: {  	s11 =	sadd.s32 s3, s30;
	[sflag:s26] =	ssyncadd.s32 $0xFFFFF000  }
0x1a2: {  	[tilespmem:s10], [sflag:$0x1] =	stream.linear.gather [hbm4b:s11+s6], $0x400, $0x38;
	[tilespmem:$0x1FD28] =	vst v63  }
0x1a3: {  	s11 =	sadd.s32 s3, s29  }
0x1a4: {  	[tilespmem:s19], [sflag:$0x2] =	stream.linear.gather [hbm4b:s11+s6], $0x400, $0x38;
	[tilespmem:$0x1FD28] =	vst v63  }
0x1a5: {  	_ =	swait.ge [sflag:s7], $0x400  }
0x1a6: {  	[sflag:s7] =	ssyncset.done $0x0  }
0x1a7: {  	[sflag:s7] =	ssyncadd.s32 $0xFFFFFC00  }
0x1a8: {  	_ =	swait.ge [sflag:s9], $0x400  }
0x1a9: {  	[sflag:s9] =	ssyncset.done $0x0  }
0x1aa: {  	[sflag:s9] =	ssyncadd.s32 $0xFFFFFC00  }
0x1ab: {  	[tilespmem:s21], [sflag:$0x3] =	stream.indirect.gather [spmem:s5], $0x10, s10, s20, $0xb8;
	[tilespmem:$0x1FD28] =	vst v63  }
0x1ac: {  	_ = 	snop  }
0x1ad: {  	[tilespmem:s14], [sflag:$0x4] =	stream.indirect.gather [spmem:s5], $0x10, s16, s20, $0xb8;
	[tilespmem:$0x1FD28] =	vst v63  }
0x1ae: {  	_ =	swait.ge [sflag:s8], $0x1000  }
0x1af: {  	[sflag:s8] =	ssyncset.done $0x0  }
0x1b0: {  	[sflag:s8] =	ssyncadd.s32 $0xFFFFF000  }
0x1b1: {  	[spmem:s4] =	stream.indirect.scatter.add.f32 [tilespmem:s21], [sflag:$0x6], $0x10, s19, s20, $0xb8;
	[tilespmem:$0x1FD28] =	vst v63  }
0x1b2: {  	_ = 	snop  }
0x1b3: {  	[tilespmem:s18], [sflag:$0x5] =	stream.indirect.gather [spmem:s5], $0x10, s13, s20, $0xb8;
	[tilespmem:$0x1FD28] =	vst v63  }
0x1b4: {  	_ =	swait.ge [sflag:s2], $0x1000  }
0x1b5: {  	[sflag:s2] =	ssyncset.done $0x0  }
0x1b6: {  	[sflag:s2] =	ssyncadd.s32 $0xFFFFF000  }
0x1b7: {  	[spmem:s4] =	stream.indirect.scatter.add.f32 [tilespmem:s14], [sflag:$0x7], $0x10, s22, s20, $0xb8;
	[tilespmem:$0x1FD28] =	vst v63  }
0x1b8: {  	_ =	swait.ge [sflag:s26], $0x1000  }
0x1b9: {  	[sflag:s26] =	ssyncset.done $0x0  }
0x1ba: {  	[sflag:s26] =	ssyncadd.s32 $0xFFFFF000  }
0x1bb: {  	[tilespmem:s21], [sflag:$0x3] =	stream.indirect.gather [spmem:s5], $0x10, s31, s20, $0xb8;
	[tilespmem:$0x1FD28] =	vst v63  }
0x1bc: {  	_ =	swait.ge [sflag:s1], $0x1000  }
0x1bd: {  	[sflag:s1] =	ssyncset.done $0x0  }
0x1be: {  	[sflag:s1] =	ssyncadd.s32 $0xFFFFF000  }
0x1bf: {  	[spmem:s4] =	stream.indirect.scatter.add.f32 [tilespmem:s18], [sflag:$0x8], $0x10, s23, s20, $0xb8;
	[tilespmem:$0x1FD28] =	vst v63  }
0x1c0: {  	_ =	swait.ge [sflag:s8], $0x1000  }
0x1c1: {  	[sflag:s8] =	ssyncset.done $0x0  }
0x1c2: {  	[sflag:s8] =	ssyncadd.s32 $0xFFFFF000  }
0x1c3: {  	[spmem:s4] =	stream.indirect.scatter.add.f32 [tilespmem:s21], [sflag:$0x6], $0x10, s24, s20, $0xb8;
	[tilespmem:$0x1FD28] =	vst v63  }
0x1c4: {  	_ =	swait.ge [sflag:s0], $0x1000  }
0x1c5: {  	[sflag:s0] =	ssyncset.done $0x0  }
0x1c6: {  	[sflag:s0] =	ssyncadd.s32 $0xFFFFF000  }
0x1c7: {  	_ =	swait.ge [sflag:s25], $0x1000  }
0x1c8: {  	[sflag:s25] =	ssyncset.done $0x0  }
0x1c9: {  	[sflag:s25] =	ssyncadd.s32 $0xFFFFF000  }
0x1ca: {  	_ =	swait.ge [sflag:s26], $0x1000  }
0x1cb: {  	[sflag:s26] =	ssyncset.done $0x0  }
0x1cc: {  	[sflag:s26] =	ssyncadd.s32 $0xFFFFF000  }
0x1cd: {  	[bflag:$0x0] =	sbarrier.arrive $0xFFFF  }
0x1ce: {  	s12 =	sld [smem:$0x7F3];
	_ =	sdelay $0x1  }
0x1cf: {  	s17 =	sld [smem:$0x7F4]  }
0x1d0: {  	s15 =	rddreg [dreg:$0x12];
	s12 =	sor.u32 $0x1C03, s12  }
0x1d1: {  	[smem:$0x7F2] =	sst s12  }
0x1d2: {  	[spmem:s17@s9], [sflag:s12] =	dma.strided [hbm:s15@s25], $0x186A, s7, $0x2   }
0x1d3: {  	s3 =	simm.s32 $0x40;
	s11 =	simm.s32 $0x0;
	s12 =	simm.s32 $0x0  }
.LBB2_18:
0x1d4: {  	p1 =	sne.s32 s3, $0x3E40;
	[tilespmem:s11+$0x1ED88] =	vst v0;
	s11 =	smov.u32 s3;
	s3 =	sadd.s32 $0x40, s3  }
.Ltmp12:
0x1d5: {  	(pc) =	sbr.rel @p1 .LBB2_18-.Ltmp12, $2  }
0x1d6: {  	_ =	sdelay $0x2  }
0x1d7: {  	s11 =	sshra.s32 s11, $0x2  }
.Ltmp13:
0x1d8: {  	(pc) =	sbr.rel .LBB2_20-.Ltmp13, $2  }
0x1d9: {  	_ =	sdelay $0x2  }
0x1da: {  	[tilespmem:s11+$0x1ED88] =	vst v0  }
.LBB2_24:
0x1db: {  	s12 =	sadd.s32 $0x1, s12  }
0x1dc: {  	p1 =	sne.s32 s12, $0xD  }
.Ltmp14:
0x1dd: {  	_ = 	snop;
	(pc) =	sbr.rel @!p1 .LBB2_25-.Ltmp14, $1  }
0x1de: {  	_ =	sdelay $0x3  }
.LBB2_20:
0x1df: {  	s3 =	sshll.u32 s12, $0x4  }
0x1e0: {  	s3 =	sor.u32 s28, s3  }
0x1e1: {  	p1 =	sgt.u32 s3, $0xC7  }
.Ltmp15:
0x1e2: {  	_ = 	snop;
	(pc) =	sbr.rel @p1 .LBB2_24-.Ltmp15, $1  }
0x1e3: {  	_ =	sdelay $0x3  }
0x1e4: {  	s11 =	smul.u32 $0x3E80, s3  }
0x1e5: {  	s15 =	rddreg [dreg:$0xd]  }
0x1e6: {  	s16 =	smul.u32 $0xFA, s3;
	s15 =	sor.u32 s15, s11  }
0x1e7: {  	s28 =	simm.s32 $0x10;
	s17 =	sshrl.u32 s15, $0x3;
	s15 =	rddreg [dreg:$0x6]  }
0x1e8: {  	s3 =	sadd.s32 s15, s17;
	s17 =	simm.s32 $0x1CE48;
	s15 =	simm.s32 $0x40  }
0x1e9: {  	[tilespmem:s17], [sflag:$0x1] =	stream.strided.gather [hbm4b:s3+s28], $0xFA0, s15, s28, $0x38;
	[tilespmem:$0x1FD28] =	vst v63  }
0x1ea: {  	s17 =	rddreg [dreg:$0xa]  }
0x1eb: {  	[smem:$0x7F1] =	sst s16;
	s3 =	sadd.s32 s17, s16  }
0x1ec: {  	s28 =	rddreg [dreg:$0x2];
	s3 =	sshll.u32 s3, $0x1  }
0x1ed: {  	s15 =	simm.s32 $0x0;
	s16 =	simm.s32 $0x1DDE8;
	s3 =	sadd.s32 s28, s3  }
0x1ee: {  	[tilespmem:s16], [sflag:$0x2] =	stream.linear.gather [hbm4b:s3+s15], $0xFA0, $0x38;
	[tilespmem:$0x1FD28] =	vst v63  }
0x1ef: {  	s15 =	sshra.s32 s11, $0x2  }
0x1f0: {  	s17 =	simm.s32 $0x9;
	s16 =	simm.s32 $0x1BEA8;
	s3 =	sadd.s32 s15, s4  }
0x1f1: {  	[tilespmem:s16], [sflag:$0x9] =	stream.linear.gather [spmem:s3], $0xFA0, $0x38;
	[tilespmem:$0x1FD28] =	vst v63  }
0x1f2: {  	_ =	swait.ge [sflag:s17], $0xFA0  }
0x1f3: {  	[sflag:s17] =	ssyncset.done $0x0  }
0x1f4: {  	s28 =	simm.s32 $0x1ED88;
	[sflag:s17] =	ssyncadd.s32 $0xFFFFF060  }
0x1f5: {  	[spmem:s3] =	stream.linear.scatter [tilespmem:s28], [sflag:$0x9], $0xFA0, $0x38;
	[tilespmem:$0x1FD28] =	vst v63  }
0x1f6: {  	_ =	swait.ge [sflag:s17], $0xFA0  }
0x1f7: {  	[sflag:s17] =	ssyncset.done $0x0  }
0x1f8: {  	[sflag:s17] =	ssyncadd.s32 $0xFFFFF060  }
0x1f9: {  	_ =	swait.ge [sflag:s7], $0xFA0  }
0x1fa: {  	[sflag:s7] =	ssyncset.done $0x0  }
0x1fb: {  	[sflag:s7] =	ssyncadd.s32 $0xFFFFF060  }
0x1fc: {  	_ =	swait.ge [sflag:s9], $0xFA0  }
0x1fd: {  	[sflag:s9] =	ssyncset.done $0x0  }
0x1fe: {  	s3 =	simm.s32 $0x0;
	[sflag:s9] =	ssyncadd.s32 $0xFFFFF060  }
0x1ff: {  	v6 =	vld [tilespmem:s3+$0x1DDE8]  }
0x200: {  	v5 =	vld [tilespmem:s3+$0x1DDF8]  }
0x201: {  	v4 =	vld [tilespmem:s3+$0x1DE08]  }
0x202: {  	v2 =	vld [tilespmem:s3+$0x1DE18]  }
0x203: {  	v7 =	vld [tilespmem:s3+$0x1BEA8]  }
0x204: {  	v3 =	vld [tilespmem:s3+$0x1DE28]  }
0x205: {  	v11 =	vld [tilespmem:s3+$0x1CE48]  }
0x206: {  	v10 =	vld [tilespmem:s3+$0x1BEB8]  }
0x207: {  	v9 =	vld [tilespmem:s3+$0x1BEC8]  }
0x208: {  	v8 =	vld [tilespmem:s3+$0x1CE58];
	v6 =	vmul.f32 v6, v7  }
0x209: {  	v7 =	vld [tilespmem:s3+$0x1CE68]  }
0x20a: {  	s11 =	simm.s32 $0x140;
	[tilespmem:s3+$0x1BEA8] =	vst v6;
	v11 =	vadd.f32 v6, v11;
	v6 =	vld [tilespmem:s3+$0x1BED8]  }
.LBB2_22:
0x20b: {  	p1 =	sne.s32 s11, $0x3D40;
	v5 =	vmul.f32 v5, v10;
	v10 =	vld [tilespmem:s3+$0x1BEE8]  }
0x20c: {  	[tilespmem:s3+$0x1CE48] =	vst v11;
	v4 =	vmul.f32 v4, v9;
	v9 =	vld [tilespmem:s3+$0x1CE78]  }
0x20d: {  	s17 =	sshra.s32 s11, $0x2;
	v8 =	vadd.f32 v5, v8;
	[tilespmem:s3+$0x1BEB8] =	vst v5;
	v11 =	vld [tilespmem:s3+$0x1CE88]  }
0x20e: {  	v12 =	vld [tilespmem:s17+$0x1DDE8];
	v7 =	vadd.f32 v4, v7;
	[tilespmem:s3+$0x1BEC8] =	vst v4  }
0x20f: {  	v5 =	vld [tilespmem:s17+$0x1DDF8];
	[tilespmem:s3+$0x1CE58] =	vst v8;
	v6 =	vmul.f32 v2, v6  }
0x210: {  	v4 =	vld [tilespmem:s17+$0x1DE08];
	[tilespmem:s3+$0x1CE68] =	vst v7;
	v3 =	vmul.f32 v3, v10  }
0x211: {  	v2 =	vld [tilespmem:s17+$0x1DE18];
	v7 =	vadd.f32 v6, v9;
	[tilespmem:s3+$0x1BED8] =	vst v6  }
0x212: {  	v6 =	vld [tilespmem:s17+$0x1BEA8];
	v8 =	vadd.f32 v3, v11;
	[tilespmem:s3+$0x1BEE8] =	vst v3  }
0x213: {  	v3 =	vld [tilespmem:s17+$0x1DE28];
	[tilespmem:s3+$0x1CE78] =	vst v7  }
0x214: {  	v11 =	vld [tilespmem:s17+$0x1CE48];
	[tilespmem:s3+$0x1CE88] =	vst v8;
	s3 =	smov.u32 s17  }
.Ltmp16:
0x215: {  	v10 =	vld [tilespmem:s3+$0x1BEB8];
	(pc) =	sbr.rel @p1 .LBB2_22-.Ltmp16, $4  }
0x216: {  	v9 =	vld [tilespmem:s3+$0x1BEC8]  }
0x217: {  	v6 =	vmul.f32 v12, v6;
	v8 =	vld [tilespmem:s3+$0x1CE58]  }
0x218: {  	v7 =	vld [tilespmem:s3+$0x1CE68]  }
0x219: {  	s11 =	sadd.s32 $0x140, s11;
	v11 =	vadd.f32 v6, v11;
	[tilespmem:s3+$0x1BEA8] =	vst v6;
	v6 =	vld [tilespmem:s3+$0x1BED8]  }
0x21a: {  	v12 =	vld [tilespmem:s3+$0x1BEE8];
	v5 =	vmul.f32 v5, v10  }
0x21b: {  	v61 =	vld [tilespmem:s3+$0x1CE78];
	[tilespmem:s3+$0x1CE48] =	vst v11;
	v4 =	vmul.f32 v4, v9  }
0x21c: {  	v62 =	vld [tilespmem:s3+$0x1CE88];
	[tilespmem:s3+$0x1BEB8] =	vst v5;
	v5 =	vadd.f32 v5, v8  }
0x21d: {  	v7 =	vadd.f32 v4, v7;
	[tilespmem:s3+$0x1BEC8] =	vst v4  }
0x21e: {  	s15 =	sld [smem:$0x7F1];
	[tilespmem:s3+$0x1CE58] =	vst v5;
	v2 =	vmul.f32 v2, v6  }
0x21f: {  	[tilespmem:s3+$0x1CE68] =	vst v7;
	v3 =	vmul.f32 v3, v12  }
0x220: {  	s11 =	rddreg [dreg:$0xc];
	v63 =	vadd.f32 v2, v61;
	[tilespmem:s3+$0x1BED8] =	vst v2  }
0x221: {  	s11 =	sadd.s32 s11, s15;
	v2 =	vadd.f32 v3, v62;
	[tilespmem:s3+$0x1BEE8] =	vst v3  }
0x222: {  	s16 =	rddreg [dreg:$0x8];
	s11 =	sshll.u32 s11, $0x1;
	[tilespmem:s3+$0x1CE78] =	vst v63  }
0x223: {  	s17 =	simm.s32 $0x1BEA8;
	[tilespmem:s3+$0x1CE88] =	vst v2;
	s3 =	sadd.s32 s16, s11;
	s16 =	rddreg [dreg:$0xb]  }
0x224: {  	[hbm4b:s3+s6] =	stream.linear.scatter [tilespmem:s17], [sflag:$0x7], $0xFA0, $0x38;
	[tilespmem:$0x1FD28] =	vst v63  }
0x225: {  	s3 =	sadd.s32 s16, s11;
	s17 =	simm.s32 $0x1CE48  }
0x226: {  	[hbm4b:s3+s6] =	stream.linear.scatter [tilespmem:s17], [sflag:$0x8], $0xFA0, $0x38;
	[tilespmem:$0x1FD28] =	vst v63  }
0x227: {  	_ =	swait.ge [sflag:s0], $0xFA0  }
.Ltmp17:
0x228: {  	[sflag:s0] =	ssyncset.done $0x0;
	(pc) =	sbr.rel .LBB2_24-.Ltmp17, $4  }
0x229: {  	[sflag:s0] =	ssyncadd.s32 $0xFFFFF060  }
0x22a: {  	_ =	swait.ge [sflag:s25], $0xFA0  }
0x22b: {  	[sflag:s25] =	ssyncset.done $0x0  }
0x22c: {  	s28 =	stileid.u32;
	s16 =	simm.s32 $0x187A8;
	[sflag:s25] =	ssyncadd.s32 $0xFFFFF060  }
.LBB2_25:
0x22d: {  	_ =	swait.ge [sflag:s8], $0x186A  }
0x22e: {  	[sflag:s8] =	ssyncset.done $0x0  }
0x22f: {  	[sflag:s8] =	ssyncadd.s32 $0xFFFFE796  }
0x230: {  	s3 =	sadd.s32 $0x0, s30;
	[bflag:$0x0] =	sbarrier.arrive $0xFFFF  }
0x231: {  	[tilespmem:s10], [sflag:$0x1] =	stream.linear.gather [hbm4b:s3+s6], $0x400, $0x38;
	[tilespmem:$0x1FD28] =	vst v63  }
0x232: {  	s17 =	sadd.s32 $0x0, s29  }
0x233: {  	[tilespmem:s19], [sflag:$0x2] =	stream.linear.gather [hbm4b:s17+s6], $0x400, $0x38;
	[tilespmem:$0x1FD28] =	vst v63  }
0x234: {  	_ =	swait.ge [sflag:s7], $0x400  }
0x235: {  	[sflag:s7] =	ssyncset.done $0x0  }
0x236: {  	[sflag:s7] =	ssyncadd.s32 $0xFFFFFC00  }
0x237: {  	_ =	swait.ge [sflag:s9], $0x400  }
0x238: {  	[sflag:s9] =	ssyncset.done $0x0  }
0x239: {  	[sflag:s9] =	ssyncadd.s32 $0xFFFFFC00  }
0x23a: {  	[tilespmem:s21], [sflag:$0x3] =	stream.indirect.gather [spmem:s5], $0x10, s10, s20, $0xb8;
	[tilespmem:$0x1FD28] =	vst v63  }
0x23b: {  	_ = 	snop  }
0x23c: {  	[tilespmem:s14], [sflag:$0x4] =	stream.indirect.gather [spmem:s5], $0x10, s16, s20, $0xb8;
	[tilespmem:$0x1FD28] =	vst v63  }
0x23d: {  	_ =	swait.ge [sflag:s8], $0x1000  }
0x23e: {  	[sflag:s8] =	ssyncset.done $0x0  }
0x23f: {  	[sflag:s8] =	ssyncadd.s32 $0xFFFFF000  }
0x240: {  	[spmem:s4] =	stream.indirect.scatter.add.f32 [tilespmem:s21], [sflag:$0x6], $0x10, s19, s20, $0xb8;
	[tilespmem:$0x1FD28] =	vst v63  }
0x241: {  	_ = 	snop  }
0x242: {  	[tilespmem:s18], [sflag:$0x5] =	stream.indirect.gather [spmem:s5], $0x10, s13, s20, $0xb8;
	[tilespmem:$0x1FD28] =	vst v63  }
0x243: {  	_ =	swait.ge [sflag:s2], $0x1000  }
0x244: {  	[sflag:s2] =	ssyncset.done $0x0  }
0x245: {  	[sflag:s2] =	ssyncadd.s32 $0xFFFFF000  }
0x246: {  	[spmem:s4] =	stream.indirect.scatter.add.f32 [tilespmem:s14], [sflag:$0x7], $0x10, s22, s20, $0xb8;
	[tilespmem:$0x1FD28] =	vst v63  }
0x247: {  	_ =	swait.ge [sflag:s26], $0x1000  }
0x248: {  	[sflag:s26] =	ssyncset.done $0x0  }
0x249: {  	[sflag:s26] =	ssyncadd.s32 $0xFFFFF000  }
0x24a: {  	[tilespmem:s21], [sflag:$0x3] =	stream.indirect.gather [spmem:s5], $0x10, s31, s20, $0xb8;
	[tilespmem:$0x1FD28] =	vst v63  }
0x24b: {  	_ =	swait.ge [sflag:s1], $0x1000  }
0x24c: {  	[sflag:s1] =	ssyncset.done $0x0  }
0x24d: {  	[sflag:s1] =	ssyncadd.s32 $0xFFFFF000  }
0x24e: {  	[spmem:s4] =	stream.indirect.scatter.add.f32 [tilespmem:s18], [sflag:$0x8], $0x10, s23, s20, $0xb8;
	[tilespmem:$0x1FD28] =	vst v63  }
0x24f: {  	_ =	swait.ge [sflag:s8], $0x1000  }
0x250: {  	[sflag:s8] =	ssyncset.done $0x0  }
0x251: {  	[sflag:s8] =	ssyncadd.s32 $0xFFFFF000  }
0x252: {  	[spmem:s4] =	stream.indirect.scatter.add.f32 [tilespmem:s21], [sflag:$0x6], $0x10, s24, s20, $0xb8;
	[tilespmem:$0x1FD28] =	vst v63  }
0x253: {  	_ =	swait.ge [sflag:s0], $0x1000  }
0x254: {  	[sflag:s0] =	ssyncset.done $0x0  }
0x255: {  	[sflag:s0] =	ssyncadd.s32 $0xFFFFF000  }
0x256: {  	_ =	swait.ge [sflag:s25], $0x1000  }
0x257: {  	[sflag:s25] =	ssyncset.done $0x0  }
0x258: {  	[sflag:s25] =	ssyncadd.s32 $0xFFFFF000  }
0x259: {  	_ =	swait.ge [sflag:s26], $0x1000  }
0x25a: {  	s12 =	simm.s32 $0x100;
	s3 =	simm.s32 $0x80;
	[sflag:s26] =	ssyncset.done $0x0  }
.LBB2_26:
0x25b: {  	s15 =	sadd.s32 s3, s30  }
0x25c: {  	[sflag:s26] =	ssyncadd.s32 $0xFFFFF000;
	s17 =	smov.u32 s12;
	s11 =	sadd.s32 $0x80, s12  }
0x25d: {  	[tilespmem:s10], [sflag:$0x1] =	stream.linear.gather [hbm4b:s15+s6], $0x400, $0x38;
	[tilespmem:$0x1FD28] =	vst v63  }
0x25e: {  	p1 =	sne.s32 s12, $0x1880;
	s12 =	sadd.s32 s3, s29;
	s3 =	smov.u32 s17  }
0x25f: {  	[tilespmem:s19], [sflag:$0x2] =	stream.linear.gather [hbm4b:s12+s6], $0x400, $0x38;
	[tilespmem:$0x1FD28] =	vst v63  }
0x260: {  	_ =	swait.ge [sflag:s7], $0x400  }
0x261: {  	[sflag:s7] =	ssyncset.done $0x0  }
0x262: {  	[sflag:s7] =	ssyncadd.s32 $0xFFFFFC00  }
0x263: {  	_ =	swait.ge [sflag:s9], $0x400  }
0x264: {  	[sflag:s9] =	ssyncset.done $0x0  }
0x265: {  	[sflag:s9] =	ssyncadd.s32 $0xFFFFFC00  }
0x266: {  	[tilespmem:s21], [sflag:$0x3] =	stream.indirect.gather [spmem:s5], $0x10, s10, s20, $0xb8;
	[tilespmem:$0x1FD28] =	vst v63  }
0x267: {  	_ = 	snop  }
0x268: {  	[tilespmem:s14], [sflag:$0x4] =	stream.indirect.gather [spmem:s5], $0x10, s16, s20, $0xb8;
	[tilespmem:$0x1FD28] =	vst v63  }
0x269: {  	_ =	swait.ge [sflag:s8], $0x1000  }
0x26a: {  	[sflag:s8] =	ssyncset.done $0x0  }
0x26b: {  	[sflag:s8] =	ssyncadd.s32 $0xFFFFF000  }
0x26c: {  	[spmem:s4] =	stream.indirect.scatter.add.f32 [tilespmem:s21], [sflag:$0x6], $0x10, s19, s20, $0xb8;
	[tilespmem:$0x1FD28] =	vst v63  }
0x26d: {  	_ = 	snop  }
0x26e: {  	[tilespmem:s18], [sflag:$0x5] =	stream.indirect.gather [spmem:s5], $0x10, s13, s20, $0xb8;
	[tilespmem:$0x1FD28] =	vst v63  }
0x26f: {  	_ =	swait.ge [sflag:s2], $0x1000  }
0x270: {  	[sflag:s2] =	ssyncset.done $0x0  }
0x271: {  	[sflag:s2] =	ssyncadd.s32 $0xFFFFF000  }
0x272: {  	[spmem:s4] =	stream.indirect.scatter.add.f32 [tilespmem:s14], [sflag:$0x7], $0x10, s22, s20, $0xb8;
	[tilespmem:$0x1FD28] =	vst v63  }
0x273: {  	_ =	swait.ge [sflag:s26], $0x1000  }
0x274: {  	[sflag:s26] =	ssyncset.done $0x0  }
0x275: {  	[sflag:s26] =	ssyncadd.s32 $0xFFFFF000  }
0x276: {  	[tilespmem:s21], [sflag:$0x3] =	stream.indirect.gather [spmem:s5], $0x10, s31, s20, $0xb8;
	[tilespmem:$0x1FD28] =	vst v63  }
0x277: {  	_ =	swait.ge [sflag:s1], $0x1000  }
0x278: {  	[sflag:s1] =	ssyncset.done $0x0  }
0x279: {  	[sflag:s1] =	ssyncadd.s32 $0xFFFFF000  }
0x27a: {  	[spmem:s4] =	stream.indirect.scatter.add.f32 [tilespmem:s18], [sflag:$0x8], $0x10, s23, s20, $0xb8;
	[tilespmem:$0x1FD28] =	vst v63  }
0x27b: {  	_ =	swait.ge [sflag:s8], $0x1000  }
0x27c: {  	[sflag:s8] =	ssyncset.done $0x0  }
0x27d: {  	[sflag:s8] =	ssyncadd.s32 $0xFFFFF000  }
0x27e: {  	[spmem:s4] =	stream.indirect.scatter.add.f32 [tilespmem:s21], [sflag:$0x6], $0x10, s24, s20, $0xb8;
	[tilespmem:$0x1FD28] =	vst v63  }
0x27f: {  	_ =	swait.ge [sflag:s0], $0x1000  }
0x280: {  	[sflag:s0] =	ssyncset.done $0x0  }
0x281: {  	[sflag:s0] =	ssyncadd.s32 $0xFFFFF000  }
.Ltmp18:
0x282: {  	_ =	swait.ge [sflag:s25], $0x1000;
	(pc) =	sbr.rel @p1 .LBB2_26-.Ltmp18, $4  }
0x283: {  	[sflag:s25] =	ssyncset.done $0x0  }
0x284: {  	[sflag:s25] =	ssyncadd.s32 $0xFFFFF000  }
0x285: {  	_ =	swait.ge [sflag:s26], $0x1000  }
0x286: {  	s12 =	smov.u32 s11;
	[sflag:s26] =	ssyncset.done $0x0  }
0x287: {  	s11 =	sadd.s32 s3, s30;
	[sflag:s26] =	ssyncadd.s32 $0xFFFFF000  }
0x288: {  	[tilespmem:s10], [sflag:$0x1] =	stream.linear.gather [hbm4b:s11+s6], $0x400, $0x38;
	[tilespmem:$0x1FD28] =	vst v63  }
0x289: {  	s12 =	sadd.s32 s3, s29  }
0x28a: {  	[tilespmem:s19], [sflag:$0x2] =	stream.linear.gather [hbm4b:s12+s6], $0x400, $0x38;
	[tilespmem:$0x1FD28] =	vst v63  }
0x28b: {  	_ =	swait.ge [sflag:s7], $0x400  }
0x28c: {  	[sflag:s7] =	ssyncset.done $0x0  }
0x28d: {  	[sflag:s7] =	ssyncadd.s32 $0xFFFFFC00  }
0x28e: {  	_ =	swait.ge [sflag:s9], $0x400  }
0x28f: {  	[sflag:s9] =	ssyncset.done $0x0  }
0x290: {  	[sflag:s9] =	ssyncadd.s32 $0xFFFFFC00  }
0x291: {  	[tilespmem:s21], [sflag:$0x3] =	stream.indirect.gather [spmem:s5], $0x10, s10, s20, $0xb8;
	[tilespmem:$0x1FD28] =	vst v63  }
0x292: {  	_ = 	snop  }
0x293: {  	[tilespmem:s14], [sflag:$0x4] =	stream.indirect.gather [spmem:s5], $0x10, s16, s20, $0xb8;
	[tilespmem:$0x1FD28] =	vst v63  }
0x294: {  	_ =	swait.ge [sflag:s8], $0x1000  }
0x295: {  	[sflag:s8] =	ssyncset.done $0x0  }
0x296: {  	[sflag:s8] =	ssyncadd.s32 $0xFFFFF000  }
0x297: {  	[spmem:s4] =	stream.indirect.scatter.add.f32 [tilespmem:s21], [sflag:$0x6], $0x10, s19, s20, $0xb8;
	[tilespmem:$0x1FD28] =	vst v63  }
0x298: {  	_ = 	snop  }
0x299: {  	[tilespmem:s18], [sflag:$0x5] =	stream.indirect.gather [spmem:s5], $0x10, s13, s20, $0xb8;
	[tilespmem:$0x1FD28] =	vst v63  }
0x29a: {  	_ =	swait.ge [sflag:s2], $0x1000  }
0x29b: {  	[sflag:s2] =	ssyncset.done $0x0  }
0x29c: {  	[sflag:s2] =	ssyncadd.s32 $0xFFFFF000  }
0x29d: {  	[spmem:s4] =	stream.indirect.scatter.add.f32 [tilespmem:s14], [sflag:$0x7], $0x10, s22, s20, $0xb8;
	[tilespmem:$0x1FD28] =	vst v63  }
0x29e: {  	_ =	swait.ge [sflag:s26], $0x1000  }
0x29f: {  	[sflag:s26] =	ssyncset.done $0x0  }
0x2a0: {  	[sflag:s26] =	ssyncadd.s32 $0xFFFFF000  }
0x2a1: {  	[tilespmem:s21], [sflag:$0x3] =	stream.indirect.gather [spmem:s5], $0x10, s31, s20, $0xb8;
	[tilespmem:$0x1FD28] =	vst v63  }
0x2a2: {  	_ =	swait.ge [sflag:s1], $0x1000  }
0x2a3: {  	[sflag:s1] =	ssyncset.done $0x0  }
0x2a4: {  	[sflag:s1] =	ssyncadd.s32 $0xFFFFF000  }
0x2a5: {  	[spmem:s4] =	stream.indirect.scatter.add.f32 [tilespmem:s18], [sflag:$0x8], $0x10, s23, s20, $0xb8;
	[tilespmem:$0x1FD28] =	vst v63  }
0x2a6: {  	_ =	swait.ge [sflag:s8], $0x1000  }
0x2a7: {  	[sflag:s8] =	ssyncset.done $0x0  }
0x2a8: {  	[sflag:s8] =	ssyncadd.s32 $0xFFFFF000  }
0x2a9: {  	[spmem:s4] =	stream.indirect.scatter.add.f32 [tilespmem:s21], [sflag:$0x6], $0x10, s24, s20, $0xb8;
	[tilespmem:$0x1FD28] =	vst v63  }
0x2aa: {  	_ =	swait.ge [sflag:s0], $0x1000  }
0x2ab: {  	[sflag:s0] =	ssyncset.done $0x0  }
0x2ac: {  	[sflag:s0] =	ssyncadd.s32 $0xFFFFF000  }
0x2ad: {  	_ =	swait.ge [sflag:s25], $0x1000  }
0x2ae: {  	[sflag:s25] =	ssyncset.done $0x0  }
0x2af: {  	[sflag:s25] =	ssyncadd.s32 $0xFFFFF000  }
0x2b0: {  	_ =	swait.ge [sflag:s26], $0x1000  }
0x2b1: {  	[sflag:s26] =	ssyncset.done $0x0  }
0x2b2: {  	[sflag:s26] =	ssyncadd.s32 $0xFFFFF000  }
0x2b3: {  	[bflag:$0x0] =	sbarrier.arrive $0xFFFF  }
0x2b4: {  	s17 =	sld [smem:$0x7F4]  }
0x2b5: {  	s12 =	sld [smem:$0x7F2];
	_ =	sdelay $0x1  }
0x2b6: {  	s15 =	rddreg [dreg:$0x13]  }
0x2b7: {  	[spmem:s17], [sflag:s12] =	dma.local [hbm:s15], $0x186A  }
0x2b8: {  	s3 =	simm.s32 $0x40;
	s11 =	simm.s32 $0x0;
	s12 =	simm.s32 $0x0  }
.LBB2_28:
0x2b9: {  	p1 =	sne.s32 s3, $0x3E40;
	[tilespmem:s11+$0x1ED88] =	vst v0;
	s11 =	smov.u32 s3;
	s3 =	sadd.s32 $0x40, s3  }
.Ltmp19:
0x2ba: {  	(pc) =	sbr.rel @p1 .LBB2_28-.Ltmp19, $2  }
0x2bb: {  	_ =	sdelay $0x2  }
0x2bc: {  	s11 =	sshra.s32 s11, $0x2  }
.Ltmp20:
0x2bd: {  	(pc) =	sbr.rel .LBB2_30-.Ltmp20, $2  }
0x2be: {  	_ =	sdelay $0x2  }
0x2bf: {  	[tilespmem:s11+$0x1ED88] =	vst v0  }
.LBB2_34:
0x2c0: {  	s12 =	sadd.s32 $0x1, s12  }
0x2c1: {  	p1 =	sne.s32 s12, $0xD  }
.Ltmp21:
0x2c2: {  	_ = 	snop;
	(pc) =	sbr.rel @!p1 .LBB2_35-.Ltmp21, $1  }
0x2c3: {  	_ =	sdelay $0x3  }
.LBB2_30:
0x2c4: {  	s3 =	sshll.u32 s12, $0x4  }
0x2c5: {  	s3 =	sor.u32 s28, s3  }
0x2c6: {  	p1 =	sgt.u32 s3, $0xC7  }
.Ltmp22:
0x2c7: {  	_ = 	snop;
	(pc) =	sbr.rel @p1 .LBB2_34-.Ltmp22, $1  }
0x2c8: {  	_ =	sdelay $0x3  }
0x2c9: {  	s11 =	smul.u32 $0x3E80, s3  }
0x2ca: {  	s15 =	rddreg [dreg:$0xf]  }
0x2cb: {  	s13 =	smul.u32 $0xFA, s3;
	s15 =	sor.u32 s15, s11  }
0x2cc: {  	s28 =	simm.s32 $0x10;
	s17 =	sshrl.u32 s15, $0x3;
	s15 =	rddreg [dreg:$0x6]  }
0x2cd: {  	s3 =	sadd.s32 s15, s17;
	s17 =	simm.s32 $0x1CE48;
	s15 =	simm.s32 $0x40  }
0x2ce: {  	[tilespmem:s17], [sflag:$0x1] =	stream.strided.gather [hbm4b:s3+s28], $0xFA0, s15, s28, $0x38;
	[tilespmem:$0x1FD28] =	vst v63  }
0x2cf: {  	s17 =	rddreg [dreg:$0xa]  }
0x2d0: {  	[smem:$0x7F0] =	sst s13;
	s3 =	sadd.s32 s17, s13  }
0x2d1: {  	s28 =	rddreg [dreg:$0x2];
	s3 =	sshll.u32 s3, $0x1  }
0x2d2: {  	s15 =	simm.s32 $0x1DDE8;
	s13 =	simm.s32 $0x0;
	s3 =	sadd.s32 s28, s3  }
0x2d3: {  	[tilespmem:s15], [sflag:$0x2] =	stream.linear.gather [hbm4b:s3+s13], $0xFA0, $0x38;
	[tilespmem:$0x1FD28] =	vst v63  }
0x2d4: {  	s13 =	sshra.s32 s11, $0x2  }
0x2d5: {  	s17 =	simm.s32 $0x9;
	s15 =	simm.s32 $0x1BEA8;
	s3 =	sadd.s32 s13, s4  }
0x2d6: {  	[tilespmem:s15], [sflag:$0x9] =	stream.linear.gather [spmem:s3], $0xFA0, $0x38;
	[tilespmem:$0x1FD28] =	vst v63  }
0x2d7: {  	_ =	swait.ge [sflag:s17], $0xFA0  }
0x2d8: {  	[sflag:s17] =	ssyncset.done $0x0  }
0x2d9: {  	s28 =	simm.s32 $0x1ED88;
	[sflag:s17] =	ssyncadd.s32 $0xFFFFF060  }
0x2da: {  	[spmem:s3] =	stream.linear.scatter [tilespmem:s28], [sflag:$0x9], $0xFA0, $0x38;
	[tilespmem:$0x1FD28] =	vst v63  }
0x2db: {  	_ =	swait.ge [sflag:s17], $0xFA0  }
0x2dc: {  	[sflag:s17] =	ssyncset.done $0x0  }
0x2dd: {  	[sflag:s17] =	ssyncadd.s32 $0xFFFFF060  }
0x2de: {  	_ =	swait.ge [sflag:s7], $0xFA0  }
0x2df: {  	[sflag:s7] =	ssyncset.done $0x0  }
0x2e0: {  	[sflag:s7] =	ssyncadd.s32 $0xFFFFF060  }
0x2e1: {  	_ =	swait.ge [sflag:s9], $0xFA0  }
0x2e2: {  	[sflag:s9] =	ssyncset.done $0x0  }
0x2e3: {  	s3 =	simm.s32 $0x0;
	[sflag:s9] =	ssyncadd.s32 $0xFFFFF060  }
0x2e4: {  	v6 =	vld [tilespmem:s3+$0x1DDE8]  }
0x2e5: {  	v5 =	vld [tilespmem:s3+$0x1DDF8]  }
0x2e6: {  	v4 =	vld [tilespmem:s3+$0x1DE08]  }
0x2e7: {  	v2 =	vld [tilespmem:s3+$0x1DE18]  }
0x2e8: {  	v7 =	vld [tilespmem:s3+$0x1BEA8]  }
0x2e9: {  	v3 =	vld [tilespmem:s3+$0x1DE28]  }
0x2ea: {  	v11 =	vld [tilespmem:s3+$0x1CE48]  }
0x2eb: {  	v10 =	vld [tilespmem:s3+$0x1BEB8]  }
0x2ec: {  	v9 =	vld [tilespmem:s3+$0x1BEC8]  }
0x2ed: {  	v8 =	vld [tilespmem:s3+$0x1CE58];
	v6 =	vmul.f32 v6, v7  }
0x2ee: {  	v7 =	vld [tilespmem:s3+$0x1CE68]  }
0x2ef: {  	s11 =	simm.s32 $0x140;
	[tilespmem:s3+$0x1BEA8] =	vst v6;
	v11 =	vadd.f32 v6, v11;
	v6 =	vld [tilespmem:s3+$0x1BED8]  }
.LBB2_32:
0x2f0: {  	p1 =	sne.s32 s11, $0x3D40;
	v5 =	vmul.f32 v5, v10;
	v10 =	vld [tilespmem:s3+$0x1BEE8]  }
0x2f1: {  	[tilespmem:s3+$0x1CE48] =	vst v11;
	v4 =	vmul.f32 v4, v9;
	v9 =	vld [tilespmem:s3+$0x1CE78]  }
0x2f2: {  	s17 =	sshra.s32 s11, $0x2;
	v8 =	vadd.f32 v5, v8;
	[tilespmem:s3+$0x1BEB8] =	vst v5;
	v11 =	vld [tilespmem:s3+$0x1CE88]  }
0x2f3: {  	v12 =	vld [tilespmem:s17+$0x1DDE8];
	v7 =	vadd.f32 v4, v7;
	[tilespmem:s3+$0x1BEC8] =	vst v4  }
0x2f4: {  	v5 =	vld [tilespmem:s17+$0x1DDF8];
	[tilespmem:s3+$0x1CE58] =	vst v8;
	v6 =	vmul.f32 v2, v6  }
0x2f5: {  	v4 =	vld [tilespmem:s17+$0x1DE08];
	[tilespmem:s3+$0x1CE68] =	vst v7;
	v3 =	vmul.f32 v3, v10  }
0x2f6: {  	v2 =	vld [tilespmem:s17+$0x1DE18];
	v7 =	vadd.f32 v6, v9;
	[tilespmem:s3+$0x1BED8] =	vst v6  }
0x2f7: {  	v6 =	vld [tilespmem:s17+$0x1BEA8];
	v8 =	vadd.f32 v3, v11;
	[tilespmem:s3+$0x1BEE8] =	vst v3  }
0x2f8: {  	v3 =	vld [tilespmem:s17+$0x1DE28];
	[tilespmem:s3+$0x1CE78] =	vst v7  }
0x2f9: {  	v11 =	vld [tilespmem:s17+$0x1CE48];
	[tilespmem:s3+$0x1CE88] =	vst v8;
	s3 =	smov.u32 s17  }
.Ltmp23:
0x2fa: {  	v10 =	vld [tilespmem:s3+$0x1BEB8];
	(pc) =	sbr.rel @p1 .LBB2_32-.Ltmp23, $4  }
0x2fb: {  	v9 =	vld [tilespmem:s3+$0x1BEC8]  }
0x2fc: {  	v6 =	vmul.f32 v12, v6;
	v8 =	vld [tilespmem:s3+$0x1CE58]  }
0x2fd: {  	v7 =	vld [tilespmem:s3+$0x1CE68]  }
0x2fe: {  	s11 =	sadd.s32 $0x140, s11;
	v11 =	vadd.f32 v6, v11;
	[tilespmem:s3+$0x1BEA8] =	vst v6;
	v6 =	vld [tilespmem:s3+$0x1BED8]  }
0x2ff: {  	v12 =	vld [tilespmem:s3+$0x1BEE8];
	v5 =	vmul.f32 v5, v10  }
0x300: {  	v61 =	vld [tilespmem:s3+$0x1CE78];
	[tilespmem:s3+$0x1CE48] =	vst v11;
	v4 =	vmul.f32 v4, v9  }
0x301: {  	v62 =	vld [tilespmem:s3+$0x1CE88];
	[tilespmem:s3+$0x1BEB8] =	vst v5;
	v5 =	vadd.f32 v5, v8  }
0x302: {  	v7 =	vadd.f32 v4, v7;
	[tilespmem:s3+$0x1BEC8] =	vst v4  }
0x303: {  	s15 =	sld [smem:$0x7F0];
	[tilespmem:s3+$0x1CE58] =	vst v5;
	v2 =	vmul.f32 v2, v6  }
0x304: {  	[tilespmem:s3+$0x1CE68] =	vst v7;
	v3 =	vmul.f32 v3, v12  }
0x305: {  	s11 =	rddreg [dreg:$0x11];
	v63 =	vadd.f32 v2, v61;
	[tilespmem:s3+$0x1BED8] =	vst v2  }
0x306: {  	s11 =	sadd.s32 s11, s15;
	v2 =	vadd.f32 v3, v62;
	[tilespmem:s3+$0x1BEE8] =	vst v3  }
0x307: {  	s17 =	rddreg [dreg:$0x8];
	s11 =	sshll.u32 s11, $0x1;
	[tilespmem:s3+$0x1CE78] =	vst v63  }
0x308: {  	s13 =	simm.s32 $0x1BEA8;
	s15 =	rddreg [dreg:$0xb];
	[tilespmem:s3+$0x1CE88] =	vst v2;
	s3 =	sadd.s32 s17, s11  }
0x309: {  	[hbm4b:s3+s6] =	stream.linear.scatter [tilespmem:s13], [sflag:$0x7], $0xFA0, $0x38;
	[tilespmem:$0x1FD28] =	vst v63  }
0x30a: {  	s17 =	simm.s32 $0x1CE48;
	s3 =	sadd.s32 s15, s11  }
0x30b: {  	[hbm4b:s3+s6] =	stream.linear.scatter [tilespmem:s17], [sflag:$0x8], $0xFA0, $0x38;
	[tilespmem:$0x1FD28] =	vst v63  }
0x30c: {  	_ =	swait.ge [sflag:s0], $0xFA0  }
.Ltmp24:
0x30d: {  	[sflag:s0] =	ssyncset.done $0x0;
	(pc) =	sbr.rel .LBB2_34-.Ltmp24, $4  }
0x30e: {  	[sflag:s0] =	ssyncadd.s32 $0xFFFFF060  }
0x30f: {  	_ =	swait.ge [sflag:s25], $0xFA0  }
0x310: {  	[sflag:s25] =	ssyncset.done $0x0  }
0x311: {  	s28 =	stileid.u32;
	s13 =	simm.s32 $0x188A8;
	[sflag:s25] =	ssyncadd.s32 $0xFFFFF060  }
.LBB2_35:
0x312: {  	_ =	swait.ge [sflag:s8], $0x186A  }
0x313: {  	[sflag:s8] =	ssyncset.done $0x0  }
0x314: {  	[sflag:s8] =	ssyncadd.s32 $0xFFFFE796  }
0x315: {  	s3 =	sadd.s32 $0x0, s30;
	[bflag:$0x0] =	sbarrier.arrive $0xFFFF  }
0x316: {  	[tilespmem:s10], [sflag:$0x1] =	stream.linear.gather [hbm4b:s3+s6], $0x400, $0x38;
	[tilespmem:$0x1FD28] =	vst v63  }
0x317: {  	s17 =	sadd.s32 $0x0, s29  }
0x318: {  	[tilespmem:s19], [sflag:$0x2] =	stream.linear.gather [hbm4b:s17+s6], $0x400, $0x38;
	[tilespmem:$0x1FD28] =	vst v63  }
0x319: {  	_ =	swait.ge [sflag:s7], $0x400  }
0x31a: {  	[sflag:s7] =	ssyncset.done $0x0  }
0x31b: {  	[sflag:s7] =	ssyncadd.s32 $0xFFFFFC00  }
0x31c: {  	_ =	swait.ge [sflag:s9], $0x400  }
0x31d: {  	[sflag:s9] =	ssyncset.done $0x0  }
0x31e: {  	[sflag:s9] =	ssyncadd.s32 $0xFFFFFC00  }
0x31f: {  	[tilespmem:s21], [sflag:$0x3] =	stream.indirect.gather [spmem:s5], $0x10, s10, s20, $0xb8;
	[tilespmem:$0x1FD28] =	vst v63  }
0x320: {  	_ = 	snop  }
0x321: {  	[tilespmem:s14], [sflag:$0x4] =	stream.indirect.gather [spmem:s5], $0x10, s16, s20, $0xb8;
	[tilespmem:$0x1FD28] =	vst v63  }
0x322: {  	_ =	swait.ge [sflag:s8], $0x1000  }
0x323: {  	[sflag:s8] =	ssyncset.done $0x0  }
0x324: {  	[sflag:s8] =	ssyncadd.s32 $0xFFFFF000  }
0x325: {  	[spmem:s4] =	stream.indirect.scatter.add.f32 [tilespmem:s21], [sflag:$0x6], $0x10, s19, s20, $0xb8;
	[tilespmem:$0x1FD28] =	vst v63  }
0x326: {  	_ = 	snop  }
0x327: {  	[tilespmem:s18], [sflag:$0x5] =	stream.indirect.gather [spmem:s5], $0x10, s13, s20, $0xb8;
	[tilespmem:$0x1FD28] =	vst v63  }
0x328: {  	_ =	swait.ge [sflag:s2], $0x1000  }
0x329: {  	[sflag:s2] =	ssyncset.done $0x0  }
0x32a: {  	[sflag:s2] =	ssyncadd.s32 $0xFFFFF000  }
0x32b: {  	[spmem:s4] =	stream.indirect.scatter.add.f32 [tilespmem:s14], [sflag:$0x7], $0x10, s22, s20, $0xb8;
	[tilespmem:$0x1FD28] =	vst v63  }
0x32c: {  	_ =	swait.ge [sflag:s26], $0x1000  }
0x32d: {  	[sflag:s26] =	ssyncset.done $0x0  }
0x32e: {  	[sflag:s26] =	ssyncadd.s32 $0xFFFFF000  }
0x32f: {  	[tilespmem:s21], [sflag:$0x3] =	stream.indirect.gather [spmem:s5], $0x10, s31, s20, $0xb8;
	[tilespmem:$0x1FD28] =	vst v63  }
0x330: {  	_ =	swait.ge [sflag:s1], $0x1000  }
0x331: {  	[sflag:s1] =	ssyncset.done $0x0  }
0x332: {  	[sflag:s1] =	ssyncadd.s32 $0xFFFFF000  }
0x333: {  	[spmem:s4] =	stream.indirect.scatter.add.f32 [tilespmem:s18], [sflag:$0x8], $0x10, s23, s20, $0xb8;
	[tilespmem:$0x1FD28] =	vst v63  }
0x334: {  	_ =	swait.ge [sflag:s8], $0x1000  }
0x335: {  	[sflag:s8] =	ssyncset.done $0x0  }
0x336: {  	[sflag:s8] =	ssyncadd.s32 $0xFFFFF000  }
0x337: {  	[spmem:s4] =	stream.indirect.scatter.add.f32 [tilespmem:s21], [sflag:$0x6], $0x10, s24, s20, $0xb8;
	[tilespmem:$0x1FD28] =	vst v63  }
0x338: {  	_ =	swait.ge [sflag:s0], $0x1000  }
0x339: {  	[sflag:s0] =	ssyncset.done $0x0  }
0x33a: {  	[sflag:s0] =	ssyncadd.s32 $0xFFFFF000  }
0x33b: {  	_ =	swait.ge [sflag:s25], $0x1000  }
0x33c: {  	[sflag:s25] =	ssyncset.done $0x0  }
0x33d: {  	[sflag:s25] =	ssyncadd.s32 $0xFFFFF000  }
0x33e: {  	_ =	swait.ge [sflag:s26], $0x1000  }
0x33f: {  	s12 =	simm.s32 $0x100;
	s3 =	simm.s32 $0x80;
	[sflag:s26] =	ssyncset.done $0x0  }
.LBB2_36:
0x340: {  	s15 =	sadd.s32 s3, s30  }
0x341: {  	[sflag:s26] =	ssyncadd.s32 $0xFFFFF000;
	s17 =	smov.u32 s12;
	s11 =	sadd.s32 $0x80, s12  }
0x342: {  	[tilespmem:s10], [sflag:$0x1] =	stream.linear.gather [hbm4b:s15+s6], $0x400, $0x38;
	[tilespmem:$0x1FD28] =	vst v63  }
0x343: {  	p1 =	sne.s32 s12, $0x1880;
	s12 =	sadd.s32 s3, s29;
	s3 =	smov.u32 s17  }
0x344: {  	[tilespmem:s19], [sflag:$0x2] =	stream.linear.gather [hbm4b:s12+s6], $0x400, $0x38;
	[tilespmem:$0x1FD28] =	vst v63  }
0x345: {  	_ =	swait.ge [sflag:s7], $0x400  }
0x346: {  	[sflag:s7] =	ssyncset.done $0x0  }
0x347: {  	[sflag:s7] =	ssyncadd.s32 $0xFFFFFC00  }
0x348: {  	_ =	swait.ge [sflag:s9], $0x400  }
0x349: {  	[sflag:s9] =	ssyncset.done $0x0  }
0x34a: {  	[sflag:s9] =	ssyncadd.s32 $0xFFFFFC00  }
0x34b: {  	[tilespmem:s21], [sflag:$0x3] =	stream.indirect.gather [spmem:s5], $0x10, s10, s20, $0xb8;
	[tilespmem:$0x1FD28] =	vst v63  }
0x34c: {  	_ = 	snop  }
0x34d: {  	[tilespmem:s14], [sflag:$0x4] =	stream.indirect.gather [spmem:s5], $0x10, s16, s20, $0xb8;
	[tilespmem:$0x1FD28] =	vst v63  }
0x34e: {  	_ =	swait.ge [sflag:s8], $0x1000  }
0x34f: {  	[sflag:s8] =	ssyncset.done $0x0  }
0x350: {  	[sflag:s8] =	ssyncadd.s32 $0xFFFFF000  }
0x351: {  	[spmem:s4] =	stream.indirect.scatter.add.f32 [tilespmem:s21], [sflag:$0x6], $0x10, s19, s20, $0xb8;
	[tilespmem:$0x1FD28] =	vst v63  }
0x352: {  	_ = 	snop  }
0x353: {  	[tilespmem:s18], [sflag:$0x5] =	stream.indirect.gather [spmem:s5], $0x10, s13, s20, $0xb8;
	[tilespmem:$0x1FD28] =	vst v63  }
0x354: {  	_ =	swait.ge [sflag:s2], $0x1000  }
0x355: {  	[sflag:s2] =	ssyncset.done $0x0  }
0x356: {  	[sflag:s2] =	ssyncadd.s32 $0xFFFFF000  }
0x357: {  	[spmem:s4] =	stream.indirect.scatter.add.f32 [tilespmem:s14], [sflag:$0x7], $0x10, s22, s20, $0xb8;
	[tilespmem:$0x1FD28] =	vst v63  }
0x358: {  	_ =	swait.ge [sflag:s26], $0x1000  }
0x359: {  	[sflag:s26] =	ssyncset.done $0x0  }
0x35a: {  	[sflag:s26] =	ssyncadd.s32 $0xFFFFF000  }
0x35b: {  	[tilespmem:s21], [sflag:$0x3] =	stream.indirect.gather [spmem:s5], $0x10, s31, s20, $0xb8;
	[tilespmem:$0x1FD28] =	vst v63  }
0x35c: {  	_ =	swait.ge [sflag:s1], $0x1000  }
0x35d: {  	[sflag:s1] =	ssyncset.done $0x0  }
0x35e: {  	[sflag:s1] =	ssyncadd.s32 $0xFFFFF000  }
0x35f: {  	[spmem:s4] =	stream.indirect.scatter.add.f32 [tilespmem:s18], [sflag:$0x8], $0x10, s23, s20, $0xb8;
	[tilespmem:$0x1FD28] =	vst v63  }
0x360: {  	_ =	swait.ge [sflag:s8], $0x1000  }
0x361: {  	[sflag:s8] =	ssyncset.done $0x0  }
0x362: {  	[sflag:s8] =	ssyncadd.s32 $0xFFFFF000  }
0x363: {  	[spmem:s4] =	stream.indirect.scatter.add.f32 [tilespmem:s21], [sflag:$0x6], $0x10, s24, s20, $0xb8;
	[tilespmem:$0x1FD28] =	vst v63  }
0x364: {  	_ =	swait.ge [sflag:s0], $0x1000  }
0x365: {  	[sflag:s0] =	ssyncset.done $0x0  }
0x366: {  	[sflag:s0] =	ssyncadd.s32 $0xFFFFF000  }
.Ltmp25:
0x367: {  	_ =	swait.ge [sflag:s25], $0x1000;
	(pc) =	sbr.rel @p1 .LBB2_36-.Ltmp25, $4  }
0x368: {  	[sflag:s25] =	ssyncset.done $0x0  }
0x369: {  	[sflag:s25] =	ssyncadd.s32 $0xFFFFF000  }
0x36a: {  	_ =	swait.ge [sflag:s26], $0x1000  }
0x36b: {  	s12 =	smov.u32 s11;
	[sflag:s26] =	ssyncset.done $0x0  }
0x36c: {  	s11 =	sadd.s32 s3, s30;
	[sflag:s26] =	ssyncadd.s32 $0xFFFFF000  }
0x36d: {  	[tilespmem:s10], [sflag:$0x1] =	stream.linear.gather [hbm4b:s11+s6], $0x400, $0x38;
	[tilespmem:$0x1FD28] =	vst v63  }
0x36e: {  	s12 =	sadd.s32 s3, s29  }
0x36f: {  	[tilespmem:s19], [sflag:$0x2] =	stream.linear.gather [hbm4b:s12+s6], $0x400, $0x38;
	[tilespmem:$0x1FD28] =	vst v63  }
0x370: {  	_ =	swait.ge [sflag:s7], $0x400  }
0x371: {  	[sflag:s7] =	ssyncset.done $0x0  }
0x372: {  	[sflag:s7] =	ssyncadd.s32 $0xFFFFFC00  }
0x373: {  	_ =	swait.ge [sflag:s9], $0x400  }
0x374: {  	[sflag:s9] =	ssyncset.done $0x0  }
0x375: {  	[sflag:s9] =	ssyncadd.s32 $0xFFFFFC00  }
0x376: {  	[tilespmem:s21], [sflag:$0x3] =	stream.indirect.gather [spmem:s5], $0x10, s10, s20, $0xb8;
	[tilespmem:$0x1FD28] =	vst v63  }
0x377: {  	_ = 	snop  }
0x378: {  	[tilespmem:s14], [sflag:$0x4] =	stream.indirect.gather [spmem:s5], $0x10, s16, s20, $0xb8;
	[tilespmem:$0x1FD28] =	vst v63  }
0x379: {  	_ =	swait.ge [sflag:s8], $0x1000  }
0x37a: {  	[sflag:s8] =	ssyncset.done $0x0  }
0x37b: {  	[sflag:s8] =	ssyncadd.s32 $0xFFFFF000  }
0x37c: {  	[spmem:s4] =	stream.indirect.scatter.add.f32 [tilespmem:s21], [sflag:$0x6], $0x10, s19, s20, $0xb8;
	[tilespmem:$0x1FD28] =	vst v63  }
0x37d: {  	_ = 	snop  }
0x37e: {  	[tilespmem:s18], [sflag:$0x5] =	stream.indirect.gather [spmem:s5], $0x10, s13, s20, $0xb8;
	[tilespmem:$0x1FD28] =	vst v63  }
0x37f: {  	_ =	swait.ge [sflag:s2], $0x1000  }
0x380: {  	[sflag:s2] =	ssyncset.done $0x0  }
0x381: {  	[sflag:s2] =	ssyncadd.s32 $0xFFFFF000  }
0x382: {  	[spmem:s4] =	stream.indirect.scatter.add.f32 [tilespmem:s14], [sflag:$0x7], $0x10, s22, s20, $0xb8;
	[tilespmem:$0x1FD28] =	vst v63  }
0x383: {  	_ =	swait.ge [sflag:s26], $0x1000  }
0x384: {  	[sflag:s26] =	ssyncset.done $0x0  }
0x385: {  	[sflag:s26] =	ssyncadd.s32 $0xFFFFF000  }
0x386: {  	[tilespmem:s21], [sflag:$0x3] =	stream.indirect.gather [spmem:s5], $0x10, s31, s20, $0xb8;
	[tilespmem:$0x1FD28] =	vst v63  }
0x387: {  	_ =	swait.ge [sflag:s1], $0x1000  }
0x388: {  	[sflag:s1] =	ssyncset.done $0x0  }
0x389: {  	[sflag:s1] =	ssyncadd.s32 $0xFFFFF000  }
0x38a: {  	[spmem:s4] =	stream.indirect.scatter.add.f32 [tilespmem:s18], [sflag:$0x8], $0x10, s23, s20, $0xb8;
	[tilespmem:$0x1FD28] =	vst v63  }
0x38b: {  	_ =	swait.ge [sflag:s8], $0x1000  }
0x38c: {  	[sflag:s8] =	ssyncset.done $0x0  }
0x38d: {  	[sflag:s8] =	ssyncadd.s32 $0xFFFFF000  }
0x38e: {  	[spmem:s4] =	stream.indirect.scatter.add.f32 [tilespmem:s21], [sflag:$0x6], $0x10, s24, s20, $0xb8;
	[tilespmem:$0x1FD28] =	vst v63  }
0x38f: {  	_ =	swait.ge [sflag:s0], $0x1000  }
0x390: {  	[sflag:s0] =	ssyncset.done $0x0  }
0x391: {  	[sflag:s0] =	ssyncadd.s32 $0xFFFFF000  }
0x392: {  	_ =	swait.ge [sflag:s25], $0x1000  }
0x393: {  	[sflag:s25] =	ssyncset.done $0x0  }
0x394: {  	[sflag:s25] =	ssyncadd.s32 $0xFFFFF000  }
0x395: {  	_ =	swait.ge [sflag:s26], $0x1000  }
0x396: {  	[sflag:s26] =	ssyncset.done $0x0  }
0x397: {  	[sflag:s26] =	ssyncadd.s32 $0xFFFFF000  }
0x398: {  	[bflag:$0x0] =	sbarrier.arrive $0xFFFF  }
0x399: {  	s17 =	sld [smem:$0x7F4]  }
0x39a: {  	s12 =	sld [smem:$0x7F2];
	_ =	sdelay $0x1  }
0x39b: {  	s15 =	rddreg [dreg:$0x15]  }
0x39c: {  	[spmem:s17], [sflag:s12] =	dma.local [hbm:s15], $0x186A  }
0x39d: {  	s3 =	simm.s32 $0x40;
	s11 =	simm.s32 $0x0;
	s12 =	simm.s32 $0x0  }
.LBB2_38:
0x39e: {  	p1 =	sne.s32 s3, $0x3E40;
	[tilespmem:s11+$0x1ED88] =	vst v0;
	s11 =	smov.u32 s3;
	s3 =	sadd.s32 $0x40, s3  }
.Ltmp26:
0x39f: {  	(pc) =	sbr.rel @p1 .LBB2_38-.Ltmp26, $2  }
0x3a0: {  	_ =	sdelay $0x2  }
0x3a1: {  	s11 =	sshra.s32 s11, $0x2  }
.Ltmp27:
0x3a2: {  	(pc) =	sbr.rel .LBB2_40-.Ltmp27, $2  }
0x3a3: {  	_ =	sdelay $0x2  }
0x3a4: {  	[tilespmem:s11+$0x1ED88] =	vst v0  }
.LBB2_44:
0x3a5: {  	s12 =	sadd.s32 $0x1, s12  }
0x3a6: {  	p1 =	sne.s32 s12, $0xD  }
.Ltmp28:
0x3a7: {  	_ = 	snop;
	(pc) =	sbr.rel @!p1 .LBB2_45-.Ltmp28, $1  }
0x3a8: {  	_ =	sdelay $0x3  }
.LBB2_40:
0x3a9: {  	s3 =	sshll.u32 s12, $0x4  }
0x3aa: {  	s3 =	sor.u32 s28, s3  }
0x3ab: {  	p1 =	sgt.u32 s3, $0xC7  }
.Ltmp29:
0x3ac: {  	_ = 	snop;
	(pc) =	sbr.rel @p1 .LBB2_44-.Ltmp29, $1  }
0x3ad: {  	_ =	sdelay $0x3  }
0x3ae: {  	s11 =	smul.u32 $0xFA, s3  }
0x3af: {  	s15 =	rddreg [dreg:$0xc]  }
0x3b0: {  	s15 =	sadd.s32 s15, s11  }
0x3b1: {  	s17 =	rddreg [dreg:$0xb];
	s15 =	sshll.u32 s15, $0x1  }
0x3b2: {  	[smem:$0x7EE] =	sst s15;
	s15 =	sadd.s32 s17, s15  }
0x3b3: {  	s28 =	simm.s32 $0x1CE48;
	s17 =	simm.s32 $0x0;
	[smem:$0x7EF] =	sst s15  }
0x3b4: {  	[tilespmem:s28], [sflag:$0x1] =	stream.linear.gather [hbm4b:s15+s17], $0xFA0, $0x38;
	[tilespmem:$0x1FD28] =	vst v63  }
0x3b5: {  	s15 =	rddreg [dreg:$0xa]  }
0x3b6: {  	s3 =	smul.u32 $0x3E80, s3;
	s11 =	sadd.s32 s15, s11  }
0x3b7: {  	s15 =	rddreg [dreg:$0x2];
	s11 =	sshll.u32 s11, $0x1  }
0x3b8: {  	s3 =	sshra.s32 s3, $0x2;
	s11 =	sadd.s32 s15, s11;
	s15 =	simm.s32 $0x1DDE8  }
0x3b9: {  	[tilespmem:s15], [sflag:$0x2] =	stream.linear.gather [hbm4b:s11+s17], $0xFA0, $0x38;
	[tilespmem:$0x1FD28] =	vst v63  }
0x3ba: {  	s3 =	sadd.s32 s3, s4;
	s28 =	simm.s32 $0x1BEA8;
	s15 =	simm.s32 $0x9  }
0x3bb: {  	[tilespmem:s28], [sflag:$0x9] =	stream.linear.gather [spmem:s3], $0xFA0, $0x38;
	[tilespmem:$0x1FD28] =	vst v63  }
0x3bc: {  	_ =	swait.ge [sflag:s15], $0xFA0  }
0x3bd: {  	[sflag:s15] =	ssyncset.done $0x0  }
0x3be: {  	s28 =	simm.s32 $0x1ED88;
	[sflag:s15] =	ssyncadd.s32 $0xFFFFF060  }
0x3bf: {  	[spmem:s3] =	stream.linear.scatter [tilespmem:s28], [sflag:$0x9], $0xFA0, $0x38;
	[tilespmem:$0x1FD28] =	vst v63  }
0x3c0: {  	_ =	swait.ge [sflag:s15], $0xFA0  }
0x3c1: {  	[sflag:s15] =	ssyncset.done $0x0  }
0x3c2: {  	[sflag:s15] =	ssyncadd.s32 $0xFFFFF060  }
0x3c3: {  	_ =	swait.ge [sflag:s7], $0xFA0  }
0x3c4: {  	[sflag:s7] =	ssyncset.done $0x0  }
0x3c5: {  	[sflag:s7] =	ssyncadd.s32 $0xFFFFF060  }
0x3c6: {  	_ =	swait.ge [sflag:s9], $0xFA0  }
0x3c7: {  	[sflag:s9] =	ssyncset.done $0x0  }
0x3c8: {  	s3 =	simm.s32 $0x0;
	[sflag:s9] =	ssyncadd.s32 $0xFFFFF060  }
0x3c9: {  	v6 =	vld [tilespmem:s3+$0x1DDE8]  }
0x3ca: {  	v5 =	vld [tilespmem:s3+$0x1DDF8]  }
0x3cb: {  	v4 =	vld [tilespmem:s3+$0x1DE08]  }
0x3cc: {  	v2 =	vld [tilespmem:s3+$0x1DE18]  }
0x3cd: {  	v7 =	vld [tilespmem:s3+$0x1BEA8]  }
0x3ce: {  	v3 =	vld [tilespmem:s3+$0x1DE28]  }
0x3cf: {  	v11 =	vld [tilespmem:s3+$0x1CE48]  }
0x3d0: {  	v10 =	vld [tilespmem:s3+$0x1BEB8]  }
0x3d1: {  	v9 =	vld [tilespmem:s3+$0x1BEC8]  }
0x3d2: {  	v8 =	vld [tilespmem:s3+$0x1CE58];
	v6 =	vmul.f32 v6, v7  }
0x3d3: {  	v7 =	vld [tilespmem:s3+$0x1CE68]  }
0x3d4: {  	s11 =	simm.s32 $0x140;
	[tilespmem:s3+$0x1BEA8] =	vst v6;
	v11 =	vadd.f32 v6, v11;
	v6 =	vld [tilespmem:s3+$0x1BED8]  }
.LBB2_42:
0x3d5: {  	p1 =	sne.s32 s11, $0x3D40;
	v5 =	vmul.f32 v5, v10;
	v10 =	vld [tilespmem:s3+$0x1BEE8]  }
0x3d6: {  	[tilespmem:s3+$0x1CE48] =	vst v11;
	v4 =	vmul.f32 v4, v9;
	v9 =	vld [tilespmem:s3+$0x1CE78]  }
0x3d7: {  	s17 =	sshra.s32 s11, $0x2;
	v8 =	vadd.f32 v5, v8;
	[tilespmem:s3+$0x1BEB8] =	vst v5;
	v11 =	vld [tilespmem:s3+$0x1CE88]  }
0x3d8: {  	v12 =	vld [tilespmem:s17+$0x1DDE8];
	v7 =	vadd.f32 v4, v7;
	[tilespmem:s3+$0x1BEC8] =	vst v4  }
0x3d9: {  	v5 =	vld [tilespmem:s17+$0x1DDF8];
	[tilespmem:s3+$0x1CE58] =	vst v8;
	v6 =	vmul.f32 v2, v6  }
0x3da: {  	v4 =	vld [tilespmem:s17+$0x1DE08];
	[tilespmem:s3+$0x1CE68] =	vst v7;
	v3 =	vmul.f32 v3, v10  }
0x3db: {  	v2 =	vld [tilespmem:s17+$0x1DE18];
	v7 =	vadd.f32 v6, v9;
	[tilespmem:s3+$0x1BED8] =	vst v6  }
0x3dc: {  	v6 =	vld [tilespmem:s17+$0x1BEA8];
	v8 =	vadd.f32 v3, v11;
	[tilespmem:s3+$0x1BEE8] =	vst v3  }
0x3dd: {  	v3 =	vld [tilespmem:s17+$0x1DE28];
	[tilespmem:s3+$0x1CE78] =	vst v7  }
0x3de: {  	v11 =	vld [tilespmem:s17+$0x1CE48];
	[tilespmem:s3+$0x1CE88] =	vst v8;
	s3 =	smov.u32 s17  }
.Ltmp30:
0x3df: {  	v10 =	vld [tilespmem:s3+$0x1BEB8];
	(pc) =	sbr.rel @p1 .LBB2_42-.Ltmp30, $4  }
0x3e0: {  	v9 =	vld [tilespmem:s3+$0x1BEC8]  }
0x3e1: {  	v6 =	vmul.f32 v12, v6;
	v8 =	vld [tilespmem:s3+$0x1CE58]  }
0x3e2: {  	v7 =	vld [tilespmem:s3+$0x1CE68]  }
0x3e3: {  	s11 =	sadd.s32 $0x140, s11;
	v11 =	vadd.f32 v6, v11;
	[tilespmem:s3+$0x1BEA8] =	vst v6;
	v6 =	vld [tilespmem:s3+$0x1BED8]  }
0x3e4: {  	v12 =	vld [tilespmem:s3+$0x1BEE8];
	v5 =	vmul.f32 v5, v10  }
0x3e5: {  	v61 =	vld [tilespmem:s3+$0x1CE78];
	[tilespmem:s3+$0x1CE48] =	vst v11;
	v4 =	vmul.f32 v4, v9  }
0x3e6: {  	v62 =	vld [tilespmem:s3+$0x1CE88];
	[tilespmem:s3+$0x1BEB8] =	vst v5;
	v5 =	vadd.f32 v5, v8  }
0x3e7: {  	v7 =	vadd.f32 v4, v7;
	[tilespmem:s3+$0x1BEC8] =	vst v4  }
0x3e8: {  	[tilespmem:s3+$0x1CE58] =	vst v5;
	v2 =	vmul.f32 v2, v6  }
0x3e9: {  	[tilespmem:s3+$0x1CE68] =	vst v7;
	v3 =	vmul.f32 v3, v12  }
0x3ea: {  	s11 =	sld [smem:$0x7EE];
	v63 =	vadd.f32 v2, v61;
	[tilespmem:s3+$0x1BED8] =	vst v2  }
0x3eb: {  	v2 =	vadd.f32 v3, v62;
	[tilespmem:s3+$0x1BEE8] =	vst v3  }
0x3ec: {  	s15 =	rddreg [dreg:$0x9];
	[tilespmem:s3+$0x1CE78] =	vst v63  }
0x3ed: {  	s17 =	simm.s32 $0x1BEA8;
	[tilespmem:s3+$0x1CE88] =	vst v2;
	s3 =	sadd.s32 s15, s11  }
0x3ee: {  	[hbm4b:s3+s6] =	stream.linear.scatter [tilespmem:s17], [sflag:$0x7], $0xFA0, $0x38;
	[tilespmem:$0x1FD28] =	vst v63  }
0x3ef: {  	s17 =	sld [smem:$0x7EF];
	_ =	sdelay $0x1  }
0x3f0: {  	s15 =	simm.s32 $0x1CE48  }
0x3f1: {  	[hbm4b:s17+s6] =	stream.linear.scatter [tilespmem:s15], [sflag:$0x8], $0xFA0, $0x38;
	[tilespmem:$0x1FD28] =	vst v63  }
0x3f2: {  	_ =	swait.ge [sflag:s0], $0xFA0  }
.Ltmp31:
0x3f3: {  	[sflag:s0] =	ssyncset.done $0x0;
	(pc) =	sbr.rel .LBB2_44-.Ltmp31, $4  }
0x3f4: {  	[sflag:s0] =	ssyncadd.s32 $0xFFFFF060  }
0x3f5: {  	_ =	swait.ge [sflag:s25], $0xFA0  }
0x3f6: {  	[sflag:s25] =	ssyncset.done $0x0  }
0x3f7: {  	s28 =	stileid.u32;
	[sflag:s25] =	ssyncadd.s32 $0xFFFFF060  }
.LBB2_45:
0x3f8: {  	_ =	swait.ge [sflag:s8], $0x186A  }
0x3f9: {  	[sflag:s8] =	ssyncset.done $0x0  }
0x3fa: {  	[sflag:s8] =	ssyncadd.s32 $0xFFFFE796  }
0x3fb: {  	s3 =	sadd.s32 $0x0, s30;
	[bflag:$0x0] =	sbarrier.arrive $0xFFFF  }
0x3fc: {  	[tilespmem:s10], [sflag:$0x1] =	stream.linear.gather [hbm4b:s3+s6], $0x400, $0x38;
	[tilespmem:$0x1FD28] =	vst v63  }
0x3fd: {  	s17 =	sadd.s32 $0x0, s29  }
0x3fe: {  	[tilespmem:s19], [sflag:$0x2] =	stream.linear.gather [hbm4b:s17+s6], $0x400, $0x38;
	[tilespmem:$0x1FD28] =	vst v63  }
0x3ff: {  	_ =	swait.ge [sflag:s7], $0x400  }
0x400: {  	[sflag:s7] =	ssyncset.done $0x0  }
0x401: {  	[sflag:s7] =	ssyncadd.s32 $0xFFFFFC00  }
0x402: {  	_ =	swait.ge [sflag:s9], $0x400  }
0x403: {  	[sflag:s9] =	ssyncset.done $0x0  }
0x404: {  	[sflag:s9] =	ssyncadd.s32 $0xFFFFFC00  }
0x405: {  	[tilespmem:s21], [sflag:$0x3] =	stream.indirect.gather [spmem:s5], $0x10, s10, s20, $0xb8;
	[tilespmem:$0x1FD28] =	vst v63  }
0x406: {  	_ = 	snop  }
0x407: {  	[tilespmem:s14], [sflag:$0x4] =	stream.indirect.gather [spmem:s5], $0x10, s16, s20, $0xb8;
	[tilespmem:$0x1FD28] =	vst v63  }
0x408: {  	_ =	swait.ge [sflag:s8], $0x1000  }
0x409: {  	[sflag:s8] =	ssyncset.done $0x0  }
0x40a: {  	[sflag:s8] =	ssyncadd.s32 $0xFFFFF000  }
0x40b: {  	[spmem:s4] =	stream.indirect.scatter.add.f32 [tilespmem:s21], [sflag:$0x6], $0x10, s19, s20, $0xb8;
	[tilespmem:$0x1FD28] =	vst v63  }
0x40c: {  	_ = 	snop  }
0x40d: {  	[tilespmem:s18], [sflag:$0x5] =	stream.indirect.gather [spmem:s5], $0x10, s13, s20, $0xb8;
	[tilespmem:$0x1FD28] =	vst v63  }
0x40e: {  	_ =	swait.ge [sflag:s2], $0x1000  }
0x40f: {  	[sflag:s2] =	ssyncset.done $0x0  }
0x410: {  	[sflag:s2] =	ssyncadd.s32 $0xFFFFF000  }
0x411: {  	[spmem:s4] =	stream.indirect.scatter.add.f32 [tilespmem:s14], [sflag:$0x7], $0x10, s22, s20, $0xb8;
	[tilespmem:$0x1FD28] =	vst v63  }
0x412: {  	_ =	swait.ge [sflag:s26], $0x1000  }
0x413: {  	[sflag:s26] =	ssyncset.done $0x0  }
0x414: {  	[sflag:s26] =	ssyncadd.s32 $0xFFFFF000  }
0x415: {  	[tilespmem:s21], [sflag:$0x3] =	stream.indirect.gather [spmem:s5], $0x10, s31, s20, $0xb8;
	[tilespmem:$0x1FD28] =	vst v63  }
0x416: {  	_ =	swait.ge [sflag:s1], $0x1000  }
0x417: {  	[sflag:s1] =	ssyncset.done $0x0  }
0x418: {  	[sflag:s1] =	ssyncadd.s32 $0xFFFFF000  }
0x419: {  	[spmem:s4] =	stream.indirect.scatter.add.f32 [tilespmem:s18], [sflag:$0x8], $0x10, s23, s20, $0xb8;
	[tilespmem:$0x1FD28] =	vst v63  }
0x41a: {  	_ =	swait.ge [sflag:s8], $0x1000  }
0x41b: {  	[sflag:s8] =	ssyncset.done $0x0  }
0x41c: {  	[sflag:s8] =	ssyncadd.s32 $0xFFFFF000  }
0x41d: {  	[spmem:s4] =	stream.indirect.scatter.add.f32 [tilespmem:s21], [sflag:$0x6], $0x10, s24, s20, $0xb8;
	[tilespmem:$0x1FD28] =	vst v63  }
0x41e: {  	_ =	swait.ge [sflag:s0], $0x1000  }
0x41f: {  	[sflag:s0] =	ssyncset.done $0x0  }
0x420: {  	[sflag:s0] =	ssyncadd.s32 $0xFFFFF000  }
0x421: {  	_ =	swait.ge [sflag:s25], $0x1000  }
0x422: {  	[sflag:s25] =	ssyncset.done $0x0  }
0x423: {  	[sflag:s25] =	ssyncadd.s32 $0xFFFFF000  }
0x424: {  	_ =	swait.ge [sflag:s26], $0x1000  }
0x425: {  	s12 =	simm.s32 $0x100;
	s3 =	simm.s32 $0x80;
	[sflag:s26] =	ssyncset.done $0x0  }
.LBB2_46:
0x426: {  	s15 =	sadd.s32 s3, s30  }
0x427: {  	[sflag:s26] =	ssyncadd.s32 $0xFFFFF000;
	s17 =	smov.u32 s12;
	s11 =	sadd.s32 $0x80, s12  }
0x428: {  	[tilespmem:s10], [sflag:$0x1] =	stream.linear.gather [hbm4b:s15+s6], $0x400, $0x38;
	[tilespmem:$0x1FD28] =	vst v63  }
0x429: {  	p1 =	sne.s32 s12, $0x1880;
	s12 =	sadd.s32 s3, s29;
	s3 =	smov.u32 s17  }
0x42a: {  	[tilespmem:s19], [sflag:$0x2] =	stream.linear.gather [hbm4b:s12+s6], $0x400, $0x38;
	[tilespmem:$0x1FD28] =	vst v63  }
0x42b: {  	_ =	swait.ge [sflag:s7], $0x400  }
0x42c: {  	[sflag:s7] =	ssyncset.done $0x0  }
0x42d: {  	[sflag:s7] =	ssyncadd.s32 $0xFFFFFC00  }
0x42e: {  	_ =	swait.ge [sflag:s9], $0x400  }
0x42f: {  	[sflag:s9] =	ssyncset.done $0x0  }
0x430: {  	[sflag:s9] =	ssyncadd.s32 $0xFFFFFC00  }
0x431: {  	[tilespmem:s21], [sflag:$0x3] =	stream.indirect.gather [spmem:s5], $0x10, s10, s20, $0xb8;
	[tilespmem:$0x1FD28] =	vst v63  }
0x432: {  	_ = 	snop  }
0x433: {  	[tilespmem:s14], [sflag:$0x4] =	stream.indirect.gather [spmem:s5], $0x10, s16, s20, $0xb8;
	[tilespmem:$0x1FD28] =	vst v63  }
0x434: {  	_ =	swait.ge [sflag:s8], $0x1000  }
0x435: {  	[sflag:s8] =	ssyncset.done $0x0  }
0x436: {  	[sflag:s8] =	ssyncadd.s32 $0xFFFFF000  }
0x437: {  	[spmem:s4] =	stream.indirect.scatter.add.f32 [tilespmem:s21], [sflag:$0x6], $0x10, s19, s20, $0xb8;
	[tilespmem:$0x1FD28] =	vst v63  }
0x438: {  	_ = 	snop  }
0x439: {  	[tilespmem:s18], [sflag:$0x5] =	stream.indirect.gather [spmem:s5], $0x10, s13, s20, $0xb8;
	[tilespmem:$0x1FD28] =	vst v63  }
0x43a: {  	_ =	swait.ge [sflag:s2], $0x1000  }
0x43b: {  	[sflag:s2] =	ssyncset.done $0x0  }
0x43c: {  	[sflag:s2] =	ssyncadd.s32 $0xFFFFF000  }
0x43d: {  	[spmem:s4] =	stream.indirect.scatter.add.f32 [tilespmem:s14], [sflag:$0x7], $0x10, s22, s20, $0xb8;
	[tilespmem:$0x1FD28] =	vst v63  }
0x43e: {  	_ =	swait.ge [sflag:s26], $0x1000  }
0x43f: {  	[sflag:s26] =	ssyncset.done $0x0  }
0x440: {  	[sflag:s26] =	ssyncadd.s32 $0xFFFFF000  }
0x441: {  	[tilespmem:s21], [sflag:$0x3] =	stream.indirect.gather [spmem:s5], $0x10, s31, s20, $0xb8;
	[tilespmem:$0x1FD28] =	vst v63  }
0x442: {  	_ =	swait.ge [sflag:s1], $0x1000  }
0x443: {  	[sflag:s1] =	ssyncset.done $0x0  }
0x444: {  	[sflag:s1] =	ssyncadd.s32 $0xFFFFF000  }
0x445: {  	[spmem:s4] =	stream.indirect.scatter.add.f32 [tilespmem:s18], [sflag:$0x8], $0x10, s23, s20, $0xb8;
	[tilespmem:$0x1FD28] =	vst v63  }
0x446: {  	_ =	swait.ge [sflag:s8], $0x1000  }
0x447: {  	[sflag:s8] =	ssyncset.done $0x0  }
0x448: {  	[sflag:s8] =	ssyncadd.s32 $0xFFFFF000  }
0x449: {  	[spmem:s4] =	stream.indirect.scatter.add.f32 [tilespmem:s21], [sflag:$0x6], $0x10, s24, s20, $0xb8;
	[tilespmem:$0x1FD28] =	vst v63  }
0x44a: {  	_ =	swait.ge [sflag:s0], $0x1000  }
0x44b: {  	[sflag:s0] =	ssyncset.done $0x0  }
0x44c: {  	[sflag:s0] =	ssyncadd.s32 $0xFFFFF000  }
.Ltmp32:
0x44d: {  	_ =	swait.ge [sflag:s25], $0x1000;
	(pc) =	sbr.rel @p1 .LBB2_46-.Ltmp32, $4  }
0x44e: {  	[sflag:s25] =	ssyncset.done $0x0  }
0x44f: {  	[sflag:s25] =	ssyncadd.s32 $0xFFFFF000  }
0x450: {  	_ =	swait.ge [sflag:s26], $0x1000  }
0x451: {  	s12 =	smov.u32 s11;
	[sflag:s26] =	ssyncset.done $0x0  }
0x452: {  	s11 =	sadd.s32 s3, s30;
	[sflag:s26] =	ssyncadd.s32 $0xFFFFF000  }
0x453: {  	[tilespmem:s10], [sflag:$0x1] =	stream.linear.gather [hbm4b:s11+s6], $0x400, $0x38;
	[tilespmem:$0x1FD28] =	vst v63  }
0x454: {  	s12 =	sadd.s32 s3, s29  }
0x455: {  	[tilespmem:s19], [sflag:$0x2] =	stream.linear.gather [hbm4b:s12+s6], $0x400, $0x38;
	[tilespmem:$0x1FD28] =	vst v63  }
0x456: {  	_ =	swait.ge [sflag:s7], $0x400  }
0x457: {  	[sflag:s7] =	ssyncset.done $0x0  }
0x458: {  	[sflag:s7] =	ssyncadd.s32 $0xFFFFFC00  }
0x459: {  	_ =	swait.ge [sflag:s9], $0x400  }
0x45a: {  	[sflag:s9] =	ssyncset.done $0x0  }
0x45b: {  	[sflag:s9] =	ssyncadd.s32 $0xFFFFFC00  }
0x45c: {  	[tilespmem:s21], [sflag:$0x3] =	stream.indirect.gather [spmem:s5], $0x10, s10, s20, $0xb8;
	[tilespmem:$0x1FD28] =	vst v63  }
0x45d: {  	_ = 	snop  }
0x45e: {  	[tilespmem:s14], [sflag:$0x4] =	stream.indirect.gather [spmem:s5], $0x10, s16, s20, $0xb8;
	[tilespmem:$0x1FD28] =	vst v63  }
0x45f: {  	_ =	swait.ge [sflag:s8], $0x1000  }
0x460: {  	[sflag:s8] =	ssyncset.done $0x0  }
0x461: {  	[sflag:s8] =	ssyncadd.s32 $0xFFFFF000  }
0x462: {  	[spmem:s4] =	stream.indirect.scatter.add.f32 [tilespmem:s21], [sflag:$0x6], $0x10, s19, s20, $0xb8;
	[tilespmem:$0x1FD28] =	vst v63  }
0x463: {  	_ = 	snop  }
0x464: {  	[tilespmem:s18], [sflag:$0x5] =	stream.indirect.gather [spmem:s5], $0x10, s13, s20, $0xb8;
	[tilespmem:$0x1FD28] =	vst v63  }
0x465: {  	_ =	swait.ge [sflag:s2], $0x1000  }
0x466: {  	[sflag:s2] =	ssyncset.done $0x0  }
0x467: {  	[sflag:s2] =	ssyncadd.s32 $0xFFFFF000  }
0x468: {  	[spmem:s4] =	stream.indirect.scatter.add.f32 [tilespmem:s14], [sflag:$0x7], $0x10, s22, s20, $0xb8;
	[tilespmem:$0x1FD28] =	vst v63  }
0x469: {  	_ =	swait.ge [sflag:s26], $0x1000  }
0x46a: {  	[sflag:s26] =	ssyncset.done $0x0  }
0x46b: {  	[sflag:s26] =	ssyncadd.s32 $0xFFFFF000  }
0x46c: {  	[tilespmem:s21], [sflag:$0x3] =	stream.indirect.gather [spmem:s5], $0x10, s31, s20, $0xb8;
	[tilespmem:$0x1FD28] =	vst v63  }
0x46d: {  	_ =	swait.ge [sflag:s1], $0x1000  }
0x46e: {  	[sflag:s1] =	ssyncset.done $0x0  }
0x46f: {  	[sflag:s1] =	ssyncadd.s32 $0xFFFFF000  }
0x470: {  	[spmem:s4] =	stream.indirect.scatter.add.f32 [tilespmem:s18], [sflag:$0x8], $0x10, s23, s20, $0xb8;
	[tilespmem:$0x1FD28] =	vst v63  }
0x471: {  	_ =	swait.ge [sflag:s8], $0x1000  }
0x472: {  	[sflag:s8] =	ssyncset.done $0x0  }
0x473: {  	[sflag:s8] =	ssyncadd.s32 $0xFFFFF000  }
0x474: {  	[spmem:s4] =	stream.indirect.scatter.add.f32 [tilespmem:s21], [sflag:$0x6], $0x10, s24, s20, $0xb8;
	[tilespmem:$0x1FD28] =	vst v63  }
0x475: {  	_ =	swait.ge [sflag:s0], $0x1000  }
0x476: {  	[sflag:s0] =	ssyncset.done $0x0  }
0x477: {  	[sflag:s0] =	ssyncadd.s32 $0xFFFFF000  }
0x478: {  	_ =	swait.ge [sflag:s25], $0x1000  }
0x479: {  	[sflag:s25] =	ssyncset.done $0x0  }
0x47a: {  	[sflag:s25] =	ssyncadd.s32 $0xFFFFF000  }
0x47b: {  	_ =	swait.ge [sflag:s26], $0x1000  }
0x47c: {  	[sflag:s26] =	ssyncset.done $0x0  }
0x47d: {  	[sflag:s26] =	ssyncadd.s32 $0xFFFFF000  }
0x47e: {  	[bflag:$0x0] =	sbarrier.arrive $0xFFFF  }
0x47f: {  	s17 =	sld [smem:$0x7F4]  }
0x480: {  	s12 =	sld [smem:$0x7F2];
	_ =	sdelay $0x1  }
0x481: {  	s15 =	rddreg [dreg:$0x14]  }
0x482: {  	[spmem:s17], [sflag:s12] =	dma.local [hbm:s15], $0x186A  }
0x483: {  	s3 =	simm.s32 $0x40;
	s11 =	simm.s32 $0x0;
	s12 =	simm.s32 $0x0  }
.LBB2_48:
0x484: {  	p1 =	sne.s32 s3, $0x3E40;
	[tilespmem:s11+$0x1ED88] =	vst v0;
	s11 =	smov.u32 s3;
	s3 =	sadd.s32 $0x40, s3  }
.Ltmp33:
0x485: {  	(pc) =	sbr.rel @p1 .LBB2_48-.Ltmp33, $2  }
0x486: {  	_ =	sdelay $0x2  }
0x487: {  	s11 =	sshra.s32 s11, $0x2  }
.Ltmp34:
0x488: {  	(pc) =	sbr.rel .LBB2_50-.Ltmp34, $2  }
0x489: {  	_ =	sdelay $0x2  }
0x48a: {  	[tilespmem:s11+$0x1ED88] =	vst v0  }
.LBB2_54:
0x48b: {  	s12 =	sadd.s32 $0x1, s12  }
0x48c: {  	p1 =	sne.s32 s12, $0xD  }
.Ltmp35:
0x48d: {  	_ = 	snop;
	(pc) =	sbr.rel @!p1 .LBB2_55-.Ltmp35, $1  }
0x48e: {  	_ =	sdelay $0x3  }
.LBB2_50:
0x48f: {  	s3 =	sshll.u32 s12, $0x4  }
0x490: {  	s3 =	sor.u32 s28, s3  }
0x491: {  	p1 =	sgt.u32 s3, $0xC7  }
.Ltmp36:
0x492: {  	_ = 	snop;
	(pc) =	sbr.rel @p1 .LBB2_54-.Ltmp36, $1  }
0x493: {  	_ =	sdelay $0x3  }
0x494: {  	s11 =	smul.u32 $0xFA, s3  }
0x495: {  	s15 =	rddreg [dreg:$0x11]  }
0x496: {  	s15 =	sadd.s32 s15, s11  }
0x497: {  	s17 =	rddreg [dreg:$0xb];
	s15 =	sshll.u32 s15, $0x1  }
0x498: {  	[smem:$0x7EC] =	sst s15;
	s15 =	sadd.s32 s17, s15  }
0x499: {  	s28 =	simm.s32 $0x1CE48;
	s17 =	simm.s32 $0x0;
	[smem:$0x7ED] =	sst s15  }
0x49a: {  	[tilespmem:s28], [sflag:$0x1] =	stream.linear.gather [hbm4b:s15+s17], $0xFA0, $0x38;
	[tilespmem:$0x1FD28] =	vst v63  }
0x49b: {  	s15 =	rddreg [dreg:$0xa]  }
0x49c: {  	s3 =	smul.u32 $0x3E80, s3;
	s11 =	sadd.s32 s15, s11  }
0x49d: {  	s15 =	rddreg [dreg:$0x2];
	s11 =	sshll.u32 s11, $0x1  }
0x49e: {  	s3 =	sshra.s32 s3, $0x2;
	s11 =	sadd.s32 s15, s11;
	s15 =	simm.s32 $0x1DDE8  }
0x49f: {  	[tilespmem:s15], [sflag:$0x2] =	stream.linear.gather [hbm4b:s11+s17], $0xFA0, $0x38;
	[tilespmem:$0x1FD28] =	vst v63  }
0x4a0: {  	s3 =	sadd.s32 s3, s4;
	s28 =	simm.s32 $0x1BEA8;
	s15 =	simm.s32 $0x9  }
0x4a1: {  	[tilespmem:s28], [sflag:$0x9] =	stream.linear.gather [spmem:s3], $0xFA0, $0x38;
	[tilespmem:$0x1FD28] =	vst v63  }
0x4a2: {  	_ =	swait.ge [sflag:s15], $0xFA0  }
0x4a3: {  	[sflag:s15] =	ssyncset.done $0x0  }
0x4a4: {  	s28 =	simm.s32 $0x1ED88;
	[sflag:s15] =	ssyncadd.s32 $0xFFFFF060  }
0x4a5: {  	[spmem:s3] =	stream.linear.scatter [tilespmem:s28], [sflag:$0x9], $0xFA0, $0x38;
	[tilespmem:$0x1FD28] =	vst v63  }
0x4a6: {  	_ =	swait.ge [sflag:s15], $0xFA0  }
0x4a7: {  	[sflag:s15] =	ssyncset.done $0x0  }
0x4a8: {  	[sflag:s15] =	ssyncadd.s32 $0xFFFFF060  }
0x4a9: {  	_ =	swait.ge [sflag:s7], $0xFA0  }
0x4aa: {  	[sflag:s7] =	ssyncset.done $0x0  }
0x4ab: {  	[sflag:s7] =	ssyncadd.s32 $0xFFFFF060  }
0x4ac: {  	_ =	swait.ge [sflag:s9], $0xFA0  }
0x4ad: {  	[sflag:s9] =	ssyncset.done $0x0  }
0x4ae: {  	s3 =	simm.s32 $0x0;
	[sflag:s9] =	ssyncadd.s32 $0xFFFFF060  }
0x4af: {  	v6 =	vld [tilespmem:s3+$0x1DDE8]  }
0x4b0: {  	v5 =	vld [tilespmem:s3+$0x1DDF8]  }
0x4b1: {  	v4 =	vld [tilespmem:s3+$0x1DE08]  }
0x4b2: {  	v2 =	vld [tilespmem:s3+$0x1DE18]  }
0x4b3: {  	v7 =	vld [tilespmem:s3+$0x1BEA8]  }
0x4b4: {  	v3 =	vld [tilespmem:s3+$0x1DE28]  }
0x4b5: {  	v11 =	vld [tilespmem:s3+$0x1CE48]  }
0x4b6: {  	v10 =	vld [tilespmem:s3+$0x1BEB8]  }
0x4b7: {  	v9 =	vld [tilespmem:s3+$0x1BEC8]  }
0x4b8: {  	v8 =	vld [tilespmem:s3+$0x1CE58];
	v6 =	vmul.f32 v6, v7  }
0x4b9: {  	v7 =	vld [tilespmem:s3+$0x1CE68]  }
0x4ba: {  	s11 =	simm.s32 $0x140;
	[tilespmem:s3+$0x1BEA8] =	vst v6;
	v11 =	vadd.f32 v6, v11;
	v6 =	vld [tilespmem:s3+$0x1BED8]  }
.LBB2_52:
0x4bb: {  	p1 =	sne.s32 s11, $0x3D40;
	v5 =	vmul.f32 v5, v10;
	v10 =	vld [tilespmem:s3+$0x1BEE8]  }
0x4bc: {  	[tilespmem:s3+$0x1CE48] =	vst v11;
	v4 =	vmul.f32 v4, v9;
	v9 =	vld [tilespmem:s3+$0x1CE78]  }
0x4bd: {  	s17 =	sshra.s32 s11, $0x2;
	v8 =	vadd.f32 v5, v8;
	[tilespmem:s3+$0x1BEB8] =	vst v5;
	v11 =	vld [tilespmem:s3+$0x1CE88]  }
0x4be: {  	v12 =	vld [tilespmem:s17+$0x1DDE8];
	v7 =	vadd.f32 v4, v7;
	[tilespmem:s3+$0x1BEC8] =	vst v4  }
0x4bf: {  	v5 =	vld [tilespmem:s17+$0x1DDF8];
	[tilespmem:s3+$0x1CE58] =	vst v8;
	v6 =	vmul.f32 v2, v6  }
0x4c0: {  	v4 =	vld [tilespmem:s17+$0x1DE08];
	[tilespmem:s3+$0x1CE68] =	vst v7;
	v3 =	vmul.f32 v3, v10  }
0x4c1: {  	v2 =	vld [tilespmem:s17+$0x1DE18];
	v7 =	vadd.f32 v6, v9;
	[tilespmem:s3+$0x1BED8] =	vst v6  }
0x4c2: {  	v6 =	vld [tilespmem:s17+$0x1BEA8];
	v8 =	vadd.f32 v3, v11;
	[tilespmem:s3+$0x1BEE8] =	vst v3  }
0x4c3: {  	v3 =	vld [tilespmem:s17+$0x1DE28];
	[tilespmem:s3+$0x1CE78] =	vst v7  }
0x4c4: {  	v11 =	vld [tilespmem:s17+$0x1CE48];
	[tilespmem:s3+$0x1CE88] =	vst v8;
	s3 =	smov.u32 s17  }
.Ltmp37:
0x4c5: {  	v10 =	vld [tilespmem:s3+$0x1BEB8];
	(pc) =	sbr.rel @p1 .LBB2_52-.Ltmp37, $4  }
0x4c6: {  	v9 =	vld [tilespmem:s3+$0x1BEC8]  }
0x4c7: {  	v6 =	vmul.f32 v12, v6;
	v8 =	vld [tilespmem:s3+$0x1CE58]  }
0x4c8: {  	v7 =	vld [tilespmem:s3+$0x1CE68]  }
0x4c9: {  	s11 =	sadd.s32 $0x140, s11;
	v11 =	vadd.f32 v6, v11;
	[tilespmem:s3+$0x1BEA8] =	vst v6;
	v6 =	vld [tilespmem:s3+$0x1BED8]  }
0x4ca: {  	v12 =	vld [tilespmem:s3+$0x1BEE8];
	v5 =	vmul.f32 v5, v10  }
0x4cb: {  	v61 =	vld [tilespmem:s3+$0x1CE78];
	[tilespmem:s3+$0x1CE48] =	vst v11;
	v4 =	vmul.f32 v4, v9  }
0x4cc: {  	v62 =	vld [tilespmem:s3+$0x1CE88];
	[tilespmem:s3+$0x1BEB8] =	vst v5;
	v5 =	vadd.f32 v5, v8  }
0x4cd: {  	v7 =	vadd.f32 v4, v7;
	[tilespmem:s3+$0x1BEC8] =	vst v4  }
0x4ce: {  	[tilespmem:s3+$0x1CE58] =	vst v5;
	v2 =	vmul.f32 v2, v6  }
0x4cf: {  	[tilespmem:s3+$0x1CE68] =	vst v7;
	v3 =	vmul.f32 v3, v12  }
0x4d0: {  	s11 =	sld [smem:$0x7EC];
	v63 =	vadd.f32 v2, v61;
	[tilespmem:s3+$0x1BED8] =	vst v2  }
0x4d1: {  	v2 =	vadd.f32 v3, v62;
	[tilespmem:s3+$0x1BEE8] =	vst v3  }
0x4d2: {  	s15 =	rddreg [dreg:$0x9];
	[tilespmem:s3+$0x1CE78] =	vst v63  }
0x4d3: {  	s17 =	simm.s32 $0x1BEA8;
	[tilespmem:s3+$0x1CE88] =	vst v2;
	s3 =	sadd.s32 s15, s11  }
0x4d4: {  	[hbm4b:s3+s6] =	stream.linear.scatter [tilespmem:s17], [sflag:$0x7], $0xFA0, $0x38;
	[tilespmem:$0x1FD28] =	vst v63  }
0x4d5: {  	s17 =	sld [smem:$0x7ED];
	_ =	sdelay $0x1  }
0x4d6: {  	s15 =	simm.s32 $0x1CE48  }
0x4d7: {  	[hbm4b:s17+s6] =	stream.linear.scatter [tilespmem:s15], [sflag:$0x8], $0xFA0, $0x38;
	[tilespmem:$0x1FD28] =	vst v63  }
0x4d8: {  	_ =	swait.ge [sflag:s0], $0xFA0  }
.Ltmp38:
0x4d9: {  	[sflag:s0] =	ssyncset.done $0x0;
	(pc) =	sbr.rel .LBB2_54-.Ltmp38, $4  }
0x4da: {  	[sflag:s0] =	ssyncadd.s32 $0xFFFFF060  }
0x4db: {  	_ =	swait.ge [sflag:s25], $0xFA0  }
0x4dc: {  	[sflag:s25] =	ssyncset.done $0x0  }
0x4dd: {  	s28 =	stileid.u32;
	[sflag:s25] =	ssyncadd.s32 $0xFFFFF060  }
.LBB2_55:
0x4de: {  	_ =	swait.ge [sflag:s8], $0x186A  }
0x4df: {  	[sflag:s8] =	ssyncset.done $0x0  }
0x4e0: {  	[sflag:s8] =	ssyncadd.s32 $0xFFFFE796  }
0x4e1: {  	s3 =	sadd.s32 $0x0, s30;
	[bflag:$0x0] =	sbarrier.arrive $0xFFFF  }
0x4e2: {  	[tilespmem:s10], [sflag:$0x1] =	stream.linear.gather [hbm4b:s3+s6], $0x400, $0x38;
	[tilespmem:$0x1FD28] =	vst v63  }
0x4e3: {  	s28 =	sadd.s32 $0x0, s29  }
0x4e4: {  	[tilespmem:s19], [sflag:$0x2] =	stream.linear.gather [hbm4b:s28+s6], $0x400, $0x38;
	[tilespmem:$0x1FD28] =	vst v63  }
0x4e5: {  	_ =	swait.ge [sflag:s7], $0x400  }
0x4e6: {  	[sflag:s7] =	ssyncset.done $0x0  }
0x4e7: {  	[sflag:s7] =	ssyncadd.s32 $0xFFFFFC00  }
0x4e8: {  	_ =	swait.ge [sflag:s9], $0x400  }
0x4e9: {  	[sflag:s9] =	ssyncset.done $0x0  }
0x4ea: {  	[sflag:s9] =	ssyncadd.s32 $0xFFFFFC00  }
0x4eb: {  	[tilespmem:s21], [sflag:$0x3] =	stream.indirect.gather [spmem:s5], $0x10, s10, s20, $0xb8;
	[tilespmem:$0x1FD28] =	vst v63  }
0x4ec: {  	_ = 	snop  }
0x4ed: {  	[tilespmem:s14], [sflag:$0x4] =	stream.indirect.gather [spmem:s5], $0x10, s16, s20, $0xb8;
	[tilespmem:$0x1FD28] =	vst v63  }
0x4ee: {  	_ =	swait.ge [sflag:s8], $0x1000  }
0x4ef: {  	[sflag:s8] =	ssyncset.done $0x0  }
0x4f0: {  	[sflag:s8] =	ssyncadd.s32 $0xFFFFF000  }
0x4f1: {  	[spmem:s4] =	stream.indirect.scatter.add.f32 [tilespmem:s21], [sflag:$0x6], $0x10, s19, s20, $0xb8;
	[tilespmem:$0x1FD28] =	vst v63  }
0x4f2: {  	_ = 	snop  }
0x4f3: {  	[tilespmem:s18], [sflag:$0x5] =	stream.indirect.gather [spmem:s5], $0x10, s13, s20, $0xb8;
	[tilespmem:$0x1FD28] =	vst v63  }
0x4f4: {  	_ =	swait.ge [sflag:s2], $0x1000  }
0x4f5: {  	[sflag:s2] =	ssyncset.done $0x0  }
0x4f6: {  	[sflag:s2] =	ssyncadd.s32 $0xFFFFF000  }
0x4f7: {  	[spmem:s4] =	stream.indirect.scatter.add.f32 [tilespmem:s14], [sflag:$0x7], $0x10, s22, s20, $0xb8;
	[tilespmem:$0x1FD28] =	vst v63  }
0x4f8: {  	_ =	swait.ge [sflag:s26], $0x1000  }
0x4f9: {  	[sflag:s26] =	ssyncset.done $0x0  }
0x4fa: {  	[sflag:s26] =	ssyncadd.s32 $0xFFFFF000  }
0x4fb: {  	[tilespmem:s21], [sflag:$0x3] =	stream.indirect.gather [spmem:s5], $0x10, s31, s20, $0xb8;
	[tilespmem:$0x1FD28] =	vst v63  }
0x4fc: {  	_ =	swait.ge [sflag:s1], $0x1000  }
0x4fd: {  	[sflag:s1] =	ssyncset.done $0x0  }
0x4fe: {  	[sflag:s1] =	ssyncadd.s32 $0xFFFFF000  }
0x4ff: {  	[spmem:s4] =	stream.indirect.scatter.add.f32 [tilespmem:s18], [sflag:$0x8], $0x10, s23, s20, $0xb8;
	[tilespmem:$0x1FD28] =	vst v63  }
0x500: {  	_ =	swait.ge [sflag:s8], $0x1000  }
0x501: {  	[sflag:s8] =	ssyncset.done $0x0  }
0x502: {  	[sflag:s8] =	ssyncadd.s32 $0xFFFFF000  }
0x503: {  	[spmem:s4] =	stream.indirect.scatter.add.f32 [tilespmem:s21], [sflag:$0x6], $0x10, s24, s20, $0xb8;
	[tilespmem:$0x1FD28] =	vst v63  }
0x504: {  	_ =	swait.ge [sflag:s0], $0x1000  }
0x505: {  	[sflag:s0] =	ssyncset.done $0x0  }
0x506: {  	[sflag:s0] =	ssyncadd.s32 $0xFFFFF000  }
0x507: {  	_ =	swait.ge [sflag:s25], $0x1000  }
0x508: {  	[sflag:s25] =	ssyncset.done $0x0  }
0x509: {  	[sflag:s25] =	ssyncadd.s32 $0xFFFFF000  }
0x50a: {  	_ =	swait.ge [sflag:s26], $0x1000  }
0x50b: {  	s12 =	simm.s32 $0x100;
	s3 =	simm.s32 $0x80;
	[sflag:s26] =	ssyncset.done $0x0  }
.LBB2_56:
0x50c: {  	s15 =	sadd.s32 s3, s30  }
0x50d: {  	[sflag:s26] =	ssyncadd.s32 $0xFFFFF000;
	s17 =	smov.u32 s12;
	s11 =	sadd.s32 $0x80, s12  }
0x50e: {  	[tilespmem:s10], [sflag:$0x1] =	stream.linear.gather [hbm4b:s15+s6], $0x400, $0x38;
	[tilespmem:$0x1FD28] =	vst v63  }
0x50f: {  	p1 =	sne.s32 s12, $0x1880;
	s12 =	sadd.s32 s3, s29;
	s3 =	smov.u32 s17  }
0x510: {  	[tilespmem:s19], [sflag:$0x2] =	stream.linear.gather [hbm4b:s12+s6], $0x400, $0x38;
	[tilespmem:$0x1FD28] =	vst v63  }
0x511: {  	_ =	swait.ge [sflag:s7], $0x400  }
0x512: {  	[sflag:s7] =	ssyncset.done $0x0  }
0x513: {  	[sflag:s7] =	ssyncadd.s32 $0xFFFFFC00  }
0x514: {  	_ =	swait.ge [sflag:s9], $0x400  }
0x515: {  	[sflag:s9] =	ssyncset.done $0x0  }
0x516: {  	[sflag:s9] =	ssyncadd.s32 $0xFFFFFC00  }
0x517: {  	[tilespmem:s21], [sflag:$0x3] =	stream.indirect.gather [spmem:s5], $0x10, s10, s20, $0xb8;
	[tilespmem:$0x1FD28] =	vst v63  }
0x518: {  	_ = 	snop  }
0x519: {  	[tilespmem:s14], [sflag:$0x4] =	stream.indirect.gather [spmem:s5], $0x10, s16, s20, $0xb8;
	[tilespmem:$0x1FD28] =	vst v63  }
0x51a: {  	_ =	swait.ge [sflag:s8], $0x1000  }
0x51b: {  	[sflag:s8] =	ssyncset.done $0x0  }
0x51c: {  	[sflag:s8] =	ssyncadd.s32 $0xFFFFF000  }
0x51d: {  	[spmem:s4] =	stream.indirect.scatter.add.f32 [tilespmem:s21], [sflag:$0x6], $0x10, s19, s20, $0xb8;
	[tilespmem:$0x1FD28] =	vst v63  }
0x51e: {  	_ = 	snop  }
0x51f: {  	[tilespmem:s18], [sflag:$0x5] =	stream.indirect.gather [spmem:s5], $0x10, s13, s20, $0xb8;
	[tilespmem:$0x1FD28] =	vst v63  }
0x520: {  	_ =	swait.ge [sflag:s2], $0x1000  }
0x521: {  	[sflag:s2] =	ssyncset.done $0x0  }
0x522: {  	[sflag:s2] =	ssyncadd.s32 $0xFFFFF000  }
0x523: {  	[spmem:s4] =	stream.indirect.scatter.add.f32 [tilespmem:s14], [sflag:$0x7], $0x10, s22, s20, $0xb8;
	[tilespmem:$0x1FD28] =	vst v63  }
0x524: {  	_ =	swait.ge [sflag:s26], $0x1000  }
0x525: {  	[sflag:s26] =	ssyncset.done $0x0  }
0x526: {  	[sflag:s26] =	ssyncadd.s32 $0xFFFFF000  }
0x527: {  	[tilespmem:s21], [sflag:$0x3] =	stream.indirect.gather [spmem:s5], $0x10, s31, s20, $0xb8;
	[tilespmem:$0x1FD28] =	vst v63  }
0x528: {  	_ =	swait.ge [sflag:s1], $0x1000  }
0x529: {  	[sflag:s1] =	ssyncset.done $0x0  }
0x52a: {  	[sflag:s1] =	ssyncadd.s32 $0xFFFFF000  }
0x52b: {  	[spmem:s4] =	stream.indirect.scatter.add.f32 [tilespmem:s18], [sflag:$0x8], $0x10, s23, s20, $0xb8;
	[tilespmem:$0x1FD28] =	vst v63  }
0x52c: {  	_ =	swait.ge [sflag:s8], $0x1000  }
0x52d: {  	[sflag:s8] =	ssyncset.done $0x0  }
0x52e: {  	[sflag:s8] =	ssyncadd.s32 $0xFFFFF000  }
0x52f: {  	[spmem:s4] =	stream.indirect.scatter.add.f32 [tilespmem:s21], [sflag:$0x6], $0x10, s24, s20, $0xb8;
	[tilespmem:$0x1FD28] =	vst v63  }
0x530: {  	_ =	swait.ge [sflag:s0], $0x1000  }
0x531: {  	[sflag:s0] =	ssyncset.done $0x0  }
0x532: {  	[sflag:s0] =	ssyncadd.s32 $0xFFFFF000  }
.Ltmp39:
0x533: {  	_ =	swait.ge [sflag:s25], $0x1000;
	(pc) =	sbr.rel @p1 .LBB2_56-.Ltmp39, $4  }
0x534: {  	[sflag:s25] =	ssyncset.done $0x0  }
0x535: {  	[sflag:s25] =	ssyncadd.s32 $0xFFFFF000  }
0x536: {  	_ =	swait.ge [sflag:s26], $0x1000  }
0x537: {  	s12 =	smov.u32 s11;
	[sflag:s26] =	ssyncset.done $0x0  }
0x538: {  	s11 =	sadd.s32 s3, s30;
	[sflag:s26] =	ssyncadd.s32 $0xFFFFF000  }
0x539: {  	[tilespmem:s10], [sflag:$0x1] =	stream.linear.gather [hbm4b:s11+s6], $0x400, $0x38;
	[tilespmem:$0x1FD28] =	vst v63  }
0x53a: {  	s15 =	sadd.s32 s3, s29  }
0x53b: {  	[tilespmem:s19], [sflag:$0x2] =	stream.linear.gather [hbm4b:s15+s6], $0x400, $0x38;
	[tilespmem:$0x1FD28] =	vst v63  }
0x53c: {  	_ =	swait.ge [sflag:s7], $0x400  }
0x53d: {  	[sflag:s7] =	ssyncset.done $0x0  }
0x53e: {  	[sflag:s7] =	ssyncadd.s32 $0xFFFFFC00  }
0x53f: {  	_ =	swait.ge [sflag:s9], $0x400  }
0x540: {  	[sflag:s9] =	ssyncset.done $0x0  }
0x541: {  	[sflag:s9] =	ssyncadd.s32 $0xFFFFFC00  }
0x542: {  	[tilespmem:s21], [sflag:$0x3] =	stream.indirect.gather [spmem:s5], $0x10, s10, s20, $0xb8;
	[tilespmem:$0x1FD28] =	vst v63  }
0x543: {  	_ = 	snop  }
0x544: {  	[tilespmem:s14], [sflag:$0x4] =	stream.indirect.gather [spmem:s5], $0x10, s16, s20, $0xb8;
	[tilespmem:$0x1FD28] =	vst v63  }
0x545: {  	_ =	swait.ge [sflag:s8], $0x1000  }
0x546: {  	[sflag:s8] =	ssyncset.done $0x0  }
0x547: {  	[sflag:s8] =	ssyncadd.s32 $0xFFFFF000  }
0x548: {  	[spmem:s4] =	stream.indirect.scatter.add.f32 [tilespmem:s21], [sflag:$0x6], $0x10, s19, s20, $0xb8;
	[tilespmem:$0x1FD28] =	vst v63  }
0x549: {  	_ = 	snop  }
0x54a: {  	[tilespmem:s18], [sflag:$0x5] =	stream.indirect.gather [spmem:s5], $0x10, s13, s20, $0xb8;
	[tilespmem:$0x1FD28] =	vst v63  }
0x54b: {  	_ =	swait.ge [sflag:s2], $0x1000  }
0x54c: {  	[sflag:s2] =	ssyncset.done $0x0  }
0x54d: {  	[sflag:s2] =	ssyncadd.s32 $0xFFFFF000  }
0x54e: {  	[spmem:s4] =	stream.indirect.scatter.add.f32 [tilespmem:s14], [sflag:$0x7], $0x10, s22, s20, $0xb8;
	[tilespmem:$0x1FD28] =	vst v63  }
0x54f: {  	_ =	swait.ge [sflag:s26], $0x1000  }
0x550: {  	[sflag:s26] =	ssyncset.done $0x0  }
0x551: {  	[sflag:s26] =	ssyncadd.s32 $0xFFFFF000  }
0x552: {  	[tilespmem:s21], [sflag:$0x3] =	stream.indirect.gather [spmem:s5], $0x10, s31, s20, $0xb8;
	[tilespmem:$0x1FD28] =	vst v63  }
0x553: {  	_ =	swait.ge [sflag:s1], $0x1000  }
0x554: {  	[sflag:s1] =	ssyncset.done $0x0  }
0x555: {  	[sflag:s1] =	ssyncadd.s32 $0xFFFFF000  }
0x556: {  	[spmem:s4] =	stream.indirect.scatter.add.f32 [tilespmem:s18], [sflag:$0x8], $0x10, s23, s20, $0xb8;
	[tilespmem:$0x1FD28] =	vst v63  }
0x557: {  	_ =	swait.ge [sflag:s8], $0x1000  }
0x558: {  	[sflag:s8] =	ssyncset.done $0x0  }
0x559: {  	[sflag:s8] =	ssyncadd.s32 $0xFFFFF000  }
0x55a: {  	[spmem:s4] =	stream.indirect.scatter.add.f32 [tilespmem:s21], [sflag:$0x6], $0x10, s24, s20, $0xb8;
	[tilespmem:$0x1FD28] =	vst v63  }
0x55b: {  	_ =	swait.ge [sflag:s0], $0x1000  }
0x55c: {  	[sflag:s0] =	ssyncset.done $0x0  }
0x55d: {  	[sflag:s0] =	ssyncadd.s32 $0xFFFFF000  }
0x55e: {  	_ =	swait.ge [sflag:s25], $0x1000  }
0x55f: {  	[sflag:s25] =	ssyncset.done $0x0  }
0x560: {  	[sflag:s25] =	ssyncadd.s32 $0xFFFFF000  }
0x561: {  	_ =	swait.ge [sflag:s26], $0x1000  }
0x562: {  	[sflag:s26] =	ssyncset.done $0x0  }
0x563: {  	[sflag:s26] =	ssyncadd.s32 $0xFFFFF000  }
0x564: {  	[bflag:$0x0] =	sbarrier.arrive $0xFFFF  }
0x565: {  	s28 =	sld [smem:$0x7F4]  }
0x566: {  	s12 =	sld [smem:$0x7F2];
	_ =	sdelay $0x1  }
0x567: {  	s17 =	rddreg [dreg:$0x16]  }
0x568: {  	[spmem:s28], [sflag:s12] =	dma.local [hbm:s17], $0x186A  }
0x569: {  	s3 =	simm.s32 $0x40;
	s11 =	simm.s32 $0x0;
	s12 =	simm.s32 $0x0  }
.LBB2_58:
0x56a: {  	p1 =	sne.s32 s3, $0x3E40;
	[tilespmem:s11+$0x1ED88] =	vst v0;
	s11 =	smov.u32 s3;
	s3 =	sadd.s32 $0x40, s3  }
.Ltmp40:
0x56b: {  	(pc) =	sbr.rel @p1 .LBB2_58-.Ltmp40, $2  }
0x56c: {  	_ =	sdelay $0x2  }
0x56d: {  	s11 =	sshra.s32 s11, $0x2  }
.Ltmp41:
0x56e: {  	(pc) =	sbr.rel .LBB2_60-.Ltmp41, $2  }
0x56f: {  	_ =	sdelay $0x2  }
0x570: {  	[tilespmem:s11+$0x1ED88] =	vst v0  }
.LBB2_64:
0x571: {  	s12 =	sadd.s32 $0x1, s12  }
0x572: {  	p1 =	sne.s32 s12, $0xD  }
.Ltmp42:
0x573: {  	_ = 	snop;
	(pc) =	sbr.rel @!p1 .LBB2_65-.Ltmp42, $2  }
0x574: {  	_ =	sdelay $0x2  }
0x575: {  	s28 =	stileid.u32  }
.LBB2_60:
0x576: {  	s3 =	sshll.u32 s12, $0x4;
	s11 =	stileid.u32  }
0x577: {  	s28 =	sor.u32 s11, s3  }
0x578: {  	p1 =	sgt.u32 s28, $0xC7  }
.Ltmp43:
0x579: {  	_ = 	snop;
	(pc) =	sbr.rel @p1 .LBB2_64-.Ltmp43, $1  }
0x57a: {  	_ =	sdelay $0x3  }
0x57b: {  	s3 =	smul.u32 $0xFA, s28  }
0x57c: {  	s11 =	rddreg [dreg:$0xc]  }
0x57d: {  	s11 =	sadd.s32 s11, s3  }
0x57e: {  	s15 =	rddreg [dreg:$0xb];
	s11 =	sshll.u32 s11, $0x1  }
0x57f: {  	s17 =	simm.s32 $0x0;
	s11 =	sadd.s32 s15, s11;
	s15 =	simm.s32 $0x1CE48  }
0x580: {  	[tilespmem:s15], [sflag:$0x1] =	stream.linear.gather [hbm4b:s11+s17], $0xFA0, $0x38;
	[tilespmem:$0x1FD28] =	vst v63  }
0x581: {  	s15 =	rddreg [dreg:$0xa]  }
0x582: {  	s3 =	sadd.s32 s15, s3  }
0x583: {  	s15 =	rddreg [dreg:$0x2];
	s3 =	sshll.u32 s3, $0x1  }
0x584: {  	s11 =	simm.s32 $0x1DDE8;
	s3 =	sadd.s32 s15, s3;
	s15 =	smul.u32 $0x3E80, s28  }
0x585: {  	[tilespmem:s11], [sflag:$0x2] =	stream.linear.gather [hbm4b:s3+s17], $0xFA0, $0x38;
	[tilespmem:$0x1FD28] =	vst v63  }
0x586: {  	s11 =	sshra.s32 s15, $0x2  }
0x587: {  	s17 =	simm.s32 $0x1BEA8;
	s3 =	sadd.s32 s11, s4;
	s11 =	simm.s32 $0xA  }
0x588: {  	[tilespmem:s17], [sflag:$0xA] =	stream.linear.gather [spmem:s3], $0xFA0, $0x38;
	[tilespmem:$0x1FD28] =	vst v63  }
0x589: {  	_ =	swait.ge [sflag:s11], $0xFA0  }
0x58a: {  	[sflag:s11] =	ssyncset.done $0x0  }
0x58b: {  	s17 =	simm.s32 $0x1ED88;
	[sflag:s11] =	ssyncadd.s32 $0xFFFFF060  }
0x58c: {  	[spmem:s3] =	stream.linear.scatter [tilespmem:s17], [sflag:$0xA], $0xFA0, $0x38;
	[tilespmem:$0x1FD28] =	vst v63  }
0x58d: {  	_ =	swait.ge [sflag:s11], $0xFA0  }
0x58e: {  	[sflag:s11] =	ssyncset.done $0x0  }
0x58f: {  	[sflag:s11] =	ssyncadd.s32 $0xFFFFF060  }
0x590: {  	_ =	swait.ge [sflag:s7], $0xFA0  }
0x591: {  	[sflag:s7] =	ssyncset.done $0x0  }
0x592: {  	[sflag:s7] =	ssyncadd.s32 $0xFFFFF060  }
0x593: {  	_ =	swait.ge [sflag:s9], $0xFA0  }
0x594: {  	[sflag:s9] =	ssyncset.done $0x0  }
0x595: {  	s3 =	simm.s32 $0x0;
	[sflag:s9] =	ssyncadd.s32 $0xFFFFF060  }
0x596: {  	v2 =	vld [tilespmem:s3+$0x1BEA8]  }
0x597: {  	v4 =	vld [tilespmem:s3+$0x1DDE8]  }
0x598: {  	v3 =	vld [tilespmem:s3+$0x1BEB8]  }
0x599: {  	v6 =	vld [tilespmem:s3+$0x1DDF8]  }
0x59a: {  	v5 =	vld [tilespmem:s3+$0x1BEC8]  }
0x59b: {  	v8 =	vld [tilespmem:s3+$0x1DE08]  }
0x59c: {  	v7 =	vld [tilespmem:s3+$0x1BED8]  }
0x59d: {  	v10 =	vld [tilespmem:s3+$0x1DE18]  }
0x59e: {  	v9 =	vld [tilespmem:s3+$0x1BEE8]  }
0x59f: {  	v11 =	vld [tilespmem:s3+$0x1DE28]  }
0x5a0: {  	v13 =	vld [tilespmem:s3+$0x1CE48]  }
0x5a1: {  	s11 =	simm.s32 $0x140;
	v12 =	vld [tilespmem:s3+$0x1CE58]  }
.LBB2_62:
0x5a2: {  	p1 =	sne.s32 s11, $0x3D40;
	v14 =	vld [tilespmem:s3+$0x1CE68]  }
0x5a3: {  	v4 =	vmul.f32 v4, v2;
	v15 =	vld [tilespmem:s3+$0x1CE78]  }
0x5a4: {  	s17 =	sshra.s32 s11, $0x2;
	v3 =	vmul.f32 v6, v3;
	v16 =	vld [tilespmem:s3+$0x1CE88]  }
0x5a5: {  	v5 =	vmul.f32 v8, v5;
	v2 =	vld [tilespmem:s17+$0x1BEA8];
	v6 =	vadd.f32 v4, v13  }
0x5a6: {  	v7 =	vmul.f32 v10, v7;
	v4 =	vld [tilespmem:s17+$0x1DDE8];
	v8 =	vadd.f32 v3, v12  }
0x5a7: {  	v9 =	vmul.f32 v11, v9;
	v3 =	vld [tilespmem:s17+$0x1BEB8];
	v10 =	vmul.f32 $2.500000000e-01, v6;
	v12 =	vadd.f32 v5, v14  }
0x5a8: {  	v6 =	vld [tilespmem:s17+$0x1DDF8];
	v11 =	vmul.f32 $2.500000000e-01, v8;
	v7 =	vadd.f32 v7, v15  }
0x5a9: {  	v5 =	vld [tilespmem:s17+$0x1BEC8];
	[tilespmem:s3+$0x1CE48] =	vst v10;
	v10 =	vmul.f32 $2.500000000e-01, v12;
	v9 =	vadd.f32 v9, v16  }
0x5aa: {  	v8 =	vld [tilespmem:s17+$0x1DE08];
	[tilespmem:s3+$0x1CE58] =	vst v11;
	v11 =	vmul.f32 $2.500000000e-01, v7  }
0x5ab: {  	v7 =	vld [tilespmem:s17+$0x1BED8];
	[tilespmem:s3+$0x1CE68] =	vst v10;
	v12 =	vmul.f32 $2.500000000e-01, v9  }
.Ltmp44:
0x5ac: {  	v10 =	vld [tilespmem:s17+$0x1DE18];
	[tilespmem:s3+$0x1CE78] =	vst v11;
	(pc) =	sbr.rel @p1 .LBB2_62-.Ltmp44, $4  }
0x5ad: {  	v9 =	vld [tilespmem:s17+$0x1BEE8];
	[tilespmem:s3+$0x1CE88] =	vst v12;
	s3 =	smov.u32 s17  }
0x5ae: {  	v11 =	vld [tilespmem:s3+$0x1DE28]  }
0x5af: {  	v13 =	vld [tilespmem:s3+$0x1CE48]  }
0x5b0: {  	s11 =	sadd.s32 $0x140, s11;
	v12 =	vld [tilespmem:s3+$0x1CE58]  }
0x5b1: {  	v14 =	vld [tilespmem:s3+$0x1CE68]  }
0x5b2: {  	v2 =	vmul.f32 v4, v2;
	v60 =	vld [tilespmem:s3+$0x1CE78]  }
0x5b3: {  	v3 =	vmul.f32 v6, v3;
	v61 =	vld [tilespmem:s3+$0x1CE88]  }
0x5b4: {  	v5 =	vmul.f32 v8, v5;
	v2 =	vadd.f32 v2, v13  }
0x5b5: {  	v7 =	vmul.f32 v10, v7;
	v3 =	vadd.f32 v3, v12  }
0x5b6: {  	v62 =	vmul.f32 v11, v9;
	v2 =	vmul.f32 $2.500000000e-01, v2;
	v5 =	vadd.f32 v5, v14  }
0x5b7: {  	s11 =	rddreg [dreg:$0xd];
	v4 =	vadd.f32 v7, v60;
	v3 =	vmul.f32 $2.500000000e-01, v3  }
0x5b8: {  	p1 =	slt.u32 s28, $0x64;
	s17 =	rddreg [dreg:$0x1a];
	v63 =	vadd.f32 v62, v61;
	[tilespmem:s3+$0x1CE48] =	vst v2;
	v2 =	vmul.f32 $2.500000000e-01, v5  }
0x5b9: {  	s11 =	sor.u32 s11, s15;
	s15 =	sadd.s32 s17, s15;
	s17 =	rddreg [dreg:$0x1];
	[tilespmem:s3+$0x1CE58] =	vst v3;
	v3 =	vmul.f32 $2.500000000e-01, v4  }
0x5ba: {  	s15 =	smov.u32 @p1 s11;
	s11 =	rddreg [dreg:$0x7];
	[tilespmem:s3+$0x1CE68] =	vst v2;
	v2 =	vmul.f32 $2.500000000e-01, v63  }
0x5bb: {  	s11 =	smov.u32 @p1 s17;
	s17 =	simm.s32 $0xA;
	s15 =	sshrl.u32 s15, $0x3;
	[tilespmem:s3+$0x1CE78] =	vst v3  }
0x5bc: {  	s28 =	simm.s32 $0x40;
	s17 =	simm.s32 @!p1 $0x9;
	[tilespmem:s3+$0x1CE88] =	vst v2;
	s3 =	sadd.s32 s11, s15  }
.Ltmp45:
0x5bd: {  	s11 =	simm.s32 $0x1CE48;
	s15 =	simm.s32 $0x10;
	(pc) =	sbr.rel .LBB2_64-.Ltmp45, $4  }
0x5be: {  	[hbm4b:s3+s15] =	stream.strided.scatter [tilespmem:s11], [sflag:s17], $0xFA0, s28, s15, $0x38;
	[tilespmem:$0x1FD28] =	vst v63  }
0x5bf: {  	_ =	swait.ge [sflag:s17], $0xFA0  }
0x5c0: {  	[sflag:s17] =	ssyncset.done $0x0  }
0x5c1: {  	[sflag:s17] =	ssyncadd.s32 $0xFFFFF060  }
.LBB2_65:
0x5c2: {  	_ =	swait.ge [sflag:s8], $0x186A  }
0x5c3: {  	[sflag:s8] =	ssyncset.done $0x0  }
0x5c4: {  	[sflag:s8] =	ssyncadd.s32 $0xFFFFE796  }
0x5c5: {  	s3 =	sadd.s32 $0x0, s30;
	[bflag:$0x0] =	sbarrier.arrive $0xFFFF  }
0x5c6: {  	[tilespmem:s10], [sflag:$0x1] =	stream.linear.gather [hbm4b:s3+s6], $0x400, $0x38;
	[tilespmem:$0x1FD28] =	vst v63  }
0x5c7: {  	s17 =	sadd.s32 $0x0, s29  }
0x5c8: {  	[tilespmem:s19], [sflag:$0x2] =	stream.linear.gather [hbm4b:s17+s6], $0x400, $0x38;
	[tilespmem:$0x1FD28] =	vst v63  }
0x5c9: {  	_ =	swait.ge [sflag:s7], $0x400  }
0x5ca: {  	[sflag:s7] =	ssyncset.done $0x0  }
0x5cb: {  	[sflag:s7] =	ssyncadd.s32 $0xFFFFFC00  }
0x5cc: {  	_ =	swait.ge [sflag:s9], $0x400  }
0x5cd: {  	[sflag:s9] =	ssyncset.done $0x0  }
0x5ce: {  	[sflag:s9] =	ssyncadd.s32 $0xFFFFFC00  }
0x5cf: {  	[tilespmem:s21], [sflag:$0x3] =	stream.indirect.gather [spmem:s5], $0x10, s10, s20, $0xb8;
	[tilespmem:$0x1FD28] =	vst v63  }
0x5d0: {  	_ = 	snop  }
0x5d1: {  	[tilespmem:s14], [sflag:$0x4] =	stream.indirect.gather [spmem:s5], $0x10, s16, s20, $0xb8;
	[tilespmem:$0x1FD28] =	vst v63  }
0x5d2: {  	_ =	swait.ge [sflag:s8], $0x1000  }
0x5d3: {  	[sflag:s8] =	ssyncset.done $0x0  }
0x5d4: {  	[sflag:s8] =	ssyncadd.s32 $0xFFFFF000  }
0x5d5: {  	[spmem:s4] =	stream.indirect.scatter.add.f32 [tilespmem:s21], [sflag:$0x6], $0x10, s19, s20, $0xb8;
	[tilespmem:$0x1FD28] =	vst v63  }
0x5d6: {  	_ = 	snop  }
0x5d7: {  	[tilespmem:s18], [sflag:$0x5] =	stream.indirect.gather [spmem:s5], $0x10, s13, s20, $0xb8;
	[tilespmem:$0x1FD28] =	vst v63  }
0x5d8: {  	_ =	swait.ge [sflag:s2], $0x1000  }
0x5d9: {  	[sflag:s2] =	ssyncset.done $0x0  }
0x5da: {  	[sflag:s2] =	ssyncadd.s32 $0xFFFFF000  }
0x5db: {  	[spmem:s4] =	stream.indirect.scatter.add.f32 [tilespmem:s14], [sflag:$0x7], $0x10, s22, s20, $0xb8;
	[tilespmem:$0x1FD28] =	vst v63  }
0x5dc: {  	_ =	swait.ge [sflag:s26], $0x1000  }
0x5dd: {  	[sflag:s26] =	ssyncset.done $0x0  }
0x5de: {  	[sflag:s26] =	ssyncadd.s32 $0xFFFFF000  }
0x5df: {  	[tilespmem:s21], [sflag:$0x3] =	stream.indirect.gather [spmem:s5], $0x10, s31, s20, $0xb8;
	[tilespmem:$0x1FD28] =	vst v63  }
0x5e0: {  	_ =	swait.ge [sflag:s1], $0x1000  }
0x5e1: {  	[sflag:s1] =	ssyncset.done $0x0  }
0x5e2: {  	[sflag:s1] =	ssyncadd.s32 $0xFFFFF000  }
0x5e3: {  	[spmem:s4] =	stream.indirect.scatter.add.f32 [tilespmem:s18], [sflag:$0x8], $0x10, s23, s20, $0xb8;
	[tilespmem:$0x1FD28] =	vst v63  }
0x5e4: {  	_ =	swait.ge [sflag:s8], $0x1000  }
0x5e5: {  	[sflag:s8] =	ssyncset.done $0x0  }
0x5e6: {  	[sflag:s8] =	ssyncadd.s32 $0xFFFFF000  }
0x5e7: {  	[spmem:s4] =	stream.indirect.scatter.add.f32 [tilespmem:s21], [sflag:$0x6], $0x10, s24, s20, $0xb8;
	[tilespmem:$0x1FD28] =	vst v63  }
0x5e8: {  	_ =	swait.ge [sflag:s0], $0x1000  }
0x5e9: {  	[sflag:s0] =	ssyncset.done $0x0  }
0x5ea: {  	[sflag:s0] =	ssyncadd.s32 $0xFFFFF000  }
0x5eb: {  	_ =	swait.ge [sflag:s25], $0x1000  }
0x5ec: {  	[sflag:s25] =	ssyncset.done $0x0  }
0x5ed: {  	[sflag:s25] =	ssyncadd.s32 $0xFFFFF000  }
0x5ee: {  	_ =	swait.ge [sflag:s26], $0x1000  }
0x5ef: {  	s12 =	simm.s32 $0x100;
	s3 =	simm.s32 $0x80;
	[sflag:s26] =	ssyncset.done $0x0  }
.LBB2_66:
0x5f0: {  	s15 =	sadd.s32 s3, s30  }
0x5f1: {  	[sflag:s26] =	ssyncadd.s32 $0xFFFFF000;
	s17 =	smov.u32 s12;
	s11 =	sadd.s32 $0x80, s12  }
0x5f2: {  	[tilespmem:s10], [sflag:$0x1] =	stream.linear.gather [hbm4b:s15+s6], $0x400, $0x38;
	[tilespmem:$0x1FD28] =	vst v63  }
0x5f3: {  	p1 =	sne.s32 s12, $0x1880;
	s12 =	sadd.s32 s3, s29;
	s3 =	smov.u32 s17  }
0x5f4: {  	[tilespmem:s19], [sflag:$0x2] =	stream.linear.gather [hbm4b:s12+s6], $0x400, $0x38;
	[tilespmem:$0x1FD28] =	vst v63  }
0x5f5: {  	_ =	swait.ge [sflag:s7], $0x400  }
0x5f6: {  	[sflag:s7] =	ssyncset.done $0x0  }
0x5f7: {  	[sflag:s7] =	ssyncadd.s32 $0xFFFFFC00  }
0x5f8: {  	_ =	swait.ge [sflag:s9], $0x400  }
0x5f9: {  	[sflag:s9] =	ssyncset.done $0x0  }
0x5fa: {  	[sflag:s9] =	ssyncadd.s32 $0xFFFFFC00  }
0x5fb: {  	[tilespmem:s21], [sflag:$0x3] =	stream.indirect.gather [spmem:s5], $0x10, s10, s20, $0xb8;
	[tilespmem:$0x1FD28] =	vst v63  }
0x5fc: {  	_ = 	snop  }
0x5fd: {  	[tilespmem:s14], [sflag:$0x4] =	stream.indirect.gather [spmem:s5], $0x10, s16, s20, $0xb8;
	[tilespmem:$0x1FD28] =	vst v63  }
0x5fe: {  	_ =	swait.ge [sflag:s8], $0x1000  }
0x5ff: {  	[sflag:s8] =	ssyncset.done $0x0  }
0x600: {  	[sflag:s8] =	ssyncadd.s32 $0xFFFFF000  }
0x601: {  	[spmem:s4] =	stream.indirect.scatter.add.f32 [tilespmem:s21], [sflag:$0x6], $0x10, s19, s20, $0xb8;
	[tilespmem:$0x1FD28] =	vst v63  }
0x602: {  	_ = 	snop  }
0x603: {  	[tilespmem:s18], [sflag:$0x5] =	stream.indirect.gather [spmem:s5], $0x10, s13, s20, $0xb8;
	[tilespmem:$0x1FD28] =	vst v63  }
0x604: {  	_ =	swait.ge [sflag:s2], $0x1000  }
0x605: {  	[sflag:s2] =	ssyncset.done $0x0  }
0x606: {  	[sflag:s2] =	ssyncadd.s32 $0xFFFFF000  }
0x607: {  	[spmem:s4] =	stream.indirect.scatter.add.f32 [tilespmem:s14], [sflag:$0x7], $0x10, s22, s20, $0xb8;
	[tilespmem:$0x1FD28] =	vst v63  }
0x608: {  	_ =	swait.ge [sflag:s26], $0x1000  }
0x609: {  	[sflag:s26] =	ssyncset.done $0x0  }
0x60a: {  	[sflag:s26] =	ssyncadd.s32 $0xFFFFF000  }
0x60b: {  	[tilespmem:s21], [sflag:$0x3] =	stream.indirect.gather [spmem:s5], $0x10, s31, s20, $0xb8;
	[tilespmem:$0x1FD28] =	vst v63  }
0x60c: {  	_ =	swait.ge [sflag:s1], $0x1000  }
0x60d: {  	[sflag:s1] =	ssyncset.done $0x0  }
0x60e: {  	[sflag:s1] =	ssyncadd.s32 $0xFFFFF000  }
0x60f: {  	[spmem:s4] =	stream.indirect.scatter.add.f32 [tilespmem:s18], [sflag:$0x8], $0x10, s23, s20, $0xb8;
	[tilespmem:$0x1FD28] =	vst v63  }
0x610: {  	_ =	swait.ge [sflag:s8], $0x1000  }
0x611: {  	[sflag:s8] =	ssyncset.done $0x0  }
0x612: {  	[sflag:s8] =	ssyncadd.s32 $0xFFFFF000  }
0x613: {  	[spmem:s4] =	stream.indirect.scatter.add.f32 [tilespmem:s21], [sflag:$0x6], $0x10, s24, s20, $0xb8;
	[tilespmem:$0x1FD28] =	vst v63  }
0x614: {  	_ =	swait.ge [sflag:s0], $0x1000  }
0x615: {  	[sflag:s0] =	ssyncset.done $0x0  }
0x616: {  	[sflag:s0] =	ssyncadd.s32 $0xFFFFF000  }
.Ltmp46:
0x617: {  	_ =	swait.ge [sflag:s25], $0x1000;
	(pc) =	sbr.rel @p1 .LBB2_66-.Ltmp46, $4  }
0x618: {  	[sflag:s25] =	ssyncset.done $0x0  }
0x619: {  	[sflag:s25] =	ssyncadd.s32 $0xFFFFF000  }
0x61a: {  	_ =	swait.ge [sflag:s26], $0x1000  }
0x61b: {  	s12 =	smov.u32 s11;
	[sflag:s26] =	ssyncset.done $0x0  }
0x61c: {  	s11 =	sadd.s32 s3, s30;
	[sflag:s26] =	ssyncadd.s32 $0xFFFFF000  }
0x61d: {  	[tilespmem:s10], [sflag:$0x1] =	stream.linear.gather [hbm4b:s11+s6], $0x400, $0x38;
	[tilespmem:$0x1FD28] =	vst v63  }
0x61e: {  	s17 =	sadd.s32 s3, s29  }
0x61f: {  	[tilespmem:s19], [sflag:$0x2] =	stream.linear.gather [hbm4b:s17+s6], $0x400, $0x38;
	[tilespmem:$0x1FD28] =	vst v63  }
0x620: {  	_ =	swait.ge [sflag:s7], $0x400  }
0x621: {  	[sflag:s7] =	ssyncset.done $0x0  }
0x622: {  	[sflag:s7] =	ssyncadd.s32 $0xFFFFFC00  }
0x623: {  	_ =	swait.ge [sflag:s9], $0x400  }
0x624: {  	[sflag:s9] =	ssyncset.done $0x0  }
0x625: {  	[sflag:s9] =	ssyncadd.s32 $0xFFFFFC00  }
0x626: {  	[tilespmem:s21], [sflag:$0x3] =	stream.indirect.gather [spmem:s5], $0x10, s10, s20, $0xb8;
	[tilespmem:$0x1FD28] =	vst v63  }
0x627: {  	_ = 	snop  }
0x628: {  	[tilespmem:s14], [sflag:$0x4] =	stream.indirect.gather [spmem:s5], $0x10, s16, s20, $0xb8;
	[tilespmem:$0x1FD28] =	vst v63  }
0x629: {  	_ =	swait.ge [sflag:s8], $0x1000  }
0x62a: {  	[sflag:s8] =	ssyncset.done $0x0  }
0x62b: {  	[sflag:s8] =	ssyncadd.s32 $0xFFFFF000  }
0x62c: {  	[spmem:s4] =	stream.indirect.scatter.add.f32 [tilespmem:s21], [sflag:$0x6], $0x10, s19, s20, $0xb8;
	[tilespmem:$0x1FD28] =	vst v63  }
0x62d: {  	_ = 	snop  }
0x62e: {  	[tilespmem:s18], [sflag:$0x5] =	stream.indirect.gather [spmem:s5], $0x10, s13, s20, $0xb8;
	[tilespmem:$0x1FD28] =	vst v63  }
0x62f: {  	_ =	swait.ge [sflag:s2], $0x1000  }
0x630: {  	[sflag:s2] =	ssyncset.done $0x0  }
0x631: {  	[sflag:s2] =	ssyncadd.s32 $0xFFFFF000  }
0x632: {  	[spmem:s4] =	stream.indirect.scatter.add.f32 [tilespmem:s14], [sflag:$0x7], $0x10, s22, s20, $0xb8;
	[tilespmem:$0x1FD28] =	vst v63  }
0x633: {  	_ =	swait.ge [sflag:s26], $0x1000  }
0x634: {  	[sflag:s26] =	ssyncset.done $0x0  }
0x635: {  	[sflag:s26] =	ssyncadd.s32 $0xFFFFF000  }
0x636: {  	[tilespmem:s21], [sflag:$0x3] =	stream.indirect.gather [spmem:s5], $0x10, s31, s20, $0xb8;
	[tilespmem:$0x1FD28] =	vst v63  }
0x637: {  	_ =	swait.ge [sflag:s1], $0x1000  }
0x638: {  	[sflag:s1] =	ssyncset.done $0x0  }
0x639: {  	[sflag:s1] =	ssyncadd.s32 $0xFFFFF000  }
0x63a: {  	[spmem:s4] =	stream.indirect.scatter.add.f32 [tilespmem:s18], [sflag:$0x8], $0x10, s23, s20, $0xb8;
	[tilespmem:$0x1FD28] =	vst v63  }
0x63b: {  	_ =	swait.ge [sflag:s8], $0x1000  }
0x63c: {  	[sflag:s8] =	ssyncset.done $0x0  }
0x63d: {  	[sflag:s8] =	ssyncadd.s32 $0xFFFFF000  }
0x63e: {  	[spmem:s4] =	stream.indirect.scatter.add.f32 [tilespmem:s21], [sflag:$0x6], $0x10, s24, s20, $0xb8;
	[tilespmem:$0x1FD28] =	vst v63  }
0x63f: {  	_ =	swait.ge [sflag:s0], $0x1000  }
0x640: {  	[sflag:s0] =	ssyncset.done $0x0  }
0x641: {  	[sflag:s0] =	ssyncadd.s32 $0xFFFFF000  }
0x642: {  	_ =	swait.ge [sflag:s25], $0x1000  }
0x643: {  	[sflag:s25] =	ssyncset.done $0x0  }
0x644: {  	[sflag:s25] =	ssyncadd.s32 $0xFFFFF000  }
0x645: {  	_ =	swait.ge [sflag:s26], $0x1000  }
0x646: {  	[sflag:s26] =	ssyncset.done $0x0  }
0x647: {  	s12 =	simm.s32 $0x0;
	[sflag:s26] =	ssyncadd.s32 $0xFFFFF000  }
0x648: {  	s3 =	simm.s32 $0x40;
	s11 =	simm.s32 $0x0;
	[bflag:$0x0] =	sbarrier.arrive $0xFFFF  }
.LBB2_68:
0x649: {  	p1 =	sne.s32 s3, $0x3E40;
	[tilespmem:s11+$0x1ED88] =	vst v0;
	s11 =	smov.u32 s3;
	s3 =	sadd.s32 $0x40, s3  }
.Ltmp47:
0x64a: {  	(pc) =	sbr.rel @p1 .LBB2_68-.Ltmp47, $2  }
0x64b: {  	_ =	sdelay $0x2  }
0x64c: {  	s11 =	sshra.s32 s11, $0x2  }
.Ltmp48:
0x64d: {  	(pc) =	sbr.rel .LBB2_70-.Ltmp48, $2  }
0x64e: {  	_ =	sdelay $0x2  }
0x64f: {  	[tilespmem:s11+$0x1ED88] =	vst v0;
	s17 =	simm.s32 $0x9  }
.LBB2_74:
0x650: {  	s12 =	sadd.s32 $0x1, s12  }
0x651: {  	p1 =	sne.s32 s12, $0xD  }
.Ltmp49:
0x652: {  	_ = 	snop;
	(pc) =	sbr.rel @!p1 .LBB2_75-.Ltmp49, $1  }
0x653: {  	_ =	sdelay $0x3  }
.LBB2_70:
0x654: {  	s3 =	sshll.u32 s12, $0x4  }
0x655: {  	s15 =	sor.u32 s28, s3  }
0x656: {  	p1 =	sgt.u32 s15, $0xC7  }
.Ltmp50:
0x657: {  	_ = 	snop;
	(pc) =	sbr.rel @p1 .LBB2_74-.Ltmp50, $1  }
0x658: {  	_ =	sdelay $0x3  }
0x659: {  	s3 =	smul.u32 $0xFA, s15  }
0x65a: {  	s11 =	rddreg [dreg:$0x11]  }
0x65b: {  	s11 =	sadd.s32 s11, s3  }
0x65c: {  	s17 =	rddreg [dreg:$0xb];
	s11 =	sshll.u32 s11, $0x1  }
0x65d: {  	s28 =	simm.s32 $0x1CE48;
	s11 =	sadd.s32 s17, s11;
	s17 =	simm.s32 $0x0  }
0x65e: {  	[tilespmem:s28], [sflag:$0x1] =	stream.linear.gather [hbm4b:s11+s17], $0xFA0, $0x38;
	[tilespmem:$0x1FD28] =	vst v63  }
0x65f: {  	s11 =	rddreg [dreg:$0xa]  }
0x660: {  	s3 =	sadd.s32 s11, s3  }
0x661: {  	s11 =	rddreg [dreg:$0x2];
	s3 =	sshll.u32 s3, $0x1  }
0x662: {  	s28 =	simm.s32 $0x1DDE8;
	s11 =	sadd.s32 s11, s3;
	s3 =	smul.u32 $0x3E80, s15  }
0x663: {  	[tilespmem:s28], [sflag:$0x2] =	stream.linear.gather [hbm4b:s11+s17], $0xFA0, $0x38;
	[tilespmem:$0x1FD28] =	vst v63  }
0x664: {  	s17 =	sshra.s32 s3, $0x2  }
0x665: {  	s11 =	sadd.s32 s17, s4;
	s17 =	simm.s32 $0x1BEA8  }
0x666: {  	[tilespmem:s17], [sflag:$0xA] =	stream.linear.gather [spmem:s11], $0xFA0, $0x38;
	[tilespmem:$0x1FD28] =	vst v63  }
0x667: {  	s17 =	simm.s32 $0xA  }
0x668: {  	_ =	swait.ge [sflag:s17], $0xFA0  }
0x669: {  	[sflag:s17] =	ssyncset.done $0x0  }
0x66a: {  	[sflag:s17] =	ssyncadd.s32 $0xFFFFF060  }
0x66b: {  	_ =	swait.ge [sflag:s7], $0xFA0  }
0x66c: {  	[sflag:s7] =	ssyncset.done $0x0  }
0x66d: {  	[sflag:s7] =	ssyncadd.s32 $0xFFFFF060  }
0x66e: {  	_ =	swait.ge [sflag:s9], $0xFA0  }
0x66f: {  	[sflag:s9] =	ssyncset.done $0x0  }
0x670: {  	s11 =	simm.s32 $0x0;
	[sflag:s9] =	ssyncadd.s32 $0xFFFFF060  }
0x671: {  	v2 =	vld [tilespmem:s11+$0x1BEA8]  }
0x672: {  	v4 =	vld [tilespmem:s11+$0x1DDE8]  }
0x673: {  	v3 =	vld [tilespmem:s11+$0x1BEB8]  }
0x674: {  	v6 =	vld [tilespmem:s11+$0x1DDF8]  }
0x675: {  	v5 =	vld [tilespmem:s11+$0x1BEC8]  }
0x676: {  	v8 =	vld [tilespmem:s11+$0x1DE08]  }
0x677: {  	v7 =	vld [tilespmem:s11+$0x1BED8]  }
0x678: {  	v10 =	vld [tilespmem:s11+$0x1DE18]  }
0x679: {  	v9 =	vld [tilespmem:s11+$0x1BEE8]  }
0x67a: {  	v11 =	vld [tilespmem:s11+$0x1DE28]  }
0x67b: {  	v13 =	vld [tilespmem:s11+$0x1CE48]  }
0x67c: {  	s28 =	simm.s32 $0x140;
	v12 =	vld [tilespmem:s11+$0x1CE58]  }
.LBB2_72:
0x67d: {  	p1 =	sne.s32 s28, $0x3D40;
	v14 =	vld [tilespmem:s11+$0x1CE68]  }
0x67e: {  	v4 =	vmul.f32 v4, v2;
	v15 =	vld [tilespmem:s11+$0x1CE78]  }
0x67f: {  	s17 =	sshra.s32 s28, $0x2;
	v3 =	vmul.f32 v6, v3;
	v16 =	vld [tilespmem:s11+$0x1CE88]  }
0x680: {  	v5 =	vmul.f32 v8, v5;
	v2 =	vld [tilespmem:s17+$0x1BEA8];
	v6 =	vadd.f32 v4, v13  }
0x681: {  	v7 =	vmul.f32 v10, v7;
	v4 =	vld [tilespmem:s17+$0x1DDE8];
	v8 =	vadd.f32 v3, v12  }
0x682: {  	v9 =	vmul.f32 v11, v9;
	v3 =	vld [tilespmem:s17+$0x1BEB8];
	v10 =	vmul.f32 $2.500000000e-01, v6;
	v12 =	vadd.f32 v5, v14  }
0x683: {  	v6 =	vld [tilespmem:s17+$0x1DDF8];
	v11 =	vmul.f32 $2.500000000e-01, v8;
	v7 =	vadd.f32 v7, v15  }
0x684: {  	v5 =	vld [tilespmem:s17+$0x1BEC8];
	[tilespmem:s11+$0x1CE48] =	vst v10;
	v10 =	vmul.f32 $2.500000000e-01, v12;
	v9 =	vadd.f32 v9, v16  }
0x685: {  	v8 =	vld [tilespmem:s17+$0x1DE08];
	[tilespmem:s11+$0x1CE58] =	vst v11;
	v11 =	vmul.f32 $2.500000000e-01, v7  }
0x686: {  	v7 =	vld [tilespmem:s17+$0x1BED8];
	[tilespmem:s11+$0x1CE68] =	vst v10;
	v12 =	vmul.f32 $2.500000000e-01, v9  }
.Ltmp51:
0x687: {  	v10 =	vld [tilespmem:s17+$0x1DE18];
	[tilespmem:s11+$0x1CE78] =	vst v11;
	(pc) =	sbr.rel @p1 .LBB2_72-.Ltmp51, $4  }
0x688: {  	v9 =	vld [tilespmem:s17+$0x1BEE8];
	[tilespmem:s11+$0x1CE88] =	vst v12;
	s11 =	smov.u32 s17  }
0x689: {  	v11 =	vld [tilespmem:s11+$0x1DE28]  }
0x68a: {  	v13 =	vld [tilespmem:s11+$0x1CE48]  }
0x68b: {  	s28 =	sadd.s32 $0x140, s28;
	v12 =	vld [tilespmem:s11+$0x1CE58]  }
0x68c: {  	v14 =	vld [tilespmem:s11+$0x1CE68]  }
0x68d: {  	v2 =	vmul.f32 v4, v2;
	v60 =	vld [tilespmem:s11+$0x1CE78]  }
0x68e: {  	v3 =	vmul.f32 v6, v3;
	v61 =	vld [tilespmem:s11+$0x1CE88]  }
0x68f: {  	v5 =	vmul.f32 v8, v5;
	v2 =	vadd.f32 v2, v13  }
0x690: {  	v7 =	vmul.f32 v10, v7;
	v3 =	vadd.f32 v3, v12  }
0x691: {  	s17 =	rddreg [dreg:$0xf];
	v62 =	vmul.f32 v11, v9;
	v2 =	vmul.f32 $2.500000000e-01, v2;
	v5 =	vadd.f32 v5, v14  }
0x692: {  	p1 =	slt.u32 s15, $0x64;
	s15 =	sor.u32 s17, s3;
	s17 =	rddreg [dreg:$0x1b];
	v4 =	vadd.f32 v7, v60;
	v3 =	vmul.f32 $2.500000000e-01, v3  }
0x693: {  	s3 =	sadd.s32 s17, s3;
	s17 =	rddreg [dreg:$0x1];
	v63 =	vadd.f32 v62, v61;
	[tilespmem:s11+$0x1CE48] =	vst v2;
	v2 =	vmul.f32 $2.500000000e-01, v5  }
0x694: {  	s3 =	smov.u32 @p1 s15;
	s15 =	rddreg [dreg:$0x7];
	[tilespmem:s11+$0x1CE58] =	vst v3;
	v3 =	vmul.f32 $2.500000000e-01, v4  }
0x695: {  	s15 =	smov.u32 @p1 s17;
	s17 =	simm.s32 $0xA;
	s3 =	sshrl.u32 s3, $0x3;
	[tilespmem:s11+$0x1CE68] =	vst v2;
	v2 =	vmul.f32 $2.500000000e-01, v63  }
0x696: {  	s28 =	simm.s32 $0x40;
	s17 =	simm.s32 @!p1 $0x9;
	s3 =	sadd.s32 s15, s3;
	[tilespmem:s11+$0x1CE78] =	vst v3  }
.Ltmp52:
0x697: {  	s15 =	simm.s32 $0x10;
	[tilespmem:s11+$0x1CE88] =	vst v2;
	s11 =	simm.s32 $0x1CE48;
	(pc) =	sbr.rel .LBB2_74-.Ltmp52, $4  }
0x698: {  	[hbm4b:s3+s15] =	stream.strided.scatter [tilespmem:s11], [sflag:s17], $0xFA0, s28, s15, $0x38;
	[tilespmem:$0x1FD28] =	vst v63  }
0x699: {  	_ =	swait.ge [sflag:s17], $0xFA0  }
0x69a: {  	[sflag:s17] =	ssyncset.done $0x0  }
0x69b: {  	s28 =	stileid.u32;
	[sflag:s17] =	ssyncadd.s32 $0xFFFFF060;
	s17 =	simm.s32 $0x9  }
.LBB2_76:
0x69c: {  	_ =	sfence.sel $0x180000  }
0x69d: {  	[bflag:$0x0] =	sbarrier.arrive $0xFFFF  }
0x69e: {  	_ =	strace $0x90000047  }
0x69f: {  	[bflag:$0x2] =	sbarrier.arrive $0xFFFF  }
0x6a0: {  	p0 =	sne.s32 s28, $0x0;
	s0 =	rddreg [dreg:$0x5]  }
0x6a1: {  	s0 =	sadd.s32 @!p0 $0x100000, s0  }
0x6a2: {  	[sflag:s0] =	ssyncadd.tile.s32 @!p0 $0x1;
	_ =	shalt  }
.Lfunc_end2:
_tile_overlayer_lowered:
.L_overlay_start_2:
0x6a3: {  	(tag) =	ssettag $0x2  }
0x6a4: {  	s0 =	rddreg [dreg:$0x0];
	s2 =	stileid.u32  }
0x6a5: {  	s1 =	rddreg [dreg:$0x1];
	p0 =	sne.s32 s2, $0x0  }
0x6a6: {  	s3 =	rddreg [dreg:$0x2];
	[bflag:$0x3] =	sbarrier.arrive $0xFFFF;
	s2 =	simm.s32 @!p0 $0x1C09  }
0x6a7: {  	[timem:s3], [sflag:s2] =	dma.local @!p0 [hbm:s0], s1  }
0x6a8: {  	s0 =	simm.s32 @!p0 $0x9  }
0x6a9: {  	_ =	swait.ge @!p0 [sflag:s0], s1  }
0x6aa: {  	s1 =	ssub.s32 @!p0 $0x0, s1;
	[sflag:s0] =	ssyncset.done @!p0 $0x0  }
0x6ab: {  	[sflag:s0] =	ssyncadd.s32 @!p0 s1  }
0x6ac: {  	[bflag:$0x3] =	sbarrier.arrive $0xFFFF  }
0x6ad: {  	_ =	shalt  }

</sc_bundles>
